<compile_context>
chip_gen: v7x
topology: tpu7x:2x2x1
jax: 0.10.2.dev20260603
libtpu: 0.0.44.dev20260713+nightly
codegen_flags: <defaults>
</compile_context>

<pallas_src>
import jax
import jax.numpy as jnp
from jax import lax
from jax.experimental import pallas as pl
from jax.experimental.pallas import tpu as pltpu
from jax.experimental.pallas import tpu_sc as plsc

N_FIELDS = 26
EMBED_DIM = 16
FIELD_SIZE = 100000
BATCH = 16384
TOTAL = 2600000
L = 16
NC, NS = 2, 16
NW = NC * NS
ROWS_W = BATCH // NW
CH = 16
NCHUNK = ROWS_W // CH
NIDX = CH * N_FIELDS

SEG = 1024
NSEG = TOTAL // SEG
TAIL = TOTAL - NSEG * SEG
FULL_W = NSEG // NW


def _tr_body(src_hbm, out_hbm, in0, in1, ou0, ou1, si0, si1, so0, so1):
    wid = lax.axis_index("s") * NC + lax.axis_index("c")
    iota = lax.iota(jnp.int32, L)
    pre = [iota * EMBED_DIM + d for d in range(L)]
    ins, outs = (in0, in1), (ou0, ou1)
    sis, sos = (si0, si1), (so0, so1)

    def blk_r0(j):
        return (j * NW + wid) * SEG

    def start_in(b, j):
        pltpu.async_copy(src_hbm.at[:, pl.ds(blk_r0(j), SEG)],
                         ins[b], sis[b])

    def wait_in(b):
        pltpu.make_async_copy(src_hbm.at[pl.ds(0, L), pl.ds(0, SEG)],
                              ins[b], sis[b]).wait()

    def start_out(b, j):
        pltpu.async_copy(outs[b],
                         out_hbm.at[pl.ds(blk_r0(j) * EMBED_DIM,
                                          SEG * EMBED_DIM)], sos[b])

    def wait_out(b):
        pltpu.make_async_copy(outs[b],
                              out_hbm.at[pl.ds(0, SEG * EMBED_DIM)],
                              sos[b]).wait()

    def compute(b):
        @plsc.parallel_loop(0, SEG // L, unroll=4)
        def _(i):
            base = i * (L * EMBED_DIM)
            for d in range(L):
                vals = ins[b][d, pl.ds(i * L, L)]
                plsc.store_scatter(outs[b], [pre[d] + base], vals)

    n_w = FULL_W + jnp.where(wid < NSEG - FULL_W * NW, 1, 0)
    npairs = n_w // 2
    start_in(0, 0)

    def pair(p, _):
        j0 = 2 * p
        j1 = j0 + 1
        wait_in(0)
        start_in(1, j1)
        compute(0)

        @pl.when(p > 0)
        def _():
            wait_out(0)

        start_out(0, j0)

        wait_in(1)

        @pl.when(j1 + 1 < n_w)
        def _():
            start_in(0, j1 + 1)

        compute(1)

        @pl.when(p > 0)
        def _():
            wait_out(1)

        start_out(1, j1)
        return 0

    lax.fori_loop(0, npairs, pair, 0)

    @pl.when(n_w % 2 == 1)
    def _():
        wait_in(0)
        compute(0)
        wait_out(0)
        start_out(0, n_w - 1)

    wait_out(0)
    wait_out(1)

    @pl.when(wid == NW - 1)
    def _():
        r0 = NSEG * SEG
        cps = [pltpu.async_copy(src_hbm.at[d, pl.ds(r0, TAIL)],
                                in0.at[d, pl.ds(0, TAIL)], si0)
               for d in range(L)]
        for cp in cps:
            cp.wait()

        def rblk(i, _):
            base = i * (L * EMBED_DIM)
            for d in range(L):
                vals = in0[d, pl.ds(i * L, L)]
                plsc.store_scatter(ou0, [pre[d] + base], vals)
            return 0

        lax.fori_loop(0, TAIL // L, rblk, 0)
        pltpu.async_copy(ou0.at[pl.ds(0, TAIL * EMBED_DIM)],
                         out_hbm.at[pl.ds(r0 * EMBED_DIM,
                                          TAIL * EMBED_DIM)],
                         so0).wait()


def _fm_body(idx_hbm, emb_hbm, fc_hbm, bias_hbm, out_hbm,
             idx0, idx1, emb0, emb1, fcv0, fcv1, z_v, bias_v,
             se0, se1, sf0, sf1):
    wid = lax.axis_index("s") * NC + lax.axis_index("c")
    pltpu.sync_copy(bias_hbm, bias_v)
    b0 = bias_v[...][0]
    lane = lax.iota(jnp.int32, L)
    mtail = lane < (N_FIELDS - L)
    idxs, embs, fcs = (idx0, idx1), (emb0, emb1), (fcv0, fcv1)
    ses, sfs = (se0, se1), (sf0, sf1)

    def fetch(b, c):
        base = wid * (ROWS_W * N_FIELDS) + c * NIDX
        pltpu.sync_copy(idx_hbm.at[pl.ds(base, NIDX)],
                        idxs[b].at[pl.ds(0, NIDX)])
        pltpu.async_copy(emb_hbm.at[idxs[b].at[pl.ds(0, NIDX)]],
                         embs[b], ses[b])
        pltpu.async_copy(fc_hbm.at[idxs[b].at[pl.ds(0, NIDX)]],
                         fcs[b].at[pl.ds(0, NIDX)], sfs[b])

    def wait_fetch(b):
        pltpu.make_async_copy(emb_hbm.at[pl.ds(0, NIDX)],
                              embs[b], ses[b]).wait()
        pltpu.make_async_copy(fc_hbm.at[pl.ds(0, NIDX)],
                              fcs[b].at[pl.ds(0, NIDX)], sfs[b]).wait()

    def compute(b, c):
        emb_v, fc_v = embs[b], fcs[b]

        def rowi(i, vec):
            rb = i * N_FIELDS
            acc = emb_v[rb, :]
            acc2 = acc * acc
            for f in range(1, N_FIELDS):
                v = emb_v[rb + f, :]
                acc = acc + v
                acc2 = acc2 + v * v
            a = fc_v[pl.ds(rb, L)]
            b_ = fc_v[pl.ds(rb + L, L)]
            lin = b0 + jnp.sum(a) + jnp.sum(jnp.where(mtail, b_, 0.0))
            z = lin + 0.5 * (jnp.sum(acc * acc) - jnp.sum(acc2))
            return jnp.where(lane == i, z, vec)

        vec = lax.fori_loop(0, CH, rowi, jnp.zeros((L,), jnp.float32))
        z_v[...] = 1.0 / (1.0 + jnp.exp(-vec))
        pltpu.sync_copy(z_v, out_hbm.at[pl.ds(wid * ROWS_W + c * CH, CH)])

    fetch(0, 0)

    def pair(p, _):
        c0 = 2 * p
        c1 = c0 + 1
        fetch(1, c1)
        wait_fetch(0)
        compute(0, c0)

        @pl.when(c1 + 1 < NCHUNK)
        def _():
            fetch(0, c1 + 1)

        wait_fetch(1)
        compute(1, c1)
        return 0

    lax.fori_loop(0, NCHUNK // 2, pair, 0)


def kernel(x, emb_table, fc_table, bias):
    offsets = jnp.arange(N_FIELDS, dtype=x.dtype) * FIELD_SIZE
    idx = (x + offsets[None, :]).astype(jnp.int32).reshape(-1)
    fc_flat = fc_table.reshape(-1)
    bias_pad = jnp.broadcast_to(bias.astype(jnp.float32), (L,))
    mesh = plsc.VectorSubcoreMesh(core_axis_name="c", subcore_axis_name="s")

    tr = pl.kernel(
        _tr_body,
        out_type=jax.ShapeDtypeStruct((TOTAL * EMBED_DIM,), jnp.float32),
        mesh=mesh,
        compiler_params=pltpu.CompilerParams(needs_layout_passes=False,
                                             use_tc_tiling_on_sc=True),
        scratch_types=[
            pltpu.VMEM((L, SEG), jnp.float32),
            pltpu.VMEM((L, SEG), jnp.float32),
            pltpu.VMEM((SEG * EMBED_DIM,), jnp.float32),
            pltpu.VMEM((SEG * EMBED_DIM,), jnp.float32),
            pltpu.SemaphoreType.DMA,
            pltpu.SemaphoreType.DMA,
            pltpu.SemaphoreType.DMA,
            pltpu.SemaphoreType.DMA,
        ],
    )
    emb_rm = tr(emb_table.T).reshape(TOTAL, EMBED_DIM)

    fm = pl.kernel(
        _fm_body,
        out_type=jax.ShapeDtypeStruct((BATCH,), jnp.float32),
        mesh=mesh,
        compiler_params=pltpu.CompilerParams(needs_layout_passes=False,
                                             use_tc_tiling_on_sc=False),
        scratch_types=[
            pltpu.VMEM((NIDX + L,), jnp.int32),
            pltpu.VMEM((NIDX + L,), jnp.int32),
            pltpu.VMEM((NIDX, EMBED_DIM), jnp.float32),
            pltpu.VMEM((NIDX, EMBED_DIM), jnp.float32),
            pltpu.VMEM((NIDX + L,), jnp.float32),
            pltpu.VMEM((NIDX + L,), jnp.float32),
            pltpu.VMEM((L,), jnp.float32),
            pltpu.VMEM((L,), jnp.float32),
            pltpu.SemaphoreType.DMA,
            pltpu.SemaphoreType.DMA,
            pltpu.SemaphoreType.DMA,
            pltpu.SemaphoreType.DMA,
        ],
    )
    return fm(idx, emb_rm, fc_flat, bias_pad)

# --- scband reference (transcript-rebuilt; emitter-appended) ---
"""Pipeline reference for scband-fm-55276229100089 (READ-ONLY COPY).

The authoritative reference and input builder live on the scoring server;
editing this copy changes nothing except your own understanding.
"""

import jax, jax.numpy as jnp
import numpy as np

FIELD_DIMS = [100000] * 26
EMBED_DIM = 16
TOTAL = sum(FIELD_DIMS)
BATCH = 16384
N_FIELDS = len(FIELD_DIMS)


def setup_inputs(seed: int = 0) -> dict:
    key = jax.random.key(seed)
    k1, k2, k3 = jax.random.split(key, 3)
    x = jax.random.randint(k1, (BATCH, N_FIELDS), 0, 100000, dtype=jnp.int64) if jax.config.jax_enable_x64 else jax.random.randint(k1, (BATCH, N_FIELDS), 0, 100000, dtype=jnp.int32)
    # xavier-uniform init for embedding table (fan_in=TOTAL, fan_out=EMBED_DIM)
    bound = float(np.sqrt(6.0 / (TOTAL + EMBED_DIM)))
    emb_table = jax.random.uniform(k2, (TOTAL, EMBED_DIM), minval=-bound, maxval=bound, dtype=jnp.float32)
    fc_table = jax.random.normal(k3, (TOTAL, 1), dtype=jnp.float32) * 0.01
    bias = jnp.zeros((1,), dtype=jnp.float32)
    return {"x": x, "emb_table": emb_table, "fc_table": fc_table, "bias": bias}


def reference(x, emb_table, fc_table, bias):
    offsets = jnp.asarray(np.array((0, *np.cumsum(FIELD_DIMS)[:-1]), dtype=np.int64), dtype=x.dtype)
    idx = x + offsets[None, :]
    # linear term: sum over fields of fc embedding + bias -> [B, 1]
    linear_term = jnp.sum(jnp.take(fc_table, idx, axis=0), axis=1) + bias
    # FM interaction term
    embed = jnp.take(emb_table, idx, axis=0)  # [B, F, D]
    square_of_sum = jnp.sum(embed, axis=1) ** 2  # [B, D]
    sum_of_square = jnp.sum(embed ** 2, axis=1)  # [B, D]
    interaction_term = 0.5 * jnp.sum(square_of_sum - sum_of_square, axis=1, keepdims=True)  # [B, 1]
    output = linear_term + interaction_term  # [B, 1]
    return jax.nn.sigmoid(jnp.squeeze(output, axis=1))  # [B]

if __name__ == "__main__":
    import jax
    _d = setup_inputs()
    print(jax.jit(kernel)(*tuple(_d.values())))

</pallas_src>

<mosaic_0001>
#map = affine_map<(d0, d1) -> (0, 0)>
#map1 = affine_map<(d0, d1) -> (0)>
module attributes {stable_mosaic.version = 14 : i64} {
  func.func @_tr_body(%arg0: i32, %arg1: i32, %arg2: memref<16x2600000xf32, #tpu.memory_space<hbm>>, %arg3: memref<41600000xf32, #tpu.memory_space<hbm>>, %arg4: memref<16x1024xf32, #tpu.memory_space<vmem>>, %arg5: memref<16x1024xf32, #tpu.memory_space<vmem>>, %arg6: memref<16384xf32, #tpu.memory_space<vmem>>, %arg7: memref<16384xf32, #tpu.memory_space<vmem>>, %arg8: memref<!tpu.dma_semaphore, #tpu.memory_space<semaphore_mem>>, %arg9: memref<!tpu.dma_semaphore, #tpu.memory_space<semaphore_mem>>, %arg10: memref<!tpu.dma_semaphore, #tpu.memory_space<semaphore_mem>>, %arg11: memref<!tpu.dma_semaphore, #tpu.memory_space<semaphore_mem>>) attributes {dimension_semantics = [#tpu.dimension_semantics<core_parallel>, #tpu.dimension_semantics<subcore_parallel>], iteration_bounds = array<i64: 2, 16>, scalar_prefetch = 0 : i64, scratch_operands = 8 : i64, tpu.core_type = #tpu.core_type<sc_vector_subcore>, window_params = [{transform_indices = #map}, {transform_indices = #map1}]} {
    %mul3A = arith.constant 2 : i32
    %mul3A_0 = arith.muli %arg1, %mul3A : i32
    %add3A = arith.addi %mul3A_0, %arg0 : i32
    %iota3A = tpu.iota {dimensions = array<i32: 0>} : vector<16xi32>
    %mul3A_1 = arith.constant 16 : i32
    %mul3A_2 = vector.broadcast %mul3A_1 : i32 to vector<16xi32>
    %mul3A_3 = arith.muli %iota3A, %mul3A_2 : vector<16xi32>
    %add3A_4 = arith.constant 0 : i32
    %add3A_5 = vector.broadcast %add3A_4 : i32 to vector<16xi32>
    %add3A_6 = arith.addi %mul3A_3, %add3A_5 : vector<16xi32>
    %mul3A_7 = arith.constant 16 : i32
    %mul3A_8 = vector.broadcast %mul3A_7 : i32 to vector<16xi32>
    %mul3A_9 = arith.muli %iota3A, %mul3A_8 : vector<16xi32>
    %add3A_10 = arith.constant 1 : i32
    %add3A_11 = vector.broadcast %add3A_10 : i32 to vector<16xi32>
    %add3A_12 = arith.addi %mul3A_9, %add3A_11 : vector<16xi32>
    %mul3A_13 = arith.constant 16 : i32
    %mul3A_14 = vector.broadcast %mul3A_13 : i32 to vector<16xi32>
    %mul3A_15 = arith.muli %iota3A, %mul3A_14 : vector<16xi32>
    %add3A_16 = arith.constant 2 : i32
    %add3A_17 = vector.broadcast %add3A_16 : i32 to vector<16xi32>
    %add3A_18 = arith.addi %mul3A_15, %add3A_17 : vector<16xi32>
    %mul3A_19 = arith.constant 16 : i32
    %mul3A_20 = vector.broadcast %mul3A_19 : i32 to vector<16xi32>
    %mul3A_21 = arith.muli %iota3A, %mul3A_20 : vector<16xi32>
    %add3A_22 = arith.constant 3 : i32
    %add3A_23 = vector.broadcast %add3A_22 : i32 to vector<16xi32>
    %add3A_24 = arith.addi %mul3A_21, %add3A_23 : vector<16xi32>
    %mul3A_25 = arith.constant 16 : i32
    %mul3A_26 = vector.broadcast %mul3A_25 : i32 to vector<16xi32>
    %mul3A_27 = arith.muli %iota3A, %mul3A_26 : vector<16xi32>
    %add3A_28 = arith.constant 4 : i32
    %add3A_29 = vector.broadcast %add3A_28 : i32 to vector<16xi32>
    %add3A_30 = arith.addi %mul3A_27, %add3A_29 : vector<16xi32>
    %mul3A_31 = arith.constant 16 : i32
    %mul3A_32 = vector.broadcast %mul3A_31 : i32 to vector<16xi32>
    %mul3A_33 = arith.muli %iota3A, %mul3A_32 : vector<16xi32>
    %add3A_34 = arith.constant 5 : i32
    %add3A_35 = vector.broadcast %add3A_34 : i32 to vector<16xi32>
    %add3A_36 = arith.addi %mul3A_33, %add3A_35 : vector<16xi32>
    %mul3A_37 = arith.constant 16 : i32
    %mul3A_38 = vector.broadcast %mul3A_37 : i32 to vector<16xi32>
    %mul3A_39 = arith.muli %iota3A, %mul3A_38 : vector<16xi32>
    %add3A_40 = arith.constant 6 : i32
    %add3A_41 = vector.broadcast %add3A_40 : i32 to vector<16xi32>
    %add3A_42 = arith.addi %mul3A_39, %add3A_41 : vector<16xi32>
    %mul3A_43 = arith.constant 16 : i32
    %mul3A_44 = vector.broadcast %mul3A_43 : i32 to vector<16xi32>
    %mul3A_45 = arith.muli %iota3A, %mul3A_44 : vector<16xi32>
    %add3A_46 = arith.constant 7 : i32
    %add3A_47 = vector.broadcast %add3A_46 : i32 to vector<16xi32>
    %add3A_48 = arith.addi %mul3A_45, %add3A_47 : vector<16xi32>
    %mul3A_49 = arith.constant 16 : i32
    %mul3A_50 = vector.broadcast %mul3A_49 : i32 to vector<16xi32>
    %mul3A_51 = arith.muli %iota3A, %mul3A_50 : vector<16xi32>
    %add3A_52 = arith.constant 8 : i32
    %add3A_53 = vector.broadcast %add3A_52 : i32 to vector<16xi32>
    %add3A_54 = arith.addi %mul3A_51, %add3A_53 : vector<16xi32>
    %mul3A_55 = arith.constant 16 : i32
    %mul3A_56 = vector.broadcast %mul3A_55 : i32 to vector<16xi32>
    %mul3A_57 = arith.muli %iota3A, %mul3A_56 : vector<16xi32>
    %add3A_58 = arith.constant 9 : i32
    %add3A_59 = vector.broadcast %add3A_58 : i32 to vector<16xi32>
    %add3A_60 = arith.addi %mul3A_57, %add3A_59 : vector<16xi32>
    %mul3A_61 = arith.constant 16 : i32
    %mul3A_62 = vector.broadcast %mul3A_61 : i32 to vector<16xi32>
    %mul3A_63 = arith.muli %iota3A, %mul3A_62 : vector<16xi32>
    %add3A_64 = arith.constant 10 : i32
    %add3A_65 = vector.broadcast %add3A_64 : i32 to vector<16xi32>
    %add3A_66 = arith.addi %mul3A_63, %add3A_65 : vector<16xi32>
    %mul3A_67 = arith.constant 16 : i32
    %mul3A_68 = vector.broadcast %mul3A_67 : i32 to vector<16xi32>
    %mul3A_69 = arith.muli %iota3A, %mul3A_68 : vector<16xi32>
    %add3A_70 = arith.constant 11 : i32
    %add3A_71 = vector.broadcast %add3A_70 : i32 to vector<16xi32>
    %add3A_72 = arith.addi %mul3A_69, %add3A_71 : vector<16xi32>
    %mul3A_73 = arith.constant 16 : i32
    %mul3A_74 = vector.broadcast %mul3A_73 : i32 to vector<16xi32>
    %mul3A_75 = arith.muli %iota3A, %mul3A_74 : vector<16xi32>
    %add3A_76 = arith.constant 12 : i32
    %add3A_77 = vector.broadcast %add3A_76 : i32 to vector<16xi32>
    %add3A_78 = arith.addi %mul3A_75, %add3A_77 : vector<16xi32>
    %mul3A_79 = arith.constant 16 : i32
    %mul3A_80 = vector.broadcast %mul3A_79 : i32 to vector<16xi32>
    %mul3A_81 = arith.muli %iota3A, %mul3A_80 : vector<16xi32>
    %add3A_82 = arith.constant 13 : i32
    %add3A_83 = vector.broadcast %add3A_82 : i32 to vector<16xi32>
    %add3A_84 = arith.addi %mul3A_81, %add3A_83 : vector<16xi32>
    %mul3A_85 = arith.constant 16 : i32
    %mul3A_86 = vector.broadcast %mul3A_85 : i32 to vector<16xi32>
    %mul3A_87 = arith.muli %iota3A, %mul3A_86 : vector<16xi32>
    %add3A_88 = arith.constant 14 : i32
    %add3A_89 = vector.broadcast %add3A_88 : i32 to vector<16xi32>
    %add3A_90 = arith.addi %mul3A_87, %add3A_89 : vector<16xi32>
    %mul3A_91 = arith.constant 16 : i32
    %mul3A_92 = vector.broadcast %mul3A_91 : i32 to vector<16xi32>
    %mul3A_93 = arith.muli %iota3A, %mul3A_92 : vector<16xi32>
    %add3A_94 = arith.constant 15 : i32
    %add3A_95 = vector.broadcast %add3A_94 : i32 to vector<16xi32>
    %add3A_96 = arith.addi %mul3A_93, %add3A_95 : vector<16xi32>
    %lt3A = arith.constant 11 : i32
    %lt3A_97 = arith.cmpi slt, %add3A, %lt3A : i32
    %jit3A = arith.constant 1 : i32
    %jit3A_98 = arith.constant 0 : i32
    %select_n3A = arith.select %lt3A_97, %jit3A, %jit3A_98 : i32
    %add3A_99 = arith.constant 79 : i32
    %add3A_100 = arith.addi %add3A_99, %select_n3A : i32
    %jit3A_101 = arith.constant 2 : i32
    %div3A = arith.divsi %add3A_100, %jit3A_101 : i32
    %sign3A = arith.constant 0 : i32
    %sign3A_102 = arith.cmpi sgt, %add3A_100, %sign3A : i32
    %sign3A_103 = arith.extui %sign3A_102 : i1 to i32
    %sign3A_104 = arith.constant 0 : i32
    %sign3A_105 = arith.cmpi slt, %add3A_100, %sign3A_104 : i32
    %sign3A_106 = arith.extui %sign3A_105 : i1 to i32
    %sign3A_107 = arith.subi %sign3A_103, %sign3A_106 : i32
    %sign3A_108 = arith.constant 0 : i32
    %sign3A_109 = arith.cmpi sgt, %jit3A_101, %sign3A_108 : i32
    %sign3A_110 = arith.extui %sign3A_109 : i1 to i32
    %sign3A_111 = arith.constant 0 : i32
    %sign3A_112 = arith.cmpi slt, %jit3A_101, %sign3A_111 : i32
    %sign3A_113 = arith.extui %sign3A_112 : i1 to i32
    %sign3A_114 = arith.subi %sign3A_110, %sign3A_113 : i32
    %ne3A = arith.cmpi ne, %sign3A_107, %sign3A_114 : i32
    %rem3A = arith.remsi %add3A_100, %jit3A_101 : i32
    %ne3A_115 = arith.constant 0 : i32
    %ne3A_116 = arith.cmpi ne, %rem3A, %ne3A_115 : i32
    %and3A = arith.andi %ne3A, %ne3A_116 : i1
    %sub3A = arith.constant 1 : i32
    %sub3A_117 = arith.subi %div3A, %sub3A : i32
    %select_n3A_118 = arith.select %and3A, %sub3A_117, %div3A : i32
    %add3A_119 = arith.constant 0 : i32
    %add3A_120 = arith.addi %add3A_119, %add3A : i32
    %mul3A_121 = arith.constant 1024 : i32
    %mul3A_122 = arith.muli %add3A_120, %mul3A_121 : i32
    %dma_start3A = arith.constant 0 : i32
    %dma_start3A_123 = tpu.memref_slice %arg2[%dma_start3A, %mul3A_122] : memref<16x2600000xf32, #tpu.memory_space<hbm>> -> memref<16x1024xf32, #tpu.memory_space<hbm>>
    %dma_start3A_124 = arith.constant 0 : i32
    %dma_start3A_125 = tpu.memref_slice %arg2[%dma_start3A_124, %mul3A_122] : memref<16x2600000xf32, #tpu.memory_space<hbm>> -> memref<16x1024xf32, #tpu.memory_space<hbm>>
    tpu.enqueue_dma source(%dma_start3A_125 : memref<16x1024xf32, #tpu.memory_space<hbm>>) target(%arg4 : memref<16x1024xf32, #tpu.memory_space<vmem>>) target_semaphore(%arg8 : memref<!tpu.dma_semaphore, #tpu.memory_space<semaphore_mem>>)
    %while3A = arith.constant 0 : i32
    %while3A_126 = arith.constant 0 : i32
    %while3A_127 = arith.subi %select_n3A_118, %while3A : i32
    %while3A_128 = arith.addi %while3A, %while3A_127 : i32
    %while3A_129 = arith.constant 1 : i32
    %while3A_130 = arith.divsi %while3A_127, %while3A_129 : i32
    %while3A_131 = arith.muli %while3A_130, %while3A_129 : i32
    %while3A_132 = arith.addi %while3A, %while3A_131 : i32
    %while3A_133 = arith.constant 1 : i32
    %while3A_134 = scf.for %while3A_167 = %while3A to %while3A_132 step %while3A_133 iter_args(%while3A_168 = %while3A_126) -> (i32)  : i32 {
      %mul3A_169 = arith.constant 2 : i32
      %mul3A_170 = arith.muli %mul3A_169, %while3A_167 : i32
      %add3A_171 = arith.constant 1 : i32
      %add3A_172 = arith.addi %mul3A_170, %add3A_171 : i32
      %dma_wait3A_173 = arith.constant 0 : i32
      %dma_wait3A_174 = arith.constant 0 : i32
      %dma_wait3A_175 = tpu.memref_slice %arg2[%dma_wait3A_173, %dma_wait3A_174] : memref<16x2600000xf32, #tpu.memory_space<hbm>> -> memref<16x1024xf32, #tpu.memory_space<hbm>>
      %dma_wait3A_176 = arith.constant 0 : i32
      %dma_wait3A_177 = arith.constant 0 : i32
      %dma_wait3A_178 = tpu.memref_slice %arg2[%dma_wait3A_176, %dma_wait3A_177] : memref<16x2600000xf32, #tpu.memory_space<hbm>> -> memref<16x1024xf32, #tpu.memory_space<hbm>>
      tpu.wait_dma2 semaphore(%arg8 : memref<!tpu.dma_semaphore, #tpu.memory_space<semaphore_mem>>) src(%dma_wait3A_178 : memref<16x1024xf32, #tpu.memory_space<hbm>>) dst(%arg4 : memref<16x1024xf32, #tpu.memory_space<vmem>>)
      %mul3A_179 = arith.constant 32 : i32
      %mul3A_180 = arith.muli %add3A_172, %mul3A_179 : i32
      %add3A_181 = arith.addi %mul3A_180, %add3A : i32
      %mul3A_182 = arith.constant 1024 : i32
      %mul3A_183 = arith.muli %add3A_181, %mul3A_182 : i32
      %dma_start3A_184 = arith.constant 0 : i32
      %dma_start3A_185 = tpu.memref_slice %arg2[%dma_start3A_184, %mul3A_183] : memref<16x2600000xf32, #tpu.memory_space<hbm>> -> memref<16x1024xf32, #tpu.memory_space<hbm>>
      %dma_start3A_186 = arith.constant 0 : i32
      %dma_start3A_187 = tpu.memref_slice %arg2[%dma_start3A_186, %mul3A_183] : memref<16x2600000xf32, #tpu.memory_space<hbm>> -> memref<16x1024xf32, #tpu.memory_space<hbm>>
      tpu.enqueue_dma source(%dma_start3A_187 : memref<16x1024xf32, #tpu.memory_space<hbm>>) target(%arg5 : memref<16x1024xf32, #tpu.memory_space<vmem>>) target_semaphore(%arg9 : memref<!tpu.dma_semaphore, #tpu.memory_space<semaphore_mem>>)
      %parallel_loop3A = arith.constant 0 : i32
      %parallel_loop3A_188 = arith.constant 64 : i32
      %parallel_loop3A_189 = arith.constant 1 : i32
      scf.for %parallel_loop3A_233 = %parallel_loop3A to %parallel_loop3A_188 step %parallel_loop3A_189  : i32 {
        %parallel_loop3A_234 = arith.constant 256 : i32
        %parallel_loop3A_235 = arith.muli %parallel_loop3A_233, %parallel_loop3A_234 : i32
        %parallel_loop3A_236 = arith.constant 16 : i32
        %parallel_loop3A_237 = arith.muli %parallel_loop3A_233, %parallel_loop3A_236 : i32
        %parallel_loop3A_238 = arith.constant 0 : i32
        %parallel_loop3A_239 = arith.index_cast %parallel_loop3A_238 : i32 to index
        %parallel_loop3A_240 = arith.index_cast %parallel_loop3A_237 : i32 to index
        %parallel_loop3A_241 = tpu.vector_load %arg4[%parallel_loop3A_239, %parallel_loop3A_240] {strides = array<i32>} : memref<16x1024xf32, #tpu.memory_space<vmem>>, vector<16xf32>,
        %parallel_loop3A_242 = vector.broadcast %parallel_loop3A_235 : i32 to vector<16xi32>
        %parallel_loop3A_243 = arith.addi %add3A_6, %parallel_loop3A_242 : vector<16xi32>
        tpu.vector_store_idx %arg6[%parallel_loop3A_243], %parallel_loop3A_241 : memref<16384xf32, #tpu.memory_space<vmem>>[vector<16xi32>], vector<16xf32>,
        %parallel_loop3A_244 = arith.constant 16 : i32
        %parallel_loop3A_245 = arith.muli %parallel_loop3A_233, %parallel_loop3A_244 : i32
        %parallel_loop3A_246 = arith.constant 1 : i32
        %parallel_loop3A_247 = arith.index_cast %parallel_loop3A_246 : i32 to index
        %parallel_loop3A_248 = arith.index_cast %parallel_loop3A_245 : i32 to index
        %parallel_loop3A_249 = tpu.vector_load %arg4[%parallel_loop3A_247, %parallel_loop3A_248] {strides = array<i32>} : memref<16x1024xf32, #tpu.memory_space<vmem>>, vector<16xf32>,
        %parallel_loop3A_250 = vector.broadcast %parallel_loop3A_235 : i32 to vector<16xi32>
        %parallel_loop3A_251 = arith.addi %add3A_12, %parallel_loop3A_250 : vector<16xi32>
        tpu.vector_store_idx %arg6[%parallel_loop3A_251], %parallel_loop3A_249 : memref<16384xf32, #tpu.memory_space<vmem>>[vector<16xi32>], vector<16xf32>,
        %parallel_loop3A_252 = arith.constant 16 : i32
        %parallel_loop3A_253 = arith.muli %parallel_loop3A_233, %parallel_loop3A_252 : i32
        %parallel_loop3A_254 = arith.constant 2 : i32
        %parallel_loop3A_255 = arith.index_cast %parallel_loop3A_254 : i32 to index
        %parallel_loop3A_256 = arith.index_cast %parallel_loop3A_253 : i32 to index
        %parallel_loop3A_257 = tpu.vector_load %arg4[%parallel_loop3A_255, %parallel_loop3A_256] {strides = array<i32>} : memref<16x1024xf32, #tpu.memory_space<vmem>>, vector<16xf32>,
        %parallel_loop3A_258 = vector.broadcast %parallel_loop3A_235 : i32 to vector<16xi32>
        %parallel_loop3A_259 = arith.addi %add3A_18, %parallel_loop3A_258 : vector<16xi32>
        tpu.vector_store_idx %arg6[%parallel_loop3A_259], %parallel_loop3A_257 : memref<16384xf32, #tpu.memory_space<vmem>>[vector<16xi32>], vector<16xf32>,
        %parallel_loop3A_260 = arith.constant 16 : i32
        %parallel_loop3A_261 = arith.muli %parallel_loop3A_233, %parallel_loop3A_260 : i32
        %parallel_loop3A_262 = arith.constant 3 : i32
        %parallel_loop3A_263 = arith.index_cast %parallel_loop3A_262 : i32 to index
        %parallel_loop3A_264 = arith.index_cast %parallel_loop3A_261 : i32 to index
        %parallel_loop3A_265 = tpu.vector_load %arg4[%parallel_loop3A_263, %parallel_loop3A_264] {strides = array<i32>} : memref<16x1024xf32, #tpu.memory_space<vmem>>, vector<16xf32>,
        %parallel_loop3A_266 = vector.broadcast %parallel_loop3A_235 : i32 to vector<16xi32>
        %parallel_loop3A_267 = arith.addi %add3A_24, %parallel_loop3A_266 : vector<16xi32>
        tpu.vector_store_idx %arg6[%parallel_loop3A_267], %parallel_loop3A_265 : memref<16384xf32, #tpu.memory_space<vmem>>[vector<16xi32>], vector<16xf32>,
        %parallel_loop3A_268 = arith.constant 16 : i32
        %parallel_loop3A_269 = arith.muli %parallel_loop3A_233, %parallel_loop3A_268 : i32
        %parallel_loop3A_270 = arith.constant 4 : i32
        %parallel_loop3A_271 = arith.index_cast %parallel_loop3A_270 : i32 to index
        %parallel_loop3A_272 = arith.index_cast %parallel_loop3A_269 : i32 to index
        %parallel_loop3A_273 = tpu.vector_load %arg4[%parallel_loop3A_271, %parallel_loop3A_272] {strides = array<i32>} : memref<16x1024xf32, #tpu.memory_space<vmem>>, vector<16xf32>,
        %parallel_loop3A_274 = vector.broadcast %parallel_loop3A_235 : i32 to vector<16xi32>
        %parallel_loop3A_275 = arith.addi %add3A_30, %parallel_loop3A_274 : vector<16xi32>
        tpu.vector_store_idx %arg6[%parallel_loop3A_275], %parallel_loop3A_273 : memref<16384xf32, #tpu.memory_space<vmem>>[vector<16xi32>], vector<16xf32>,
        %parallel_loop3A_276 = arith.constant 16 : i32
        %parallel_loop3A_277 = arith.muli %parallel_loop3A_233, %parallel_loop3A_276 : i32
        %parallel_loop3A_278 = arith.constant 5 : i32
        %parallel_loop3A_279 = arith.index_cast %parallel_loop3A_278 : i32 to index
        %parallel_loop3A_280 = arith.index_cast %parallel_loop3A_277 : i32 to index
        %parallel_loop3A_281 = tpu.vector_load %arg4[%parallel_loop3A_279, %parallel_loop3A_280] {strides = array<i32>} : memref<16x1024xf32, #tpu.memory_space<vmem>>, vector<16xf32>,
        %parallel_loop3A_282 = vector.broadcast %parallel_loop3A_235 : i32 to vector<16xi32>
        %parallel_loop3A_283 = arith.addi %add3A_36, %parallel_loop3A_282 : vector<16xi32>
        tpu.vector_store_idx %arg6[%parallel_loop3A_283], %parallel_loop3A_281 : memref<16384xf32, #tpu.memory_space<vmem>>[vector<16xi32>], vector<16xf32>,
        %parallel_loop3A_284 = arith.constant 16 : i32
        %parallel_loop3A_285 = arith.muli %parallel_loop3A_233, %parallel_loop3A_284 : i32
        %parallel_loop3A_286 = arith.constant 6 : i32
        %parallel_loop3A_287 = arith.index_cast %parallel_loop3A_286 : i32 to index
        %parallel_loop3A_288 = arith.index_cast %parallel_loop3A_285 : i32 to index
        %parallel_loop3A_289 = tpu.vector_load %arg4[%parallel_loop3A_287, %parallel_loop3A_288] {strides = array<i32>} : memref<16x1024xf32, #tpu.memory_space<vmem>>, vector<16xf32>,
        %parallel_loop3A_290 = vector.broadcast %parallel_loop3A_235 : i32 to vector<16xi32>
        %parallel_loop3A_291 = arith.addi %add3A_42, %parallel_loop3A_290 : vector<16xi32>
        tpu.vector_store_idx %arg6[%parallel_loop3A_291], %parallel_loop3A_289 : memref<16384xf32, #tpu.memory_space<vmem>>[vector<16xi32>], vector<16xf32>,
        %parallel_loop3A_292 = arith.constant 16 : i32
        %parallel_loop3A_293 = arith.muli %parallel_loop3A_233, %parallel_loop3A_292 : i32
        %parallel_loop3A_294 = arith.constant 7 : i32
        %parallel_loop3A_295 = arith.index_cast %parallel_loop3A_294 : i32 to index
        %parallel_loop3A_296 = arith.index_cast %parallel_loop3A_293 : i32 to index
        %parallel_loop3A_297 = tpu.vector_load %arg4[%parallel_loop3A_295, %parallel_loop3A_296] {strides = array<i32>} : memref<16x1024xf32, #tpu.memory_space<vmem>>, vector<16xf32>,
        %parallel_loop3A_298 = vector.broadcast %parallel_loop3A_235 : i32 to vector<16xi32>
        %parallel_loop3A_299 = arith.addi %add3A_48, %parallel_loop3A_298 : vector<16xi32>
        tpu.vector_store_idx %arg6[%parallel_loop3A_299], %parallel_loop3A_297 : memref<16384xf32, #tpu.memory_space<vmem>>[vector<16xi32>], vector<16xf32>,
        %parallel_loop3A_300 = arith.constant 16 : i32
        %parallel_loop3A_301 = arith.muli %parallel_loop3A_233, %parallel_loop3A_300 : i32
        %parallel_loop3A_302 = arith.constant 8 : i32
        %parallel_loop3A_303 = arith.index_cast %parallel_loop3A_302 : i32 to index
        %parallel_loop3A_304 = arith.index_cast %parallel_loop3A_301 : i32 to index
        %parallel_loop3A_305 = tpu.vector_load %arg4[%parallel_loop3A_303, %parallel_loop3A_304] {strides = array<i32>} : memref<16x1024xf32, #tpu.memory_space<vmem>>, vector<16xf32>,
        %parallel_loop3A_306 = vector.broadcast %parallel_loop3A_235 : i32 to vector<16xi32>
        %parallel_loop3A_307 = arith.addi %add3A_54, %parallel_loop3A_306 : vector<16xi32>
        tpu.vector_store_idx %arg6[%parallel_loop3A_307], %parallel_loop3A_305 : memref<16384xf32, #tpu.memory_space<vmem>>[vector<16xi32>], vector<16xf32>,
        %parallel_loop3A_308 = arith.constant 16 : i32
        %parallel_loop3A_309 = arith.muli %parallel_loop3A_233, %parallel_loop3A_308 : i32
        %parallel_loop3A_310 = arith.constant 9 : i32
        %parallel_loop3A_311 = arith.index_cast %parallel_loop3A_310 : i32 to index
        %parallel_loop3A_312 = arith.index_cast %parallel_loop3A_309 : i32 to index
        %parallel_loop3A_313 = tpu.vector_load %arg4[%parallel_loop3A_311, %parallel_loop3A_312] {strides = array<i32>} : memref<16x1024xf32, #tpu.memory_space<vmem>>, vector<16xf32>,
        %parallel_loop3A_314 = vector.broadcast %parallel_loop3A_235 : i32 to vector<16xi32>
        %parallel_loop3A_315 = arith.addi %add3A_60, %parallel_loop3A_314 : vector<16xi32>
        tpu.vector_store_idx %arg6[%parallel_loop3A_315], %parallel_loop3A_313 : memref<16384xf32, #tpu.memory_space<vmem>>[vector<16xi32>], vector<16xf32>,
        %parallel_loop3A_316 = arith.constant 16 : i32
        %parallel_loop3A_317 = arith.muli %parallel_loop3A_233, %parallel_loop3A_316 : i32
        %parallel_loop3A_318 = arith.constant 10 : i32
        %parallel_loop3A_319 = arith.index_cast %parallel_loop3A_318 : i32 to index
        %parallel_loop3A_320 = arith.index_cast %parallel_loop3A_317 : i32 to index
        %parallel_loop3A_321 = tpu.vector_load %arg4[%parallel_loop3A_319, %parallel_loop3A_320] {strides = array<i32>} : memref<16x1024xf32, #tpu.memory_space<vmem>>, vector<16xf32>,
        %parallel_loop3A_322 = vector.broadcast %parallel_loop3A_235 : i32 to vector<16xi32>
        %parallel_loop3A_323 = arith.addi %add3A_66, %parallel_loop3A_322 : vector<16xi32>
        tpu.vector_store_idx %arg6[%parallel_loop3A_323], %parallel_loop3A_321 : memref<16384xf32, #tpu.memory_space<vmem>>[vector<16xi32>], vector<16xf32>,
        %parallel_loop3A_324 = arith.constant 16 : i32
        %parallel_loop3A_325 = arith.muli %parallel_loop3A_233, %parallel_loop3A_324 : i32
        %parallel_loop3A_326 = arith.constant 11 : i32
        %parallel_loop3A_327 = arith.index_cast %parallel_loop3A_326 : i32 to index
        %parallel_loop3A_328 = arith.index_cast %parallel_loop3A_325 : i32 to index
        %parallel_loop3A_329 = tpu.vector_load %arg4[%parallel_loop3A_327, %parallel_loop3A_328] {strides = array<i32>} : memref<16x1024xf32, #tpu.memory_space<vmem>>, vector<16xf32>,
        %parallel_loop3A_330 = vector.broadcast %parallel_loop3A_235 : i32 to vector<16xi32>
        %parallel_loop3A_331 = arith.addi %add3A_72, %parallel_loop3A_330 : vector<16xi32>
        tpu.vector_store_idx %arg6[%parallel_loop3A_331], %parallel_loop3A_329 : memref<16384xf32, #tpu.memory_space<vmem>>[vector<16xi32>], vector<16xf32>,
        %parallel_loop3A_332 = arith.constant 16 : i32
        %parallel_loop3A_333 = arith.muli %parallel_loop3A_233, %parallel_loop3A_332 : i32
        %parallel_loop3A_334 = arith.constant 12 : i32
        %parallel_loop3A_335 = arith.index_cast %parallel_loop3A_334 : i32 to index
        %parallel_loop3A_336 = arith.index_cast %parallel_loop3A_333 : i32 to index
        %parallel_loop3A_337 = tpu.vector_load %arg4[%parallel_loop3A_335, %parallel_loop3A_336] {strides = array<i32>} : memref<16x1024xf32, #tpu.memory_space<vmem>>, vector<16xf32>,
        %parallel_loop3A_338 = vector.broadcast %parallel_loop3A_235 : i32 to vector<16xi32>
        %parallel_loop3A_339 = arith.addi %add3A_78, %parallel_loop3A_338 : vector<16xi32>
        tpu.vector_store_idx %arg6[%parallel_loop3A_339], %parallel_loop3A_337 : memref<16384xf32, #tpu.memory_space<vmem>>[vector<16xi32>], vector<16xf32>,
        %parallel_loop3A_340 = arith.constant 16 : i32
        %parallel_loop3A_341 = arith.muli %parallel_loop3A_233, %parallel_loop3A_340 : i32
        %parallel_loop3A_342 = arith.constant 13 : i32
        %parallel_loop3A_343 = arith.index_cast %parallel_loop3A_342 : i32 to index
        %parallel_loop3A_344 = arith.index_cast %parallel_loop3A_341 : i32 to index
        %parallel_loop3A_345 = tpu.vector_load %arg4[%parallel_loop3A_343, %parallel_loop3A_344] {strides = array<i32>} : memref<16x1024xf32, #tpu.memory_space<vmem>>, vector<16xf32>,
        %parallel_loop3A_346 = vector.broadcast %parallel_loop3A_235 : i32 to vector<16xi32>
        %parallel_loop3A_347 = arith.addi %add3A_84, %parallel_loop3A_346 : vector<16xi32>
        tpu.vector_store_idx %arg6[%parallel_loop3A_347], %parallel_loop3A_345 : memref<16384xf32, #tpu.memory_space<vmem>>[vector<16xi32>], vector<16xf32>,
        %parallel_loop3A_348 = arith.constant 16 : i32
        %parallel_loop3A_349 = arith.muli %parallel_loop3A_233, %parallel_loop3A_348 : i32
        %parallel_loop3A_350 = arith.constant 14 : i32
        %parallel_loop3A_351 = arith.index_cast %parallel_loop3A_350 : i32 to index
        %parallel_loop3A_352 = arith.index_cast %parallel_loop3A_349 : i32 to index
        %parallel_loop3A_353 = tpu.vector_load %arg4[%parallel_loop3A_351, %parallel_loop3A_352] {strides = array<i32>} : memref<16x1024xf32, #tpu.memory_space<vmem>>, vector<16xf32>,
        %parallel_loop3A_354 = vector.broadcast %parallel_loop3A_235 : i32 to vector<16xi32>
        %parallel_loop3A_355 = arith.addi %add3A_90, %parallel_loop3A_354 : vector<16xi32>
        tpu.vector_store_idx %arg6[%parallel_loop3A_355], %parallel_loop3A_353 : memref<16384xf32, #tpu.memory_space<vmem>>[vector<16xi32>], vector<16xf32>,
        %parallel_loop3A_356 = arith.constant 16 : i32
        %parallel_loop3A_357 = arith.muli %parallel_loop3A_233, %parallel_loop3A_356 : i32
        %parallel_loop3A_358 = arith.constant 15 : i32
        %parallel_loop3A_359 = arith.index_cast %parallel_loop3A_358 : i32 to index
        %parallel_loop3A_360 = arith.index_cast %parallel_loop3A_357 : i32 to index
        %parallel_loop3A_361 = tpu.vector_load %arg4[%parallel_loop3A_359, %parallel_loop3A_360] {strides = array<i32>} : memref<16x1024xf32, #tpu.memory_space<vmem>>, vector<16xf32>,
        %parallel_loop3A_362 = vector.broadcast %parallel_loop3A_235 : i32 to vector<16xi32>
        %parallel_loop3A_363 = arith.addi %add3A_96, %parallel_loop3A_362 : vector<16xi32>
        tpu.vector_store_idx %arg6[%parallel_loop3A_363], %parallel_loop3A_361 : memref<16384xf32, #tpu.memory_space<vmem>>[vector<16xi32>], vector<16xf32>,
      } {sc.loop_unroll_factor = 4 : i64, sc.parallel_access}
      %gt3A = arith.constant 0 : i32
      %gt3A_190 = arith.cmpi sgt, %while3A_167, %gt3A : i32
      %convert_element_type3A_191 = arith.extui %gt3A_190 : i1 to i32
      %cond3A_192 = arith.constant 0 : i32
      %cond3A_193 = arith.cmpi ne, %convert_element_type3A_191, %cond3A_192 : i32
      scf.if %cond3A_193 {
        %dma_wait3A_233 = arith.constant 0 : i32
        %dma_wait3A_234 = tpu.memref_slice %arg3[%dma_wait3A_233] : memref<41600000xf32, #tpu.memory_space<hbm>> -> memref<16384xf32, #tpu.memory_space<hbm>>
        %dma_wait3A_235 = arith.constant 0 : i32
        %dma_wait3A_236 = tpu.memref_slice %arg3[%dma_wait3A_235] : memref<41600000xf32, #tpu.memory_space<hbm>> -> memref<16384xf32, #tpu.memory_space<hbm>>
        tpu.wait_dma2 semaphore(%arg10 : memref<!tpu.dma_semaphore, #tpu.memory_space<semaphore_mem>>) src(%arg6 : memref<16384xf32, #tpu.memory_space<vmem>>) dst(%dma_wait3A_236 : memref<16384xf32, #tpu.memory_space<hbm>>)
      } else {
      }
      %mul3A_194 = arith.constant 32 : i32
      %mul3A_195 = arith.muli %mul3A_170, %mul3A_194 : i32
      %add3A_196 = arith.addi %mul3A_195, %add3A : i32
      %mul3A_197 = arith.constant 1024 : i32
      %mul3A_198 = arith.muli %add3A_196, %mul3A_197 : i32
      %mul3A_199 = arith.constant 16 : i32
      %mul3A_200 = arith.muli %mul3A_198, %mul3A_199 : i32
      %dma_start3A_201 = tpu.memref_slice %arg3[%mul3A_200] : memref<41600000xf32, #tpu.memory_space<hbm>> -> memref<16384xf32, #tpu.memory_space<hbm>>
      %dma_start3A_202 = tpu.memref_slice %arg3[%mul3A_200] : memref<41600000xf32, #tpu.memory_space<hbm>> -> memref<16384xf32, #tpu.memory_space<hbm>>
      tpu.enqueue_dma source(%arg6 : memref<16384xf32, #tpu.memory_space<vmem>>) target(%dma_start3A_202 : memref<16384xf32, #tpu.memory_space<hbm>>) target_semaphore(%arg10 : memref<!tpu.dma_semaphore, #tpu.memory_space<semaphore_mem>>)
      %dma_wait3A_203 = arith.constant 0 : i32
      %dma_wait3A_204 = arith.constant 0 : i32
      %dma_wait3A_205 = tpu.memref_slice %arg2[%dma_wait3A_203, %dma_wait3A_204] : memref<16x2600000xf32, #tpu.memory_space<hbm>> -> memref<16x1024xf32, #tpu.memory_space<hbm>>
      %dma_wait3A_206 = arith.constant 0 : i32
      %dma_wait3A_207 = arith.constant 0 : i32
      %dma_wait3A_208 = tpu.memref_slice %arg2[%dma_wait3A_206, %dma_wait3A_207] : memref<16x2600000xf32, #tpu.memory_space<hbm>> -> memref<16x1024xf32, #tpu.memory_space<hbm>>
      tpu.wait_dma2 semaphore(%arg9 : memref<!tpu.dma_semaphore, #tpu.memory_space<semaphore_mem>>) src(%dma_wait3A_208 : memref<16x1024xf32, #tpu.memory_space<hbm>>) dst(%arg5 : memref<16x1024xf32, #tpu.memory_space<vmem>>)
      %add3A_209 = arith.constant 1 : i32
      %add3A_210 = arith.addi %add3A_172, %add3A_209 : i32
      %lt3A_211 = arith.cmpi slt, %add3A_210, %add3A_100 : i32
      %convert_element_type3A_212 = arith.extui %lt3A_211 : i1 to i32
      %cond3A_213 = arith.constant 0 : i32
      %cond3A_214 = arith.cmpi ne, %convert_element_type3A_212, %cond3A_213 : i32
      scf.if %cond3A_214 {
        %add3A_233 = arith.constant 1 : i32
        %add3A_234 = arith.addi %add3A_172, %add3A_233 : i32
        %mul3A_235 = arith.constant 32 : i32
        %mul3A_236 = arith.muli %add3A_234, %mul3A_235 : i32
        %add3A_237 = arith.addi %mul3A_236, %add3A : i32
        %mul3A_238 = arith.constant 1024 : i32
        %mul3A_239 = arith.muli %add3A_237, %mul3A_238 : i32
        %dma_start3A_240 = arith.constant 0 : i32
        %dma_start3A_241 = tpu.memref_slice %arg2[%dma_start3A_240, %mul3A_239] : memref<16x2600000xf32, #tpu.memory_space<hbm>> -> memref<16x1024xf32, #tpu.memory_space<hbm>>
        %dma_start3A_242 = arith.constant 0 : i32
        %dma_start3A_243 = tpu.memref_slice %arg2[%dma_start3A_242, %mul3A_239] : memref<16x2600000xf32, #tpu.memory_space<hbm>> -> memref<16x1024xf32, #tpu.memory_space<hbm>>
        tpu.enqueue_dma source(%dma_start3A_243 : memref<16x1024xf32, #tpu.memory_space<hbm>>) target(%arg4 : memref<16x1024xf32, #tpu.memory_space<vmem>>) target_semaphore(%arg8 : memref<!tpu.dma_semaphore, #tpu.memory_space<semaphore_mem>>)
      } else {
      }
      %parallel_loop3A_215 = arith.constant 0 : i32
      %parallel_loop3A_216 = arith.constant 64 : i32
      %parallel_loop3A_217 = arith.constant 1 : i32
      scf.for %parallel_loop3A_233 = %parallel_loop3A_215 to %parallel_loop3A_216 step %parallel_loop3A_217  : i32 {
        %parallel_loop3A_234 = arith.constant 256 : i32
        %parallel_loop3A_235 = arith.muli %parallel_loop3A_233, %parallel_loop3A_234 : i32
        %parallel_loop3A_236 = arith.constant 16 : i32
        %parallel_loop3A_237 = arith.muli %parallel_loop3A_233, %parallel_loop3A_236 : i32
        %parallel_loop3A_238 = arith.constant 0 : i32
        %parallel_loop3A_239 = arith.index_cast %parallel_loop3A_238 : i32 to index
        %parallel_loop3A_240 = arith.index_cast %parallel_loop3A_237 : i32 to index
        %parallel_loop3A_241 = tpu.vector_load %arg5[%parallel_loop3A_239, %parallel_loop3A_240] {strides = array<i32>} : memref<16x1024xf32, #tpu.memory_space<vmem>>, vector<16xf32>,
        %parallel_loop3A_242 = vector.broadcast %parallel_loop3A_235 : i32 to vector<16xi32>
        %parallel_loop3A_243 = arith.addi %add3A_6, %parallel_loop3A_242 : vector<16xi32>
        tpu.vector_store_idx %arg7[%parallel_loop3A_243], %parallel_loop3A_241 : memref<16384xf32, #tpu.memory_space<vmem>>[vector<16xi32>], vector<16xf32>,
        %parallel_loop3A_244 = arith.constant 16 : i32
        %parallel_loop3A_245 = arith.muli %parallel_loop3A_233, %parallel_loop3A_244 : i32
        %parallel_loop3A_246 = arith.constant 1 : i32
        %parallel_loop3A_247 = arith.index_cast %parallel_loop3A_246 : i32 to index
        %parallel_loop3A_248 = arith.index_cast %parallel_loop3A_245 : i32 to index
        %parallel_loop3A_249 = tpu.vector_load %arg5[%parallel_loop3A_247, %parallel_loop3A_248] {strides = array<i32>} : memref<16x1024xf32, #tpu.memory_space<vmem>>, vector<16xf32>,
        %parallel_loop3A_250 = vector.broadcast %parallel_loop3A_235 : i32 to vector<16xi32>
        %parallel_loop3A_251 = arith.addi %add3A_12, %parallel_loop3A_250 : vector<16xi32>
        tpu.vector_store_idx %arg7[%parallel_loop3A_251], %parallel_loop3A_249 : memref<16384xf32, #tpu.memory_space<vmem>>[vector<16xi32>], vector<16xf32>,
        %parallel_loop3A_252 = arith.constant 16 : i32
        %parallel_loop3A_253 = arith.muli %parallel_loop3A_233, %parallel_loop3A_252 : i32
        %parallel_loop3A_254 = arith.constant 2 : i32
        %parallel_loop3A_255 = arith.index_cast %parallel_loop3A_254 : i32 to index
        %parallel_loop3A_256 = arith.index_cast %parallel_loop3A_253 : i32 to index
        %parallel_loop3A_257 = tpu.vector_load %arg5[%parallel_loop3A_255, %parallel_loop3A_256] {strides = array<i32>} : memref<16x1024xf32, #tpu.memory_space<vmem>>, vector<16xf32>,
        %parallel_loop3A_258 = vector.broadcast %parallel_loop3A_235 : i32 to vector<16xi32>
        %parallel_loop3A_259 = arith.addi %add3A_18, %parallel_loop3A_258 : vector<16xi32>
        tpu.vector_store_idx %arg7[%parallel_loop3A_259], %parallel_loop3A_257 : memref<16384xf32, #tpu.memory_space<vmem>>[vector<16xi32>], vector<16xf32>,
        %parallel_loop3A_260 = arith.constant 16 : i32
        %parallel_loop3A_261 = arith.muli %parallel_loop3A_233, %parallel_loop3A_260 : i32
        %parallel_loop3A_262 = arith.constant 3 : i32
        %parallel_loop3A_263 = arith.index_cast %parallel_loop3A_262 : i32 to index
        %parallel_loop3A_264 = arith.index_cast %parallel_loop3A_261 : i32 to index
        %parallel_loop3A_265 = tpu.vector_load %arg5[%parallel_loop3A_263, %parallel_loop3A_264] {strides = array<i32>} : memref<16x1024xf32, #tpu.memory_space<vmem>>, vector<16xf32>,
        %parallel_loop3A_266 = vector.broadcast %parallel_loop3A_235 : i32 to vector<16xi32>
        %parallel_loop3A_267 = arith.addi %add3A_24, %parallel_loop3A_266 : vector<16xi32>
        tpu.vector_store_idx %arg7[%parallel_loop3A_267], %parallel_loop3A_265 : memref<16384xf32, #tpu.memory_space<vmem>>[vector<16xi32>], vector<16xf32>,
        %parallel_loop3A_268 = arith.constant 16 : i32
        %parallel_loop3A_269 = arith.muli %parallel_loop3A_233, %parallel_loop3A_268 : i32
        %parallel_loop3A_270 = arith.constant 4 : i32
        %parallel_loop3A_271 = arith.index_cast %parallel_loop3A_270 : i32 to index
        %parallel_loop3A_272 = arith.index_cast %parallel_loop3A_269 : i32 to index
        %parallel_loop3A_273 = tpu.vector_load %arg5[%parallel_loop3A_271, %parallel_loop3A_272] {strides = array<i32>} : memref<16x1024xf32, #tpu.memory_space<vmem>>, vector<16xf32>,
        %parallel_loop3A_274 = vector.broadcast %parallel_loop3A_235 : i32 to vector<16xi32>
        %parallel_loop3A_275 = arith.addi %add3A_30, %parallel_loop3A_274 : vector<16xi32>
        tpu.vector_store_idx %arg7[%parallel_loop3A_275], %parallel_loop3A_273 : memref<16384xf32, #tpu.memory_space<vmem>>[vector<16xi32>], vector<16xf32>,
        %parallel_loop3A_276 = arith.constant 16 : i32
        %parallel_loop3A_277 = arith.muli %parallel_loop3A_233, %parallel_loop3A_276 : i32
        %parallel_loop3A_278 = arith.constant 5 : i32
        %parallel_loop3A_279 = arith.index_cast %parallel_loop3A_278 : i32 to index
        %parallel_loop3A_280 = arith.index_cast %parallel_loop3A_277 : i32 to index
        %parallel_loop3A_281 = tpu.vector_load %arg5[%parallel_loop3A_279, %parallel_loop3A_280] {strides = array<i32>} : memref<16x1024xf32, #tpu.memory_space<vmem>>, vector<16xf32>,
        %parallel_loop3A_282 = vector.broadcast %parallel_loop3A_235 : i32 to vector<16xi32>
        %parallel_loop3A_283 = arith.addi %add3A_36, %parallel_loop3A_282 : vector<16xi32>
        tpu.vector_store_idx %arg7[%parallel_loop3A_283], %parallel_loop3A_281 : memref<16384xf32, #tpu.memory_space<vmem>>[vector<16xi32>], vector<16xf32>,
        %parallel_loop3A_284 = arith.constant 16 : i32
        %parallel_loop3A_285 = arith.muli %parallel_loop3A_233, %parallel_loop3A_284 : i32
        %parallel_loop3A_286 = arith.constant 6 : i32
        %parallel_loop3A_287 = arith.index_cast %parallel_loop3A_286 : i32 to index
        %parallel_loop3A_288 = arith.index_cast %parallel_loop3A_285 : i32 to index
        %parallel_loop3A_289 = tpu.vector_load %arg5[%parallel_loop3A_287, %parallel_loop3A_288] {strides = array<i32>} : memref<16x1024xf32, #tpu.memory_space<vmem>>, vector<16xf32>,
        %parallel_loop3A_290 = vector.broadcast %parallel_loop3A_235 : i32 to vector<16xi32>
        %parallel_loop3A_291 = arith.addi %add3A_42, %parallel_loop3A_290 : vector<16xi32>
        tpu.vector_store_idx %arg7[%parallel_loop3A_291], %parallel_loop3A_289 : memref<16384xf32, #tpu.memory_space<vmem>>[vector<16xi32>], vector<16xf32>,
        %parallel_loop3A_292 = arith.constant 16 : i32
        %parallel_loop3A_293 = arith.muli %parallel_loop3A_233, %parallel_loop3A_292 : i32
        %parallel_loop3A_294 = arith.constant 7 : i32
        %parallel_loop3A_295 = arith.index_cast %parallel_loop3A_294 : i32 to index
        %parallel_loop3A_296 = arith.index_cast %parallel_loop3A_293 : i32 to index
        %parallel_loop3A_297 = tpu.vector_load %arg5[%parallel_loop3A_295, %parallel_loop3A_296] {strides = array<i32>} : memref<16x1024xf32, #tpu.memory_space<vmem>>, vector<16xf32>,
        %parallel_loop3A_298 = vector.broadcast %parallel_loop3A_235 : i32 to vector<16xi32>
        %parallel_loop3A_299 = arith.addi %add3A_48, %parallel_loop3A_298 : vector<16xi32>
        tpu.vector_store_idx %arg7[%parallel_loop3A_299], %parallel_loop3A_297 : memref<16384xf32, #tpu.memory_space<vmem>>[vector<16xi32>], vector<16xf32>,
        %parallel_loop3A_300 = arith.constant 16 : i32
        %parallel_loop3A_301 = arith.muli %parallel_loop3A_233, %parallel_loop3A_300 : i32
        %parallel_loop3A_302 = arith.constant 8 : i32
        %parallel_loop3A_303 = arith.index_cast %parallel_loop3A_302 : i32 to index
        %parallel_loop3A_304 = arith.index_cast %parallel_loop3A_301 : i32 to index
        %parallel_loop3A_305 = tpu.vector_load %arg5[%parallel_loop3A_303, %parallel_loop3A_304] {strides = array<i32>} : memref<16x1024xf32, #tpu.memory_space<vmem>>, vector<16xf32>,
        %parallel_loop3A_306 = vector.broadcast %parallel_loop3A_235 : i32 to vector<16xi32>
        %parallel_loop3A_307 = arith.addi %add3A_54, %parallel_loop3A_306 : vector<16xi32>
        tpu.vector_store_idx %arg7[%parallel_loop3A_307], %parallel_loop3A_305 : memref<16384xf32, #tpu.memory_space<vmem>>[vector<16xi32>], vector<16xf32>,
        %parallel_loop3A_308 = arith.constant 16 : i32
        %parallel_loop3A_309 = arith.muli %parallel_loop3A_233, %parallel_loop3A_308 : i32
        %parallel_loop3A_310 = arith.constant 9 : i32
        %parallel_loop3A_311 = arith.index_cast %parallel_loop3A_310 : i32 to index
        %parallel_loop3A_312 = arith.index_cast %parallel_loop3A_309 : i32 to index
        %parallel_loop3A_313 = tpu.vector_load %arg5[%parallel_loop3A_311, %parallel_loop3A_312] {strides = array<i32>} : memref<16x1024xf32, #tpu.memory_space<vmem>>, vector<16xf32>,
        %parallel_loop3A_314 = vector.broadcast %parallel_loop3A_235 : i32 to vector<16xi32>
        %parallel_loop3A_315 = arith.addi %add3A_60, %parallel_loop3A_314 : vector<16xi32>
        tpu.vector_store_idx %arg7[%parallel_loop3A_315], %parallel_loop3A_313 : memref<16384xf32, #tpu.memory_space<vmem>>[vector<16xi32>], vector<16xf32>,
        %parallel_loop3A_316 = arith.constant 16 : i32
        %parallel_loop3A_317 = arith.muli %parallel_loop3A_233, %parallel_loop3A_316 : i32
        %parallel_loop3A_318 = arith.constant 10 : i32
        %parallel_loop3A_319 = arith.index_cast %parallel_loop3A_318 : i32 to index
        %parallel_loop3A_320 = arith.index_cast %parallel_loop3A_317 : i32 to index
        %parallel_loop3A_321 = tpu.vector_load %arg5[%parallel_loop3A_319, %parallel_loop3A_320] {strides = array<i32>} : memref<16x1024xf32, #tpu.memory_space<vmem>>, vector<16xf32>,
        %parallel_loop3A_322 = vector.broadcast %parallel_loop3A_235 : i32 to vector<16xi32>
        %parallel_loop3A_323 = arith.addi %add3A_66, %parallel_loop3A_322 : vector<16xi32>
        tpu.vector_store_idx %arg7[%parallel_loop3A_323], %parallel_loop3A_321 : memref<16384xf32, #tpu.memory_space<vmem>>[vector<16xi32>], vector<16xf32>,
        %parallel_loop3A_324 = arith.constant 16 : i32
        %parallel_loop3A_325 = arith.muli %parallel_loop3A_233, %parallel_loop3A_324 : i32
        %parallel_loop3A_326 = arith.constant 11 : i32
        %parallel_loop3A_327 = arith.index_cast %parallel_loop3A_326 : i32 to index
        %parallel_loop3A_328 = arith.index_cast %parallel_loop3A_325 : i32 to index
        %parallel_loop3A_329 = tpu.vector_load %arg5[%parallel_loop3A_327, %parallel_loop3A_328] {strides = array<i32>} : memref<16x1024xf32, #tpu.memory_space<vmem>>, vector<16xf32>,
        %parallel_loop3A_330 = vector.broadcast %parallel_loop3A_235 : i32 to vector<16xi32>
        %parallel_loop3A_331 = arith.addi %add3A_72, %parallel_loop3A_330 : vector<16xi32>
        tpu.vector_store_idx %arg7[%parallel_loop3A_331], %parallel_loop3A_329 : memref<16384xf32, #tpu.memory_space<vmem>>[vector<16xi32>], vector<16xf32>,
        %parallel_loop3A_332 = arith.constant 16 : i32
        %parallel_loop3A_333 = arith.muli %parallel_loop3A_233, %parallel_loop3A_332 : i32
        %parallel_loop3A_334 = arith.constant 12 : i32
        %parallel_loop3A_335 = arith.index_cast %parallel_loop3A_334 : i32 to index
        %parallel_loop3A_336 = arith.index_cast %parallel_loop3A_333 : i32 to index
        %parallel_loop3A_337 = tpu.vector_load %arg5[%parallel_loop3A_335, %parallel_loop3A_336] {strides = array<i32>} : memref<16x1024xf32, #tpu.memory_space<vmem>>, vector<16xf32>,
        %parallel_loop3A_338 = vector.broadcast %parallel_loop3A_235 : i32 to vector<16xi32>
        %parallel_loop3A_339 = arith.addi %add3A_78, %parallel_loop3A_338 : vector<16xi32>
        tpu.vector_store_idx %arg7[%parallel_loop3A_339], %parallel_loop3A_337 : memref<16384xf32, #tpu.memory_space<vmem>>[vector<16xi32>], vector<16xf32>,
        %parallel_loop3A_340 = arith.constant 16 : i32
        %parallel_loop3A_341 = arith.muli %parallel_loop3A_233, %parallel_loop3A_340 : i32
        %parallel_loop3A_342 = arith.constant 13 : i32
        %parallel_loop3A_343 = arith.index_cast %parallel_loop3A_342 : i32 to index
        %parallel_loop3A_344 = arith.index_cast %parallel_loop3A_341 : i32 to index
        %parallel_loop3A_345 = tpu.vector_load %arg5[%parallel_loop3A_343, %parallel_loop3A_344] {strides = array<i32>} : memref<16x1024xf32, #tpu.memory_space<vmem>>, vector<16xf32>,
        %parallel_loop3A_346 = vector.broadcast %parallel_loop3A_235 : i32 to vector<16xi32>
        %parallel_loop3A_347 = arith.addi %add3A_84, %parallel_loop3A_346 : vector<16xi32>
        tpu.vector_store_idx %arg7[%parallel_loop3A_347], %parallel_loop3A_345 : memref<16384xf32, #tpu.memory_space<vmem>>[vector<16xi32>], vector<16xf32>,
        %parallel_loop3A_348 = arith.constant 16 : i32
        %parallel_loop3A_349 = arith.muli %parallel_loop3A_233, %parallel_loop3A_348 : i32
        %parallel_loop3A_350 = arith.constant 14 : i32
        %parallel_loop3A_351 = arith.index_cast %parallel_loop3A_350 : i32 to index
        %parallel_loop3A_352 = arith.index_cast %parallel_loop3A_349 : i32 to index
        %parallel_loop3A_353 = tpu.vector_load %arg5[%parallel_loop3A_351, %parallel_loop3A_352] {strides = array<i32>} : memref<16x1024xf32, #tpu.memory_space<vmem>>, vector<16xf32>,
        %parallel_loop3A_354 = vector.broadcast %parallel_loop3A_235 : i32 to vector<16xi32>
        %parallel_loop3A_355 = arith.addi %add3A_90, %parallel_loop3A_354 : vector<16xi32>
        tpu.vector_store_idx %arg7[%parallel_loop3A_355], %parallel_loop3A_353 : memref<16384xf32, #tpu.memory_space<vmem>>[vector<16xi32>], vector<16xf32>,
        %parallel_loop3A_356 = arith.constant 16 : i32
        %parallel_loop3A_357 = arith.muli %parallel_loop3A_233, %parallel_loop3A_356 : i32
        %parallel_loop3A_358 = arith.constant 15 : i32
        %parallel_loop3A_359 = arith.index_cast %parallel_loop3A_358 : i32 to index
        %parallel_loop3A_360 = arith.index_cast %parallel_loop3A_357 : i32 to index
        %parallel_loop3A_361 = tpu.vector_load %arg5[%parallel_loop3A_359, %parallel_loop3A_360] {strides = array<i32>} : memref<16x1024xf32, #tpu.memory_space<vmem>>, vector<16xf32>,
        %parallel_loop3A_362 = vector.broadcast %parallel_loop3A_235 : i32 to vector<16xi32>
        %parallel_loop3A_363 = arith.addi %add3A_96, %parallel_loop3A_362 : vector<16xi32>
        tpu.vector_store_idx %arg7[%parallel_loop3A_363], %parallel_loop3A_361 : memref<16384xf32, #tpu.memory_space<vmem>>[vector<16xi32>], vector<16xf32>,
      } {sc.loop_unroll_factor = 4 : i64, sc.parallel_access}
      %gt3A_218 = arith.constant 0 : i32
      %gt3A_219 = arith.cmpi sgt, %while3A_167, %gt3A_218 : i32
      %convert_element_type3A_220 = arith.extui %gt3A_219 : i1 to i32
      %cond3A_221 = arith.constant 0 : i32
      %cond3A_222 = arith.cmpi ne, %convert_element_type3A_220, %cond3A_221 : i32
      scf.if %cond3A_222 {
        %dma_wait3A_233 = arith.constant 0 : i32
        %dma_wait3A_234 = tpu.memref_slice %arg3[%dma_wait3A_233] : memref<41600000xf32, #tpu.memory_space<hbm>> -> memref<16384xf32, #tpu.memory_space<hbm>>
        %dma_wait3A_235 = arith.constant 0 : i32
        %dma_wait3A_236 = tpu.memref_slice %arg3[%dma_wait3A_235] : memref<41600000xf32, #tpu.memory_space<hbm>> -> memref<16384xf32, #tpu.memory_space<hbm>>
        tpu.wait_dma2 semaphore(%arg11 : memref<!tpu.dma_semaphore, #tpu.memory_space<semaphore_mem>>) src(%arg7 : memref<16384xf32, #tpu.memory_space<vmem>>) dst(%dma_wait3A_236 : memref<16384xf32, #tpu.memory_space<hbm>>)
      } else {
      }
      %mul3A_223 = arith.constant 32 : i32
      %mul3A_224 = arith.muli %add3A_172, %mul3A_223 : i32
      %add3A_225 = arith.addi %mul3A_224, %add3A : i32
      %mul3A_226 = arith.constant 1024 : i32
      %mul3A_227 = arith.muli %add3A_225, %mul3A_226 : i32
      %mul3A_228 = arith.constant 16 : i32
      %mul3A_229 = arith.muli %mul3A_227, %mul3A_228 : i32
      %dma_start3A_230 = tpu.memref_slice %arg3[%mul3A_229] : memref<41600000xf32, #tpu.memory_space<hbm>> -> memref<16384xf32, #tpu.memory_space<hbm>>
      %dma_start3A_231 = tpu.memref_slice %arg3[%mul3A_229] : memref<41600000xf32, #tpu.memory_space<hbm>> -> memref<16384xf32, #tpu.memory_space<hbm>>
      tpu.enqueue_dma source(%arg7 : memref<16384xf32, #tpu.memory_space<vmem>>) target(%dma_start3A_231 : memref<16384xf32, #tpu.memory_space<hbm>>) target_semaphore(%arg11 : memref<!tpu.dma_semaphore, #tpu.memory_space<semaphore_mem>>)
      %while3A_232 = arith.constant 0 : i32
      scf.yield %while3A_232 : i32
    }
    %while3A_135 = arith.constant 1 : i32
    %while3A_136 = scf.for %while3A_167 = %while3A_132 to %while3A_128 step %while3A_135 iter_args(%while3A_168 = %while3A_134) -> (i32)  : i32 {
      %mul3A_169 = arith.constant 2 : i32
      %mul3A_170 = arith.muli %mul3A_169, %while3A_167 : i32
      %add3A_171 = arith.constant 1 : i32
      %add3A_172 = arith.addi %mul3A_170, %add3A_171 : i32
      %dma_wait3A_173 = arith.constant 0 : i32
      %dma_wait3A_174 = arith.constant 0 : i32
      %dma_wait3A_175 = tpu.memref_slice %arg2[%dma_wait3A_173, %dma_wait3A_174] : memref<16x2600000xf32, #tpu.memory_space<hbm>> -> memref<16x1024xf32, #tpu.memory_space<hbm>>
      %dma_wait3A_176 = arith.constant 0 : i32
      %dma_wait3A_177 = arith.constant 0 : i32
      %dma_wait3A_178 = tpu.memref_slice %arg2[%dma_wait3A_176, %dma_wait3A_177] : memref<16x2600000xf32, #tpu.memory_space<hbm>> -> memref<16x1024xf32, #tpu.memory_space<hbm>>
      tpu.wait_dma2 semaphore(%arg8 : memref<!tpu.dma_semaphore, #tpu.memory_space<semaphore_mem>>) src(%dma_wait3A_178 : memref<16x1024xf32, #tpu.memory_space<hbm>>) dst(%arg4 : memref<16x1024xf32, #tpu.memory_space<vmem>>)
      %mul3A_179 = arith.constant 32 : i32
      %mul3A_180 = arith.muli %add3A_172, %mul3A_179 : i32
      %add3A_181 = arith.addi %mul3A_180, %add3A : i32
      %mul3A_182 = arith.constant 1024 : i32
      %mul3A_183 = arith.muli %add3A_181, %mul3A_182 : i32
      %dma_start3A_184 = arith.constant 0 : i32
      %dma_start3A_185 = tpu.memref_slice %arg2[%dma_start3A_184, %mul3A_183] : memref<16x2600000xf32, #tpu.memory_space<hbm>> -> memref<16x1024xf32, #tpu.memory_space<hbm>>
      %dma_start3A_186 = arith.constant 0 : i32
      %dma_start3A_187 = tpu.memref_slice %arg2[%dma_start3A_186, %mul3A_183] : memref<16x2600000xf32, #tpu.memory_space<hbm>> -> memref<16x1024xf32, #tpu.memory_space<hbm>>
      tpu.enqueue_dma source(%dma_start3A_187 : memref<16x1024xf32, #tpu.memory_space<hbm>>) target(%arg5 : memref<16x1024xf32, #tpu.memory_space<vmem>>) target_semaphore(%arg9 : memref<!tpu.dma_semaphore, #tpu.memory_space<semaphore_mem>>)
      %parallel_loop3A = arith.constant 0 : i32
      %parallel_loop3A_188 = arith.constant 64 : i32
      %parallel_loop3A_189 = arith.constant 1 : i32
      scf.for %parallel_loop3A_233 = %parallel_loop3A to %parallel_loop3A_188 step %parallel_loop3A_189  : i32 {
        %parallel_loop3A_234 = arith.constant 256 : i32
        %parallel_loop3A_235 = arith.muli %parallel_loop3A_233, %parallel_loop3A_234 : i32
        %parallel_loop3A_236 = arith.constant 16 : i32
        %parallel_loop3A_237 = arith.muli %parallel_loop3A_233, %parallel_loop3A_236 : i32
        %parallel_loop3A_238 = arith.constant 0 : i32
        %parallel_loop3A_239 = arith.index_cast %parallel_loop3A_238 : i32 to index
        %parallel_loop3A_240 = arith.index_cast %parallel_loop3A_237 : i32 to index
        %parallel_loop3A_241 = tpu.vector_load %arg4[%parallel_loop3A_239, %parallel_loop3A_240] {strides = array<i32>} : memref<16x1024xf32, #tpu.memory_space<vmem>>, vector<16xf32>,
        %parallel_loop3A_242 = vector.broadcast %parallel_loop3A_235 : i32 to vector<16xi32>
        %parallel_loop3A_243 = arith.addi %add3A_6, %parallel_loop3A_242 : vector<16xi32>
        tpu.vector_store_idx %arg6[%parallel_loop3A_243], %parallel_loop3A_241 : memref<16384xf32, #tpu.memory_space<vmem>>[vector<16xi32>], vector<16xf32>,
        %parallel_loop3A_244 = arith.constant 16 : i32
        %parallel_loop3A_245 = arith.muli %parallel_loop3A_233, %parallel_loop3A_244 : i32
        %parallel_loop3A_246 = arith.constant 1 : i32
        %parallel_loop3A_247 = arith.index_cast %parallel_loop3A_246 : i32 to index
        %parallel_loop3A_248 = arith.index_cast %parallel_loop3A_245 : i32 to index
        %parallel_loop3A_249 = tpu.vector_load %arg4[%parallel_loop3A_247, %parallel_loop3A_248] {strides = array<i32>} : memref<16x1024xf32, #tpu.memory_space<vmem>>, vector<16xf32>,
        %parallel_loop3A_250 = vector.broadcast %parallel_loop3A_235 : i32 to vector<16xi32>
        %parallel_loop3A_251 = arith.addi %add3A_12, %parallel_loop3A_250 : vector<16xi32>
        tpu.vector_store_idx %arg6[%parallel_loop3A_251], %parallel_loop3A_249 : memref<16384xf32, #tpu.memory_space<vmem>>[vector<16xi32>], vector<16xf32>,
        %parallel_loop3A_252 = arith.constant 16 : i32
        %parallel_loop3A_253 = arith.muli %parallel_loop3A_233, %parallel_loop3A_252 : i32
        %parallel_loop3A_254 = arith.constant 2 : i32
        %parallel_loop3A_255 = arith.index_cast %parallel_loop3A_254 : i32 to index
        %parallel_loop3A_256 = arith.index_cast %parallel_loop3A_253 : i32 to index
        %parallel_loop3A_257 = tpu.vector_load %arg4[%parallel_loop3A_255, %parallel_loop3A_256] {strides = array<i32>} : memref<16x1024xf32, #tpu.memory_space<vmem>>, vector<16xf32>,
        %parallel_loop3A_258 = vector.broadcast %parallel_loop3A_235 : i32 to vector<16xi32>
        %parallel_loop3A_259 = arith.addi %add3A_18, %parallel_loop3A_258 : vector<16xi32>
        tpu.vector_store_idx %arg6[%parallel_loop3A_259], %parallel_loop3A_257 : memref<16384xf32, #tpu.memory_space<vmem>>[vector<16xi32>], vector<16xf32>,
        %parallel_loop3A_260 = arith.constant 16 : i32
        %parallel_loop3A_261 = arith.muli %parallel_loop3A_233, %parallel_loop3A_260 : i32
        %parallel_loop3A_262 = arith.constant 3 : i32
        %parallel_loop3A_263 = arith.index_cast %parallel_loop3A_262 : i32 to index
        %parallel_loop3A_264 = arith.index_cast %parallel_loop3A_261 : i32 to index
        %parallel_loop3A_265 = tpu.vector_load %arg4[%parallel_loop3A_263, %parallel_loop3A_264] {strides = array<i32>} : memref<16x1024xf32, #tpu.memory_space<vmem>>, vector<16xf32>,
        %parallel_loop3A_266 = vector.broadcast %parallel_loop3A_235 : i32 to vector<16xi32>
        %parallel_loop3A_267 = arith.addi %add3A_24, %parallel_loop3A_266 : vector<16xi32>
        tpu.vector_store_idx %arg6[%parallel_loop3A_267], %parallel_loop3A_265 : memref<16384xf32, #tpu.memory_space<vmem>>[vector<16xi32>], vector<16xf32>,
        %parallel_loop3A_268 = arith.constant 16 : i32
        %parallel_loop3A_269 = arith.muli %parallel_loop3A_233, %parallel_loop3A_268 : i32
        %parallel_loop3A_270 = arith.constant 4 : i32
        %parallel_loop3A_271 = arith.index_cast %parallel_loop3A_270 : i32 to index
        %parallel_loop3A_272 = arith.index_cast %parallel_loop3A_269 : i32 to index
        %parallel_loop3A_273 = tpu.vector_load %arg4[%parallel_loop3A_271, %parallel_loop3A_272] {strides = array<i32>} : memref<16x1024xf32, #tpu.memory_space<vmem>>, vector<16xf32>,
        %parallel_loop3A_274 = vector.broadcast %parallel_loop3A_235 : i32 to vector<16xi32>
        %parallel_loop3A_275 = arith.addi %add3A_30, %parallel_loop3A_274 : vector<16xi32>
        tpu.vector_store_idx %arg6[%parallel_loop3A_275], %parallel_loop3A_273 : memref<16384xf32, #tpu.memory_space<vmem>>[vector<16xi32>], vector<16xf32>,
        %parallel_loop3A_276 = arith.constant 16 : i32
        %parallel_loop3A_277 = arith.muli %parallel_loop3A_233, %parallel_loop3A_276 : i32
        %parallel_loop3A_278 = arith.constant 5 : i32
        %parallel_loop3A_279 = arith.index_cast %parallel_loop3A_278 : i32 to index
        %parallel_loop3A_280 = arith.index_cast %parallel_loop3A_277 : i32 to index
        %parallel_loop3A_281 = tpu.vector_load %arg4[%parallel_loop3A_279, %parallel_loop3A_280] {strides = array<i32>} : memref<16x1024xf32, #tpu.memory_space<vmem>>, vector<16xf32>,
        %parallel_loop3A_282 = vector.broadcast %parallel_loop3A_235 : i32 to vector<16xi32>
        %parallel_loop3A_283 = arith.addi %add3A_36, %parallel_loop3A_282 : vector<16xi32>
        tpu.vector_store_idx %arg6[%parallel_loop3A_283], %parallel_loop3A_281 : memref<16384xf32, #tpu.memory_space<vmem>>[vector<16xi32>], vector<16xf32>,
        %parallel_loop3A_284 = arith.constant 16 : i32
        %parallel_loop3A_285 = arith.muli %parallel_loop3A_233, %parallel_loop3A_284 : i32
        %parallel_loop3A_286 = arith.constant 6 : i32
        %parallel_loop3A_287 = arith.index_cast %parallel_loop3A_286 : i32 to index
        %parallel_loop3A_288 = arith.index_cast %parallel_loop3A_285 : i32 to index
        %parallel_loop3A_289 = tpu.vector_load %arg4[%parallel_loop3A_287, %parallel_loop3A_288] {strides = array<i32>} : memref<16x1024xf32, #tpu.memory_space<vmem>>, vector<16xf32>,
        %parallel_loop3A_290 = vector.broadcast %parallel_loop3A_235 : i32 to vector<16xi32>
        %parallel_loop3A_291 = arith.addi %add3A_42, %parallel_loop3A_290 : vector<16xi32>
        tpu.vector_store_idx %arg6[%parallel_loop3A_291], %parallel_loop3A_289 : memref<16384xf32, #tpu.memory_space<vmem>>[vector<16xi32>], vector<16xf32>,
        %parallel_loop3A_292 = arith.constant 16 : i32
        %parallel_loop3A_293 = arith.muli %parallel_loop3A_233, %parallel_loop3A_292 : i32
        %parallel_loop3A_294 = arith.constant 7 : i32
        %parallel_loop3A_295 = arith.index_cast %parallel_loop3A_294 : i32 to index
        %parallel_loop3A_296 = arith.index_cast %parallel_loop3A_293 : i32 to index
        %parallel_loop3A_297 = tpu.vector_load %arg4[%parallel_loop3A_295, %parallel_loop3A_296] {strides = array<i32>} : memref<16x1024xf32, #tpu.memory_space<vmem>>, vector<16xf32>,
        %parallel_loop3A_298 = vector.broadcast %parallel_loop3A_235 : i32 to vector<16xi32>
        %parallel_loop3A_299 = arith.addi %add3A_48, %parallel_loop3A_298 : vector<16xi32>
        tpu.vector_store_idx %arg6[%parallel_loop3A_299], %parallel_loop3A_297 : memref<16384xf32, #tpu.memory_space<vmem>>[vector<16xi32>], vector<16xf32>,
        %parallel_loop3A_300 = arith.constant 16 : i32
        %parallel_loop3A_301 = arith.muli %parallel_loop3A_233, %parallel_loop3A_300 : i32
        %parallel_loop3A_302 = arith.constant 8 : i32
        %parallel_loop3A_303 = arith.index_cast %parallel_loop3A_302 : i32 to index
        %parallel_loop3A_304 = arith.index_cast %parallel_loop3A_301 : i32 to index
        %parallel_loop3A_305 = tpu.vector_load %arg4[%parallel_loop3A_303, %parallel_loop3A_304] {strides = array<i32>} : memref<16x1024xf32, #tpu.memory_space<vmem>>, vector<16xf32>,
        %parallel_loop3A_306 = vector.broadcast %parallel_loop3A_235 : i32 to vector<16xi32>
        %parallel_loop3A_307 = arith.addi %add3A_54, %parallel_loop3A_306 : vector<16xi32>
        tpu.vector_store_idx %arg6[%parallel_loop3A_307], %parallel_loop3A_305 : memref<16384xf32, #tpu.memory_space<vmem>>[vector<16xi32>], vector<16xf32>,
        %parallel_loop3A_308 = arith.constant 16 : i32
        %parallel_loop3A_309 = arith.muli %parallel_loop3A_233, %parallel_loop3A_308 : i32
        %parallel_loop3A_310 = arith.constant 9 : i32
        %parallel_loop3A_311 = arith.index_cast %parallel_loop3A_310 : i32 to index
        %parallel_loop3A_312 = arith.index_cast %parallel_loop3A_309 : i32 to index
        %parallel_loop3A_313 = tpu.vector_load %arg4[%parallel_loop3A_311, %parallel_loop3A_312] {strides = array<i32>} : memref<16x1024xf32, #tpu.memory_space<vmem>>, vector<16xf32>,
        %parallel_loop3A_314 = vector.broadcast %parallel_loop3A_235 : i32 to vector<16xi32>
        %parallel_loop3A_315 = arith.addi %add3A_60, %parallel_loop3A_314 : vector<16xi32>
        tpu.vector_store_idx %arg6[%parallel_loop3A_315], %parallel_loop3A_313 : memref<16384xf32, #tpu.memory_space<vmem>>[vector<16xi32>], vector<16xf32>,
        %parallel_loop3A_316 = arith.constant 16 : i32
        %parallel_loop3A_317 = arith.muli %parallel_loop3A_233, %parallel_loop3A_316 : i32
        %parallel_loop3A_318 = arith.constant 10 : i32
        %parallel_loop3A_319 = arith.index_cast %parallel_loop3A_318 : i32 to index
        %parallel_loop3A_320 = arith.index_cast %parallel_loop3A_317 : i32 to index
        %parallel_loop3A_321 = tpu.vector_load %arg4[%parallel_loop3A_319, %parallel_loop3A_320] {strides = array<i32>} : memref<16x1024xf32, #tpu.memory_space<vmem>>, vector<16xf32>,
        %parallel_loop3A_322 = vector.broadcast %parallel_loop3A_235 : i32 to vector<16xi32>
        %parallel_loop3A_323 = arith.addi %add3A_66, %parallel_loop3A_322 : vector<16xi32>
        tpu.vector_store_idx %arg6[%parallel_loop3A_323], %parallel_loop3A_321 : memref<16384xf32, #tpu.memory_space<vmem>>[vector<16xi32>], vector<16xf32>,
        %parallel_loop3A_324 = arith.constant 16 : i32
        %parallel_loop3A_325 = arith.muli %parallel_loop3A_233, %parallel_loop3A_324 : i32
        %parallel_loop3A_326 = arith.constant 11 : i32
        %parallel_loop3A_327 = arith.index_cast %parallel_loop3A_326 : i32 to index
        %parallel_loop3A_328 = arith.index_cast %parallel_loop3A_325 : i32 to index
        %parallel_loop3A_329 = tpu.vector_load %arg4[%parallel_loop3A_327, %parallel_loop3A_328] {strides = array<i32>} : memref<16x1024xf32, #tpu.memory_space<vmem>>, vector<16xf32>,
        %parallel_loop3A_330 = vector.broadcast %parallel_loop3A_235 : i32 to vector<16xi32>
        %parallel_loop3A_331 = arith.addi %add3A_72, %parallel_loop3A_330 : vector<16xi32>
        tpu.vector_store_idx %arg6[%parallel_loop3A_331], %parallel_loop3A_329 : memref<16384xf32, #tpu.memory_space<vmem>>[vector<16xi32>], vector<16xf32>,
        %parallel_loop3A_332 = arith.constant 16 : i32
        %parallel_loop3A_333 = arith.muli %parallel_loop3A_233, %parallel_loop3A_332 : i32
        %parallel_loop3A_334 = arith.constant 12 : i32
        %parallel_loop3A_335 = arith.index_cast %parallel_loop3A_334 : i32 to index
        %parallel_loop3A_336 = arith.index_cast %parallel_loop3A_333 : i32 to index
        %parallel_loop3A_337 = tpu.vector_load %arg4[%parallel_loop3A_335, %parallel_loop3A_336] {strides = array<i32>} : memref<16x1024xf32, #tpu.memory_space<vmem>>, vector<16xf32>,
        %parallel_loop3A_338 = vector.broadcast %parallel_loop3A_235 : i32 to vector<16xi32>
        %parallel_loop3A_339 = arith.addi %add3A_78, %parallel_loop3A_338 : vector<16xi32>
        tpu.vector_store_idx %arg6[%parallel_loop3A_339], %parallel_loop3A_337 : memref<16384xf32, #tpu.memory_space<vmem>>[vector<16xi32>], vector<16xf32>,
        %parallel_loop3A_340 = arith.constant 16 : i32
        %parallel_loop3A_341 = arith.muli %parallel_loop3A_233, %parallel_loop3A_340 : i32
        %parallel_loop3A_342 = arith.constant 13 : i32
        %parallel_loop3A_343 = arith.index_cast %parallel_loop3A_342 : i32 to index
        %parallel_loop3A_344 = arith.index_cast %parallel_loop3A_341 : i32 to index
        %parallel_loop3A_345 = tpu.vector_load %arg4[%parallel_loop3A_343, %parallel_loop3A_344] {strides = array<i32>} : memref<16x1024xf32, #tpu.memory_space<vmem>>, vector<16xf32>,
        %parallel_loop3A_346 = vector.broadcast %parallel_loop3A_235 : i32 to vector<16xi32>
        %parallel_loop3A_347 = arith.addi %add3A_84, %parallel_loop3A_346 : vector<16xi32>
        tpu.vector_store_idx %arg6[%parallel_loop3A_347], %parallel_loop3A_345 : memref<16384xf32, #tpu.memory_space<vmem>>[vector<16xi32>], vector<16xf32>,
        %parallel_loop3A_348 = arith.constant 16 : i32
        %parallel_loop3A_349 = arith.muli %parallel_loop3A_233, %parallel_loop3A_348 : i32
        %parallel_loop3A_350 = arith.constant 14 : i32
        %parallel_loop3A_351 = arith.index_cast %parallel_loop3A_350 : i32 to index
        %parallel_loop3A_352 = arith.index_cast %parallel_loop3A_349 : i32 to index
        %parallel_loop3A_353 = tpu.vector_load %arg4[%parallel_loop3A_351, %parallel_loop3A_352] {strides = array<i32>} : memref<16x1024xf32, #tpu.memory_space<vmem>>, vector<16xf32>,
        %parallel_loop3A_354 = vector.broadcast %parallel_loop3A_235 : i32 to vector<16xi32>
        %parallel_loop3A_355 = arith.addi %add3A_90, %parallel_loop3A_354 : vector<16xi32>
        tpu.vector_store_idx %arg6[%parallel_loop3A_355], %parallel_loop3A_353 : memref<16384xf32, #tpu.memory_space<vmem>>[vector<16xi32>], vector<16xf32>,
        %parallel_loop3A_356 = arith.constant 16 : i32
        %parallel_loop3A_357 = arith.muli %parallel_loop3A_233, %parallel_loop3A_356 : i32
        %parallel_loop3A_358 = arith.constant 15 : i32
        %parallel_loop3A_359 = arith.index_cast %parallel_loop3A_358 : i32 to index
        %parallel_loop3A_360 = arith.index_cast %parallel_loop3A_357 : i32 to index
        %parallel_loop3A_361 = tpu.vector_load %arg4[%parallel_loop3A_359, %parallel_loop3A_360] {strides = array<i32>} : memref<16x1024xf32, #tpu.memory_space<vmem>>, vector<16xf32>,
        %parallel_loop3A_362 = vector.broadcast %parallel_loop3A_235 : i32 to vector<16xi32>
        %parallel_loop3A_363 = arith.addi %add3A_96, %parallel_loop3A_362 : vector<16xi32>
        tpu.vector_store_idx %arg6[%parallel_loop3A_363], %parallel_loop3A_361 : memref<16384xf32, #tpu.memory_space<vmem>>[vector<16xi32>], vector<16xf32>,
      } {sc.loop_unroll_factor = 4 : i64, sc.parallel_access}
      %gt3A = arith.constant 0 : i32
      %gt3A_190 = arith.cmpi sgt, %while3A_167, %gt3A : i32
      %convert_element_type3A_191 = arith.extui %gt3A_190 : i1 to i32
      %cond3A_192 = arith.constant 0 : i32
      %cond3A_193 = arith.cmpi ne, %convert_element_type3A_191, %cond3A_192 : i32
      scf.if %cond3A_193 {
        %dma_wait3A_233 = arith.constant 0 : i32
        %dma_wait3A_234 = tpu.memref_slice %arg3[%dma_wait3A_233] : memref<41600000xf32, #tpu.memory_space<hbm>> -> memref<16384xf32, #tpu.memory_space<hbm>>
        %dma_wait3A_235 = arith.constant 0 : i32
        %dma_wait3A_236 = tpu.memref_slice %arg3[%dma_wait3A_235] : memref<41600000xf32, #tpu.memory_space<hbm>> -> memref<16384xf32, #tpu.memory_space<hbm>>
        tpu.wait_dma2 semaphore(%arg10 : memref<!tpu.dma_semaphore, #tpu.memory_space<semaphore_mem>>) src(%arg6 : memref<16384xf32, #tpu.memory_space<vmem>>) dst(%dma_wait3A_236 : memref<16384xf32, #tpu.memory_space<hbm>>)
      } else {
      }
      %mul3A_194 = arith.constant 32 : i32
      %mul3A_195 = arith.muli %mul3A_170, %mul3A_194 : i32
      %add3A_196 = arith.addi %mul3A_195, %add3A : i32
      %mul3A_197 = arith.constant 1024 : i32
      %mul3A_198 = arith.muli %add3A_196, %mul3A_197 : i32
      %mul3A_199 = arith.constant 16 : i32
      %mul3A_200 = arith.muli %mul3A_198, %mul3A_199 : i32
      %dma_start3A_201 = tpu.memref_slice %arg3[%mul3A_200] : memref<41600000xf32, #tpu.memory_space<hbm>> -> memref<16384xf32, #tpu.memory_space<hbm>>
      %dma_start3A_202 = tpu.memref_slice %arg3[%mul3A_200] : memref<41600000xf32, #tpu.memory_space<hbm>> -> memref<16384xf32, #tpu.memory_space<hbm>>
      tpu.enqueue_dma source(%arg6 : memref<16384xf32, #tpu.memory_space<vmem>>) target(%dma_start3A_202 : memref<16384xf32, #tpu.memory_space<hbm>>) target_semaphore(%arg10 : memref<!tpu.dma_semaphore, #tpu.memory_space<semaphore_mem>>)
      %dma_wait3A_203 = arith.constant 0 : i32
      %dma_wait3A_204 = arith.constant 0 : i32
      %dma_wait3A_205 = tpu.memref_slice %arg2[%dma_wait3A_203, %dma_wait3A_204] : memref<16x2600000xf32, #tpu.memory_space<hbm>> -> memref<16x1024xf32, #tpu.memory_space<hbm>>
      %dma_wait3A_206 = arith.constant 0 : i32
      %dma_wait3A_207 = arith.constant 0 : i32
      %dma_wait3A_208 = tpu.memref_slice %arg2[%dma_wait3A_206, %dma_wait3A_207] : memref<16x2600000xf32, #tpu.memory_space<hbm>> -> memref<16x1024xf32, #tpu.memory_space<hbm>>
      tpu.wait_dma2 semaphore(%arg9 : memref<!tpu.dma_semaphore, #tpu.memory_space<semaphore_mem>>) src(%dma_wait3A_208 : memref<16x1024xf32, #tpu.memory_space<hbm>>) dst(%arg5 : memref<16x1024xf32, #tpu.memory_space<vmem>>)
      %add3A_209 = arith.constant 1 : i32
      %add3A_210 = arith.addi %add3A_172, %add3A_209 : i32
      %lt3A_211 = arith.cmpi slt, %add3A_210, %add3A_100 : i32
      %convert_element_type3A_212 = arith.extui %lt3A_211 : i1 to i32
      %cond3A_213 = arith.constant 0 : i32
      %cond3A_214 = arith.cmpi ne, %convert_element_type3A_212, %cond3A_213 : i32
      scf.if %cond3A_214 {
        %add3A_233 = arith.constant 1 : i32
        %add3A_234 = arith.addi %add3A_172, %add3A_233 : i32
        %mul3A_235 = arith.constant 32 : i32
        %mul3A_236 = arith.muli %add3A_234, %mul3A_235 : i32
        %add3A_237 = arith.addi %mul3A_236, %add3A : i32
        %mul3A_238 = arith.constant 1024 : i32
        %mul3A_239 = arith.muli %add3A_237, %mul3A_238 : i32
        %dma_start3A_240 = arith.constant 0 : i32
        %dma_start3A_241 = tpu.memref_slice %arg2[%dma_start3A_240, %mul3A_239] : memref<16x2600000xf32, #tpu.memory_space<hbm>> -> memref<16x1024xf32, #tpu.memory_space<hbm>>
        %dma_start3A_242 = arith.constant 0 : i32
        %dma_start3A_243 = tpu.memref_slice %arg2[%dma_start3A_242, %mul3A_239] : memref<16x2600000xf32, #tpu.memory_space<hbm>> -> memref<16x1024xf32, #tpu.memory_space<hbm>>
        tpu.enqueue_dma source(%dma_start3A_243 : memref<16x1024xf32, #tpu.memory_space<hbm>>) target(%arg4 : memref<16x1024xf32, #tpu.memory_space<vmem>>) target_semaphore(%arg8 : memref<!tpu.dma_semaphore, #tpu.memory_space<semaphore_mem>>)
      } else {
      }
      %parallel_loop3A_215 = arith.constant 0 : i32
      %parallel_loop3A_216 = arith.constant 64 : i32
      %parallel_loop3A_217 = arith.constant 1 : i32
      scf.for %parallel_loop3A_233 = %parallel_loop3A_215 to %parallel_loop3A_216 step %parallel_loop3A_217  : i32 {
        %parallel_loop3A_234 = arith.constant 256 : i32
        %parallel_loop3A_235 = arith.muli %parallel_loop3A_233, %parallel_loop3A_234 : i32
        %parallel_loop3A_236 = arith.constant 16 : i32
        %parallel_loop3A_237 = arith.muli %parallel_loop3A_233, %parallel_loop3A_236 : i32
        %parallel_loop3A_238 = arith.constant 0 : i32
        %parallel_loop3A_239 = arith.index_cast %parallel_loop3A_238 : i32 to index
        %parallel_loop3A_240 = arith.index_cast %parallel_loop3A_237 : i32 to index
        %parallel_loop3A_241 = tpu.vector_load %arg5[%parallel_loop3A_239, %parallel_loop3A_240] {strides = array<i32>} : memref<16x1024xf32, #tpu.memory_space<vmem>>, vector<16xf32>,
        %parallel_loop3A_242 = vector.broadcast %parallel_loop3A_235 : i32 to vector<16xi32>
        %parallel_loop3A_243 = arith.addi %add3A_6, %parallel_loop3A_242 : vector<16xi32>
        tpu.vector_store_idx %arg7[%parallel_loop3A_243], %parallel_loop3A_241 : memref<16384xf32, #tpu.memory_space<vmem>>[vector<16xi32>], vector<16xf32>,
        %parallel_loop3A_244 = arith.constant 16 : i32
        %parallel_loop3A_245 = arith.muli %parallel_loop3A_233, %parallel_loop3A_244 : i32
        %parallel_loop3A_246 = arith.constant 1 : i32
        %parallel_loop3A_247 = arith.index_cast %parallel_loop3A_246 : i32 to index
        %parallel_loop3A_248 = arith.index_cast %parallel_loop3A_245 : i32 to index
        %parallel_loop3A_249 = tpu.vector_load %arg5[%parallel_loop3A_247, %parallel_loop3A_248] {strides = array<i32>} : memref<16x1024xf32, #tpu.memory_space<vmem>>, vector<16xf32>,
        %parallel_loop3A_250 = vector.broadcast %parallel_loop3A_235 : i32 to vector<16xi32>
        %parallel_loop3A_251 = arith.addi %add3A_12, %parallel_loop3A_250 : vector<16xi32>
        tpu.vector_store_idx %arg7[%parallel_loop3A_251], %parallel_loop3A_249 : memref<16384xf32, #tpu.memory_space<vmem>>[vector<16xi32>], vector<16xf32>,
        %parallel_loop3A_252 = arith.constant 16 : i32
        %parallel_loop3A_253 = arith.muli %parallel_loop3A_233, %parallel_loop3A_252 : i32
        %parallel_loop3A_254 = arith.constant 2 : i32
        %parallel_loop3A_255 = arith.index_cast %parallel_loop3A_254 : i32 to index
        %parallel_loop3A_256 = arith.index_cast %parallel_loop3A_253 : i32 to index
        %parallel_loop3A_257 = tpu.vector_load %arg5[%parallel_loop3A_255, %parallel_loop3A_256] {strides = array<i32>} : memref<16x1024xf32, #tpu.memory_space<vmem>>, vector<16xf32>,
        %parallel_loop3A_258 = vector.broadcast %parallel_loop3A_235 : i32 to vector<16xi32>
        %parallel_loop3A_259 = arith.addi %add3A_18, %parallel_loop3A_258 : vector<16xi32>
        tpu.vector_store_idx %arg7[%parallel_loop3A_259], %parallel_loop3A_257 : memref<16384xf32, #tpu.memory_space<vmem>>[vector<16xi32>], vector<16xf32>,
        %parallel_loop3A_260 = arith.constant 16 : i32
        %parallel_loop3A_261 = arith.muli %parallel_loop3A_233, %parallel_loop3A_260 : i32
        %parallel_loop3A_262 = arith.constant 3 : i32
        %parallel_loop3A_263 = arith.index_cast %parallel_loop3A_262 : i32 to index
        %parallel_loop3A_264 = arith.index_cast %parallel_loop3A_261 : i32 to index
        %parallel_loop3A_265 = tpu.vector_load %arg5[%parallel_loop3A_263, %parallel_loop3A_264] {strides = array<i32>} : memref<16x1024xf32, #tpu.memory_space<vmem>>, vector<16xf32>,
        %parallel_loop3A_266 = vector.broadcast %parallel_loop3A_235 : i32 to vector<16xi32>
        %parallel_loop3A_267 = arith.addi %add3A_24, %parallel_loop3A_266 : vector<16xi32>
        tpu.vector_store_idx %arg7[%parallel_loop3A_267], %parallel_loop3A_265 : memref<16384xf32, #tpu.memory_space<vmem>>[vector<16xi32>], vector<16xf32>,
        %parallel_loop3A_268 = arith.constant 16 : i32
        %parallel_loop3A_269 = arith.muli %parallel_loop3A_233, %parallel_loop3A_268 : i32
        %parallel_loop3A_270 = arith.constant 4 : i32
        %parallel_loop3A_271 = arith.index_cast %parallel_loop3A_270 : i32 to index
        %parallel_loop3A_272 = arith.index_cast %parallel_loop3A_269 : i32 to index
        %parallel_loop3A_273 = tpu.vector_load %arg5[%parallel_loop3A_271, %parallel_loop3A_272] {strides = array<i32>} : memref<16x1024xf32, #tpu.memory_space<vmem>>, vector<16xf32>,
        %parallel_loop3A_274 = vector.broadcast %parallel_loop3A_235 : i32 to vector<16xi32>
        %parallel_loop3A_275 = arith.addi %add3A_30, %parallel_loop3A_274 : vector<16xi32>
        tpu.vector_store_idx %arg7[%parallel_loop3A_275], %parallel_loop3A_273 : memref<16384xf32, #tpu.memory_space<vmem>>[vector<16xi32>], vector<16xf32>,
        %parallel_loop3A_276 = arith.constant 16 : i32
        %parallel_loop3A_277 = arith.muli %parallel_loop3A_233, %parallel_loop3A_276 : i32
        %parallel_loop3A_278 = arith.constant 5 : i32
        %parallel_loop3A_279 = arith.index_cast %parallel_loop3A_278 : i32 to index
        %parallel_loop3A_280 = arith.index_cast %parallel_loop3A_277 : i32 to index
        %parallel_loop3A_281 = tpu.vector_load %arg5[%parallel_loop3A_279, %parallel_loop3A_280] {strides = array<i32>} : memref<16x1024xf32, #tpu.memory_space<vmem>>, vector<16xf32>,
        %parallel_loop3A_282 = vector.broadcast %parallel_loop3A_235 : i32 to vector<16xi32>
        %parallel_loop3A_283 = arith.addi %add3A_36, %parallel_loop3A_282 : vector<16xi32>
        tpu.vector_store_idx %arg7[%parallel_loop3A_283], %parallel_loop3A_281 : memref<16384xf32, #tpu.memory_space<vmem>>[vector<16xi32>], vector<16xf32>,
        %parallel_loop3A_284 = arith.constant 16 : i32
        %parallel_loop3A_285 = arith.muli %parallel_loop3A_233, %parallel_loop3A_284 : i32
        %parallel_loop3A_286 = arith.constant 6 : i32
        %parallel_loop3A_287 = arith.index_cast %parallel_loop3A_286 : i32 to index
        %parallel_loop3A_288 = arith.index_cast %parallel_loop3A_285 : i32 to index
        %parallel_loop3A_289 = tpu.vector_load %arg5[%parallel_loop3A_287, %parallel_loop3A_288] {strides = array<i32>} : memref<16x1024xf32, #tpu.memory_space<vmem>>, vector<16xf32>,
        %parallel_loop3A_290 = vector.broadcast %parallel_loop3A_235 : i32 to vector<16xi32>
        %parallel_loop3A_291 = arith.addi %add3A_42, %parallel_loop3A_290 : vector<16xi32>
        tpu.vector_store_idx %arg7[%parallel_loop3A_291], %parallel_loop3A_289 : memref<16384xf32, #tpu.memory_space<vmem>>[vector<16xi32>], vector<16xf32>,
        %parallel_loop3A_292 = arith.constant 16 : i32
        %parallel_loop3A_293 = arith.muli %parallel_loop3A_233, %parallel_loop3A_292 : i32
        %parallel_loop3A_294 = arith.constant 7 : i32
        %parallel_loop3A_295 = arith.index_cast %parallel_loop3A_294 : i32 to index
        %parallel_loop3A_296 = arith.index_cast %parallel_loop3A_293 : i32 to index
        %parallel_loop3A_297 = tpu.vector_load %arg5[%parallel_loop3A_295, %parallel_loop3A_296] {strides = array<i32>} : memref<16x1024xf32, #tpu.memory_space<vmem>>, vector<16xf32>,
        %parallel_loop3A_298 = vector.broadcast %parallel_loop3A_235 : i32 to vector<16xi32>
        %parallel_loop3A_299 = arith.addi %add3A_48, %parallel_loop3A_298 : vector<16xi32>
        tpu.vector_store_idx %arg7[%parallel_loop3A_299], %parallel_loop3A_297 : memref<16384xf32, #tpu.memory_space<vmem>>[vector<16xi32>], vector<16xf32>,
        %parallel_loop3A_300 = arith.constant 16 : i32
        %parallel_loop3A_301 = arith.muli %parallel_loop3A_233, %parallel_loop3A_300 : i32
        %parallel_loop3A_302 = arith.constant 8 : i32
        %parallel_loop3A_303 = arith.index_cast %parallel_loop3A_302 : i32 to index
        %parallel_loop3A_304 = arith.index_cast %parallel_loop3A_301 : i32 to index
        %parallel_loop3A_305 = tpu.vector_load %arg5[%parallel_loop3A_303, %parallel_loop3A_304] {strides = array<i32>} : memref<16x1024xf32, #tpu.memory_space<vmem>>, vector<16xf32>,
        %parallel_loop3A_306 = vector.broadcast %parallel_loop3A_235 : i32 to vector<16xi32>
        %parallel_loop3A_307 = arith.addi %add3A_54, %parallel_loop3A_306 : vector<16xi32>
        tpu.vector_store_idx %arg7[%parallel_loop3A_307], %parallel_loop3A_305 : memref<16384xf32, #tpu.memory_space<vmem>>[vector<16xi32>], vector<16xf32>,
        %parallel_loop3A_308 = arith.constant 16 : i32
        %parallel_loop3A_309 = arith.muli %parallel_loop3A_233, %parallel_loop3A_308 : i32
        %parallel_loop3A_310 = arith.constant 9 : i32
        %parallel_loop3A_311 = arith.index_cast %parallel_loop3A_310 : i32 to index
        %parallel_loop3A_312 = arith.index_cast %parallel_loop3A_309 : i32 to index
        %parallel_loop3A_313 = tpu.vector_load %arg5[%parallel_loop3A_311, %parallel_loop3A_312] {strides = array<i32>} : memref<16x1024xf32, #tpu.memory_space<vmem>>, vector<16xf32>,
        %parallel_loop3A_314 = vector.broadcast %parallel_loop3A_235 : i32 to vector<16xi32>
        %parallel_loop3A_315 = arith.addi %add3A_60, %parallel_loop3A_314 : vector<16xi32>
        tpu.vector_store_idx %arg7[%parallel_loop3A_315], %parallel_loop3A_313 : memref<16384xf32, #tpu.memory_space<vmem>>[vector<16xi32>], vector<16xf32>,
        %parallel_loop3A_316 = arith.constant 16 : i32
        %parallel_loop3A_317 = arith.muli %parallel_loop3A_233, %parallel_loop3A_316 : i32
        %parallel_loop3A_318 = arith.constant 10 : i32
        %parallel_loop3A_319 = arith.index_cast %parallel_loop3A_318 : i32 to index
        %parallel_loop3A_320 = arith.index_cast %parallel_loop3A_317 : i32 to index
        %parallel_loop3A_321 = tpu.vector_load %arg5[%parallel_loop3A_319, %parallel_loop3A_320] {strides = array<i32>} : memref<16x1024xf32, #tpu.memory_space<vmem>>, vector<16xf32>,
        %parallel_loop3A_322 = vector.broadcast %parallel_loop3A_235 : i32 to vector<16xi32>
        %parallel_loop3A_323 = arith.addi %add3A_66, %parallel_loop3A_322 : vector<16xi32>
        tpu.vector_store_idx %arg7[%parallel_loop3A_323], %parallel_loop3A_321 : memref<16384xf32, #tpu.memory_space<vmem>>[vector<16xi32>], vector<16xf32>,
        %parallel_loop3A_324 = arith.constant 16 : i32
        %parallel_loop3A_325 = arith.muli %parallel_loop3A_233, %parallel_loop3A_324 : i32
        %parallel_loop3A_326 = arith.constant 11 : i32
        %parallel_loop3A_327 = arith.index_cast %parallel_loop3A_326 : i32 to index
        %parallel_loop3A_328 = arith.index_cast %parallel_loop3A_325 : i32 to index
        %parallel_loop3A_329 = tpu.vector_load %arg5[%parallel_loop3A_327, %parallel_loop3A_328] {strides = array<i32>} : memref<16x1024xf32, #tpu.memory_space<vmem>>, vector<16xf32>,
        %parallel_loop3A_330 = vector.broadcast %parallel_loop3A_235 : i32 to vector<16xi32>
        %parallel_loop3A_331 = arith.addi %add3A_72, %parallel_loop3A_330 : vector<16xi32>
        tpu.vector_store_idx %arg7[%parallel_loop3A_331], %parallel_loop3A_329 : memref<16384xf32, #tpu.memory_space<vmem>>[vector<16xi32>], vector<16xf32>,
        %parallel_loop3A_332 = arith.constant 16 : i32
        %parallel_loop3A_333 = arith.muli %parallel_loop3A_233, %parallel_loop3A_332 : i32
        %parallel_loop3A_334 = arith.constant 12 : i32
        %parallel_loop3A_335 = arith.index_cast %parallel_loop3A_334 : i32 to index
        %parallel_loop3A_336 = arith.index_cast %parallel_loop3A_333 : i32 to index
        %parallel_loop3A_337 = tpu.vector_load %arg5[%parallel_loop3A_335, %parallel_loop3A_336] {strides = array<i32>} : memref<16x1024xf32, #tpu.memory_space<vmem>>, vector<16xf32>,
        %parallel_loop3A_338 = vector.broadcast %parallel_loop3A_235 : i32 to vector<16xi32>
        %parallel_loop3A_339 = arith.addi %add3A_78, %parallel_loop3A_338 : vector<16xi32>
        tpu.vector_store_idx %arg7[%parallel_loop3A_339], %parallel_loop3A_337 : memref<16384xf32, #tpu.memory_space<vmem>>[vector<16xi32>], vector<16xf32>,
        %parallel_loop3A_340 = arith.constant 16 : i32
        %parallel_loop3A_341 = arith.muli %parallel_loop3A_233, %parallel_loop3A_340 : i32
        %parallel_loop3A_342 = arith.constant 13 : i32
        %parallel_loop3A_343 = arith.index_cast %parallel_loop3A_342 : i32 to index
        %parallel_loop3A_344 = arith.index_cast %parallel_loop3A_341 : i32 to index
        %parallel_loop3A_345 = tpu.vector_load %arg5[%parallel_loop3A_343, %parallel_loop3A_344] {strides = array<i32>} : memref<16x1024xf32, #tpu.memory_space<vmem>>, vector<16xf32>,
        %parallel_loop3A_346 = vector.broadcast %parallel_loop3A_235 : i32 to vector<16xi32>
        %parallel_loop3A_347 = arith.addi %add3A_84, %parallel_loop3A_346 : vector<16xi32>
        tpu.vector_store_idx %arg7[%parallel_loop3A_347], %parallel_loop3A_345 : memref<16384xf32, #tpu.memory_space<vmem>>[vector<16xi32>], vector<16xf32>,
        %parallel_loop3A_348 = arith.constant 16 : i32
        %parallel_loop3A_349 = arith.muli %parallel_loop3A_233, %parallel_loop3A_348 : i32
        %parallel_loop3A_350 = arith.constant 14 : i32
        %parallel_loop3A_351 = arith.index_cast %parallel_loop3A_350 : i32 to index
        %parallel_loop3A_352 = arith.index_cast %parallel_loop3A_349 : i32 to index
        %parallel_loop3A_353 = tpu.vector_load %arg5[%parallel_loop3A_351, %parallel_loop3A_352] {strides = array<i32>} : memref<16x1024xf32, #tpu.memory_space<vmem>>, vector<16xf32>,
        %parallel_loop3A_354 = vector.broadcast %parallel_loop3A_235 : i32 to vector<16xi32>
        %parallel_loop3A_355 = arith.addi %add3A_90, %parallel_loop3A_354 : vector<16xi32>
        tpu.vector_store_idx %arg7[%parallel_loop3A_355], %parallel_loop3A_353 : memref<16384xf32, #tpu.memory_space<vmem>>[vector<16xi32>], vector<16xf32>,
        %parallel_loop3A_356 = arith.constant 16 : i32
        %parallel_loop3A_357 = arith.muli %parallel_loop3A_233, %parallel_loop3A_356 : i32
        %parallel_loop3A_358 = arith.constant 15 : i32
        %parallel_loop3A_359 = arith.index_cast %parallel_loop3A_358 : i32 to index
        %parallel_loop3A_360 = arith.index_cast %parallel_loop3A_357 : i32 to index
        %parallel_loop3A_361 = tpu.vector_load %arg5[%parallel_loop3A_359, %parallel_loop3A_360] {strides = array<i32>} : memref<16x1024xf32, #tpu.memory_space<vmem>>, vector<16xf32>,
        %parallel_loop3A_362 = vector.broadcast %parallel_loop3A_235 : i32 to vector<16xi32>
        %parallel_loop3A_363 = arith.addi %add3A_96, %parallel_loop3A_362 : vector<16xi32>
        tpu.vector_store_idx %arg7[%parallel_loop3A_363], %parallel_loop3A_361 : memref<16384xf32, #tpu.memory_space<vmem>>[vector<16xi32>], vector<16xf32>,
      } {sc.loop_unroll_factor = 4 : i64, sc.parallel_access}
      %gt3A_218 = arith.constant 0 : i32
      %gt3A_219 = arith.cmpi sgt, %while3A_167, %gt3A_218 : i32
      %convert_element_type3A_220 = arith.extui %gt3A_219 : i1 to i32
      %cond3A_221 = arith.constant 0 : i32
      %cond3A_222 = arith.cmpi ne, %convert_element_type3A_220, %cond3A_221 : i32
      scf.if %cond3A_222 {
        %dma_wait3A_233 = arith.constant 0 : i32
        %dma_wait3A_234 = tpu.memref_slice %arg3[%dma_wait3A_233] : memref<41600000xf32, #tpu.memory_space<hbm>> -> memref<16384xf32, #tpu.memory_space<hbm>>
        %dma_wait3A_235 = arith.constant 0 : i32
        %dma_wait3A_236 = tpu.memref_slice %arg3[%dma_wait3A_235] : memref<41600000xf32, #tpu.memory_space<hbm>> -> memref<16384xf32, #tpu.memory_space<hbm>>
        tpu.wait_dma2 semaphore(%arg11 : memref<!tpu.dma_semaphore, #tpu.memory_space<semaphore_mem>>) src(%arg7 : memref<16384xf32, #tpu.memory_space<vmem>>) dst(%dma_wait3A_236 : memref<16384xf32, #tpu.memory_space<hbm>>)
      } else {
      }
      %mul3A_223 = arith.constant 32 : i32
      %mul3A_224 = arith.muli %add3A_172, %mul3A_223 : i32
      %add3A_225 = arith.addi %mul3A_224, %add3A : i32
      %mul3A_226 = arith.constant 1024 : i32
      %mul3A_227 = arith.muli %add3A_225, %mul3A_226 : i32
      %mul3A_228 = arith.constant 16 : i32
      %mul3A_229 = arith.muli %mul3A_227, %mul3A_228 : i32
      %dma_start3A_230 = tpu.memref_slice %arg3[%mul3A_229] : memref<41600000xf32, #tpu.memory_space<hbm>> -> memref<16384xf32, #tpu.memory_space<hbm>>
      %dma_start3A_231 = tpu.memref_slice %arg3[%mul3A_229] : memref<41600000xf32, #tpu.memory_space<hbm>> -> memref<16384xf32, #tpu.memory_space<hbm>>
      tpu.enqueue_dma source(%arg7 : memref<16384xf32, #tpu.memory_space<vmem>>) target(%dma_start3A_231 : memref<16384xf32, #tpu.memory_space<hbm>>) target_semaphore(%arg11 : memref<!tpu.dma_semaphore, #tpu.memory_space<semaphore_mem>>)
      %while3A_232 = arith.constant 0 : i32
      scf.yield %while3A_232 : i32
    }
    %jit3A_137 = arith.constant 2 : i32
    %eq3A = arith.constant 0 : i32
    %eq3A_138 = arith.cmpi eq, %jit3A_137, %eq3A : i32
    %jit3A_139 = arith.constant 1 : i32
    %select_n3A_140 = arith.select %eq3A_138, %jit3A_139, %jit3A_137 : i32
    %rem3A_141 = arith.remsi %add3A_100, %select_n3A_140 : i32
    %ne3A_142 = arith.constant 0 : i32
    %ne3A_143 = arith.cmpi ne, %rem3A_141, %ne3A_142 : i32
    %lt3A_144 = arith.constant 0 : i32
    %lt3A_145 = arith.cmpi slt, %rem3A_141, %lt3A_144 : i32
    %lt3A_146 = arith.constant 0 : i32
    %lt3A_147 = arith.cmpi slt, %select_n3A_140, %lt3A_146 : i32
    %ne3A_148 = arith.xori %lt3A_145, %lt3A_147 : i1
    %and3A_149 = arith.andi %ne3A_148, %ne3A_143 : i1
    %add3A_150 = arith.addi %rem3A_141, %select_n3A_140 : i32
    %select_n3A_151 = arith.select %and3A_149, %add3A_150, %rem3A_141 : i32
    %eq3A_152 = arith.constant 1 : i32
    %eq3A_153 = arith.cmpi eq, %select_n3A_151, %eq3A_152 : i32
    %convert_element_type3A = arith.extui %eq3A_153 : i1 to i32
    %cond3A = arith.constant 0 : i32
    %cond3A_154 = arith.cmpi ne, %convert_element_type3A, %cond3A : i32
    scf.if %cond3A_154 {
      %dma_wait3A_167 = arith.constant 0 : i32
      %dma_wait3A_168 = arith.constant 0 : i32
      %dma_wait3A_169 = tpu.memref_slice %arg2[%dma_wait3A_167, %dma_wait3A_168] : memref<16x2600000xf32, #tpu.memory_space<hbm>> -> memref<16x1024xf32, #tpu.memory_space<hbm>>
      %dma_wait3A_170 = arith.constant 0 : i32
      %dma_wait3A_171 = arith.constant 0 : i32
      %dma_wait3A_172 = tpu.memref_slice %arg2[%dma_wait3A_170, %dma_wait3A_171] : memref<16x2600000xf32, #tpu.memory_space<hbm>> -> memref<16x1024xf32, #tpu.memory_space<hbm>>
      tpu.wait_dma2 semaphore(%arg8 : memref<!tpu.dma_semaphore, #tpu.memory_space<semaphore_mem>>) src(%dma_wait3A_172 : memref<16x1024xf32, #tpu.memory_space<hbm>>) dst(%arg4 : memref<16x1024xf32, #tpu.memory_space<vmem>>)
      %parallel_loop3A = arith.constant 0 : i32
      %parallel_loop3A_173 = arith.constant 64 : i32
      %parallel_loop3A_174 = arith.constant 1 : i32
      scf.for %parallel_loop3A_190 = %parallel_loop3A to %parallel_loop3A_173 step %parallel_loop3A_174  : i32 {
        %parallel_loop3A_191 = arith.constant 256 : i32
        %parallel_loop3A_192 = arith.muli %parallel_loop3A_190, %parallel_loop3A_191 : i32
        %parallel_loop3A_193 = arith.constant 16 : i32
        %parallel_loop3A_194 = arith.muli %parallel_loop3A_190, %parallel_loop3A_193 : i32
        %parallel_loop3A_195 = arith.constant 0 : i32
        %parallel_loop3A_196 = arith.index_cast %parallel_loop3A_195 : i32 to index
        %parallel_loop3A_197 = arith.index_cast %parallel_loop3A_194 : i32 to index
        %parallel_loop3A_198 = tpu.vector_load %arg4[%parallel_loop3A_196, %parallel_loop3A_197] {strides = array<i32>} : memref<16x1024xf32, #tpu.memory_space<vmem>>, vector<16xf32>,
        %parallel_loop3A_199 = vector.broadcast %parallel_loop3A_192 : i32 to vector<16xi32>
        %parallel_loop3A_200 = arith.addi %add3A_6, %parallel_loop3A_199 : vector<16xi32>
        tpu.vector_store_idx %arg6[%parallel_loop3A_200], %parallel_loop3A_198 : memref<16384xf32, #tpu.memory_space<vmem>>[vector<16xi32>], vector<16xf32>,
        %parallel_loop3A_201 = arith.constant 16 : i32
        %parallel_loop3A_202 = arith.muli %parallel_loop3A_190, %parallel_loop3A_201 : i32
        %parallel_loop3A_203 = arith.constant 1 : i32
        %parallel_loop3A_204 = arith.index_cast %parallel_loop3A_203 : i32 to index
        %parallel_loop3A_205 = arith.index_cast %parallel_loop3A_202 : i32 to index
        %parallel_loop3A_206 = tpu.vector_load %arg4[%parallel_loop3A_204, %parallel_loop3A_205] {strides = array<i32>} : memref<16x1024xf32, #tpu.memory_space<vmem>>, vector<16xf32>,
        %parallel_loop3A_207 = vector.broadcast %parallel_loop3A_192 : i32 to vector<16xi32>
        %parallel_loop3A_208 = arith.addi %add3A_12, %parallel_loop3A_207 : vector<16xi32>
        tpu.vector_store_idx %arg6[%parallel_loop3A_208], %parallel_loop3A_206 : memref<16384xf32, #tpu.memory_space<vmem>>[vector<16xi32>], vector<16xf32>,
        %parallel_loop3A_209 = arith.constant 16 : i32
        %parallel_loop3A_210 = arith.muli %parallel_loop3A_190, %parallel_loop3A_209 : i32
        %parallel_loop3A_211 = arith.constant 2 : i32
        %parallel_loop3A_212 = arith.index_cast %parallel_loop3A_211 : i32 to index
        %parallel_loop3A_213 = arith.index_cast %parallel_loop3A_210 : i32 to index
        %parallel_loop3A_214 = tpu.vector_load %arg4[%parallel_loop3A_212, %parallel_loop3A_213] {strides = array<i32>} : memref<16x1024xf32, #tpu.memory_space<vmem>>, vector<16xf32>,
        %parallel_loop3A_215 = vector.broadcast %parallel_loop3A_192 : i32 to vector<16xi32>
        %parallel_loop3A_216 = arith.addi %add3A_18, %parallel_loop3A_215 : vector<16xi32>
        tpu.vector_store_idx %arg6[%parallel_loop3A_216], %parallel_loop3A_214 : memref<16384xf32, #tpu.memory_space<vmem>>[vector<16xi32>], vector<16xf32>,
        %parallel_loop3A_217 = arith.constant 16 : i32
        %parallel_loop3A_218 = arith.muli %parallel_loop3A_190, %parallel_loop3A_217 : i32
        %parallel_loop3A_219 = arith.constant 3 : i32
        %parallel_loop3A_220 = arith.index_cast %parallel_loop3A_219 : i32 to index
        %parallel_loop3A_221 = arith.index_cast %parallel_loop3A_218 : i32 to index
        %parallel_loop3A_222 = tpu.vector_load %arg4[%parallel_loop3A_220, %parallel_loop3A_221] {strides = array<i32>} : memref<16x1024xf32, #tpu.memory_space<vmem>>, vector<16xf32>,
        %parallel_loop3A_223 = vector.broadcast %parallel_loop3A_192 : i32 to vector<16xi32>
        %parallel_loop3A_224 = arith.addi %add3A_24, %parallel_loop3A_223 : vector<16xi32>
        tpu.vector_store_idx %arg6[%parallel_loop3A_224], %parallel_loop3A_222 : memref<16384xf32, #tpu.memory_space<vmem>>[vector<16xi32>], vector<16xf32>,
        %parallel_loop3A_225 = arith.constant 16 : i32
        %parallel_loop3A_226 = arith.muli %parallel_loop3A_190, %parallel_loop3A_225 : i32
        %parallel_loop3A_227 = arith.constant 4 : i32
        %parallel_loop3A_228 = arith.index_cast %parallel_loop3A_227 : i32 to index
        %parallel_loop3A_229 = arith.index_cast %parallel_loop3A_226 : i32 to index
        %parallel_loop3A_230 = tpu.vector_load %arg4[%parallel_loop3A_228, %parallel_loop3A_229] {strides = array<i32>} : memref<16x1024xf32, #tpu.memory_space<vmem>>, vector<16xf32>,
        %parallel_loop3A_231 = vector.broadcast %parallel_loop3A_192 : i32 to vector<16xi32>
        %parallel_loop3A_232 = arith.addi %add3A_30, %parallel_loop3A_231 : vector<16xi32>
        tpu.vector_store_idx %arg6[%parallel_loop3A_232], %parallel_loop3A_230 : memref<16384xf32, #tpu.memory_space<vmem>>[vector<16xi32>], vector<16xf32>,
        %parallel_loop3A_233 = arith.constant 16 : i32
        %parallel_loop3A_234 = arith.muli %parallel_loop3A_190, %parallel_loop3A_233 : i32
        %parallel_loop3A_235 = arith.constant 5 : i32
        %parallel_loop3A_236 = arith.index_cast %parallel_loop3A_235 : i32 to index
        %parallel_loop3A_237 = arith.index_cast %parallel_loop3A_234 : i32 to index
        %parallel_loop3A_238 = tpu.vector_load %arg4[%parallel_loop3A_236, %parallel_loop3A_237] {strides = array<i32>} : memref<16x1024xf32, #tpu.memory_space<vmem>>, vector<16xf32>,
        %parallel_loop3A_239 = vector.broadcast %parallel_loop3A_192 : i32 to vector<16xi32>
        %parallel_loop3A_240 = arith.addi %add3A_36, %parallel_loop3A_239 : vector<16xi32>
        tpu.vector_store_idx %arg6[%parallel_loop3A_240], %parallel_loop3A_238 : memref<16384xf32, #tpu.memory_space<vmem>>[vector<16xi32>], vector<16xf32>,
        %parallel_loop3A_241 = arith.constant 16 : i32
        %parallel_loop3A_242 = arith.muli %parallel_loop3A_190, %parallel_loop3A_241 : i32
        %parallel_loop3A_243 = arith.constant 6 : i32
        %parallel_loop3A_244 = arith.index_cast %parallel_loop3A_243 : i32 to index
        %parallel_loop3A_245 = arith.index_cast %parallel_loop3A_242 : i32 to index
        %parallel_loop3A_246 = tpu.vector_load %arg4[%parallel_loop3A_244, %parallel_loop3A_245] {strides = array<i32>} : memref<16x1024xf32, #tpu.memory_space<vmem>>, vector<16xf32>,
        %parallel_loop3A_247 = vector.broadcast %parallel_loop3A_192 : i32 to vector<16xi32>
        %parallel_loop3A_248 = arith.addi %add3A_42, %parallel_loop3A_247 : vector<16xi32>
        tpu.vector_store_idx %arg6[%parallel_loop3A_248], %parallel_loop3A_246 : memref<16384xf32, #tpu.memory_space<vmem>>[vector<16xi32>], vector<16xf32>,
        %parallel_loop3A_249 = arith.constant 16 : i32
        %parallel_loop3A_250 = arith.muli %parallel_loop3A_190, %parallel_loop3A_249 : i32
        %parallel_loop3A_251 = arith.constant 7 : i32
        %parallel_loop3A_252 = arith.index_cast %parallel_loop3A_251 : i32 to index
        %parallel_loop3A_253 = arith.index_cast %parallel_loop3A_250 : i32 to index
        %parallel_loop3A_254 = tpu.vector_load %arg4[%parallel_loop3A_252, %parallel_loop3A_253] {strides = array<i32>} : memref<16x1024xf32, #tpu.memory_space<vmem>>, vector<16xf32>,
        %parallel_loop3A_255 = vector.broadcast %parallel_loop3A_192 : i32 to vector<16xi32>
        %parallel_loop3A_256 = arith.addi %add3A_48, %parallel_loop3A_255 : vector<16xi32>
        tpu.vector_store_idx %arg6[%parallel_loop3A_256], %parallel_loop3A_254 : memref<16384xf32, #tpu.memory_space<vmem>>[vector<16xi32>], vector<16xf32>,
        %parallel_loop3A_257 = arith.constant 16 : i32
        %parallel_loop3A_258 = arith.muli %parallel_loop3A_190, %parallel_loop3A_257 : i32
        %parallel_loop3A_259 = arith.constant 8 : i32
        %parallel_loop3A_260 = arith.index_cast %parallel_loop3A_259 : i32 to index
        %parallel_loop3A_261 = arith.index_cast %parallel_loop3A_258 : i32 to index
        %parallel_loop3A_262 = tpu.vector_load %arg4[%parallel_loop3A_260, %parallel_loop3A_261] {strides = array<i32>} : memref<16x1024xf32, #tpu.memory_space<vmem>>, vector<16xf32>,
        %parallel_loop3A_263 = vector.broadcast %parallel_loop3A_192 : i32 to vector<16xi32>
        %parallel_loop3A_264 = arith.addi %add3A_54, %parallel_loop3A_263 : vector<16xi32>
        tpu.vector_store_idx %arg6[%parallel_loop3A_264], %parallel_loop3A_262 : memref<16384xf32, #tpu.memory_space<vmem>>[vector<16xi32>], vector<16xf32>,
        %parallel_loop3A_265 = arith.constant 16 : i32
        %parallel_loop3A_266 = arith.muli %parallel_loop3A_190, %parallel_loop3A_265 : i32
        %parallel_loop3A_267 = arith.constant 9 : i32
        %parallel_loop3A_268 = arith.index_cast %parallel_loop3A_267 : i32 to index
        %parallel_loop3A_269 = arith.index_cast %parallel_loop3A_266 : i32 to index
        %parallel_loop3A_270 = tpu.vector_load %arg4[%parallel_loop3A_268, %parallel_loop3A_269] {strides = array<i32>} : memref<16x1024xf32, #tpu.memory_space<vmem>>, vector<16xf32>,
        %parallel_loop3A_271 = vector.broadcast %parallel_loop3A_192 : i32 to vector<16xi32>
        %parallel_loop3A_272 = arith.addi %add3A_60, %parallel_loop3A_271 : vector<16xi32>
        tpu.vector_store_idx %arg6[%parallel_loop3A_272], %parallel_loop3A_270 : memref<16384xf32, #tpu.memory_space<vmem>>[vector<16xi32>], vector<16xf32>,
        %parallel_loop3A_273 = arith.constant 16 : i32
        %parallel_loop3A_274 = arith.muli %parallel_loop3A_190, %parallel_loop3A_273 : i32
        %parallel_loop3A_275 = arith.constant 10 : i32
        %parallel_loop3A_276 = arith.index_cast %parallel_loop3A_275 : i32 to index
        %parallel_loop3A_277 = arith.index_cast %parallel_loop3A_274 : i32 to index
        %parallel_loop3A_278 = tpu.vector_load %arg4[%parallel_loop3A_276, %parallel_loop3A_277] {strides = array<i32>} : memref<16x1024xf32, #tpu.memory_space<vmem>>, vector<16xf32>,
        %parallel_loop3A_279 = vector.broadcast %parallel_loop3A_192 : i32 to vector<16xi32>
        %parallel_loop3A_280 = arith.addi %add3A_66, %parallel_loop3A_279 : vector<16xi32>
        tpu.vector_store_idx %arg6[%parallel_loop3A_280], %parallel_loop3A_278 : memref<16384xf32, #tpu.memory_space<vmem>>[vector<16xi32>], vector<16xf32>,
        %parallel_loop3A_281 = arith.constant 16 : i32
        %parallel_loop3A_282 = arith.muli %parallel_loop3A_190, %parallel_loop3A_281 : i32
        %parallel_loop3A_283 = arith.constant 11 : i32
        %parallel_loop3A_284 = arith.index_cast %parallel_loop3A_283 : i32 to index
        %parallel_loop3A_285 = arith.index_cast %parallel_loop3A_282 : i32 to index
        %parallel_loop3A_286 = tpu.vector_load %arg4[%parallel_loop3A_284, %parallel_loop3A_285] {strides = array<i32>} : memref<16x1024xf32, #tpu.memory_space<vmem>>, vector<16xf32>,
        %parallel_loop3A_287 = vector.broadcast %parallel_loop3A_192 : i32 to vector<16xi32>
        %parallel_loop3A_288 = arith.addi %add3A_72, %parallel_loop3A_287 : vector<16xi32>
        tpu.vector_store_idx %arg6[%parallel_loop3A_288], %parallel_loop3A_286 : memref<16384xf32, #tpu.memory_space<vmem>>[vector<16xi32>], vector<16xf32>,
        %parallel_loop3A_289 = arith.constant 16 : i32
        %parallel_loop3A_290 = arith.muli %parallel_loop3A_190, %parallel_loop3A_289 : i32
        %parallel_loop3A_291 = arith.constant 12 : i32
        %parallel_loop3A_292 = arith.index_cast %parallel_loop3A_291 : i32 to index
        %parallel_loop3A_293 = arith.index_cast %parallel_loop3A_290 : i32 to index
        %parallel_loop3A_294 = tpu.vector_load %arg4[%parallel_loop3A_292, %parallel_loop3A_293] {strides = array<i32>} : memref<16x1024xf32, #tpu.memory_space<vmem>>, vector<16xf32>,
        %parallel_loop3A_295 = vector.broadcast %parallel_loop3A_192 : i32 to vector<16xi32>
        %parallel_loop3A_296 = arith.addi %add3A_78, %parallel_loop3A_295 : vector<16xi32>
        tpu.vector_store_idx %arg6[%parallel_loop3A_296], %parallel_loop3A_294 : memref<16384xf32, #tpu.memory_space<vmem>>[vector<16xi32>], vector<16xf32>,
        %parallel_loop3A_297 = arith.constant 16 : i32
        %parallel_loop3A_298 = arith.muli %parallel_loop3A_190, %parallel_loop3A_297 : i32
        %parallel_loop3A_299 = arith.constant 13 : i32
        %parallel_loop3A_300 = arith.index_cast %parallel_loop3A_299 : i32 to index
        %parallel_loop3A_301 = arith.index_cast %parallel_loop3A_298 : i32 to index
        %parallel_loop3A_302 = tpu.vector_load %arg4[%parallel_loop3A_300, %parallel_loop3A_301] {strides = array<i32>} : memref<16x1024xf32, #tpu.memory_space<vmem>>, vector<16xf32>,
        %parallel_loop3A_303 = vector.broadcast %parallel_loop3A_192 : i32 to vector<16xi32>
        %parallel_loop3A_304 = arith.addi %add3A_84, %parallel_loop3A_303 : vector<16xi32>
        tpu.vector_store_idx %arg6[%parallel_loop3A_304], %parallel_loop3A_302 : memref<16384xf32, #tpu.memory_space<vmem>>[vector<16xi32>], vector<16xf32>,
        %parallel_loop3A_305 = arith.constant 16 : i32
        %parallel_loop3A_306 = arith.muli %parallel_loop3A_190, %parallel_loop3A_305 : i32
        %parallel_loop3A_307 = arith.constant 14 : i32
        %parallel_loop3A_308 = arith.index_cast %parallel_loop3A_307 : i32 to index
        %parallel_loop3A_309 = arith.index_cast %parallel_loop3A_306 : i32 to index
        %parallel_loop3A_310 = tpu.vector_load %arg4[%parallel_loop3A_308, %parallel_loop3A_309] {strides = array<i32>} : memref<16x1024xf32, #tpu.memory_space<vmem>>, vector<16xf32>,
        %parallel_loop3A_311 = vector.broadcast %parallel_loop3A_192 : i32 to vector<16xi32>
        %parallel_loop3A_312 = arith.addi %add3A_90, %parallel_loop3A_311 : vector<16xi32>
        tpu.vector_store_idx %arg6[%parallel_loop3A_312], %parallel_loop3A_310 : memref<16384xf32, #tpu.memory_space<vmem>>[vector<16xi32>], vector<16xf32>,
        %parallel_loop3A_313 = arith.constant 16 : i32
        %parallel_loop3A_314 = arith.muli %parallel_loop3A_190, %parallel_loop3A_313 : i32
        %parallel_loop3A_315 = arith.constant 15 : i32
        %parallel_loop3A_316 = arith.index_cast %parallel_loop3A_315 : i32 to index
        %parallel_loop3A_317 = arith.index_cast %parallel_loop3A_314 : i32 to index
        %parallel_loop3A_318 = tpu.vector_load %arg4[%parallel_loop3A_316, %parallel_loop3A_317] {strides = array<i32>} : memref<16x1024xf32, #tpu.memory_space<vmem>>, vector<16xf32>,
        %parallel_loop3A_319 = vector.broadcast %parallel_loop3A_192 : i32 to vector<16xi32>
        %parallel_loop3A_320 = arith.addi %add3A_96, %parallel_loop3A_319 : vector<16xi32>
        tpu.vector_store_idx %arg6[%parallel_loop3A_320], %parallel_loop3A_318 : memref<16384xf32, #tpu.memory_space<vmem>>[vector<16xi32>], vector<16xf32>,
      } {sc.loop_unroll_factor = 4 : i64, sc.parallel_access}
      %dma_wait3A_175 = arith.constant 0 : i32
      %dma_wait3A_176 = tpu.memref_slice %arg3[%dma_wait3A_175] : memref<41600000xf32, #tpu.memory_space<hbm>> -> memref<16384xf32, #tpu.memory_space<hbm>>
      %dma_wait3A_177 = arith.constant 0 : i32
      %dma_wait3A_178 = tpu.memref_slice %arg3[%dma_wait3A_177] : memref<41600000xf32, #tpu.memory_space<hbm>> -> memref<16384xf32, #tpu.memory_space<hbm>>
      tpu.wait_dma2 semaphore(%arg10 : memref<!tpu.dma_semaphore, #tpu.memory_space<semaphore_mem>>) src(%arg6 : memref<16384xf32, #tpu.memory_space<vmem>>) dst(%dma_wait3A_178 : memref<16384xf32, #tpu.memory_space<hbm>>)
      %sub3A_179 = arith.constant 1 : i32
      %sub3A_180 = arith.subi %add3A_100, %sub3A_179 : i32
      %mul3A_181 = arith.constant 32 : i32
      %mul3A_182 = arith.muli %sub3A_180, %mul3A_181 : i32
      %add3A_183 = arith.addi %mul3A_182, %add3A : i32
      %mul3A_184 = arith.constant 1024 : i32
      %mul3A_185 = arith.muli %add3A_183, %mul3A_184 : i32
      %mul3A_186 = arith.constant 16 : i32
      %mul3A_187 = arith.muli %mul3A_185, %mul3A_186 : i32
      %dma_start3A_188 = tpu.memref_slice %arg3[%mul3A_187] : memref<41600000xf32, #tpu.memory_space<hbm>> -> memref<16384xf32, #tpu.memory_space<hbm>>
      %dma_start3A_189 = tpu.memref_slice %arg3[%mul3A_187] : memref<41600000xf32, #tpu.memory_space<hbm>> -> memref<16384xf32, #tpu.memory_space<hbm>>
      tpu.enqueue_dma source(%arg6 : memref<16384xf32, #tpu.memory_space<vmem>>) target(%dma_start3A_189 : memref<16384xf32, #tpu.memory_space<hbm>>) target_semaphore(%arg10 : memref<!tpu.dma_semaphore, #tpu.memory_space<semaphore_mem>>)
    } else {
    }
    %dma_wait3A = arith.constant 0 : i32
    %dma_wait3A_155 = tpu.memref_slice %arg3[%dma_wait3A] : memref<41600000xf32, #tpu.memory_space<hbm>> -> memref<16384xf32, #tpu.memory_space<hbm>>
    %dma_wait3A_156 = arith.constant 0 : i32
    %dma_wait3A_157 = tpu.memref_slice %arg3[%dma_wait3A_156] : memref<41600000xf32, #tpu.memory_space<hbm>> -> memref<16384xf32, #tpu.memory_space<hbm>>
    tpu.wait_dma2 semaphore(%arg10 : memref<!tpu.dma_semaphore, #tpu.memory_space<semaphore_mem>>) src(%arg6 : memref<16384xf32, #tpu.memory_space<vmem>>) dst(%dma_wait3A_157 : memref<16384xf32, #tpu.memory_space<hbm>>)
    %dma_wait3A_158 = arith.constant 0 : i32
    %dma_wait3A_159 = tpu.memref_slice %arg3[%dma_wait3A_158] : memref<41600000xf32, #tpu.memory_space<hbm>> -> memref<16384xf32, #tpu.memory_space<hbm>>
    %dma_wait3A_160 = arith.constant 0 : i32
    %dma_wait3A_161 = tpu.memref_slice %arg3[%dma_wait3A_160] : memref<41600000xf32, #tpu.memory_space<hbm>> -> memref<16384xf32, #tpu.memory_space<hbm>>
    tpu.wait_dma2 semaphore(%arg11 : memref<!tpu.dma_semaphore, #tpu.memory_space<semaphore_mem>>) src(%arg7 : memref<16384xf32, #tpu.memory_space<vmem>>) dst(%dma_wait3A_161 : memref<16384xf32, #tpu.memory_space<hbm>>)
    %eq3A_162 = arith.constant 31 : i32
    %eq3A_163 = arith.cmpi eq, %add3A, %eq3A_162 : i32
    %convert_element_type3A_164 = arith.extui %eq3A_163 : i1 to i32
    %cond3A_165 = arith.constant 0 : i32
    %cond3A_166 = arith.cmpi ne, %convert_element_type3A_164, %cond3A_165 : i32
    scf.if %cond3A_166 {
      %dma_start3A_167 = arith.constant 0 : i32
      %dma_start3A_168 = arith.constant 0 : i32
      %dma_start3A_169 = arith.constant 0 : i32
      %dma_start3A_170 = tpu.memref_slice %arg4[%dma_start3A_168, %dma_start3A_169] : memref<16x1024xf32, #tpu.memory_space<vmem>> -> memref<1x64xf32, #tpu.memory_space<vmem>>
      %dma_start3A_171 = tpu.memref_squeeze %dma_start3A_170 : memref<1x64xf32, #tpu.memory_space<vmem>> -> memref<64xf32, #tpu.memory_space<vmem>>
      %dma_start3A_172 = arith.constant 2599936 : i32
      %dma_start3A_173 = tpu.memref_slice %arg2[%dma_start3A_167, %dma_start3A_172] : memref<16x2600000xf32, #tpu.memory_space<hbm>> -> memref<1x64xf32, #tpu.memory_space<hbm>>
      %dma_start3A_174 = tpu.memref_squeeze %dma_start3A_173 : memref<1x64xf32, #tpu.memory_space<hbm>> -> memref<64xf32, #tpu.memory_space<hbm>>
      %dma_start3A_175 = arith.constant 0 : i32
      %dma_start3A_176 = tpu.memref_slice %arg4[%dma_start3A_168, %dma_start3A_175] : memref<16x1024xf32, #tpu.memory_space<vmem>> -> memref<1x64xf32, #tpu.memory_space<vmem>>
      %dma_start3A_177 = tpu.memref_squeeze %dma_start3A_176 : memref<1x64xf32, #tpu.memory_space<vmem>> -> memref<64xf32, #tpu.memory_space<vmem>>
      %dma_start3A_178 = arith.constant 2599936 : i32
      %dma_start3A_179 = tpu.memref_slice %arg2[%dma_start3A_167, %dma_start3A_178] : memref<16x2600000xf32, #tpu.memory_space<hbm>> -> memref<1x64xf32, #tpu.memory_space<hbm>>
      %dma_start3A_180 = tpu.memref_squeeze %dma_start3A_179 : memref<1x64xf32, #tpu.memory_space<hbm>> -> memref<64xf32, #tpu.memory_space<hbm>>
      tpu.enqueue_dma source(%dma_start3A_180 : memref<64xf32, #tpu.memory_space<hbm>>) target(%dma_start3A_177 : memref<64xf32, #tpu.memory_space<vmem>>) target_semaphore(%arg8 : memref<!tpu.dma_semaphore, #tpu.memory_space<semaphore_mem>>)
      %dma_start3A_181 = arith.constant 1 : i32
      %dma_start3A_182 = arith.constant 1 : i32
      %dma_start3A_183 = arith.constant 0 : i32
      %dma_start3A_184 = tpu.memref_slice %arg4[%dma_start3A_182, %dma_start3A_183] : memref<16x1024xf32, #tpu.memory_space<vmem>> -> memref<1x64xf32, #tpu.memory_space<vmem>>
      %dma_start3A_185 = tpu.memref_squeeze %dma_start3A_184 : memref<1x64xf32, #tpu.memory_space<vmem>> -> memref<64xf32, #tpu.memory_space<vmem>>
      %dma_start3A_186 = arith.constant 2599936 : i32
      %dma_start3A_187 = tpu.memref_slice %arg2[%dma_start3A_181, %dma_start3A_186] : memref<16x2600000xf32, #tpu.memory_space<hbm>> -> memref<1x64xf32, #tpu.memory_space<hbm>>
      %dma_start3A_188 = tpu.memref_squeeze %dma_start3A_187 : memref<1x64xf32, #tpu.memory_space<hbm>> -> memref<64xf32, #tpu.memory_space<hbm>>
      %dma_start3A_189 = arith.constant 0 : i32
      %dma_start3A_190 = tpu.memref_slice %arg4[%dma_start3A_182, %dma_start3A_189] : memref<16x1024xf32, #tpu.memory_space<vmem>> -> memref<1x64xf32, #tpu.memory_space<vmem>>
      %dma_start3A_191 = tpu.memref_squeeze %dma_start3A_190 : memref<1x64xf32, #tpu.memory_space<vmem>> -> memref<64xf32, #tpu.memory_space<vmem>>
      %dma_start3A_192 = arith.constant 2599936 : i32
      %dma_start3A_193 = tpu.memref_slice %arg2[%dma_start3A_181, %dma_start3A_192] : memref<16x2600000xf32, #tpu.memory_space<hbm>> -> memref<1x64xf32, #tpu.memory_space<hbm>>
      %dma_start3A_194 = tpu.memref_squeeze %dma_start3A_193 : memref<1x64xf32, #tpu.memory_space<hbm>> -> memref<64xf32, #tpu.memory_space<hbm>>
      tpu.enqueue_dma source(%dma_start3A_194 : memref<64xf32, #tpu.memory_space<hbm>>) target(%dma_start3A_191 : memref<64xf32, #tpu.memory_space<vmem>>) target_semaphore(%arg8 : memref<!tpu.dma_semaphore, #tpu.memory_space<semaphore_mem>>)
      %dma_start3A_195 = arith.constant 2 : i32
      %dma_start3A_196 = arith.constant 2 : i32
      %dma_start3A_197 = arith.constant 0 : i32
      %dma_start3A_198 = tpu.memref_slice %arg4[%dma_start3A_196, %dma_start3A_197] : memref<16x1024xf32, #tpu.memory_space<vmem>> -> memref<1x64xf32, #tpu.memory_space<vmem>>
      %dma_start3A_199 = tpu.memref_squeeze %dma_start3A_198 : memref<1x64xf32, #tpu.memory_space<vmem>> -> memref<64xf32, #tpu.memory_space<vmem>>
      %dma_start3A_200 = arith.constant 2599936 : i32
      %dma_start3A_201 = tpu.memref_slice %arg2[%dma_start3A_195, %dma_start3A_200] : memref<16x2600000xf32, #tpu.memory_space<hbm>> -> memref<1x64xf32, #tpu.memory_space<hbm>>
      %dma_start3A_202 = tpu.memref_squeeze %dma_start3A_201 : memref<1x64xf32, #tpu.memory_space<hbm>> -> memref<64xf32, #tpu.memory_space<hbm>>
      %dma_start3A_203 = arith.constant 0 : i32
      %dma_start3A_204 = tpu.memref_slice %arg4[%dma_start3A_196, %dma_start3A_203] : memref<16x1024xf32, #tpu.memory_space<vmem>> -> memref<1x64xf32, #tpu.memory_space<vmem>>
      %dma_start3A_205 = tpu.memref_squeeze %dma_start3A_204 : memref<1x64xf32, #tpu.memory_space<vmem>> -> memref<64xf32, #tpu.memory_space<vmem>>
      %dma_start3A_206 = arith.constant 2599936 : i32
      %dma_start3A_207 = tpu.memref_slice %arg2[%dma_start3A_195, %dma_start3A_206] : memref<16x2600000xf32, #tpu.memory_space<hbm>> -> memref<1x64xf32, #tpu.memory_space<hbm>>
      %dma_start3A_208 = tpu.memref_squeeze %dma_start3A_207 : memref<1x64xf32, #tpu.memory_space<hbm>> -> memref<64xf32, #tpu.memory_space<hbm>>
      tpu.enqueue_dma source(%dma_start3A_208 : memref<64xf32, #tpu.memory_space<hbm>>) target(%dma_start3A_205 : memref<64xf32, #tpu.memory_space<vmem>>) target_semaphore(%arg8 : memref<!tpu.dma_semaphore, #tpu.memory_space<semaphore_mem>>)
      %dma_start3A_209 = arith.constant 3 : i32
      %dma_start3A_210 = arith.constant 3 : i32
      %dma_start3A_211 = arith.constant 0 : i32
      %dma_start3A_212 = tpu.memref_slice %arg4[%dma_start3A_210, %dma_start3A_211] : memref<16x1024xf32, #tpu.memory_space<vmem>> -> memref<1x64xf32, #tpu.memory_space<vmem>>
      %dma_start3A_213 = tpu.memref_squeeze %dma_start3A_212 : memref<1x64xf32, #tpu.memory_space<vmem>> -> memref<64xf32, #tpu.memory_space<vmem>>
      %dma_start3A_214 = arith.constant 2599936 : i32
      %dma_start3A_215 = tpu.memref_slice %arg2[%dma_start3A_209, %dma_start3A_214] : memref<16x2600000xf32, #tpu.memory_space<hbm>> -> memref<1x64xf32, #tpu.memory_space<hbm>>
      %dma_start3A_216 = tpu.memref_squeeze %dma_start3A_215 : memref<1x64xf32, #tpu.memory_space<hbm>> -> memref<64xf32, #tpu.memory_space<hbm>>
      %dma_start3A_217 = arith.constant 0 : i32
      %dma_start3A_218 = tpu.memref_slice %arg4[%dma_start3A_210, %dma_start3A_217] : memref<16x1024xf32, #tpu.memory_space<vmem>> -> memref<1x64xf32, #tpu.memory_space<vmem>>
      %dma_start3A_219 = tpu.memref_squeeze %dma_start3A_218 : memref<1x64xf32, #tpu.memory_space<vmem>> -> memref<64xf32, #tpu.memory_space<vmem>>
      %dma_start3A_220 = arith.constant 2599936 : i32
      %dma_start3A_221 = tpu.memref_slice %arg2[%dma_start3A_209, %dma_start3A_220] : memref<16x2600000xf32, #tpu.memory_space<hbm>> -> memref<1x64xf32, #tpu.memory_space<hbm>>
      %dma_start3A_222 = tpu.memref_squeeze %dma_start3A_221 : memref<1x64xf32, #tpu.memory_space<hbm>> -> memref<64xf32, #tpu.memory_space<hbm>>
      tpu.enqueue_dma source(%dma_start3A_222 : memref<64xf32, #tpu.memory_space<hbm>>) target(%dma_start3A_219 : memref<64xf32, #tpu.memory_space<vmem>>) target_semaphore(%arg8 : memref<!tpu.dma_semaphore, #tpu.memory_space<semaphore_mem>>)
      %dma_start3A_223 = arith.constant 4 : i32
      %dma_start3A_224 = arith.constant 4 : i32
      %dma_start3A_225 = arith.constant 0 : i32
      %dma_start3A_226 = tpu.memref_slice %arg4[%dma_start3A_224, %dma_start3A_225] : memref<16x1024xf32, #tpu.memory_space<vmem>> -> memref<1x64xf32, #tpu.memory_space<vmem>>
      %dma_start3A_227 = tpu.memref_squeeze %dma_start3A_226 : memref<1x64xf32, #tpu.memory_space<vmem>> -> memref<64xf32, #tpu.memory_space<vmem>>
      %dma_start3A_228 = arith.constant 2599936 : i32
      %dma_start3A_229 = tpu.memref_slice %arg2[%dma_start3A_223, %dma_start3A_228] : memref<16x2600000xf32, #tpu.memory_space<hbm>> -> memref<1x64xf32, #tpu.memory_space<hbm>>
      %dma_start3A_230 = tpu.memref_squeeze %dma_start3A_229 : memref<1x64xf32, #tpu.memory_space<hbm>> -> memref<64xf32, #tpu.memory_space<hbm>>
      %dma_start3A_231 = arith.constant 0 : i32
      %dma_start3A_232 = tpu.memref_slice %arg4[%dma_start3A_224, %dma_start3A_231] : memref<16x1024xf32, #tpu.memory_space<vmem>> -> memref<1x64xf32, #tpu.memory_space<vmem>>
      %dma_start3A_233 = tpu.memref_squeeze %dma_start3A_232 : memref<1x64xf32, #tpu.memory_space<vmem>> -> memref<64xf32, #tpu.memory_space<vmem>>
      %dma_start3A_234 = arith.constant 2599936 : i32
      %dma_start3A_235 = tpu.memref_slice %arg2[%dma_start3A_223, %dma_start3A_234] : memref<16x2600000xf32, #tpu.memory_space<hbm>> -> memref<1x64xf32, #tpu.memory_space<hbm>>
      %dma_start3A_236 = tpu.memref_squeeze %dma_start3A_235 : memref<1x64xf32, #tpu.memory_space<hbm>> -> memref<64xf32, #tpu.memory_space<hbm>>
      tpu.enqueue_dma source(%dma_start3A_236 : memref<64xf32, #tpu.memory_space<hbm>>) target(%dma_start3A_233 : memref<64xf32, #tpu.memory_space<vmem>>) target_semaphore(%arg8 : memref<!tpu.dma_semaphore, #tpu.memory_space<semaphore_mem>>)
      %dma_start3A_237 = arith.constant 5 : i32
      %dma_start3A_238 = arith.constant 5 : i32
      %dma_start3A_239 = arith.constant 0 : i32
      %dma_start3A_240 = tpu.memref_slice %arg4[%dma_start3A_238, %dma_start3A_239] : memref<16x1024xf32, #tpu.memory_space<vmem>> -> memref<1x64xf32, #tpu.memory_space<vmem>>
      %dma_start3A_241 = tpu.memref_squeeze %dma_start3A_240 : memref<1x64xf32, #tpu.memory_space<vmem>> -> memref<64xf32, #tpu.memory_space<vmem>>
      %dma_start3A_242 = arith.constant 2599936 : i32
      %dma_start3A_243 = tpu.memref_slice %arg2[%dma_start3A_237, %dma_start3A_242] : memref<16x2600000xf32, #tpu.memory_space<hbm>> -> memref<1x64xf32, #tpu.memory_space<hbm>>
      %dma_start3A_244 = tpu.memref_squeeze %dma_start3A_243 : memref<1x64xf32, #tpu.memory_space<hbm>> -> memref<64xf32, #tpu.memory_space<hbm>>
      %dma_start3A_245 = arith.constant 0 : i32
      %dma_start3A_246 = tpu.memref_slice %arg4[%dma_start3A_238, %dma_start3A_245] : memref<16x1024xf32, #tpu.memory_space<vmem>> -> memref<1x64xf32, #tpu.memory_space<vmem>>
      %dma_start3A_247 = tpu.memref_squeeze %dma_start3A_246 : memref<1x64xf32, #tpu.memory_space<vmem>> -> memref<64xf32, #tpu.memory_space<vmem>>
      %dma_start3A_248 = arith.constant 2599936 : i32
      %dma_start3A_249 = tpu.memref_slice %arg2[%dma_start3A_237, %dma_start3A_248] : memref<16x2600000xf32, #tpu.memory_space<hbm>> -> memref<1x64xf32, #tpu.memory_space<hbm>>
      %dma_start3A_250 = tpu.memref_squeeze %dma_start3A_249 : memref<1x64xf32, #tpu.memory_space<hbm>> -> memref<64xf32, #tpu.memory_space<hbm>>
      tpu.enqueue_dma source(%dma_start3A_250 : memref<64xf32, #tpu.memory_space<hbm>>) target(%dma_start3A_247 : memref<64xf32, #tpu.memory_space<vmem>>) target_semaphore(%arg8 : memref<!tpu.dma_semaphore, #tpu.memory_space<semaphore_mem>>)
      %dma_start3A_251 = arith.constant 6 : i32
      %dma_start3A_252 = arith.constant 6 : i32
      %dma_start3A_253 = arith.constant 0 : i32
      %dma_start3A_254 = tpu.memref_slice %arg4[%dma_start3A_252, %dma_start3A_253] : memref<16x1024xf32, #tpu.memory_space<vmem>> -> memref<1x64xf32, #tpu.memory_space<vmem>>
      %dma_start3A_255 = tpu.memref_squeeze %dma_start3A_254 : memref<1x64xf32, #tpu.memory_space<vmem>> -> memref<64xf32, #tpu.memory_space<vmem>>
      %dma_start3A_256 = arith.constant 2599936 : i32
      %dma_start3A_257 = tpu.memref_slice %arg2[%dma_start3A_251, %dma_start3A_256] : memref<16x2600000xf32, #tpu.memory_space<hbm>> -> memref<1x64xf32, #tpu.memory_space<hbm>>
      %dma_start3A_258 = tpu.memref_squeeze %dma_start3A_257 : memref<1x64xf32, #tpu.memory_space<hbm>> -> memref<64xf32, #tpu.memory_space<hbm>>
      %dma_start3A_259 = arith.constant 0 : i32
      %dma_start3A_260 = tpu.memref_slice %arg4[%dma_start3A_252, %dma_start3A_259] : memref<16x1024xf32, #tpu.memory_space<vmem>> -> memref<1x64xf32, #tpu.memory_space<vmem>>
      %dma_start3A_261 = tpu.memref_squeeze %dma_start3A_260 : memref<1x64xf32, #tpu.memory_space<vmem>> -> memref<64xf32, #tpu.memory_space<vmem>>
      %dma_start3A_262 = arith.constant 2599936 : i32
      %dma_start3A_263 = tpu.memref_slice %arg2[%dma_start3A_251, %dma_start3A_262] : memref<16x2600000xf32, #tpu.memory_space<hbm>> -> memref<1x64xf32, #tpu.memory_space<hbm>>
      %dma_start3A_264 = tpu.memref_squeeze %dma_start3A_263 : memref<1x64xf32, #tpu.memory_space<hbm>> -> memref<64xf32, #tpu.memory_space<hbm>>
      tpu.enqueue_dma source(%dma_start3A_264 : memref<64xf32, #tpu.memory_space<hbm>>) target(%dma_start3A_261 : memref<64xf32, #tpu.memory_space<vmem>>) target_semaphore(%arg8 : memref<!tpu.dma_semaphore, #tpu.memory_space<semaphore_mem>>)
      %dma_start3A_265 = arith.constant 7 : i32
      %dma_start3A_266 = arith.constant 7 : i32
      %dma_start3A_267 = arith.constant 0 : i32
      %dma_start3A_268 = tpu.memref_slice %arg4[%dma_start3A_266, %dma_start3A_267] : memref<16x1024xf32, #tpu.memory_space<vmem>> -> memref<1x64xf32, #tpu.memory_space<vmem>>
      %dma_start3A_269 = tpu.memref_squeeze %dma_start3A_268 : memref<1x64xf32, #tpu.memory_space<vmem>> -> memref<64xf32, #tpu.memory_space<vmem>>
      %dma_start3A_270 = arith.constant 2599936 : i32
      %dma_start3A_271 = tpu.memref_slice %arg2[%dma_start3A_265, %dma_start3A_270] : memref<16x2600000xf32, #tpu.memory_space<hbm>> -> memref<1x64xf32, #tpu.memory_space<hbm>>
      %dma_start3A_272 = tpu.memref_squeeze %dma_start3A_271 : memref<1x64xf32, #tpu.memory_space<hbm>> -> memref<64xf32, #tpu.memory_space<hbm>>
      %dma_start3A_273 = arith.constant 0 : i32
      %dma_start3A_274 = tpu.memref_slice %arg4[%dma_start3A_266, %dma_start3A_273] : memref<16x1024xf32, #tpu.memory_space<vmem>> -> memref<1x64xf32, #tpu.memory_space<vmem>>
      %dma_start3A_275 = tpu.memref_squeeze %dma_start3A_274 : memref<1x64xf32, #tpu.memory_space<vmem>> -> memref<64xf32, #tpu.memory_space<vmem>>
      %dma_start3A_276 = arith.constant 2599936 : i32
      %dma_start3A_277 = tpu.memref_slice %arg2[%dma_start3A_265, %dma_start3A_276] : memref<16x2600000xf32, #tpu.memory_space<hbm>> -> memref<1x64xf32, #tpu.memory_space<hbm>>
      %dma_start3A_278 = tpu.memref_squeeze %dma_start3A_277 : memref<1x64xf32, #tpu.memory_space<hbm>> -> memref<64xf32, #tpu.memory_space<hbm>>
      tpu.enqueue_dma source(%dma_start3A_278 : memref<64xf32, #tpu.memory_space<hbm>>) target(%dma_start3A_275 : memref<64xf32, #tpu.memory_space<vmem>>) target_semaphore(%arg8 : memref<!tpu.dma_semaphore, #tpu.memory_space<semaphore_mem>>)
      %dma_start3A_279 = arith.constant 8 : i32
      %dma_start3A_280 = arith.constant 8 : i32
      %dma_start3A_281 = arith.constant 0 : i32
      %dma_start3A_282 = tpu.memref_slice %arg4[%dma_start3A_280, %dma_start3A_281] : memref<16x1024xf32, #tpu.memory_space<vmem>> -> memref<1x64xf32, #tpu.memory_space<vmem>>
      %dma_start3A_283 = tpu.memref_squeeze %dma_start3A_282 : memref<1x64xf32, #tpu.memory_space<vmem>> -> memref<64xf32, #tpu.memory_space<vmem>>
      %dma_start3A_284 = arith.constant 2599936 : i32
      %dma_start3A_285 = tpu.memref_slice %arg2[%dma_start3A_279, %dma_start3A_284] : memref<16x2600000xf32, #tpu.memory_space<hbm>> -> memref<1x64xf32, #tpu.memory_space<hbm>>
      %dma_start3A_286 = tpu.memref_squeeze %dma_start3A_285 : memref<1x64xf32, #tpu.memory_space<hbm>> -> memref<64xf32, #tpu.memory_space<hbm>>
      %dma_start3A_287 = arith.constant 0 : i32
      %dma_start3A_288 = tpu.memref_slice %arg4[%dma_start3A_280, %dma_start3A_287] : memref<16x1024xf32, #tpu.memory_space<vmem>> -> memref<1x64xf32, #tpu.memory_space<vmem>>
      %dma_start3A_289 = tpu.memref_squeeze %dma_start3A_288 : memref<1x64xf32, #tpu.memory_space<vmem>> -> memref<64xf32, #tpu.memory_space<vmem>>
      %dma_start3A_290 = arith.constant 2599936 : i32
      %dma_start3A_291 = tpu.memref_slice %arg2[%dma_start3A_279, %dma_start3A_290] : memref<16x2600000xf32, #tpu.memory_space<hbm>> -> memref<1x64xf32, #tpu.memory_space<hbm>>
      %dma_start3A_292 = tpu.memref_squeeze %dma_start3A_291 : memref<1x64xf32, #tpu.memory_space<hbm>> -> memref<64xf32, #tpu.memory_space<hbm>>
      tpu.enqueue_dma source(%dma_start3A_292 : memref<64xf32, #tpu.memory_space<hbm>>) target(%dma_start3A_289 : memref<64xf32, #tpu.memory_space<vmem>>) target_semaphore(%arg8 : memref<!tpu.dma_semaphore, #tpu.memory_space<semaphore_mem>>)
      %dma_start3A_293 = arith.constant 9 : i32
      %dma_start3A_294 = arith.constant 9 : i32
      %dma_start3A_295 = arith.constant 0 : i32
      %dma_start3A_296 = tpu.memref_slice %arg4[%dma_start3A_294, %dma_start3A_295] : memref<16x1024xf32, #tpu.memory_space<vmem>> -> memref<1x64xf32, #tpu.memory_space<vmem>>
      %dma_start3A_297 = tpu.memref_squeeze %dma_start3A_296 : memref<1x64xf32, #tpu.memory_space<vmem>> -> memref<64xf32, #tpu.memory_space<vmem>>
      %dma_start3A_298 = arith.constant 2599936 : i32
      %dma_start3A_299 = tpu.memref_slice %arg2[%dma_start3A_293, %dma_start3A_298] : memref<16x2600000xf32, #tpu.memory_space<hbm>> -> memref<1x64xf32, #tpu.memory_space<hbm>>
      %dma_start3A_300 = tpu.memref_squeeze %dma_start3A_299 : memref<1x64xf32, #tpu.memory_space<hbm>> -> memref<64xf32, #tpu.memory_space<hbm>>
      %dma_start3A_301 = arith.constant 0 : i32
      %dma_start3A_302 = tpu.memref_slice %arg4[%dma_start3A_294, %dma_start3A_301] : memref<16x1024xf32, #tpu.memory_space<vmem>> -> memref<1x64xf32, #tpu.memory_space<vmem>>
      %dma_start3A_303 = tpu.memref_squeeze %dma_start3A_302 : memref<1x64xf32, #tpu.memory_space<vmem>> -> memref<64xf32, #tpu.memory_space<vmem>>
      %dma_start3A_304 = arith.constant 2599936 : i32
      %dma_start3A_305 = tpu.memref_slice %arg2[%dma_start3A_293, %dma_start3A_304] : memref<16x2600000xf32, #tpu.memory_space<hbm>> -> memref<1x64xf32, #tpu.memory_space<hbm>>
      %dma_start3A_306 = tpu.memref_squeeze %dma_start3A_305 : memref<1x64xf32, #tpu.memory_space<hbm>> -> memref<64xf32, #tpu.memory_space<hbm>>
      tpu.enqueue_dma source(%dma_start3A_306 : memref<64xf32, #tpu.memory_space<hbm>>) target(%dma_start3A_303 : memref<64xf32, #tpu.memory_space<vmem>>) target_semaphore(%arg8 : memref<!tpu.dma_semaphore, #tpu.memory_space<semaphore_mem>>)
      %dma_start3A_307 = arith.constant 10 : i32
      %dma_start3A_308 = arith.constant 10 : i32
      %dma_start3A_309 = arith.constant 0 : i32
      %dma_start3A_310 = tpu.memref_slice %arg4[%dma_start3A_308, %dma_start3A_309] : memref<16x1024xf32, #tpu.memory_space<vmem>> -> memref<1x64xf32, #tpu.memory_space<vmem>>
      %dma_start3A_311 = tpu.memref_squeeze %dma_start3A_310 : memref<1x64xf32, #tpu.memory_space<vmem>> -> memref<64xf32, #tpu.memory_space<vmem>>
      %dma_start3A_312 = arith.constant 2599936 : i32
      %dma_start3A_313 = tpu.memref_slice %arg2[%dma_start3A_307, %dma_start3A_312] : memref<16x2600000xf32, #tpu.memory_space<hbm>> -> memref<1x64xf32, #tpu.memory_space<hbm>>
      %dma_start3A_314 = tpu.memref_squeeze %dma_start3A_313 : memref<1x64xf32, #tpu.memory_space<hbm>> -> memref<64xf32, #tpu.memory_space<hbm>>
      %dma_start3A_315 = arith.constant 0 : i32
      %dma_start3A_316 = tpu.memref_slice %arg4[%dma_start3A_308, %dma_start3A_315] : memref<16x1024xf32, #tpu.memory_space<vmem>> -> memref<1x64xf32, #tpu.memory_space<vmem>>
      %dma_start3A_317 = tpu.memref_squeeze %dma_start3A_316 : memref<1x64xf32, #tpu.memory_space<vmem>> -> memref<64xf32, #tpu.memory_space<vmem>>
      %dma_start3A_318 = arith.constant 2599936 : i32
      %dma_start3A_319 = tpu.memref_slice %arg2[%dma_start3A_307, %dma_start3A_318] : memref<16x2600000xf32, #tpu.memory_space<hbm>> -> memref<1x64xf32, #tpu.memory_space<hbm>>
      %dma_start3A_320 = tpu.memref_squeeze %dma_start3A_319 : memref<1x64xf32, #tpu.memory_space<hbm>> -> memref<64xf32, #tpu.memory_space<hbm>>
      tpu.enqueue_dma source(%dma_start3A_320 : memref<64xf32, #tpu.memory_space<hbm>>) target(%dma_start3A_317 : memref<64xf32, #tpu.memory_space<vmem>>) target_semaphore(%arg8 : memref<!tpu.dma_semaphore, #tpu.memory_space<semaphore_mem>>)
      %dma_start3A_321 = arith.constant 11 : i32
      %dma_start3A_322 = arith.constant 11 : i32
      %dma_start3A_323 = arith.constant 0 : i32
      %dma_start3A_324 = tpu.memref_slice %arg4[%dma_start3A_322, %dma_start3A_323] : memref<16x1024xf32, #tpu.memory_space<vmem>> -> memref<1x64xf32, #tpu.memory_space<vmem>>
      %dma_start3A_325 = tpu.memref_squeeze %dma_start3A_324 : memref<1x64xf32, #tpu.memory_space<vmem>> -> memref<64xf32, #tpu.memory_space<vmem>>
      %dma_start3A_326 = arith.constant 2599936 : i32
      %dma_start3A_327 = tpu.memref_slice %arg2[%dma_start3A_321, %dma_start3A_326] : memref<16x2600000xf32, #tpu.memory_space<hbm>> -> memref<1x64xf32, #tpu.memory_space<hbm>>
      %dma_start3A_328 = tpu.memref_squeeze %dma_start3A_327 : memref<1x64xf32, #tpu.memory_space<hbm>> -> memref<64xf32, #tpu.memory_space<hbm>>
      %dma_start3A_329 = arith.constant 0 : i32
      %dma_start3A_330 = tpu.memref_slice %arg4[%dma_start3A_322, %dma_start3A_329] : memref<16x1024xf32, #tpu.memory_space<vmem>> -> memref<1x64xf32, #tpu.memory_space<vmem>>
      %dma_start3A_331 = tpu.memref_squeeze %dma_start3A_330 : memref<1x64xf32, #tpu.memory_space<vmem>> -> memref<64xf32, #tpu.memory_space<vmem>>
      %dma_start3A_332 = arith.constant 2599936 : i32
      %dma_start3A_333 = tpu.memref_slice %arg2[%dma_start3A_321, %dma_start3A_332] : memref<16x2600000xf32, #tpu.memory_space<hbm>> -> memref<1x64xf32, #tpu.memory_space<hbm>>
      %dma_start3A_334 = tpu.memref_squeeze %dma_start3A_333 : memref<1x64xf32, #tpu.memory_space<hbm>> -> memref<64xf32, #tpu.memory_space<hbm>>
      tpu.enqueue_dma source(%dma_start3A_334 : memref<64xf32, #tpu.memory_space<hbm>>) target(%dma_start3A_331 : memref<64xf32, #tpu.memory_space<vmem>>) target_semaphore(%arg8 : memref<!tpu.dma_semaphore, #tpu.memory_space<semaphore_mem>>)
      %dma_start3A_335 = arith.constant 12 : i32
      %dma_start3A_336 = arith.constant 12 : i32
      %dma_start3A_337 = arith.constant 0 : i32
      %dma_start3A_338 = tpu.memref_slice %arg4[%dma_start3A_336, %dma_start3A_337] : memref<16x1024xf32, #tpu.memory_space<vmem>> -> memref<1x64xf32, #tpu.memory_space<vmem>>
      %dma_start3A_339 = tpu.memref_squeeze %dma_start3A_338 : memref<1x64xf32, #tpu.memory_space<vmem>> -> memref<64xf32, #tpu.memory_space<vmem>>
      %dma_start3A_340 = arith.constant 2599936 : i32
      %dma_start3A_341 = tpu.memref_slice %arg2[%dma_start3A_335, %dma_start3A_340] : memref<16x2600000xf32, #tpu.memory_space<hbm>> -> memref<1x64xf32, #tpu.memory_space<hbm>>
      %dma_start3A_342 = tpu.memref_squeeze %dma_start3A_341 : memref<1x64xf32, #tpu.memory_space<hbm>> -> memref<64xf32, #tpu.memory_space<hbm>>
      %dma_start3A_343 = arith.constant 0 : i32
      %dma_start3A_344 = tpu.memref_slice %arg4[%dma_start3A_336, %dma_start3A_343] : memref<16x1024xf32, #tpu.memory_space<vmem>> -> memref<1x64xf32, #tpu.memory_space<vmem>>
      %dma_start3A_345 = tpu.memref_squeeze %dma_start3A_344 : memref<1x64xf32, #tpu.memory_space<vmem>> -> memref<64xf32, #tpu.memory_space<vmem>>
      %dma_start3A_346 = arith.constant 2599936 : i32
      %dma_start3A_347 = tpu.memref_slice %arg2[%dma_start3A_335, %dma_start3A_346] : memref<16x2600000xf32, #tpu.memory_space<hbm>> -> memref<1x64xf32, #tpu.memory_space<hbm>>
      %dma_start3A_348 = tpu.memref_squeeze %dma_start3A_347 : memref<1x64xf32, #tpu.memory_space<hbm>> -> memref<64xf32, #tpu.memory_space<hbm>>
      tpu.enqueue_dma source(%dma_start3A_348 : memref<64xf32, #tpu.memory_space<hbm>>) target(%dma_start3A_345 : memref<64xf32, #tpu.memory_space<vmem>>) target_semaphore(%arg8 : memref<!tpu.dma_semaphore, #tpu.memory_space<semaphore_mem>>)
      %dma_start3A_349 = arith.constant 13 : i32
      %dma_start3A_350 = arith.constant 13 : i32
      %dma_start3A_351 = arith.constant 0 : i32
      %dma_start3A_352 = tpu.memref_slice %arg4[%dma_start3A_350, %dma_start3A_351] : memref<16x1024xf32, #tpu.memory_space<vmem>> -> memref<1x64xf32, #tpu.memory_space<vmem>>
      %dma_start3A_353 = tpu.memref_squeeze %dma_start3A_352 : memref<1x64xf32, #tpu.memory_space<vmem>> -> memref<64xf32, #tpu.memory_space<vmem>>
      %dma_start3A_354 = arith.constant 2599936 : i32
      %dma_start3A_355 = tpu.memref_slice %arg2[%dma_start3A_349, %dma_start3A_354] : memref<16x2600000xf32, #tpu.memory_space<hbm>> -> memref<1x64xf32, #tpu.memory_space<hbm>>
      %dma_start3A_356 = tpu.memref_squeeze %dma_start3A_355 : memref<1x64xf32, #tpu.memory_space<hbm>> -> memref<64xf32, #tpu.memory_space<hbm>>
      %dma_start3A_357 = arith.constant 0 : i32
      %dma_start3A_358 = tpu.memref_slice %arg4[%dma_start3A_350, %dma_start3A_357] : memref<16x1024xf32, #tpu.memory_space<vmem>> -> memref<1x64xf32, #tpu.memory_space<vmem>>
      %dma_start3A_359 = tpu.memref_squeeze %dma_start3A_358 : memref<1x64xf32, #tpu.memory_space<vmem>> -> memref<64xf32, #tpu.memory_space<vmem>>
      %dma_start3A_360 = arith.constant 2599936 : i32
      %dma_start3A_361 = tpu.memref_slice %arg2[%dma_start3A_349, %dma_start3A_360] : memref<16x2600000xf32, #tpu.memory_space<hbm>> -> memref<1x64xf32, #tpu.memory_space<hbm>>
      %dma_start3A_362 = tpu.memref_squeeze %dma_start3A_361 : memref<1x64xf32, #tpu.memory_space<hbm>> -> memref<64xf32, #tpu.memory_space<hbm>>
      tpu.enqueue_dma source(%dma_start3A_362 : memref<64xf32, #tpu.memory_space<hbm>>) target(%dma_start3A_359 : memref<64xf32, #tpu.memory_space<vmem>>) target_semaphore(%arg8 : memref<!tpu.dma_semaphore, #tpu.memory_space<semaphore_mem>>)
      %dma_start3A_363 = arith.constant 14 : i32
      %dma_start3A_364 = arith.constant 14 : i32
      %dma_start3A_365 = arith.constant 0 : i32
      %dma_start3A_366 = tpu.memref_slice %arg4[%dma_start3A_364, %dma_start3A_365] : memref<16x1024xf32, #tpu.memory_space<vmem>> -> memref<1x64xf32, #tpu.memory_space<vmem>>
      %dma_start3A_367 = tpu.memref_squeeze %dma_start3A_366 : memref<1x64xf32, #tpu.memory_space<vmem>> -> memref<64xf32, #tpu.memory_space<vmem>>
      %dma_start3A_368 = arith.constant 2599936 : i32
      %dma_start3A_369 = tpu.memref_slice %arg2[%dma_start3A_363, %dma_start3A_368] : memref<16x2600000xf32, #tpu.memory_space<hbm>> -> memref<1x64xf32, #tpu.memory_space<hbm>>
      %dma_start3A_370 = tpu.memref_squeeze %dma_start3A_369 : memref<1x64xf32, #tpu.memory_space<hbm>> -> memref<64xf32, #tpu.memory_space<hbm>>
      %dma_start3A_371 = arith.constant 0 : i32
      %dma_start3A_372 = tpu.memref_slice %arg4[%dma_start3A_364, %dma_start3A_371] : memref<16x1024xf32, #tpu.memory_space<vmem>> -> memref<1x64xf32, #tpu.memory_space<vmem>>
      %dma_start3A_373 = tpu.memref_squeeze %dma_start3A_372 : memref<1x64xf32, #tpu.memory_space<vmem>> -> memref<64xf32, #tpu.memory_space<vmem>>
      %dma_start3A_374 = arith.constant 2599936 : i32
      %dma_start3A_375 = tpu.memref_slice %arg2[%dma_start3A_363, %dma_start3A_374] : memref<16x2600000xf32, #tpu.memory_space<hbm>> -> memref<1x64xf32, #tpu.memory_space<hbm>>
      %dma_start3A_376 = tpu.memref_squeeze %dma_start3A_375 : memref<1x64xf32, #tpu.memory_space<hbm>> -> memref<64xf32, #tpu.memory_space<hbm>>
      tpu.enqueue_dma source(%dma_start3A_376 : memref<64xf32, #tpu.memory_space<hbm>>) target(%dma_start3A_373 : memref<64xf32, #tpu.memory_space<vmem>>) target_semaphore(%arg8 : memref<!tpu.dma_semaphore, #tpu.memory_space<semaphore_mem>>)
      %dma_start3A_377 = arith.constant 15 : i32
      %dma_start3A_378 = arith.constant 15 : i32
      %dma_start3A_379 = arith.constant 0 : i32
      %dma_start3A_380 = tpu.memref_slice %arg4[%dma_start3A_378, %dma_start3A_379] : memref<16x1024xf32, #tpu.memory_space<vmem>> -> memref<1x64xf32, #tpu.memory_space<vmem>>
      %dma_start3A_381 = tpu.memref_squeeze %dma_start3A_380 : memref<1x64xf32, #tpu.memory_space<vmem>> -> memref<64xf32, #tpu.memory_space<vmem>>
      %dma_start3A_382 = arith.constant 2599936 : i32
      %dma_start3A_383 = tpu.memref_slice %arg2[%dma_start3A_377, %dma_start3A_382] : memref<16x2600000xf32, #tpu.memory_space<hbm>> -> memref<1x64xf32, #tpu.memory_space<hbm>>
      %dma_start3A_384 = tpu.memref_squeeze %dma_start3A_383 : memref<1x64xf32, #tpu.memory_space<hbm>> -> memref<64xf32, #tpu.memory_space<hbm>>
      %dma_start3A_385 = arith.constant 0 : i32
      %dma_start3A_386 = tpu.memref_slice %arg4[%dma_start3A_378, %dma_start3A_385] : memref<16x1024xf32, #tpu.memory_space<vmem>> -> memref<1x64xf32, #tpu.memory_space<vmem>>
      %dma_start3A_387 = tpu.memref_squeeze %dma_start3A_386 : memref<1x64xf32, #tpu.memory_space<vmem>> -> memref<64xf32, #tpu.memory_space<vmem>>
      %dma_start3A_388 = arith.constant 2599936 : i32
      %dma_start3A_389 = tpu.memref_slice %arg2[%dma_start3A_377, %dma_start3A_388] : memref<16x2600000xf32, #tpu.memory_space<hbm>> -> memref<1x64xf32, #tpu.memory_space<hbm>>
      %dma_start3A_390 = tpu.memref_squeeze %dma_start3A_389 : memref<1x64xf32, #tpu.memory_space<hbm>> -> memref<64xf32, #tpu.memory_space<hbm>>
      tpu.enqueue_dma source(%dma_start3A_390 : memref<64xf32, #tpu.memory_space<hbm>>) target(%dma_start3A_387 : memref<64xf32, #tpu.memory_space<vmem>>) target_semaphore(%arg8 : memref<!tpu.dma_semaphore, #tpu.memory_space<semaphore_mem>>)
      %dma_wait3A_391 = arith.constant 0 : i32
      %dma_wait3A_392 = arith.constant 0 : i32
      %dma_wait3A_393 = arith.constant 0 : i32
      %dma_wait3A_394 = tpu.memref_slice %arg4[%dma_wait3A_392, %dma_wait3A_393] : memref<16x1024xf32, #tpu.memory_space<vmem>> -> memref<1x64xf32, #tpu.memory_space<vmem>>
      %dma_wait3A_395 = tpu.memref_squeeze %dma_wait3A_394 : memref<1x64xf32, #tpu.memory_space<vmem>> -> memref<64xf32, #tpu.memory_space<vmem>>
      %dma_wait3A_396 = arith.constant 2599936 : i32
      %dma_wait3A_397 = tpu.memref_slice %arg2[%dma_wait3A_391, %dma_wait3A_396] : memref<16x2600000xf32, #tpu.memory_space<hbm>> -> memref<1x64xf32, #tpu.memory_space<hbm>>
      %dma_wait3A_398 = tpu.memref_squeeze %dma_wait3A_397 : memref<1x64xf32, #tpu.memory_space<hbm>> -> memref<64xf32, #tpu.memory_space<hbm>>
      %dma_wait3A_399 = arith.constant 0 : i32
      %dma_wait3A_400 = tpu.memref_slice %arg4[%dma_wait3A_392, %dma_wait3A_399] : memref<16x1024xf32, #tpu.memory_space<vmem>> -> memref<1x64xf32, #tpu.memory_space<vmem>>
      %dma_wait3A_401 = tpu.memref_squeeze %dma_wait3A_400 : memref<1x64xf32, #tpu.memory_space<vmem>> -> memref<64xf32, #tpu.memory_space<vmem>>
      %dma_wait3A_402 = arith.constant 2599936 : i32
      %dma_wait3A_403 = tpu.memref_slice %arg2[%dma_wait3A_391, %dma_wait3A_402] : memref<16x2600000xf32, #tpu.memory_space<hbm>> -> memref<1x64xf32, #tpu.memory_space<hbm>>
      %dma_wait3A_404 = tpu.memref_squeeze %dma_wait3A_403 : memref<1x64xf32, #tpu.memory_space<hbm>> -> memref<64xf32, #tpu.memory_space<hbm>>
      tpu.wait_dma2 semaphore(%arg8 : memref<!tpu.dma_semaphore, #tpu.memory_space<semaphore_mem>>) src(%dma_wait3A_404 : memref<64xf32, #tpu.memory_space<hbm>>) dst(%dma_wait3A_401 : memref<64xf32, #tpu.memory_space<vmem>>)
      %dma_wait3A_405 = arith.constant 1 : i32
      %dma_wait3A_406 = arith.constant 1 : i32
      %dma_wait3A_407 = arith.constant 0 : i32
      %dma_wait3A_408 = tpu.memref_slice %arg4[%dma_wait3A_406, %dma_wait3A_407] : memref<16x1024xf32, #tpu.memory_space<vmem>> -> memref<1x64xf32, #tpu.memory_space<vmem>>
      %dma_wait3A_409 = tpu.memref_squeeze %dma_wait3A_408 : memref<1x64xf32, #tpu.memory_space<vmem>> -> memref<64xf32, #tpu.memory_space<vmem>>
      %dma_wait3A_410 = arith.constant 2599936 : i32
      %dma_wait3A_411 = tpu.memref_slice %arg2[%dma_wait3A_405, %dma_wait3A_410] : memref<16x2600000xf32, #tpu.memory_space<hbm>> -> memref<1x64xf32, #tpu.memory_space<hbm>>
      %dma_wait3A_412 = tpu.memref_squeeze %dma_wait3A_411 : memref<1x64xf32, #tpu.memory_space<hbm>> -> memref<64xf32, #tpu.memory_space<hbm>>
      %dma_wait3A_413 = arith.constant 0 : i32
      %dma_wait3A_414 = tpu.memref_slice %arg4[%dma_wait3A_406, %dma_wait3A_413] : memref<16x1024xf32, #tpu.memory_space<vmem>> -> memref<1x64xf32, #tpu.memory_space<vmem>>
      %dma_wait3A_415 = tpu.memref_squeeze %dma_wait3A_414 : memref<1x64xf32, #tpu.memory_space<vmem>> -> memref<64xf32, #tpu.memory_space<vmem>>
      %dma_wait3A_416 = arith.constant 2599936 : i32
      %dma_wait3A_417 = tpu.memref_slice %arg2[%dma_wait3A_405, %dma_wait3A_416] : memref<16x2600000xf32, #tpu.memory_space<hbm>> -> memref<1x64xf32, #tpu.memory_space<hbm>>
      %dma_wait3A_418 = tpu.memref_squeeze %dma_wait3A_417 : memref<1x64xf32, #tpu.memory_space<hbm>> -> memref<64xf32, #tpu.memory_space<hbm>>
      tpu.wait_dma2 semaphore(%arg8 : memref<!tpu.dma_semaphore, #tpu.memory_space<semaphore_mem>>) src(%dma_wait3A_418 : memref<64xf32, #tpu.memory_space<hbm>>) dst(%dma_wait3A_415 : memref<64xf32, #tpu.memory_space<vmem>>)
      %dma_wait3A_419 = arith.constant 2 : i32
      %dma_wait3A_420 = arith.constant 2 : i32
      %dma_wait3A_421 = arith.constant 0 : i32
      %dma_wait3A_422 = tpu.memref_slice %arg4[%dma_wait3A_420, %dma_wait3A_421] : memref<16x1024xf32, #tpu.memory_space<vmem>> -> memref<1x64xf32, #tpu.memory_space<vmem>>
      %dma_wait3A_423 = tpu.memref_squeeze %dma_wait3A_422 : memref<1x64xf32, #tpu.memory_space<vmem>> -> memref<64xf32, #tpu.memory_space<vmem>>
      %dma_wait3A_424 = arith.constant 2599936 : i32
      %dma_wait3A_425 = tpu.memref_slice %arg2[%dma_wait3A_419, %dma_wait3A_424] : memref<16x2600000xf32, #tpu.memory_space<hbm>> -> memref<1x64xf32, #tpu.memory_space<hbm>>
      %dma_wait3A_426 = tpu.memref_squeeze %dma_wait3A_425 : memref<1x64xf32, #tpu.memory_space<hbm>> -> memref<64xf32, #tpu.memory_space<hbm>>
      %dma_wait3A_427 = arith.constant 0 : i32
      %dma_wait3A_428 = tpu.memref_slice %arg4[%dma_wait3A_420, %dma_wait3A_427] : memref<16x1024xf32, #tpu.memory_space<vmem>> -> memref<1x64xf32, #tpu.memory_space<vmem>>
      %dma_wait3A_429 = tpu.memref_squeeze %dma_wait3A_428 : memref<1x64xf32, #tpu.memory_space<vmem>> -> memref<64xf32, #tpu.memory_space<vmem>>
      %dma_wait3A_430 = arith.constant 2599936 : i32
      %dma_wait3A_431 = tpu.memref_slice %arg2[%dma_wait3A_419, %dma_wait3A_430] : memref<16x2600000xf32, #tpu.memory_space<hbm>> -> memref<1x64xf32, #tpu.memory_space<hbm>>
      %dma_wait3A_432 = tpu.memref_squeeze %dma_wait3A_431 : memref<1x64xf32, #tpu.memory_space<hbm>> -> memref<64xf32, #tpu.memory_space<hbm>>
      tpu.wait_dma2 semaphore(%arg8 : memref<!tpu.dma_semaphore, #tpu.memory_space<semaphore_mem>>) src(%dma_wait3A_432 : memref<64xf32, #tpu.memory_space<hbm>>) dst(%dma_wait3A_429 : memref<64xf32, #tpu.memory_space<vmem>>)
      %dma_wait3A_433 = arith.constant 3 : i32
      %dma_wait3A_434 = arith.constant 3 : i32
      %dma_wait3A_435 = arith.constant 0 : i32
      %dma_wait3A_436 = tpu.memref_slice %arg4[%dma_wait3A_434, %dma_wait3A_435] : memref<16x1024xf32, #tpu.memory_space<vmem>> -> memref<1x64xf32, #tpu.memory_space<vmem>>
      %dma_wait3A_437 = tpu.memref_squeeze %dma_wait3A_436 : memref<1x64xf32, #tpu.memory_space<vmem>> -> memref<64xf32, #tpu.memory_space<vmem>>
      %dma_wait3A_438 = arith.constant 2599936 : i32
      %dma_wait3A_439 = tpu.memref_slice %arg2[%dma_wait3A_433, %dma_wait3A_438] : memref<16x2600000xf32, #tpu.memory_space<hbm>> -> memref<1x64xf32, #tpu.memory_space<hbm>>
      %dma_wait3A_440 = tpu.memref_squeeze %dma_wait3A_439 : memref<1x64xf32, #tpu.memory_space<hbm>> -> memref<64xf32, #tpu.memory_space<hbm>>
      %dma_wait3A_441 = arith.constant 0 : i32
      %dma_wait3A_442 = tpu.memref_slice %arg4[%dma_wait3A_434, %dma_wait3A_441] : memref<16x1024xf32, #tpu.memory_space<vmem>> -> memref<1x64xf32, #tpu.memory_space<vmem>>
      %dma_wait3A_443 = tpu.memref_squeeze %dma_wait3A_442 : memref<1x64xf32, #tpu.memory_space<vmem>> -> memref<64xf32, #tpu.memory_space<vmem>>
      %dma_wait3A_444 = arith.constant 2599936 : i32
      %dma_wait3A_445 = tpu.memref_slice %arg2[%dma_wait3A_433, %dma_wait3A_444] : memref<16x2600000xf32, #tpu.memory_space<hbm>> -> memref<1x64xf32, #tpu.memory_space<hbm>>
      %dma_wait3A_446 = tpu.memref_squeeze %dma_wait3A_445 : memref<1x64xf32, #tpu.memory_space<hbm>> -> memref<64xf32, #tpu.memory_space<hbm>>
      tpu.wait_dma2 semaphore(%arg8 : memref<!tpu.dma_semaphore, #tpu.memory_space<semaphore_mem>>) src(%dma_wait3A_446 : memref<64xf32, #tpu.memory_space<hbm>>) dst(%dma_wait3A_443 : memref<64xf32, #tpu.memory_space<vmem>>)
      %dma_wait3A_447 = arith.constant 4 : i32
      %dma_wait3A_448 = arith.constant 4 : i32
      %dma_wait3A_449 = arith.constant 0 : i32
      %dma_wait3A_450 = tpu.memref_slice %arg4[%dma_wait3A_448, %dma_wait3A_449] : memref<16x1024xf32, #tpu.memory_space<vmem>> -> memref<1x64xf32, #tpu.memory_space<vmem>>
      %dma_wait3A_451 = tpu.memref_squeeze %dma_wait3A_450 : memref<1x64xf32, #tpu.memory_space<vmem>> -> memref<64xf32, #tpu.memory_space<vmem>>
      %dma_wait3A_452 = arith.constant 2599936 : i32
      %dma_wait3A_453 = tpu.memref_slice %arg2[%dma_wait3A_447, %dma_wait3A_452] : memref<16x2600000xf32, #tpu.memory_space<hbm>> -> memref<1x64xf32, #tpu.memory_space<hbm>>
      %dma_wait3A_454 = tpu.memref_squeeze %dma_wait3A_453 : memref<1x64xf32, #tpu.memory_space<hbm>> -> memref<64xf32, #tpu.memory_space<hbm>>
      %dma_wait3A_455 = arith.constant 0 : i32
      %dma_wait3A_456 = tpu.memref_slice %arg4[%dma_wait3A_448, %dma_wait3A_455] : memref<16x1024xf32, #tpu.memory_space<vmem>> -> memref<1x64xf32, #tpu.memory_space<vmem>>
      %dma_wait3A_457 = tpu.memref_squeeze %dma_wait3A_456 : memref<1x64xf32, #tpu.memory_space<vmem>> -> memref<64xf32, #tpu.memory_space<vmem>>
      %dma_wait3A_458 = arith.constant 2599936 : i32
      %dma_wait3A_459 = tpu.memref_slice %arg2[%dma_wait3A_447, %dma_wait3A_458] : memref<16x2600000xf32, #tpu.memory_space<hbm>> -> memref<1x64xf32, #tpu.memory_space<hbm>>
      %dma_wait3A_460 = tpu.memref_squeeze %dma_wait3A_459 : memref<1x64xf32, #tpu.memory_space<hbm>> -> memref<64xf32, #tpu.memory_space<hbm>>
      tpu.wait_dma2 semaphore(%arg8 : memref<!tpu.dma_semaphore, #tpu.memory_space<semaphore_mem>>) src(%dma_wait3A_460 : memref<64xf32, #tpu.memory_space<hbm>>) dst(%dma_wait3A_457 : memref<64xf32, #tpu.memory_space<vmem>>)
      %dma_wait3A_461 = arith.constant 5 : i32
      %dma_wait3A_462 = arith.constant 5 : i32
      %dma_wait3A_463 = arith.constant 0 : i32
      %dma_wait3A_464 = tpu.memref_slice %arg4[%dma_wait3A_462, %dma_wait3A_463] : memref<16x1024xf32, #tpu.memory_space<vmem>> -> memref<1x64xf32, #tpu.memory_space<vmem>>
      %dma_wait3A_465 = tpu.memref_squeeze %dma_wait3A_464 : memref<1x64xf32, #tpu.memory_space<vmem>> -> memref<64xf32, #tpu.memory_space<vmem>>
      %dma_wait3A_466 = arith.constant 2599936 : i32
      %dma_wait3A_467 = tpu.memref_slice %arg2[%dma_wait3A_461, %dma_wait3A_466] : memref<16x2600000xf32, #tpu.memory_space<hbm>> -> memref<1x64xf32, #tpu.memory_space<hbm>>
      %dma_wait3A_468 = tpu.memref_squeeze %dma_wait3A_467 : memref<1x64xf32, #tpu.memory_space<hbm>> -> memref<64xf32, #tpu.memory_space<hbm>>
      %dma_wait3A_469 = arith.constant 0 : i32
      %dma_wait3A_470 = tpu.memref_slice %arg4[%dma_wait3A_462, %dma_wait3A_469] : memref<16x1024xf32, #tpu.memory_space<vmem>> -> memref<1x64xf32, #tpu.memory_space<vmem>>
      %dma_wait3A_471 = tpu.memref_squeeze %dma_wait3A_470 : memref<1x64xf32, #tpu.memory_space<vmem>> -> memref<64xf32, #tpu.memory_space<vmem>>
      %dma_wait3A_472 = arith.constant 2599936 : i32
      %dma_wait3A_473 = tpu.memref_slice %arg2[%dma_wait3A_461, %dma_wait3A_472] : memref<16x2600000xf32, #tpu.memory_space<hbm>> -> memref<1x64xf32, #tpu.memory_space<hbm>>
      %dma_wait3A_474 = tpu.memref_squeeze %dma_wait3A_473 : memref<1x64xf32, #tpu.memory_space<hbm>> -> memref<64xf32, #tpu.memory_space<hbm>>
      tpu.wait_dma2 semaphore(%arg8 : memref<!tpu.dma_semaphore, #tpu.memory_space<semaphore_mem>>) src(%dma_wait3A_474 : memref<64xf32, #tpu.memory_space<hbm>>) dst(%dma_wait3A_471 : memref<64xf32, #tpu.memory_space<vmem>>)
      %dma_wait3A_475 = arith.constant 6 : i32
      %dma_wait3A_476 = arith.constant 6 : i32
      %dma_wait3A_477 = arith.constant 0 : i32
      %dma_wait3A_478 = tpu.memref_slice %arg4[%dma_wait3A_476, %dma_wait3A_477] : memref<16x1024xf32, #tpu.memory_space<vmem>> -> memref<1x64xf32, #tpu.memory_space<vmem>>
      %dma_wait3A_479 = tpu.memref_squeeze %dma_wait3A_478 : memref<1x64xf32, #tpu.memory_space<vmem>> -> memref<64xf32, #tpu.memory_space<vmem>>
      %dma_wait3A_480 = arith.constant 2599936 : i32
      %dma_wait3A_481 = tpu.memref_slice %arg2[%dma_wait3A_475, %dma_wait3A_480] : memref<16x2600000xf32, #tpu.memory_space<hbm>> -> memref<1x64xf32, #tpu.memory_space<hbm>>
      %dma_wait3A_482 = tpu.memref_squeeze %dma_wait3A_481 : memref<1x64xf32, #tpu.memory_space<hbm>> -> memref<64xf32, #tpu.memory_space<hbm>>
      %dma_wait3A_483 = arith.constant 0 : i32
      %dma_wait3A_484 = tpu.memref_slice %arg4[%dma_wait3A_476, %dma_wait3A_483] : memref<16x1024xf32, #tpu.memory_space<vmem>> -> memref<1x64xf32, #tpu.memory_space<vmem>>
      %dma_wait3A_485 = tpu.memref_squeeze %dma_wait3A_484 : memref<1x64xf32, #tpu.memory_space<vmem>> -> memref<64xf32, #tpu.memory_space<vmem>>
      %dma_wait3A_486 = arith.constant 2599936 : i32
      %dma_wait3A_487 = tpu.memref_slice %arg2[%dma_wait3A_475, %dma_wait3A_486] : memref<16x2600000xf32, #tpu.memory_space<hbm>> -> memref<1x64xf32, #tpu.memory_space<hbm>>
      %dma_wait3A_488 = tpu.memref_squeeze %dma_wait3A_487 : memref<1x64xf32, #tpu.memory_space<hbm>> -> memref<64xf32, #tpu.memory_space<hbm>>
      tpu.wait_dma2 semaphore(%arg8 : memref<!tpu.dma_semaphore, #tpu.memory_space<semaphore_mem>>) src(%dma_wait3A_488 : memref<64xf32, #tpu.memory_space<hbm>>) dst(%dma_wait3A_485 : memref<64xf32, #tpu.memory_space<vmem>>)
      %dma_wait3A_489 = arith.constant 7 : i32
      %dma_wait3A_490 = arith.constant 7 : i32
      %dma_wait3A_491 = arith.constant 0 : i32
      %dma_wait3A_492 = tpu.memref_slice %arg4[%dma_wait3A_490, %dma_wait3A_491] : memref<16x1024xf32, #tpu.memory_space<vmem>> -> memref<1x64xf32, #tpu.memory_space<vmem>>
      %dma_wait3A_493 = tpu.memref_squeeze %dma_wait3A_492 : memref<1x64xf32, #tpu.memory_space<vmem>> -> memref<64xf32, #tpu.memory_space<vmem>>
      %dma_wait3A_494 = arith.constant 2599936 : i32
      %dma_wait3A_495 = tpu.memref_slice %arg2[%dma_wait3A_489, %dma_wait3A_494] : memref<16x2600000xf32, #tpu.memory_space<hbm>> -> memref<1x64xf32, #tpu.memory_space<hbm>>
      %dma_wait3A_496 = tpu.memref_squeeze %dma_wait3A_495 : memref<1x64xf32, #tpu.memory_space<hbm>> -> memref<64xf32, #tpu.memory_space<hbm>>
      %dma_wait3A_497 = arith.constant 0 : i32
      %dma_wait3A_498 = tpu.memref_slice %arg4[%dma_wait3A_490, %dma_wait3A_497] : memref<16x1024xf32, #tpu.memory_space<vmem>> -> memref<1x64xf32, #tpu.memory_space<vmem>>
      %dma_wait3A_499 = tpu.memref_squeeze %dma_wait3A_498 : memref<1x64xf32, #tpu.memory_space<vmem>> -> memref<64xf32, #tpu.memory_space<vmem>>
      %dma_wait3A_500 = arith.constant 2599936 : i32
      %dma_wait3A_501 = tpu.memref_slice %arg2[%dma_wait3A_489, %dma_wait3A_500] : memref<16x2600000xf32, #tpu.memory_space<hbm>> -> memref<1x64xf32, #tpu.memory_space<hbm>>
      %dma_wait3A_502 = tpu.memref_squeeze %dma_wait3A_501 : memref<1x64xf32, #tpu.memory_space<hbm>> -> memref<64xf32, #tpu.memory_space<hbm>>
      tpu.wait_dma2 semaphore(%arg8 : memref<!tpu.dma_semaphore, #tpu.memory_space<semaphore_mem>>) src(%dma_wait3A_502 : memref<64xf32, #tpu.memory_space<hbm>>) dst(%dma_wait3A_499 : memref<64xf32, #tpu.memory_space<vmem>>)
      %dma_wait3A_503 = arith.constant 8 : i32
      %dma_wait3A_504 = arith.constant 8 : i32
      %dma_wait3A_505 = arith.constant 0 : i32
      %dma_wait3A_506 = tpu.memref_slice %arg4[%dma_wait3A_504, %dma_wait3A_505] : memref<16x1024xf32, #tpu.memory_space<vmem>> -> memref<1x64xf32, #tpu.memory_space<vmem>>
      %dma_wait3A_507 = tpu.memref_squeeze %dma_wait3A_506 : memref<1x64xf32, #tpu.memory_space<vmem>> -> memref<64xf32, #tpu.memory_space<vmem>>
      %dma_wait3A_508 = arith.constant 2599936 : i32
      %dma_wait3A_509 = tpu.memref_slice %arg2[%dma_wait3A_503, %dma_wait3A_508] : memref<16x2600000xf32, #tpu.memory_space<hbm>> -> memref<1x64xf32, #tpu.memory_space<hbm>>
      %dma_wait3A_510 = tpu.memref_squeeze %dma_wait3A_509 : memref<1x64xf32, #tpu.memory_space<hbm>> -> memref<64xf32, #tpu.memory_space<hbm>>
      %dma_wait3A_511 = arith.constant 0 : i32
      %dma_wait3A_512 = tpu.memref_slice %arg4[%dma_wait3A_504, %dma_wait3A_511] : memref<16x1024xf32, #tpu.memory_space<vmem>> -> memref<1x64xf32, #tpu.memory_space<vmem>>
      %dma_wait3A_513 = tpu.memref_squeeze %dma_wait3A_512 : memref<1x64xf32, #tpu.memory_space<vmem>> -> memref<64xf32, #tpu.memory_space<vmem>>
      %dma_wait3A_514 = arith.constant 2599936 : i32
      %dma_wait3A_515 = tpu.memref_slice %arg2[%dma_wait3A_503, %dma_wait3A_514] : memref<16x2600000xf32, #tpu.memory_space<hbm>> -> memref<1x64xf32, #tpu.memory_space<hbm>>
      %dma_wait3A_516 = tpu.memref_squeeze %dma_wait3A_515 : memref<1x64xf32, #tpu.memory_space<hbm>> -> memref<64xf32, #tpu.memory_space<hbm>>
      tpu.wait_dma2 semaphore(%arg8 : memref<!tpu.dma_semaphore, #tpu.memory_space<semaphore_mem>>) src(%dma_wait3A_516 : memref<64xf32, #tpu.memory_space<hbm>>) dst(%dma_wait3A_513 : memref<64xf32, #tpu.memory_space<vmem>>)
      %dma_wait3A_517 = arith.constant 9 : i32
      %dma_wait3A_518 = arith.constant 9 : i32
      %dma_wait3A_519 = arith.constant 0 : i32
      %dma_wait3A_520 = tpu.memref_slice %arg4[%dma_wait3A_518, %dma_wait3A_519] : memref<16x1024xf32, #tpu.memory_space<vmem>> -> memref<1x64xf32, #tpu.memory_space<vmem>>
      %dma_wait3A_521 = tpu.memref_squeeze %dma_wait3A_520 : memref<1x64xf32, #tpu.memory_space<vmem>> -> memref<64xf32, #tpu.memory_space<vmem>>
      %dma_wait3A_522 = arith.constant 2599936 : i32
      %dma_wait3A_523 = tpu.memref_slice %arg2[%dma_wait3A_517, %dma_wait3A_522] : memref<16x2600000xf32, #tpu.memory_space<hbm>> -> memref<1x64xf32, #tpu.memory_space<hbm>>
      %dma_wait3A_524 = tpu.memref_squeeze %dma_wait3A_523 : memref<1x64xf32, #tpu.memory_space<hbm>> -> memref<64xf32, #tpu.memory_space<hbm>>
      %dma_wait3A_525 = arith.constant 0 : i32
      %dma_wait3A_526 = tpu.memref_slice %arg4[%dma_wait3A_518, %dma_wait3A_525] : memref<16x1024xf32, #tpu.memory_space<vmem>> -> memref<1x64xf32, #tpu.memory_space<vmem>>
      %dma_wait3A_527 = tpu.memref_squeeze %dma_wait3A_526 : memref<1x64xf32, #tpu.memory_space<vmem>> -> memref<64xf32, #tpu.memory_space<vmem>>
      %dma_wait3A_528 = arith.constant 2599936 : i32
      %dma_wait3A_529 = tpu.memref_slice %arg2[%dma_wait3A_517, %dma_wait3A_528] : memref<16x2600000xf32, #tpu.memory_space<hbm>> -> memref<1x64xf32, #tpu.memory_space<hbm>>
      %dma_wait3A_530 = tpu.memref_squeeze %dma_wait3A_529 : memref<1x64xf32, #tpu.memory_space<hbm>> -> memref<64xf32, #tpu.memory_space<hbm>>
      tpu.wait_dma2 semaphore(%arg8 : memref<!tpu.dma_semaphore, #tpu.memory_space<semaphore_mem>>) src(%dma_wait3A_530 : memref<64xf32, #tpu.memory_space<hbm>>) dst(%dma_wait3A_527 : memref<64xf32, #tpu.memory_space<vmem>>)
      %dma_wait3A_531 = arith.constant 10 : i32
      %dma_wait3A_532 = arith.constant 10 : i32
      %dma_wait3A_533 = arith.constant 0 : i32
      %dma_wait3A_534 = tpu.memref_slice %arg4[%dma_wait3A_532, %dma_wait3A_533] : memref<16x1024xf32, #tpu.memory_space<vmem>> -> memref<1x64xf32, #tpu.memory_space<vmem>>
      %dma_wait3A_535 = tpu.memref_squeeze %dma_wait3A_534 : memref<1x64xf32, #tpu.memory_space<vmem>> -> memref<64xf32, #tpu.memory_space<vmem>>
      %dma_wait3A_536 = arith.constant 2599936 : i32
      %dma_wait3A_537 = tpu.memref_slice %arg2[%dma_wait3A_531, %dma_wait3A_536] : memref<16x2600000xf32, #tpu.memory_space<hbm>> -> memref<1x64xf32, #tpu.memory_space<hbm>>
      %dma_wait3A_538 = tpu.memref_squeeze %dma_wait3A_537 : memref<1x64xf32, #tpu.memory_space<hbm>> -> memref<64xf32, #tpu.memory_space<hbm>>
      %dma_wait3A_539 = arith.constant 0 : i32
      %dma_wait3A_540 = tpu.memref_slice %arg4[%dma_wait3A_532, %dma_wait3A_539] : memref<16x1024xf32, #tpu.memory_space<vmem>> -> memref<1x64xf32, #tpu.memory_space<vmem>>
      %dma_wait3A_541 = tpu.memref_squeeze %dma_wait3A_540 : memref<1x64xf32, #tpu.memory_space<vmem>> -> memref<64xf32, #tpu.memory_space<vmem>>
      %dma_wait3A_542 = arith.constant 2599936 : i32
      %dma_wait3A_543 = tpu.memref_slice %arg2[%dma_wait3A_531, %dma_wait3A_542] : memref<16x2600000xf32, #tpu.memory_space<hbm>> -> memref<1x64xf32, #tpu.memory_space<hbm>>
      %dma_wait3A_544 = tpu.memref_squeeze %dma_wait3A_543 : memref<1x64xf32, #tpu.memory_space<hbm>> -> memref<64xf32, #tpu.memory_space<hbm>>
      tpu.wait_dma2 semaphore(%arg8 : memref<!tpu.dma_semaphore, #tpu.memory_space<semaphore_mem>>) src(%dma_wait3A_544 : memref<64xf32, #tpu.memory_space<hbm>>) dst(%dma_wait3A_541 : memref<64xf32, #tpu.memory_space<vmem>>)
      %dma_wait3A_545 = arith.constant 11 : i32
      %dma_wait3A_546 = arith.constant 11 : i32
      %dma_wait3A_547 = arith.constant 0 : i32
      %dma_wait3A_548 = tpu.memref_slice %arg4[%dma_wait3A_546, %dma_wait3A_547] : memref<16x1024xf32, #tpu.memory_space<vmem>> -> memref<1x64xf32, #tpu.memory_space<vmem>>
      %dma_wait3A_549 = tpu.memref_squeeze %dma_wait3A_548 : memref<1x64xf32, #tpu.memory_space<vmem>> -> memref<64xf32, #tpu.memory_space<vmem>>
      %dma_wait3A_550 = arith.constant 2599936 : i32
      %dma_wait3A_551 = tpu.memref_slice %arg2[%dma_wait3A_545, %dma_wait3A_550] : memref<16x2600000xf32, #tpu.memory_space<hbm>> -> memref<1x64xf32, #tpu.memory_space<hbm>>
      %dma_wait3A_552 = tpu.memref_squeeze %dma_wait3A_551 : memref<1x64xf32, #tpu.memory_space<hbm>> -> memref<64xf32, #tpu.memory_space<hbm>>
      %dma_wait3A_553 = arith.constant 0 : i32
      %dma_wait3A_554 = tpu.memref_slice %arg4[%dma_wait3A_546, %dma_wait3A_553] : memref<16x1024xf32, #tpu.memory_space<vmem>> -> memref<1x64xf32, #tpu.memory_space<vmem>>
      %dma_wait3A_555 = tpu.memref_squeeze %dma_wait3A_554 : memref<1x64xf32, #tpu.memory_space<vmem>> -> memref<64xf32, #tpu.memory_space<vmem>>
      %dma_wait3A_556 = arith.constant 2599936 : i32
      %dma_wait3A_557 = tpu.memref_slice %arg2[%dma_wait3A_545, %dma_wait3A_556] : memref<16x2600000xf32, #tpu.memory_space<hbm>> -> memref<1x64xf32, #tpu.memory_space<hbm>>
      %dma_wait3A_558 = tpu.memref_squeeze %dma_wait3A_557 : memref<1x64xf32, #tpu.memory_space<hbm>> -> memref<64xf32, #tpu.memory_space<hbm>>
      tpu.wait_dma2 semaphore(%arg8 : memref<!tpu.dma_semaphore, #tpu.memory_space<semaphore_mem>>) src(%dma_wait3A_558 : memref<64xf32, #tpu.memory_space<hbm>>) dst(%dma_wait3A_555 : memref<64xf32, #tpu.memory_space<vmem>>)
      %dma_wait3A_559 = arith.constant 12 : i32
      %dma_wait3A_560 = arith.constant 12 : i32
      %dma_wait3A_561 = arith.constant 0 : i32
      %dma_wait3A_562 = tpu.memref_slice %arg4[%dma_wait3A_560, %dma_wait3A_561] : memref<16x1024xf32, #tpu.memory_space<vmem>> -> memref<1x64xf32, #tpu.memory_space<vmem>>
      %dma_wait3A_563 = tpu.memref_squeeze %dma_wait3A_562 : memref<1x64xf32, #tpu.memory_space<vmem>> -> memref<64xf32, #tpu.memory_space<vmem>>
      %dma_wait3A_564 = arith.constant 2599936 : i32
      %dma_wait3A_565 = tpu.memref_slice %arg2[%dma_wait3A_559, %dma_wait3A_564] : memref<16x2600000xf32, #tpu.memory_space<hbm>> -> memref<1x64xf32, #tpu.memory_space<hbm>>
      %dma_wait3A_566 = tpu.memref_squeeze %dma_wait3A_565 : memref<1x64xf32, #tpu.memory_space<hbm>> -> memref<64xf32, #tpu.memory_space<hbm>>
      %dma_wait3A_567 = arith.constant 0 : i32
      %dma_wait3A_568 = tpu.memref_slice %arg4[%dma_wait3A_560, %dma_wait3A_567] : memref<16x1024xf32, #tpu.memory_space<vmem>> -> memref<1x64xf32, #tpu.memory_space<vmem>>
      %dma_wait3A_569 = tpu.memref_squeeze %dma_wait3A_568 : memref<1x64xf32, #tpu.memory_space<vmem>> -> memref<64xf32, #tpu.memory_space<vmem>>
      %dma_wait3A_570 = arith.constant 2599936 : i32
      %dma_wait3A_571 = tpu.memref_slice %arg2[%dma_wait3A_559, %dma_wait3A_570] : memref<16x2600000xf32, #tpu.memory_space<hbm>> -> memref<1x64xf32, #tpu.memory_space<hbm>>
      %dma_wait3A_572 = tpu.memref_squeeze %dma_wait3A_571 : memref<1x64xf32, #tpu.memory_space<hbm>> -> memref<64xf32, #tpu.memory_space<hbm>>
      tpu.wait_dma2 semaphore(%arg8 : memref<!tpu.dma_semaphore, #tpu.memory_space<semaphore_mem>>) src(%dma_wait3A_572 : memref<64xf32, #tpu.memory_space<hbm>>) dst(%dma_wait3A_569 : memref<64xf32, #tpu.memory_space<vmem>>)
      %dma_wait3A_573 = arith.constant 13 : i32
      %dma_wait3A_574 = arith.constant 13 : i32
      %dma_wait3A_575 = arith.constant 0 : i32
      %dma_wait3A_576 = tpu.memref_slice %arg4[%dma_wait3A_574, %dma_wait3A_575] : memref<16x1024xf32, #tpu.memory_space<vmem>> -> memref<1x64xf32, #tpu.memory_space<vmem>>
      %dma_wait3A_577 = tpu.memref_squeeze %dma_wait3A_576 : memref<1x64xf32, #tpu.memory_space<vmem>> -> memref<64xf32, #tpu.memory_space<vmem>>
      %dma_wait3A_578 = arith.constant 2599936 : i32
      %dma_wait3A_579 = tpu.memref_slice %arg2[%dma_wait3A_573, %dma_wait3A_578] : memref<16x2600000xf32, #tpu.memory_space<hbm>> -> memref<1x64xf32, #tpu.memory_space<hbm>>
      %dma_wait3A_580 = tpu.memref_squeeze %dma_wait3A_579 : memref<1x64xf32, #tpu.memory_space<hbm>> -> memref<64xf32, #tpu.memory_space<hbm>>
      %dma_wait3A_581 = arith.constant 0 : i32
      %dma_wait3A_582 = tpu.memref_slice %arg4[%dma_wait3A_574, %dma_wait3A_581] : memref<16x1024xf32, #tpu.memory_space<vmem>> -> memref<1x64xf32, #tpu.memory_space<vmem>>
      %dma_wait3A_583 = tpu.memref_squeeze %dma_wait3A_582 : memref<1x64xf32, #tpu.memory_space<vmem>> -> memref<64xf32, #tpu.memory_space<vmem>>
      %dma_wait3A_584 = arith.constant 2599936 : i32
      %dma_wait3A_585 = tpu.memref_slice %arg2[%dma_wait3A_573, %dma_wait3A_584] : memref<16x2600000xf32, #tpu.memory_space<hbm>> -> memref<1x64xf32, #tpu.memory_space<hbm>>
      %dma_wait3A_586 = tpu.memref_squeeze %dma_wait3A_585 : memref<1x64xf32, #tpu.memory_space<hbm>> -> memref<64xf32, #tpu.memory_space<hbm>>
      tpu.wait_dma2 semaphore(%arg8 : memref<!tpu.dma_semaphore, #tpu.memory_space<semaphore_mem>>) src(%dma_wait3A_586 : memref<64xf32, #tpu.memory_space<hbm>>) dst(%dma_wait3A_583 : memref<64xf32, #tpu.memory_space<vmem>>)
      %dma_wait3A_587 = arith.constant 14 : i32
      %dma_wait3A_588 = arith.constant 14 : i32
      %dma_wait3A_589 = arith.constant 0 : i32
      %dma_wait3A_590 = tpu.memref_slice %arg4[%dma_wait3A_588, %dma_wait3A_589] : memref<16x1024xf32, #tpu.memory_space<vmem>> -> memref<1x64xf32, #tpu.memory_space<vmem>>
      %dma_wait3A_591 = tpu.memref_squeeze %dma_wait3A_590 : memref<1x64xf32, #tpu.memory_space<vmem>> -> memref<64xf32, #tpu.memory_space<vmem>>
      %dma_wait3A_592 = arith.constant 2599936 : i32
      %dma_wait3A_593 = tpu.memref_slice %arg2[%dma_wait3A_587, %dma_wait3A_592] : memref<16x2600000xf32, #tpu.memory_space<hbm>> -> memref<1x64xf32, #tpu.memory_space<hbm>>
      %dma_wait3A_594 = tpu.memref_squeeze %dma_wait3A_593 : memref<1x64xf32, #tpu.memory_space<hbm>> -> memref<64xf32, #tpu.memory_space<hbm>>
      %dma_wait3A_595 = arith.constant 0 : i32
      %dma_wait3A_596 = tpu.memref_slice %arg4[%dma_wait3A_588, %dma_wait3A_595] : memref<16x1024xf32, #tpu.memory_space<vmem>> -> memref<1x64xf32, #tpu.memory_space<vmem>>
      %dma_wait3A_597 = tpu.memref_squeeze %dma_wait3A_596 : memref<1x64xf32, #tpu.memory_space<vmem>> -> memref<64xf32, #tpu.memory_space<vmem>>
      %dma_wait3A_598 = arith.constant 2599936 : i32
      %dma_wait3A_599 = tpu.memref_slice %arg2[%dma_wait3A_587, %dma_wait3A_598] : memref<16x2600000xf32, #tpu.memory_space<hbm>> -> memref<1x64xf32, #tpu.memory_space<hbm>>
      %dma_wait3A_600 = tpu.memref_squeeze %dma_wait3A_599 : memref<1x64xf32, #tpu.memory_space<hbm>> -> memref<64xf32, #tpu.memory_space<hbm>>
      tpu.wait_dma2 semaphore(%arg8 : memref<!tpu.dma_semaphore, #tpu.memory_space<semaphore_mem>>) src(%dma_wait3A_600 : memref<64xf32, #tpu.memory_space<hbm>>) dst(%dma_wait3A_597 : memref<64xf32, #tpu.memory_space<vmem>>)
      %dma_wait3A_601 = arith.constant 15 : i32
      %dma_wait3A_602 = arith.constant 15 : i32
      %dma_wait3A_603 = arith.constant 0 : i32
      %dma_wait3A_604 = tpu.memref_slice %arg4[%dma_wait3A_602, %dma_wait3A_603] : memref<16x1024xf32, #tpu.memory_space<vmem>> -> memref<1x64xf32, #tpu.memory_space<vmem>>
      %dma_wait3A_605 = tpu.memref_squeeze %dma_wait3A_604 : memref<1x64xf32, #tpu.memory_space<vmem>> -> memref<64xf32, #tpu.memory_space<vmem>>
      %dma_wait3A_606 = arith.constant 2599936 : i32
      %dma_wait3A_607 = tpu.memref_slice %arg2[%dma_wait3A_601, %dma_wait3A_606] : memref<16x2600000xf32, #tpu.memory_space<hbm>> -> memref<1x64xf32, #tpu.memory_space<hbm>>
      %dma_wait3A_608 = tpu.memref_squeeze %dma_wait3A_607 : memref<1x64xf32, #tpu.memory_space<hbm>> -> memref<64xf32, #tpu.memory_space<hbm>>
      %dma_wait3A_609 = arith.constant 0 : i32
      %dma_wait3A_610 = tpu.memref_slice %arg4[%dma_wait3A_602, %dma_wait3A_609] : memref<16x1024xf32, #tpu.memory_space<vmem>> -> memref<1x64xf32, #tpu.memory_space<vmem>>
      %dma_wait3A_611 = tpu.memref_squeeze %dma_wait3A_610 : memref<1x64xf32, #tpu.memory_space<vmem>> -> memref<64xf32, #tpu.memory_space<vmem>>
      %dma_wait3A_612 = arith.constant 2599936 : i32
      %dma_wait3A_613 = tpu.memref_slice %arg2[%dma_wait3A_601, %dma_wait3A_612] : memref<16x2600000xf32, #tpu.memory_space<hbm>> -> memref<1x64xf32, #tpu.memory_space<hbm>>
      %dma_wait3A_614 = tpu.memref_squeeze %dma_wait3A_613 : memref<1x64xf32, #tpu.memory_space<hbm>> -> memref<64xf32, #tpu.memory_space<hbm>>
      tpu.wait_dma2 semaphore(%arg8 : memref<!tpu.dma_semaphore, #tpu.memory_space<semaphore_mem>>) src(%dma_wait3A_614 : memref<64xf32, #tpu.memory_space<hbm>>) dst(%dma_wait3A_611 : memref<64xf32, #tpu.memory_space<vmem>>)
      %scan3A = arith.constant 0 : i32
      %scan3A_615 = arith.constant 0 : i32
      %scan3A_616 = arith.constant 4 : i32
      %scan3A_617 = arith.addi %scan3A_615, %scan3A_616 : i32
      %scan3A_618 = arith.constant 1 : i32
      %scan3A_619 = scf.for %scan3A_637 = %scan3A_615 to %scan3A_617 step %scan3A_618 iter_args(%scan3A_638 = %scan3A) -> (i32)  : i32 {
        %mul3A_639 = arith.constant 256 : i32
        %mul3A_640 = arith.muli %scan3A_637, %mul3A_639 : i32
        %mul3A_641 = arith.constant 16 : i32
        %mul3A_642 = arith.muli %scan3A_637, %mul3A_641 : i32
        %get3A = arith.constant 0 : i32
        %get3A_643 = arith.index_cast %get3A : i32 to index
        %get3A_644 = arith.index_cast %mul3A_642 : i32 to index
        %get3A_645 = tpu.vector_load %arg4[%get3A_643, %get3A_644] {strides = array<i32>} : memref<16x1024xf32, #tpu.memory_space<vmem>>, vector<16xf32>,
        %add3A_646 = vector.broadcast %mul3A_640 : i32 to vector<16xi32>
        %add3A_647 = arith.addi %add3A_6, %add3A_646 : vector<16xi32>
        tpu.vector_store_idx %arg6[%add3A_647], %get3A_645 : memref<16384xf32, #tpu.memory_space<vmem>>[vector<16xi32>], vector<16xf32>,
        %mul3A_648 = arith.constant 16 : i32
        %mul3A_649 = arith.muli %scan3A_637, %mul3A_648 : i32
        %get3A_650 = arith.constant 1 : i32
        %get3A_651 = arith.index_cast %get3A_650 : i32 to index
        %get3A_652 = arith.index_cast %mul3A_649 : i32 to index
        %get3A_653 = tpu.vector_load %arg4[%get3A_651, %get3A_652] {strides = array<i32>} : memref<16x1024xf32, #tpu.memory_space<vmem>>, vector<16xf32>,
        %add3A_654 = vector.broadcast %mul3A_640 : i32 to vector<16xi32>
        %add3A_655 = arith.addi %add3A_12, %add3A_654 : vector<16xi32>
        tpu.vector_store_idx %arg6[%add3A_655], %get3A_653 : memref<16384xf32, #tpu.memory_space<vmem>>[vector<16xi32>], vector<16xf32>,
        %mul3A_656 = arith.constant 16 : i32
        %mul3A_657 = arith.muli %scan3A_637, %mul3A_656 : i32
        %get3A_658 = arith.constant 2 : i32
        %get3A_659 = arith.index_cast %get3A_658 : i32 to index
        %get3A_660 = arith.index_cast %mul3A_657 : i32 to index
        %get3A_661 = tpu.vector_load %arg4[%get3A_659, %get3A_660] {strides = array<i32>} : memref<16x1024xf32, #tpu.memory_space<vmem>>, vector<16xf32>,
        %add3A_662 = vector.broadcast %mul3A_640 : i32 to vector<16xi32>
        %add3A_663 = arith.addi %add3A_18, %add3A_662 : vector<16xi32>
        tpu.vector_store_idx %arg6[%add3A_663], %get3A_661 : memref<16384xf32, #tpu.memory_space<vmem>>[vector<16xi32>], vector<16xf32>,
        %mul3A_664 = arith.constant 16 : i32
        %mul3A_665 = arith.muli %scan3A_637, %mul3A_664 : i32
        %get3A_666 = arith.constant 3 : i32
        %get3A_667 = arith.index_cast %get3A_666 : i32 to index
        %get3A_668 = arith.index_cast %mul3A_665 : i32 to index
        %get3A_669 = tpu.vector_load %arg4[%get3A_667, %get3A_668] {strides = array<i32>} : memref<16x1024xf32, #tpu.memory_space<vmem>>, vector<16xf32>,
        %add3A_670 = vector.broadcast %mul3A_640 : i32 to vector<16xi32>
        %add3A_671 = arith.addi %add3A_24, %add3A_670 : vector<16xi32>
        tpu.vector_store_idx %arg6[%add3A_671], %get3A_669 : memref<16384xf32, #tpu.memory_space<vmem>>[vector<16xi32>], vector<16xf32>,
        %mul3A_672 = arith.constant 16 : i32
        %mul3A_673 = arith.muli %scan3A_637, %mul3A_672 : i32
        %get3A_674 = arith.constant 4 : i32
        %get3A_675 = arith.index_cast %get3A_674 : i32 to index
        %get3A_676 = arith.index_cast %mul3A_673 : i32 to index
        %get3A_677 = tpu.vector_load %arg4[%get3A_675, %get3A_676] {strides = array<i32>} : memref<16x1024xf32, #tpu.memory_space<vmem>>, vector<16xf32>,
        %add3A_678 = vector.broadcast %mul3A_640 : i32 to vector<16xi32>
        %add3A_679 = arith.addi %add3A_30, %add3A_678 : vector<16xi32>
        tpu.vector_store_idx %arg6[%add3A_679], %get3A_677 : memref<16384xf32, #tpu.memory_space<vmem>>[vector<16xi32>], vector<16xf32>,
        %mul3A_680 = arith.constant 16 : i32
        %mul3A_681 = arith.muli %scan3A_637, %mul3A_680 : i32
        %get3A_682 = arith.constant 5 : i32
        %get3A_683 = arith.index_cast %get3A_682 : i32 to index
        %get3A_684 = arith.index_cast %mul3A_681 : i32 to index
        %get3A_685 = tpu.vector_load %arg4[%get3A_683, %get3A_684] {strides = array<i32>} : memref<16x1024xf32, #tpu.memory_space<vmem>>, vector<16xf32>,
        %add3A_686 = vector.broadcast %mul3A_640 : i32 to vector<16xi32>
        %add3A_687 = arith.addi %add3A_36, %add3A_686 : vector<16xi32>
        tpu.vector_store_idx %arg6[%add3A_687], %get3A_685 : memref<16384xf32, #tpu.memory_space<vmem>>[vector<16xi32>], vector<16xf32>,
        %mul3A_688 = arith.constant 16 : i32
        %mul3A_689 = arith.muli %scan3A_637, %mul3A_688 : i32
        %get3A_690 = arith.constant 6 : i32
        %get3A_691 = arith.index_cast %get3A_690 : i32 to index
        %get3A_692 = arith.index_cast %mul3A_689 : i32 to index
        %get3A_693 = tpu.vector_load %arg4[%get3A_691, %get3A_692] {strides = array<i32>} : memref<16x1024xf32, #tpu.memory_space<vmem>>, vector<16xf32>,
        %add3A_694 = vector.broadcast %mul3A_640 : i32 to vector<16xi32>
        %add3A_695 = arith.addi %add3A_42, %add3A_694 : vector<16xi32>
        tpu.vector_store_idx %arg6[%add3A_695], %get3A_693 : memref<16384xf32, #tpu.memory_space<vmem>>[vector<16xi32>], vector<16xf32>,
        %mul3A_696 = arith.constant 16 : i32
        %mul3A_697 = arith.muli %scan3A_637, %mul3A_696 : i32
        %get3A_698 = arith.constant 7 : i32
        %get3A_699 = arith.index_cast %get3A_698 : i32 to index
        %get3A_700 = arith.index_cast %mul3A_697 : i32 to index
        %get3A_701 = tpu.vector_load %arg4[%get3A_699, %get3A_700] {strides = array<i32>} : memref<16x1024xf32, #tpu.memory_space<vmem>>, vector<16xf32>,
        %add3A_702 = vector.broadcast %mul3A_640 : i32 to vector<16xi32>
        %add3A_703 = arith.addi %add3A_48, %add3A_702 : vector<16xi32>
        tpu.vector_store_idx %arg6[%add3A_703], %get3A_701 : memref<16384xf32, #tpu.memory_space<vmem>>[vector<16xi32>], vector<16xf32>,
        %mul3A_704 = arith.constant 16 : i32
        %mul3A_705 = arith.muli %scan3A_637, %mul3A_704 : i32
        %get3A_706 = arith.constant 8 : i32
        %get3A_707 = arith.index_cast %get3A_706 : i32 to index
        %get3A_708 = arith.index_cast %mul3A_705 : i32 to index
        %get3A_709 = tpu.vector_load %arg4[%get3A_707, %get3A_708] {strides = array<i32>} : memref<16x1024xf32, #tpu.memory_space<vmem>>, vector<16xf32>,
        %add3A_710 = vector.broadcast %mul3A_640 : i32 to vector<16xi32>
        %add3A_711 = arith.addi %add3A_54, %add3A_710 : vector<16xi32>
        tpu.vector_store_idx %arg6[%add3A_711], %get3A_709 : memref<16384xf32, #tpu.memory_space<vmem>>[vector<16xi32>], vector<16xf32>,
        %mul3A_712 = arith.constant 16 : i32
        %mul3A_713 = arith.muli %scan3A_637, %mul3A_712 : i32
        %get3A_714 = arith.constant 9 : i32
        %get3A_715 = arith.index_cast %get3A_714 : i32 to index
        %get3A_716 = arith.index_cast %mul3A_713 : i32 to index
        %get3A_717 = tpu.vector_load %arg4[%get3A_715, %get3A_716] {strides = array<i32>} : memref<16x1024xf32, #tpu.memory_space<vmem>>, vector<16xf32>,
        %add3A_718 = vector.broadcast %mul3A_640 : i32 to vector<16xi32>
        %add3A_719 = arith.addi %add3A_60, %add3A_718 : vector<16xi32>
        tpu.vector_store_idx %arg6[%add3A_719], %get3A_717 : memref<16384xf32, #tpu.memory_space<vmem>>[vector<16xi32>], vector<16xf32>,
        %mul3A_720 = arith.constant 16 : i32
        %mul3A_721 = arith.muli %scan3A_637, %mul3A_720 : i32
        %get3A_722 = arith.constant 10 : i32
        %get3A_723 = arith.index_cast %get3A_722 : i32 to index
        %get3A_724 = arith.index_cast %mul3A_721 : i32 to index
        %get3A_725 = tpu.vector_load %arg4[%get3A_723, %get3A_724] {strides = array<i32>} : memref<16x1024xf32, #tpu.memory_space<vmem>>, vector<16xf32>,
        %add3A_726 = vector.broadcast %mul3A_640 : i32 to vector<16xi32>
        %add3A_727 = arith.addi %add3A_66, %add3A_726 : vector<16xi32>
        tpu.vector_store_idx %arg6[%add3A_727], %get3A_725 : memref<16384xf32, #tpu.memory_space<vmem>>[vector<16xi32>], vector<16xf32>,
        %mul3A_728 = arith.constant 16 : i32
        %mul3A_729 = arith.muli %scan3A_637, %mul3A_728 : i32
        %get3A_730 = arith.constant 11 : i32
        %get3A_731 = arith.index_cast %get3A_730 : i32 to index
        %get3A_732 = arith.index_cast %mul3A_729 : i32 to index
        %get3A_733 = tpu.vector_load %arg4[%get3A_731, %get3A_732] {strides = array<i32>} : memref<16x1024xf32, #tpu.memory_space<vmem>>, vector<16xf32>,
        %add3A_734 = vector.broadcast %mul3A_640 : i32 to vector<16xi32>
        %add3A_735 = arith.addi %add3A_72, %add3A_734 : vector<16xi32>
        tpu.vector_store_idx %arg6[%add3A_735], %get3A_733 : memref<16384xf32, #tpu.memory_space<vmem>>[vector<16xi32>], vector<16xf32>,
        %mul3A_736 = arith.constant 16 : i32
        %mul3A_737 = arith.muli %scan3A_637, %mul3A_736 : i32
        %get3A_738 = arith.constant 12 : i32
        %get3A_739 = arith.index_cast %get3A_738 : i32 to index
        %get3A_740 = arith.index_cast %mul3A_737 : i32 to index
        %get3A_741 = tpu.vector_load %arg4[%get3A_739, %get3A_740] {strides = array<i32>} : memref<16x1024xf32, #tpu.memory_space<vmem>>, vector<16xf32>,
        %add3A_742 = vector.broadcast %mul3A_640 : i32 to vector<16xi32>
        %add3A_743 = arith.addi %add3A_78, %add3A_742 : vector<16xi32>
        tpu.vector_store_idx %arg6[%add3A_743], %get3A_741 : memref<16384xf32, #tpu.memory_space<vmem>>[vector<16xi32>], vector<16xf32>,
        %mul3A_744 = arith.constant 16 : i32
        %mul3A_745 = arith.muli %scan3A_637, %mul3A_744 : i32
        %get3A_746 = arith.constant 13 : i32
        %get3A_747 = arith.index_cast %get3A_746 : i32 to index
        %get3A_748 = arith.index_cast %mul3A_745 : i32 to index
        %get3A_749 = tpu.vector_load %arg4[%get3A_747, %get3A_748] {strides = array<i32>} : memref<16x1024xf32, #tpu.memory_space<vmem>>, vector<16xf32>,
        %add3A_750 = vector.broadcast %mul3A_640 : i32 to vector<16xi32>
        %add3A_751 = arith.addi %add3A_84, %add3A_750 : vector<16xi32>
        tpu.vector_store_idx %arg6[%add3A_751], %get3A_749 : memref<16384xf32, #tpu.memory_space<vmem>>[vector<16xi32>], vector<16xf32>,
        %mul3A_752 = arith.constant 16 : i32
        %mul3A_753 = arith.muli %scan3A_637, %mul3A_752 : i32
        %get3A_754 = arith.constant 14 : i32
        %get3A_755 = arith.index_cast %get3A_754 : i32 to index
        %get3A_756 = arith.index_cast %mul3A_753 : i32 to index
        %get3A_757 = tpu.vector_load %arg4[%get3A_755, %get3A_756] {strides = array<i32>} : memref<16x1024xf32, #tpu.memory_space<vmem>>, vector<16xf32>,
        %add3A_758 = vector.broadcast %mul3A_640 : i32 to vector<16xi32>
        %add3A_759 = arith.addi %add3A_90, %add3A_758 : vector<16xi32>
        tpu.vector_store_idx %arg6[%add3A_759], %get3A_757 : memref<16384xf32, #tpu.memory_space<vmem>>[vector<16xi32>], vector<16xf32>,
        %mul3A_760 = arith.constant 16 : i32
        %mul3A_761 = arith.muli %scan3A_637, %mul3A_760 : i32
        %get3A_762 = arith.constant 15 : i32
        %get3A_763 = arith.index_cast %get3A_762 : i32 to index
        %get3A_764 = arith.index_cast %mul3A_761 : i32 to index
        %get3A_765 = tpu.vector_load %arg4[%get3A_763, %get3A_764] {strides = array<i32>} : memref<16x1024xf32, #tpu.memory_space<vmem>>, vector<16xf32>,
        %add3A_766 = vector.broadcast %mul3A_640 : i32 to vector<16xi32>
        %add3A_767 = arith.addi %add3A_96, %add3A_766 : vector<16xi32>
        tpu.vector_store_idx %arg6[%add3A_767], %get3A_765 : memref<16384xf32, #tpu.memory_space<vmem>>[vector<16xi32>], vector<16xf32>,
        %scan3A_768 = arith.constant 0 : i32
        scf.yield %scan3A_768 : i32
      }
      %scan3A_620 = arith.constant 4 : i32
      %dma_start3A_621 = arith.constant 0 : i32
      %dma_start3A_622 = tpu.memref_slice %arg6[%dma_start3A_621] : memref<16384xf32, #tpu.memory_space<vmem>> -> memref<1024xf32, #tpu.memory_space<vmem>>
      %dma_start3A_623 = arith.constant 41598976 : i32
      %dma_start3A_624 = tpu.memref_slice %arg3[%dma_start3A_623] : memref<41600000xf32, #tpu.memory_space<hbm>> -> memref<1024xf32, #tpu.memory_space<hbm>>
      %dma_start3A_625 = arith.constant 41598976 : i32
      %dma_start3A_626 = tpu.memref_slice %arg3[%dma_start3A_625] : memref<41600000xf32, #tpu.memory_space<hbm>> -> memref<1024xf32, #tpu.memory_space<hbm>>
      %dma_start3A_627 = arith.constant 0 : i32
      %dma_start3A_628 = tpu.memref_slice %arg6[%dma_start3A_627] : memref<16384xf32, #tpu.memory_space<vmem>> -> memref<1024xf32, #tpu.memory_space<vmem>>
      tpu.enqueue_dma source(%dma_start3A_628 : memref<1024xf32, #tpu.memory_space<vmem>>) target(%dma_start3A_626 : memref<1024xf32, #tpu.memory_space<hbm>>) target_semaphore(%arg10 : memref<!tpu.dma_semaphore, #tpu.memory_space<semaphore_mem>>)
      %dma_wait3A_629 = arith.constant 0 : i32
      %dma_wait3A_630 = tpu.memref_slice %arg6[%dma_wait3A_629] : memref<16384xf32, #tpu.memory_space<vmem>> -> memref<1024xf32, #tpu.memory_space<vmem>>
      %dma_wait3A_631 = arith.constant 41598976 : i32
      %dma_wait3A_632 = tpu.memref_slice %arg3[%dma_wait3A_631] : memref<41600000xf32, #tpu.memory_space<hbm>> -> memref<1024xf32, #tpu.memory_space<hbm>>
      %dma_wait3A_633 = arith.constant 41598976 : i32
      %dma_wait3A_634 = tpu.memref_slice %arg3[%dma_wait3A_633] : memref<41600000xf32, #tpu.memory_space<hbm>> -> memref<1024xf32, #tpu.memory_space<hbm>>
      %dma_wait3A_635 = arith.constant 0 : i32
      %dma_wait3A_636 = tpu.memref_slice %arg6[%dma_wait3A_635] : memref<16384xf32, #tpu.memory_space<vmem>> -> memref<1024xf32, #tpu.memory_space<vmem>>
      tpu.wait_dma2 semaphore(%arg10 : memref<!tpu.dma_semaphore, #tpu.memory_space<semaphore_mem>>) src(%dma_wait3A_636 : memref<1024xf32, #tpu.memory_space<vmem>>) dst(%dma_wait3A_634 : memref<1024xf32, #tpu.memory_space<hbm>>)
    } else {
    }
    return
  }
}

#map = affine_map<(d0, d1) -> (0)>
#map1 = affine_map<(d0, d1) -> (0, 0)>
module attributes {stable_mosaic.version = 14 : i64} {
  func.func @_fm_body(%arg0: i32, %arg1: i32, %arg2: memref<425984xi32, #tpu.memory_space<hbm>>, %arg3: memref<2600000x16xf32, #tpu.memory_space<hbm>>, %arg4: memref<2600000xf32, #tpu.memory_space<hbm>>, %arg5: memref<16xf32, #tpu.memory_space<hbm>>, %arg6: memref<16384xf32, #tpu.memory_space<hbm>>, %arg7: memref<432xi32, #tpu.memory_space<vmem>>, %arg8: memref<432xi32, #tpu.memory_space<vmem>>, %arg9: memref<416x16xf32, #tpu.memory_space<vmem>>, %arg10: memref<416x16xf32, #tpu.memory_space<vmem>>, %arg11: memref<432xf32, #tpu.memory_space<vmem>>, %arg12: memref<432xf32, #tpu.memory_space<vmem>>, %arg13: memref<16xf32, #tpu.memory_space<vmem>>, %arg14: memref<16xf32, #tpu.memory_space<vmem>>, %arg15: memref<!tpu.dma_semaphore, #tpu.memory_space<semaphore_mem>>, %arg16: memref<!tpu.dma_semaphore, #tpu.memory_space<semaphore_mem>>, %arg17: memref<!tpu.dma_semaphore, #tpu.memory_space<semaphore_mem>>, %arg18: memref<!tpu.dma_semaphore, #tpu.memory_space<semaphore_mem>>) attributes {dimension_semantics = [#tpu.dimension_semantics<core_parallel>, #tpu.dimension_semantics<subcore_parallel>], iteration_bounds = array<i64: 2, 16>, scalar_prefetch = 0 : i64, scratch_operands = 12 : i64, tpu.core_type = #tpu.core_type<sc_vector_subcore>, window_params = [{transform_indices = #map}, {transform_indices = #map1}, {transform_indices = #map}, {transform_indices = #map}, {transform_indices = #map}]} {
    %mul3A = arith.constant 2 : i32
    %mul3A_0 = arith.muli %arg1, %mul3A : i32
    %add3A = arith.addi %mul3A_0, %arg0 : i32
    "tpu.region"() ({
      %run_scoped3A = tpu.sem_alloc : memref<!tpu.dma_semaphore, #tpu.memory_space<semaphore_mem>>
      tpu.enqueue_dma source(%arg5 : memref<16xf32, #tpu.memory_space<hbm>>) target(%arg14 : memref<16xf32, #tpu.memory_space<vmem>>) target_semaphore(%run_scoped3A : memref<!tpu.dma_semaphore, #tpu.memory_space<semaphore_mem>>)
      tpu.wait_dma2 semaphore(%run_scoped3A : memref<!tpu.dma_semaphore, #tpu.memory_space<semaphore_mem>>) src(%arg5 : memref<16xf32, #tpu.memory_space<hbm>>) dst(%arg14 : memref<16xf32, #tpu.memory_space<vmem>>)
      tpu.yield
    }) : () -> ()
    %get3A = arith.constant 0 : index
    %get3A_1 = tpu.vector_load %arg14[%get3A] {strides = array<i32>} : memref<16xf32, #tpu.memory_space<vmem>>, vector<16xf32>,
    %slice3A = vector.extract_strided_slice %get3A_1 {offsets = [0], sizes = [1], strides = [1]} : vector<16xf32> to vector<1xf32>
    %squeeze3A = vector.extract %slice3A[0] : f32 from vector<1xf32>
    %iota3A = tpu.iota {dimensions = array<i32: 0>} : vector<16xi32>
    %lt3A = arith.constant 10 : i32
    %lt3A_2 = vector.broadcast %lt3A : i32 to vector<16xi32>
    %lt3A_3 = arith.cmpi slt, %iota3A, %lt3A_2 : vector<16xi32>
    %mul3A_4 = arith.constant 13312 : i32
    %mul3A_5 = arith.muli %add3A, %mul3A_4 : i32
    %add3A_6 = arith.constant 0 : i32
    %add3A_7 = arith.addi %mul3A_5, %add3A_6 : i32
    "tpu.region"() ({
      %run_scoped3A = tpu.sem_alloc : memref<!tpu.dma_semaphore, #tpu.memory_space<semaphore_mem>>
      %dma_start3A_24 = arith.constant 0 : i32
      %dma_start3A_25 = tpu.memref_slice %arg7[%dma_start3A_24] : memref<432xi32, #tpu.memory_space<vmem>> -> memref<416xi32, #tpu.memory_space<vmem>>
      %dma_start3A_26 = tpu.memref_slice %arg2[%add3A_7] : memref<425984xi32, #tpu.memory_space<hbm>> -> memref<416xi32, #tpu.memory_space<hbm>>
      %dma_start3A_27 = arith.constant 0 : i32
      %dma_start3A_28 = tpu.memref_slice %arg7[%dma_start3A_27] : memref<432xi32, #tpu.memory_space<vmem>> -> memref<416xi32, #tpu.memory_space<vmem>>
      %dma_start3A_29 = tpu.memref_slice %arg2[%add3A_7] : memref<425984xi32, #tpu.memory_space<hbm>> -> memref<416xi32, #tpu.memory_space<hbm>>
      tpu.enqueue_dma source(%dma_start3A_29 : memref<416xi32, #tpu.memory_space<hbm>>) target(%dma_start3A_28 : memref<416xi32, #tpu.memory_space<vmem>>) target_semaphore(%run_scoped3A : memref<!tpu.dma_semaphore, #tpu.memory_space<semaphore_mem>>)
      %dma_wait3A = arith.constant 0 : i32
      %dma_wait3A_30 = tpu.memref_slice %arg7[%dma_wait3A] : memref<432xi32, #tpu.memory_space<vmem>> -> memref<416xi32, #tpu.memory_space<vmem>>
      %dma_wait3A_31 = tpu.memref_slice %arg2[%add3A_7] : memref<425984xi32, #tpu.memory_space<hbm>> -> memref<416xi32, #tpu.memory_space<hbm>>
      %dma_wait3A_32 = arith.constant 0 : i32
      %dma_wait3A_33 = tpu.memref_slice %arg7[%dma_wait3A_32] : memref<432xi32, #tpu.memory_space<vmem>> -> memref<416xi32, #tpu.memory_space<vmem>>
      %dma_wait3A_34 = tpu.memref_slice %arg2[%add3A_7] : memref<425984xi32, #tpu.memory_space<hbm>> -> memref<416xi32, #tpu.memory_space<hbm>>
      tpu.wait_dma2 semaphore(%run_scoped3A : memref<!tpu.dma_semaphore, #tpu.memory_space<semaphore_mem>>) src(%dma_wait3A_34 : memref<416xi32, #tpu.memory_space<hbm>>) dst(%dma_wait3A_33 : memref<416xi32, #tpu.memory_space<vmem>>)
      tpu.yield
    }) : () -> ()
    %dma_start3A = arith.constant 0 : i32
    %dma_start3A_8 = tpu.memref_slice %arg7[%dma_start3A] : memref<432xi32, #tpu.memory_space<vmem>> -> memref<416xi32, #tpu.memory_space<vmem>>
    %dma_start3A_9 = arith.constant 0 : i32
    %dma_start3A_10 = arith.constant 0 : i32
    %dma_start3A_11 = tpu.memref_slice %arg3[%dma_start3A_9, %dma_start3A_10] : memref<2600000x16xf32, #tpu.memory_space<hbm>> -> memref<2600000x16xf32, #tpu.memory_space<hbm>>
    tpu.enqueue_indirect_dma source(%dma_start3A_11 : memref<2600000x16xf32, #tpu.memory_space<hbm>>) target(%arg9 : memref<416x16xf32, #tpu.memory_space<vmem>>) offsets(%dma_start3A_8 : memref<416xi32, #tpu.memory_space<vmem>>) semaphore(%arg15 : memref<!tpu.dma_semaphore, #tpu.memory_space<semaphore_mem>>)
    %dma_start3A_12 = arith.constant 0 : i32
    %dma_start3A_13 = tpu.memref_slice %arg11[%dma_start3A_12] : memref<432xf32, #tpu.memory_space<vmem>> -> memref<416xf32, #tpu.memory_space<vmem>>
    %dma_start3A_14 = arith.constant 0 : i32
    %dma_start3A_15 = tpu.memref_slice %arg7[%dma_start3A_14] : memref<432xi32, #tpu.memory_space<vmem>> -> memref<416xi32, #tpu.memory_space<vmem>>
    %dma_start3A_16 = arith.constant 0 : i32
    %dma_start3A_17 = tpu.memref_slice %arg4[%dma_start3A_16] : memref<2600000xf32, #tpu.memory_space<hbm>> -> memref<2600000xf32, #tpu.memory_space<hbm>>
    tpu.enqueue_indirect_dma source(%dma_start3A_17 : memref<2600000xf32, #tpu.memory_space<hbm>>) target(%dma_start3A_13 : memref<416xf32, #tpu.memory_space<vmem>>) offsets(%dma_start3A_15 : memref<416xi32, #tpu.memory_space<vmem>>) semaphore(%arg17 : memref<!tpu.dma_semaphore, #tpu.memory_space<semaphore_mem>>)
    %scan3A = arith.constant 0 : i32
    %scan3A_18 = arith.constant 0 : i32
    %scan3A_19 = arith.constant 16 : i32
    %scan3A_20 = arith.addi %scan3A_18, %scan3A_19 : i32
    %scan3A_21 = arith.constant 1 : i32
    %scan3A_22 = scf.for %scan3A_24 = %scan3A_18 to %scan3A_20 step %scan3A_21 iter_args(%scan3A_25 = %scan3A) -> (i32)  : i32 {
      %mul3A_26 = arith.constant 2 : i32
      %mul3A_27 = arith.muli %mul3A_26, %scan3A_24 : i32
      %add3A_28 = arith.constant 1 : i32
      %add3A_29 = arith.addi %mul3A_27, %add3A_28 : i32
      %mul3A_30 = arith.constant 13312 : i32
      %mul3A_31 = arith.muli %add3A, %mul3A_30 : i32
      %mul3A_32 = arith.constant 416 : i32
      %mul3A_33 = arith.muli %add3A_29, %mul3A_32 : i32
      %add3A_34 = arith.addi %mul3A_31, %mul3A_33 : i32
      "tpu.region"() ({
        %run_scoped3A = tpu.sem_alloc : memref<!tpu.dma_semaphore, #tpu.memory_space<semaphore_mem>>
        %dma_start3A_124 = arith.constant 0 : i32
        %dma_start3A_125 = tpu.memref_slice %arg8[%dma_start3A_124] : memref<432xi32, #tpu.memory_space<vmem>> -> memref<416xi32, #tpu.memory_space<vmem>>
        %dma_start3A_126 = tpu.memref_slice %arg2[%add3A_34] : memref<425984xi32, #tpu.memory_space<hbm>> -> memref<416xi32, #tpu.memory_space<hbm>>
        %dma_start3A_127 = arith.constant 0 : i32
        %dma_start3A_128 = tpu.memref_slice %arg8[%dma_start3A_127] : memref<432xi32, #tpu.memory_space<vmem>> -> memref<416xi32, #tpu.memory_space<vmem>>
        %dma_start3A_129 = tpu.memref_slice %arg2[%add3A_34] : memref<425984xi32, #tpu.memory_space<hbm>> -> memref<416xi32, #tpu.memory_space<hbm>>
        tpu.enqueue_dma source(%dma_start3A_129 : memref<416xi32, #tpu.memory_space<hbm>>) target(%dma_start3A_128 : memref<416xi32, #tpu.memory_space<vmem>>) target_semaphore(%run_scoped3A : memref<!tpu.dma_semaphore, #tpu.memory_space<semaphore_mem>>)
        %dma_wait3A_130 = arith.constant 0 : i32
        %dma_wait3A_131 = tpu.memref_slice %arg8[%dma_wait3A_130] : memref<432xi32, #tpu.memory_space<vmem>> -> memref<416xi32, #tpu.memory_space<vmem>>
        %dma_wait3A_132 = tpu.memref_slice %arg2[%add3A_34] : memref<425984xi32, #tpu.memory_space<hbm>> -> memref<416xi32, #tpu.memory_space<hbm>>
        %dma_wait3A_133 = arith.constant 0 : i32
        %dma_wait3A_134 = tpu.memref_slice %arg8[%dma_wait3A_133] : memref<432xi32, #tpu.memory_space<vmem>> -> memref<416xi32, #tpu.memory_space<vmem>>
        %dma_wait3A_135 = tpu.memref_slice %arg2[%add3A_34] : memref<425984xi32, #tpu.memory_space<hbm>> -> memref<416xi32, #tpu.memory_space<hbm>>
        tpu.wait_dma2 semaphore(%run_scoped3A : memref<!tpu.dma_semaphore, #tpu.memory_space<semaphore_mem>>) src(%dma_wait3A_135 : memref<416xi32, #tpu.memory_space<hbm>>) dst(%dma_wait3A_134 : memref<416xi32, #tpu.memory_space<vmem>>)
        tpu.yield
      }) : () -> ()
      %dma_start3A_35 = arith.constant 0 : i32
      %dma_start3A_36 = tpu.memref_slice %arg8[%dma_start3A_35] : memref<432xi32, #tpu.memory_space<vmem>> -> memref<416xi32, #tpu.memory_space<vmem>>
      %dma_start3A_37 = arith.constant 0 : i32
      %dma_start3A_38 = arith.constant 0 : i32
      %dma_start3A_39 = tpu.memref_slice %arg3[%dma_start3A_37, %dma_start3A_38] : memref<2600000x16xf32, #tpu.memory_space<hbm>> -> memref<2600000x16xf32, #tpu.memory_space<hbm>>
      tpu.enqueue_indirect_dma source(%dma_start3A_39 : memref<2600000x16xf32, #tpu.memory_space<hbm>>) target(%arg10 : memref<416x16xf32, #tpu.memory_space<vmem>>) offsets(%dma_start3A_36 : memref<416xi32, #tpu.memory_space<vmem>>) semaphore(%arg16 : memref<!tpu.dma_semaphore, #tpu.memory_space<semaphore_mem>>)
      %dma_start3A_40 = arith.constant 0 : i32
      %dma_start3A_41 = tpu.memref_slice %arg12[%dma_start3A_40] : memref<432xf32, #tpu.memory_space<vmem>> -> memref<416xf32, #tpu.memory_space<vmem>>
      %dma_start3A_42 = arith.constant 0 : i32
      %dma_start3A_43 = tpu.memref_slice %arg8[%dma_start3A_42] : memref<432xi32, #tpu.memory_space<vmem>> -> memref<416xi32, #tpu.memory_space<vmem>>
      %dma_start3A_44 = arith.constant 0 : i32
      %dma_start3A_45 = tpu.memref_slice %arg4[%dma_start3A_44] : memref<2600000xf32, #tpu.memory_space<hbm>> -> memref<2600000xf32, #tpu.memory_space<hbm>>
      tpu.enqueue_indirect_dma source(%dma_start3A_45 : memref<2600000xf32, #tpu.memory_space<hbm>>) target(%dma_start3A_41 : memref<416xf32, #tpu.memory_space<vmem>>) offsets(%dma_start3A_43 : memref<416xi32, #tpu.memory_space<vmem>>) semaphore(%arg18 : memref<!tpu.dma_semaphore, #tpu.memory_space<semaphore_mem>>)
      %dma_wait3A = arith.constant 0 : i32
      %dma_wait3A_46 = arith.constant 0 : i32
      %dma_wait3A_47 = tpu.memref_slice %arg3[%dma_wait3A, %dma_wait3A_46] : memref<2600000x16xf32, #tpu.memory_space<hbm>> -> memref<416x16xf32, #tpu.memory_space<hbm>>
      %dma_wait3A_48 = arith.constant 0 : i32
      %dma_wait3A_49 = arith.constant 0 : i32
      %dma_wait3A_50 = tpu.memref_slice %arg3[%dma_wait3A_48, %dma_wait3A_49] : memref<2600000x16xf32, #tpu.memory_space<hbm>> -> memref<416x16xf32, #tpu.memory_space<hbm>>
      tpu.wait_dma2 semaphore(%arg15 : memref<!tpu.dma_semaphore, #tpu.memory_space<semaphore_mem>>) src(%dma_wait3A_50 : memref<416x16xf32, #tpu.memory_space<hbm>>) dst(%arg9 : memref<416x16xf32, #tpu.memory_space<vmem>>)
      %dma_wait3A_51 = arith.constant 0 : i32
      %dma_wait3A_52 = tpu.memref_slice %arg11[%dma_wait3A_51] : memref<432xf32, #tpu.memory_space<vmem>> -> memref<416xf32, #tpu.memory_space<vmem>>
      %dma_wait3A_53 = arith.constant 0 : i32
      %dma_wait3A_54 = tpu.memref_slice %arg4[%dma_wait3A_53] : memref<2600000xf32, #tpu.memory_space<hbm>> -> memref<416xf32, #tpu.memory_space<hbm>>
      %dma_wait3A_55 = arith.constant 0 : i32
      %dma_wait3A_56 = tpu.memref_slice %arg11[%dma_wait3A_55] : memref<432xf32, #tpu.memory_space<vmem>> -> memref<416xf32, #tpu.memory_space<vmem>>
      %dma_wait3A_57 = arith.constant 0 : i32
      %dma_wait3A_58 = tpu.memref_slice %arg4[%dma_wait3A_57] : memref<2600000xf32, #tpu.memory_space<hbm>> -> memref<416xf32, #tpu.memory_space<hbm>>
      tpu.wait_dma2 semaphore(%arg17 : memref<!tpu.dma_semaphore, #tpu.memory_space<semaphore_mem>>) src(%dma_wait3A_58 : memref<416xf32, #tpu.memory_space<hbm>>) dst(%dma_wait3A_56 : memref<416xf32, #tpu.memory_space<vmem>>)
      %broadcast_in_dim3A = arith.constant 0.000000e+00 : f32
      %broadcast_in_dim3A_59 = vector.broadcast %broadcast_in_dim3A : f32 to vector<16xf32>
      %scan3A_60 = arith.constant 0 : i32
      %scan3A_61 = arith.constant 16 : i32
      %scan3A_62 = arith.addi %scan3A_60, %scan3A_61 : i32
      %scan3A_63 = arith.constant 1 : i32
      %scan3A_64 = scf.for %scan3A_124 = %scan3A_60 to %scan3A_62 step %scan3A_63 iter_args(%scan3A_125 = %broadcast_in_dim3A_59) -> (vector<16xf32>)  : i32 {
        %mul3A_126 = arith.constant 26 : i32
        %mul3A_127 = arith.muli %scan3A_124, %mul3A_126 : i32
        %get3A_128 = arith.index_cast %mul3A_127 : i32 to index
        %get3A_129 = arith.constant 0 : index
        %get3A_130 = tpu.vector_load %arg9[%get3A_128, %get3A_129] {strides = array<i32>} : memref<416x16xf32, #tpu.memory_space<vmem>>, vector<16xf32>,
        %mul3A_131 = arith.mulf %get3A_130, %get3A_130 : vector<16xf32>
        %add3A_132 = arith.constant 1 : i32
        %add3A_133 = arith.addi %mul3A_127, %add3A_132 : i32
        %get3A_134 = arith.index_cast %add3A_133 : i32 to index
        %get3A_135 = arith.constant 0 : index
        %get3A_136 = tpu.vector_load %arg9[%get3A_134, %get3A_135] {strides = array<i32>} : memref<416x16xf32, #tpu.memory_space<vmem>>, vector<16xf32>,
        %add3A_137 = arith.addf %get3A_130, %get3A_136 : vector<16xf32>
        %mul3A_138 = arith.mulf %get3A_136, %get3A_136 : vector<16xf32>
        %add3A_139 = arith.addf %mul3A_131, %mul3A_138 : vector<16xf32>
        %add3A_140 = arith.constant 2 : i32
        %add3A_141 = arith.addi %mul3A_127, %add3A_140 : i32
        %get3A_142 = arith.index_cast %add3A_141 : i32 to index
        %get3A_143 = arith.constant 0 : index
        %get3A_144 = tpu.vector_load %arg9[%get3A_142, %get3A_143] {strides = array<i32>} : memref<416x16xf32, #tpu.memory_space<vmem>>, vector<16xf32>,
        %add3A_145 = arith.addf %add3A_137, %get3A_144 : vector<16xf32>
        %mul3A_146 = arith.mulf %get3A_144, %get3A_144 : vector<16xf32>
        %add3A_147 = arith.addf %add3A_139, %mul3A_146 : vector<16xf32>
        %add3A_148 = arith.constant 3 : i32
        %add3A_149 = arith.addi %mul3A_127, %add3A_148 : i32
        %get3A_150 = arith.index_cast %add3A_149 : i32 to index
        %get3A_151 = arith.constant 0 : index
        %get3A_152 = tpu.vector_load %arg9[%get3A_150, %get3A_151] {strides = array<i32>} : memref<416x16xf32, #tpu.memory_space<vmem>>, vector<16xf32>,
        %add3A_153 = arith.addf %add3A_145, %get3A_152 : vector<16xf32>
        %mul3A_154 = arith.mulf %get3A_152, %get3A_152 : vector<16xf32>
        %add3A_155 = arith.addf %add3A_147, %mul3A_154 : vector<16xf32>
        %add3A_156 = arith.constant 4 : i32
        %add3A_157 = arith.addi %mul3A_127, %add3A_156 : i32
        %get3A_158 = arith.index_cast %add3A_157 : i32 to index
        %get3A_159 = arith.constant 0 : index
        %get3A_160 = tpu.vector_load %arg9[%get3A_158, %get3A_159] {strides = array<i32>} : memref<416x16xf32, #tpu.memory_space<vmem>>, vector<16xf32>,
        %add3A_161 = arith.addf %add3A_153, %get3A_160 : vector<16xf32>
        %mul3A_162 = arith.mulf %get3A_160, %get3A_160 : vector<16xf32>
        %add3A_163 = arith.addf %add3A_155, %mul3A_162 : vector<16xf32>
        %add3A_164 = arith.constant 5 : i32
        %add3A_165 = arith.addi %mul3A_127, %add3A_164 : i32
        %get3A_166 = arith.index_cast %add3A_165 : i32 to index
        %get3A_167 = arith.constant 0 : index
        %get3A_168 = tpu.vector_load %arg9[%get3A_166, %get3A_167] {strides = array<i32>} : memref<416x16xf32, #tpu.memory_space<vmem>>, vector<16xf32>,
        %add3A_169 = arith.addf %add3A_161, %get3A_168 : vector<16xf32>
        %mul3A_170 = arith.mulf %get3A_168, %get3A_168 : vector<16xf32>
        %add3A_171 = arith.addf %add3A_163, %mul3A_170 : vector<16xf32>
        %add3A_172 = arith.constant 6 : i32
        %add3A_173 = arith.addi %mul3A_127, %add3A_172 : i32
        %get3A_174 = arith.index_cast %add3A_173 : i32 to index
        %get3A_175 = arith.constant 0 : index
        %get3A_176 = tpu.vector_load %arg9[%get3A_174, %get3A_175] {strides = array<i32>} : memref<416x16xf32, #tpu.memory_space<vmem>>, vector<16xf32>,
        %add3A_177 = arith.addf %add3A_169, %get3A_176 : vector<16xf32>
        %mul3A_178 = arith.mulf %get3A_176, %get3A_176 : vector<16xf32>
        %add3A_179 = arith.addf %add3A_171, %mul3A_178 : vector<16xf32>
        %add3A_180 = arith.constant 7 : i32
        %add3A_181 = arith.addi %mul3A_127, %add3A_180 : i32
        %get3A_182 = arith.index_cast %add3A_181 : i32 to index
        %get3A_183 = arith.constant 0 : index
        %get3A_184 = tpu.vector_load %arg9[%get3A_182, %get3A_183] {strides = array<i32>} : memref<416x16xf32, #tpu.memory_space<vmem>>, vector<16xf32>,
        %add3A_185 = arith.addf %add3A_177, %get3A_184 : vector<16xf32>
        %mul3A_186 = arith.mulf %get3A_184, %get3A_184 : vector<16xf32>
        %add3A_187 = arith.addf %add3A_179, %mul3A_186 : vector<16xf32>
        %add3A_188 = arith.constant 8 : i32
        %add3A_189 = arith.addi %mul3A_127, %add3A_188 : i32
        %get3A_190 = arith.index_cast %add3A_189 : i32 to index
        %get3A_191 = arith.constant 0 : index
        %get3A_192 = tpu.vector_load %arg9[%get3A_190, %get3A_191] {strides = array<i32>} : memref<416x16xf32, #tpu.memory_space<vmem>>, vector<16xf32>,
        %add3A_193 = arith.addf %add3A_185, %get3A_192 : vector<16xf32>
        %mul3A_194 = arith.mulf %get3A_192, %get3A_192 : vector<16xf32>
        %add3A_195 = arith.addf %add3A_187, %mul3A_194 : vector<16xf32>
        %add3A_196 = arith.constant 9 : i32
        %add3A_197 = arith.addi %mul3A_127, %add3A_196 : i32
        %get3A_198 = arith.index_cast %add3A_197 : i32 to index
        %get3A_199 = arith.constant 0 : index
        %get3A_200 = tpu.vector_load %arg9[%get3A_198, %get3A_199] {strides = array<i32>} : memref<416x16xf32, #tpu.memory_space<vmem>>, vector<16xf32>,
        %add3A_201 = arith.addf %add3A_193, %get3A_200 : vector<16xf32>
        %mul3A_202 = arith.mulf %get3A_200, %get3A_200 : vector<16xf32>
        %add3A_203 = arith.addf %add3A_195, %mul3A_202 : vector<16xf32>
        %add3A_204 = arith.constant 10 : i32
        %add3A_205 = arith.addi %mul3A_127, %add3A_204 : i32
        %get3A_206 = arith.index_cast %add3A_205 : i32 to index
        %get3A_207 = arith.constant 0 : index
        %get3A_208 = tpu.vector_load %arg9[%get3A_206, %get3A_207] {strides = array<i32>} : memref<416x16xf32, #tpu.memory_space<vmem>>, vector<16xf32>,
        %add3A_209 = arith.addf %add3A_201, %get3A_208 : vector<16xf32>
        %mul3A_210 = arith.mulf %get3A_208, %get3A_208 : vector<16xf32>
        %add3A_211 = arith.addf %add3A_203, %mul3A_210 : vector<16xf32>
        %add3A_212 = arith.constant 11 : i32
        %add3A_213 = arith.addi %mul3A_127, %add3A_212 : i32
        %get3A_214 = arith.index_cast %add3A_213 : i32 to index
        %get3A_215 = arith.constant 0 : index
        %get3A_216 = tpu.vector_load %arg9[%get3A_214, %get3A_215] {strides = array<i32>} : memref<416x16xf32, #tpu.memory_space<vmem>>, vector<16xf32>,
        %add3A_217 = arith.addf %add3A_209, %get3A_216 : vector<16xf32>
        %mul3A_218 = arith.mulf %get3A_216, %get3A_216 : vector<16xf32>
        %add3A_219 = arith.addf %add3A_211, %mul3A_218 : vector<16xf32>
        %add3A_220 = arith.constant 12 : i32
        %add3A_221 = arith.addi %mul3A_127, %add3A_220 : i32
        %get3A_222 = arith.index_cast %add3A_221 : i32 to index
        %get3A_223 = arith.constant 0 : index
        %get3A_224 = tpu.vector_load %arg9[%get3A_222, %get3A_223] {strides = array<i32>} : memref<416x16xf32, #tpu.memory_space<vmem>>, vector<16xf32>,
        %add3A_225 = arith.addf %add3A_217, %get3A_224 : vector<16xf32>
        %mul3A_226 = arith.mulf %get3A_224, %get3A_224 : vector<16xf32>
        %add3A_227 = arith.addf %add3A_219, %mul3A_226 : vector<16xf32>
        %add3A_228 = arith.constant 13 : i32
        %add3A_229 = arith.addi %mul3A_127, %add3A_228 : i32
        %get3A_230 = arith.index_cast %add3A_229 : i32 to index
        %get3A_231 = arith.constant 0 : index
        %get3A_232 = tpu.vector_load %arg9[%get3A_230, %get3A_231] {strides = array<i32>} : memref<416x16xf32, #tpu.memory_space<vmem>>, vector<16xf32>,
        %add3A_233 = arith.addf %add3A_225, %get3A_232 : vector<16xf32>
        %mul3A_234 = arith.mulf %get3A_232, %get3A_232 : vector<16xf32>
        %add3A_235 = arith.addf %add3A_227, %mul3A_234 : vector<16xf32>
        %add3A_236 = arith.constant 14 : i32
        %add3A_237 = arith.addi %mul3A_127, %add3A_236 : i32
        %get3A_238 = arith.index_cast %add3A_237 : i32 to index
        %get3A_239 = arith.constant 0 : index
        %get3A_240 = tpu.vector_load %arg9[%get3A_238, %get3A_239] {strides = array<i32>} : memref<416x16xf32, #tpu.memory_space<vmem>>, vector<16xf32>,
        %add3A_241 = arith.addf %add3A_233, %get3A_240 : vector<16xf32>
        %mul3A_242 = arith.mulf %get3A_240, %get3A_240 : vector<16xf32>
        %add3A_243 = arith.addf %add3A_235, %mul3A_242 : vector<16xf32>
        %add3A_244 = arith.constant 15 : i32
        %add3A_245 = arith.addi %mul3A_127, %add3A_244 : i32
        %get3A_246 = arith.index_cast %add3A_245 : i32 to index
        %get3A_247 = arith.constant 0 : index
        %get3A_248 = tpu.vector_load %arg9[%get3A_246, %get3A_247] {strides = array<i32>} : memref<416x16xf32, #tpu.memory_space<vmem>>, vector<16xf32>,
        %add3A_249 = arith.addf %add3A_241, %get3A_248 : vector<16xf32>
        %mul3A_250 = arith.mulf %get3A_248, %get3A_248 : vector<16xf32>
        %add3A_251 = arith.addf %add3A_243, %mul3A_250 : vector<16xf32>
        %add3A_252 = arith.constant 16 : i32
        %add3A_253 = arith.addi %mul3A_127, %add3A_252 : i32
        %get3A_254 = arith.index_cast %add3A_253 : i32 to index
        %get3A_255 = arith.constant 0 : index
        %get3A_256 = tpu.vector_load %arg9[%get3A_254, %get3A_255] {strides = array<i32>} : memref<416x16xf32, #tpu.memory_space<vmem>>, vector<16xf32>,
        %add3A_257 = arith.addf %add3A_249, %get3A_256 : vector<16xf32>
        %mul3A_258 = arith.mulf %get3A_256, %get3A_256 : vector<16xf32>
        %add3A_259 = arith.addf %add3A_251, %mul3A_258 : vector<16xf32>
        %add3A_260 = arith.constant 17 : i32
        %add3A_261 = arith.addi %mul3A_127, %add3A_260 : i32
        %get3A_262 = arith.index_cast %add3A_261 : i32 to index
        %get3A_263 = arith.constant 0 : index
        %get3A_264 = tpu.vector_load %arg9[%get3A_262, %get3A_263] {strides = array<i32>} : memref<416x16xf32, #tpu.memory_space<vmem>>, vector<16xf32>,
        %add3A_265 = arith.addf %add3A_257, %get3A_264 : vector<16xf32>
        %mul3A_266 = arith.mulf %get3A_264, %get3A_264 : vector<16xf32>
        %add3A_267 = arith.addf %add3A_259, %mul3A_266 : vector<16xf32>
        %add3A_268 = arith.constant 18 : i32
        %add3A_269 = arith.addi %mul3A_127, %add3A_268 : i32
        %get3A_270 = arith.index_cast %add3A_269 : i32 to index
        %get3A_271 = arith.constant 0 : index
        %get3A_272 = tpu.vector_load %arg9[%get3A_270, %get3A_271] {strides = array<i32>} : memref<416x16xf32, #tpu.memory_space<vmem>>, vector<16xf32>,
        %add3A_273 = arith.addf %add3A_265, %get3A_272 : vector<16xf32>
        %mul3A_274 = arith.mulf %get3A_272, %get3A_272 : vector<16xf32>
        %add3A_275 = arith.addf %add3A_267, %mul3A_274 : vector<16xf32>
        %add3A_276 = arith.constant 19 : i32
        %add3A_277 = arith.addi %mul3A_127, %add3A_276 : i32
        %get3A_278 = arith.index_cast %add3A_277 : i32 to index
        %get3A_279 = arith.constant 0 : index
        %get3A_280 = tpu.vector_load %arg9[%get3A_278, %get3A_279] {strides = array<i32>} : memref<416x16xf32, #tpu.memory_space<vmem>>, vector<16xf32>,
        %add3A_281 = arith.addf %add3A_273, %get3A_280 : vector<16xf32>
        %mul3A_282 = arith.mulf %get3A_280, %get3A_280 : vector<16xf32>
        %add3A_283 = arith.addf %add3A_275, %mul3A_282 : vector<16xf32>
        %add3A_284 = arith.constant 20 : i32
        %add3A_285 = arith.addi %mul3A_127, %add3A_284 : i32
        %get3A_286 = arith.index_cast %add3A_285 : i32 to index
        %get3A_287 = arith.constant 0 : index
        %get3A_288 = tpu.vector_load %arg9[%get3A_286, %get3A_287] {strides = array<i32>} : memref<416x16xf32, #tpu.memory_space<vmem>>, vector<16xf32>,
        %add3A_289 = arith.addf %add3A_281, %get3A_288 : vector<16xf32>
        %mul3A_290 = arith.mulf %get3A_288, %get3A_288 : vector<16xf32>
        %add3A_291 = arith.addf %add3A_283, %mul3A_290 : vector<16xf32>
        %add3A_292 = arith.constant 21 : i32
        %add3A_293 = arith.addi %mul3A_127, %add3A_292 : i32
        %get3A_294 = arith.index_cast %add3A_293 : i32 to index
        %get3A_295 = arith.constant 0 : index
        %get3A_296 = tpu.vector_load %arg9[%get3A_294, %get3A_295] {strides = array<i32>} : memref<416x16xf32, #tpu.memory_space<vmem>>, vector<16xf32>,
        %add3A_297 = arith.addf %add3A_289, %get3A_296 : vector<16xf32>
        %mul3A_298 = arith.mulf %get3A_296, %get3A_296 : vector<16xf32>
        %add3A_299 = arith.addf %add3A_291, %mul3A_298 : vector<16xf32>
        %add3A_300 = arith.constant 22 : i32
        %add3A_301 = arith.addi %mul3A_127, %add3A_300 : i32
        %get3A_302 = arith.index_cast %add3A_301 : i32 to index
        %get3A_303 = arith.constant 0 : index
        %get3A_304 = tpu.vector_load %arg9[%get3A_302, %get3A_303] {strides = array<i32>} : memref<416x16xf32, #tpu.memory_space<vmem>>, vector<16xf32>,
        %add3A_305 = arith.addf %add3A_297, %get3A_304 : vector<16xf32>
        %mul3A_306 = arith.mulf %get3A_304, %get3A_304 : vector<16xf32>
        %add3A_307 = arith.addf %add3A_299, %mul3A_306 : vector<16xf32>
        %add3A_308 = arith.constant 23 : i32
        %add3A_309 = arith.addi %mul3A_127, %add3A_308 : i32
        %get3A_310 = arith.index_cast %add3A_309 : i32 to index
        %get3A_311 = arith.constant 0 : index
        %get3A_312 = tpu.vector_load %arg9[%get3A_310, %get3A_311] {strides = array<i32>} : memref<416x16xf32, #tpu.memory_space<vmem>>, vector<16xf32>,
        %add3A_313 = arith.addf %add3A_305, %get3A_312 : vector<16xf32>
        %mul3A_314 = arith.mulf %get3A_312, %get3A_312 : vector<16xf32>
        %add3A_315 = arith.addf %add3A_307, %mul3A_314 : vector<16xf32>
        %add3A_316 = arith.constant 24 : i32
        %add3A_317 = arith.addi %mul3A_127, %add3A_316 : i32
        %get3A_318 = arith.index_cast %add3A_317 : i32 to index
        %get3A_319 = arith.constant 0 : index
        %get3A_320 = tpu.vector_load %arg9[%get3A_318, %get3A_319] {strides = array<i32>} : memref<416x16xf32, #tpu.memory_space<vmem>>, vector<16xf32>,
        %add3A_321 = arith.addf %add3A_313, %get3A_320 : vector<16xf32>
        %mul3A_322 = arith.mulf %get3A_320, %get3A_320 : vector<16xf32>
        %add3A_323 = arith.addf %add3A_315, %mul3A_322 : vector<16xf32>
        %add3A_324 = arith.constant 25 : i32
        %add3A_325 = arith.addi %mul3A_127, %add3A_324 : i32
        %get3A_326 = arith.index_cast %add3A_325 : i32 to index
        %get3A_327 = arith.constant 0 : index
        %get3A_328 = tpu.vector_load %arg9[%get3A_326, %get3A_327] {strides = array<i32>} : memref<416x16xf32, #tpu.memory_space<vmem>>, vector<16xf32>,
        %add3A_329 = arith.addf %add3A_321, %get3A_328 : vector<16xf32>
        %mul3A_330 = arith.mulf %get3A_328, %get3A_328 : vector<16xf32>
        %add3A_331 = arith.addf %add3A_323, %mul3A_330 : vector<16xf32>
        %get3A_332 = arith.index_cast %mul3A_127 : i32 to index
        %get3A_333 = tpu.vector_load %arg11[%get3A_332] {strides = array<i32>} : memref<432xf32, #tpu.memory_space<vmem>>, vector<16xf32>,
        %add3A_334 = arith.constant 16 : i32
        %add3A_335 = arith.addi %mul3A_127, %add3A_334 : i32
        %get3A_336 = arith.index_cast %add3A_335 : i32 to index
        %get3A_337 = tpu.vector_load %arg11[%get3A_336] {strides = array<i32>} : memref<432xf32, #tpu.memory_space<vmem>>, vector<16xf32>,
        %reduce_sum3A = arith.constant true
        %reduce_sum3A_338 = vector.broadcast %reduce_sum3A : i1 to vector<16xi1>
        %reduce_sum3A_339 = tpu.scan <sum>, %get3A_333 masked %reduce_sum3A_338 : vector<16xf32>, vector<16xi1> -> vector<16xf32>
        %reduce_sum3A_340 = vector.extract %reduce_sum3A_339[15] : f32 from vector<16xf32>
        %add3A_341 = arith.addf %squeeze3A, %reduce_sum3A_340 : f32
        %jit3A = arith.constant 0.000000e+00 : f32
        %broadcast_in_dim3A_342 = vector.broadcast %jit3A : f32 to vector<16xf32>
        %select_n3A = arith.select %lt3A_3, %get3A_337, %broadcast_in_dim3A_342 : vector<16xi1>, vector<16xf32>
        %reduce_sum3A_343 = arith.constant true
        %reduce_sum3A_344 = vector.broadcast %reduce_sum3A_343 : i1 to vector<16xi1>
        %reduce_sum3A_345 = tpu.scan <sum>, %select_n3A masked %reduce_sum3A_344 : vector<16xf32>, vector<16xi1> -> vector<16xf32>
        %reduce_sum3A_346 = vector.extract %reduce_sum3A_345[15] : f32 from vector<16xf32>
        %add3A_347 = arith.addf %add3A_341, %reduce_sum3A_346 : f32
        %mul3A_348 = arith.mulf %add3A_329, %add3A_329 : vector<16xf32>
        %reduce_sum3A_349 = arith.constant true
        %reduce_sum3A_350 = vector.broadcast %reduce_sum3A_349 : i1 to vector<16xi1>
        %reduce_sum3A_351 = tpu.scan <sum>, %mul3A_348 masked %reduce_sum3A_350 : vector<16xf32>, vector<16xi1> -> vector<16xf32>
        %reduce_sum3A_352 = vector.extract %reduce_sum3A_351[15] : f32 from vector<16xf32>
        %reduce_sum3A_353 = arith.constant true
        %reduce_sum3A_354 = vector.broadcast %reduce_sum3A_353 : i1 to vector<16xi1>
        %reduce_sum3A_355 = tpu.scan <sum>, %add3A_331 masked %reduce_sum3A_354 : vector<16xf32>, vector<16xi1> -> vector<16xf32>
        %reduce_sum3A_356 = vector.extract %reduce_sum3A_355[15] : f32 from vector<16xf32>
        %sub3A = arith.subf %reduce_sum3A_352, %reduce_sum3A_356 : f32
        %mul3A_357 = arith.constant 5.000000e-01 : f32
        %mul3A_358 = arith.mulf %mul3A_357, %sub3A : f32
        %add3A_359 = arith.addf %add3A_347, %mul3A_358 : f32
        %eq3A = vector.broadcast %scan3A_124 : i32 to vector<16xi32>
        %eq3A_360 = arith.cmpi eq, %iota3A, %eq3A : vector<16xi32>
        %broadcast_in_dim3A_361 = vector.broadcast %add3A_359 : f32 to vector<16xf32>
        %select_n3A_362 = arith.select %eq3A_360, %broadcast_in_dim3A_361, %scan3A_125 : vector<16xi1>, vector<16xf32>
        scf.yield %select_n3A_362 : vector<16xf32>
      }
      %scan3A_65 = arith.constant 16 : i32
      %neg3A = arith.constant 0.000000e+00 : f32
      %neg3A_66 = vector.broadcast %neg3A : f32 to vector<16xf32>
      %neg3A_67 = arith.subf %neg3A_66, %scan3A_64 : vector<16xf32>
      %exp3A = math.exp %neg3A_67 : vector<16xf32>
      %add3A_68 = arith.constant 1.000000e+00 : f32
      %add3A_69 = vector.broadcast %add3A_68 : f32 to vector<16xf32>
      %add3A_70 = arith.addf %add3A_69, %exp3A : vector<16xf32>
      %div3A = arith.constant 1.000000e+00 : f32
      %div3A_71 = vector.broadcast %div3A : f32 to vector<16xf32>
      %div3A_72 = arith.divf %div3A_71, %add3A_70 : vector<16xf32>
      %swap3A = arith.constant 0 : index
      %swap3A_73 = tpu.vector_load %arg13[%swap3A] {strides = array<i32>} : memref<16xf32, #tpu.memory_space<vmem>>, vector<16xf32>,
      tpu.vector_store %arg13[%swap3A], %div3A_72 {strides = array<i32>} : memref<16xf32, #tpu.memory_space<vmem>>, vector<16xf32>,
      %mul3A_74 = arith.constant 512 : i32
      %mul3A_75 = arith.muli %add3A, %mul3A_74 : i32
      %mul3A_76 = arith.constant 16 : i32
      %mul3A_77 = arith.muli %mul3A_27, %mul3A_76 : i32
      %add3A_78 = arith.addi %mul3A_75, %mul3A_77 : i32
      "tpu.region"() ({
        %run_scoped3A = tpu.sem_alloc : memref<!tpu.dma_semaphore, #tpu.memory_space<semaphore_mem>>
        %dma_start3A_124 = tpu.memref_slice %arg6[%add3A_78] : memref<16384xf32, #tpu.memory_space<hbm>> -> memref<16xf32, #tpu.memory_space<hbm>>
        %dma_start3A_125 = tpu.memref_slice %arg6[%add3A_78] : memref<16384xf32, #tpu.memory_space<hbm>> -> memref<16xf32, #tpu.memory_space<hbm>>
        tpu.enqueue_dma source(%arg13 : memref<16xf32, #tpu.memory_space<vmem>>) target(%dma_start3A_125 : memref<16xf32, #tpu.memory_space<hbm>>) target_semaphore(%run_scoped3A : memref<!tpu.dma_semaphore, #tpu.memory_space<semaphore_mem>>)
        %dma_wait3A_126 = tpu.memref_slice %arg6[%add3A_78] : memref<16384xf32, #tpu.memory_space<hbm>> -> memref<16xf32, #tpu.memory_space<hbm>>
        %dma_wait3A_127 = tpu.memref_slice %arg6[%add3A_78] : memref<16384xf32, #tpu.memory_space<hbm>> -> memref<16xf32, #tpu.memory_space<hbm>>
        tpu.wait_dma2 semaphore(%run_scoped3A : memref<!tpu.dma_semaphore, #tpu.memory_space<semaphore_mem>>) src(%arg13 : memref<16xf32, #tpu.memory_space<vmem>>) dst(%dma_wait3A_127 : memref<16xf32, #tpu.memory_space<hbm>>)
        tpu.yield
      }) : () -> ()
      %add3A_79 = arith.constant 1 : i32
      %add3A_80 = arith.addi %add3A_29, %add3A_79 : i32
      %lt3A_81 = arith.constant 32 : i32
      %lt3A_82 = arith.cmpi slt, %add3A_80, %lt3A_81 : i32
      %convert_element_type3A = arith.extui %lt3A_82 : i1 to i32
      %cond3A = arith.constant 0 : i32
      %cond3A_83 = arith.cmpi ne, %convert_element_type3A, %cond3A : i32
      scf.if %cond3A_83 {
        %add3A_124 = arith.constant 1 : i32
        %add3A_125 = arith.addi %add3A_29, %add3A_124 : i32
        %mul3A_126 = arith.constant 13312 : i32
        %mul3A_127 = arith.muli %add3A, %mul3A_126 : i32
        %mul3A_128 = arith.constant 416 : i32
        %mul3A_129 = arith.muli %add3A_125, %mul3A_128 : i32
        %add3A_130 = arith.addi %mul3A_127, %mul3A_129 : i32
        "tpu.region"() ({
          %run_scoped3A = tpu.sem_alloc : memref<!tpu.dma_semaphore, #tpu.memory_space<semaphore_mem>>
          %dma_start3A_142 = arith.constant 0 : i32
          %dma_start3A_143 = tpu.memref_slice %arg7[%dma_start3A_142] : memref<432xi32, #tpu.memory_space<vmem>> -> memref<416xi32, #tpu.memory_space<vmem>>
          %dma_start3A_144 = tpu.memref_slice %arg2[%add3A_130] : memref<425984xi32, #tpu.memory_space<hbm>> -> memref<416xi32, #tpu.memory_space<hbm>>
          %dma_start3A_145 = arith.constant 0 : i32
          %dma_start3A_146 = tpu.memref_slice %arg7[%dma_start3A_145] : memref<432xi32, #tpu.memory_space<vmem>> -> memref<416xi32, #tpu.memory_space<vmem>>
          %dma_start3A_147 = tpu.memref_slice %arg2[%add3A_130] : memref<425984xi32, #tpu.memory_space<hbm>> -> memref<416xi32, #tpu.memory_space<hbm>>
          tpu.enqueue_dma source(%dma_start3A_147 : memref<416xi32, #tpu.memory_space<hbm>>) target(%dma_start3A_146 : memref<416xi32, #tpu.memory_space<vmem>>) target_semaphore(%run_scoped3A : memref<!tpu.dma_semaphore, #tpu.memory_space<semaphore_mem>>)
          %dma_wait3A_148 = arith.constant 0 : i32
          %dma_wait3A_149 = tpu.memref_slice %arg7[%dma_wait3A_148] : memref<432xi32, #tpu.memory_space<vmem>> -> memref<416xi32, #tpu.memory_space<vmem>>
          %dma_wait3A_150 = tpu.memref_slice %arg2[%add3A_130] : memref<425984xi32, #tpu.memory_space<hbm>> -> memref<416xi32, #tpu.memory_space<hbm>>
          %dma_wait3A_151 = arith.constant 0 : i32
          %dma_wait3A_152 = tpu.memref_slice %arg7[%dma_wait3A_151] : memref<432xi32, #tpu.memory_space<vmem>> -> memref<416xi32, #tpu.memory_space<vmem>>
          %dma_wait3A_153 = tpu.memref_slice %arg2[%add3A_130] : memref<425984xi32, #tpu.memory_space<hbm>> -> memref<416xi32, #tpu.memory_space<hbm>>
          tpu.wait_dma2 semaphore(%run_scoped3A : memref<!tpu.dma_semaphore, #tpu.memory_space<semaphore_mem>>) src(%dma_wait3A_153 : memref<416xi32, #tpu.memory_space<hbm>>) dst(%dma_wait3A_152 : memref<416xi32, #tpu.memory_space<vmem>>)
          tpu.yield
        }) : () -> ()
        %dma_start3A_131 = arith.constant 0 : i32
        %dma_start3A_132 = tpu.memref_slice %arg7[%dma_start3A_131] : memref<432xi32, #tpu.memory_space<vmem>> -> memref<416xi32, #tpu.memory_space<vmem>>
        %dma_start3A_133 = arith.constant 0 : i32
        %dma_start3A_134 = arith.constant 0 : i32
        %dma_start3A_135 = tpu.memref_slice %arg3[%dma_start3A_133, %dma_start3A_134] : memref<2600000x16xf32, #tpu.memory_space<hbm>> -> memref<2600000x16xf32, #tpu.memory_space<hbm>>
        tpu.enqueue_indirect_dma source(%dma_start3A_135 : memref<2600000x16xf32, #tpu.memory_space<hbm>>) target(%arg9 : memref<416x16xf32, #tpu.memory_space<vmem>>) offsets(%dma_start3A_132 : memref<416xi32, #tpu.memory_space<vmem>>) semaphore(%arg15 : memref<!tpu.dma_semaphore, #tpu.memory_space<semaphore_mem>>)
        %dma_start3A_136 = arith.constant 0 : i32
        %dma_start3A_137 = tpu.memref_slice %arg11[%dma_start3A_136] : memref<432xf32, #tpu.memory_space<vmem>> -> memref<416xf32, #tpu.memory_space<vmem>>
        %dma_start3A_138 = arith.constant 0 : i32
        %dma_start3A_139 = tpu.memref_slice %arg7[%dma_start3A_138] : memref<432xi32, #tpu.memory_space<vmem>> -> memref<416xi32, #tpu.memory_space<vmem>>
        %dma_start3A_140 = arith.constant 0 : i32
        %dma_start3A_141 = tpu.memref_slice %arg4[%dma_start3A_140] : memref<2600000xf32, #tpu.memory_space<hbm>> -> memref<2600000xf32, #tpu.memory_space<hbm>>
        tpu.enqueue_indirect_dma source(%dma_start3A_141 : memref<2600000xf32, #tpu.memory_space<hbm>>) target(%dma_start3A_137 : memref<416xf32, #tpu.memory_space<vmem>>) offsets(%dma_start3A_139 : memref<416xi32, #tpu.memory_space<vmem>>) semaphore(%arg17 : memref<!tpu.dma_semaphore, #tpu.memory_space<semaphore_mem>>)
      } else {
      }
      %dma_wait3A_84 = arith.constant 0 : i32
      %dma_wait3A_85 = arith.constant 0 : i32
      %dma_wait3A_86 = tpu.memref_slice %arg3[%dma_wait3A_84, %dma_wait3A_85] : memref<2600000x16xf32, #tpu.memory_space<hbm>> -> memref<416x16xf32, #tpu.memory_space<hbm>>
      %dma_wait3A_87 = arith.constant 0 : i32
      %dma_wait3A_88 = arith.constant 0 : i32
      %dma_wait3A_89 = tpu.memref_slice %arg3[%dma_wait3A_87, %dma_wait3A_88] : memref<2600000x16xf32, #tpu.memory_space<hbm>> -> memref<416x16xf32, #tpu.memory_space<hbm>>
      tpu.wait_dma2 semaphore(%arg16 : memref<!tpu.dma_semaphore, #tpu.memory_space<semaphore_mem>>) src(%dma_wait3A_89 : memref<416x16xf32, #tpu.memory_space<hbm>>) dst(%arg10 : memref<416x16xf32, #tpu.memory_space<vmem>>)
      %dma_wait3A_90 = arith.constant 0 : i32
      %dma_wait3A_91 = tpu.memref_slice %arg12[%dma_wait3A_90] : memref<432xf32, #tpu.memory_space<vmem>> -> memref<416xf32, #tpu.memory_space<vmem>>
      %dma_wait3A_92 = arith.constant 0 : i32
      %dma_wait3A_93 = tpu.memref_slice %arg4[%dma_wait3A_92] : memref<2600000xf32, #tpu.memory_space<hbm>> -> memref<416xf32, #tpu.memory_space<hbm>>
      %dma_wait3A_94 = arith.constant 0 : i32
      %dma_wait3A_95 = tpu.memref_slice %arg12[%dma_wait3A_94] : memref<432xf32, #tpu.memory_space<vmem>> -> memref<416xf32, #tpu.memory_space<vmem>>
      %dma_wait3A_96 = arith.constant 0 : i32
      %dma_wait3A_97 = tpu.memref_slice %arg4[%dma_wait3A_96] : memref<2600000xf32, #tpu.memory_space<hbm>> -> memref<416xf32, #tpu.memory_space<hbm>>
      tpu.wait_dma2 semaphore(%arg18 : memref<!tpu.dma_semaphore, #tpu.memory_space<semaphore_mem>>) src(%dma_wait3A_97 : memref<416xf32, #tpu.memory_space<hbm>>) dst(%dma_wait3A_95 : memref<416xf32, #tpu.memory_space<vmem>>)
      %broadcast_in_dim3A_98 = arith.constant 0.000000e+00 : f32
      %broadcast_in_dim3A_99 = vector.broadcast %broadcast_in_dim3A_98 : f32 to vector<16xf32>
      %scan3A_100 = arith.constant 0 : i32
      %scan3A_101 = arith.constant 16 : i32
      %scan3A_102 = arith.addi %scan3A_100, %scan3A_101 : i32
      %scan3A_103 = arith.constant 1 : i32
      %scan3A_104 = scf.for %scan3A_124 = %scan3A_100 to %scan3A_102 step %scan3A_103 iter_args(%scan3A_125 = %broadcast_in_dim3A_99) -> (vector<16xf32>)  : i32 {
        %mul3A_126 = arith.constant 26 : i32
        %mul3A_127 = arith.muli %scan3A_124, %mul3A_126 : i32
        %get3A_128 = arith.index_cast %mul3A_127 : i32 to index
        %get3A_129 = arith.constant 0 : index
        %get3A_130 = tpu.vector_load %arg10[%get3A_128, %get3A_129] {strides = array<i32>} : memref<416x16xf32, #tpu.memory_space<vmem>>, vector<16xf32>,
        %mul3A_131 = arith.mulf %get3A_130, %get3A_130 : vector<16xf32>
        %add3A_132 = arith.constant 1 : i32
        %add3A_133 = arith.addi %mul3A_127, %add3A_132 : i32
        %get3A_134 = arith.index_cast %add3A_133 : i32 to index
        %get3A_135 = arith.constant 0 : index
        %get3A_136 = tpu.vector_load %arg10[%get3A_134, %get3A_135] {strides = array<i32>} : memref<416x16xf32, #tpu.memory_space<vmem>>, vector<16xf32>,
        %add3A_137 = arith.addf %get3A_130, %get3A_136 : vector<16xf32>
        %mul3A_138 = arith.mulf %get3A_136, %get3A_136 : vector<16xf32>
        %add3A_139 = arith.addf %mul3A_131, %mul3A_138 : vector<16xf32>
        %add3A_140 = arith.constant 2 : i32
        %add3A_141 = arith.addi %mul3A_127, %add3A_140 : i32
        %get3A_142 = arith.index_cast %add3A_141 : i32 to index
        %get3A_143 = arith.constant 0 : index
        %get3A_144 = tpu.vector_load %arg10[%get3A_142, %get3A_143] {strides = array<i32>} : memref<416x16xf32, #tpu.memory_space<vmem>>, vector<16xf32>,
        %add3A_145 = arith.addf %add3A_137, %get3A_144 : vector<16xf32>
        %mul3A_146 = arith.mulf %get3A_144, %get3A_144 : vector<16xf32>
        %add3A_147 = arith.addf %add3A_139, %mul3A_146 : vector<16xf32>
        %add3A_148 = arith.constant 3 : i32
        %add3A_149 = arith.addi %mul3A_127, %add3A_148 : i32
        %get3A_150 = arith.index_cast %add3A_149 : i32 to index
        %get3A_151 = arith.constant 0 : index
        %get3A_152 = tpu.vector_load %arg10[%get3A_150, %get3A_151] {strides = array<i32>} : memref<416x16xf32, #tpu.memory_space<vmem>>, vector<16xf32>,
        %add3A_153 = arith.addf %add3A_145, %get3A_152 : vector<16xf32>
        %mul3A_154 = arith.mulf %get3A_152, %get3A_152 : vector<16xf32>
        %add3A_155 = arith.addf %add3A_147, %mul3A_154 : vector<16xf32>
        %add3A_156 = arith.constant 4 : i32
        %add3A_157 = arith.addi %mul3A_127, %add3A_156 : i32
        %get3A_158 = arith.index_cast %add3A_157 : i32 to index
        %get3A_159 = arith.constant 0 : index
        %get3A_160 = tpu.vector_load %arg10[%get3A_158, %get3A_159] {strides = array<i32>} : memref<416x16xf32, #tpu.memory_space<vmem>>, vector<16xf32>,
        %add3A_161 = arith.addf %add3A_153, %get3A_160 : vector<16xf32>
        %mul3A_162 = arith.mulf %get3A_160, %get3A_160 : vector<16xf32>
        %add3A_163 = arith.addf %add3A_155, %mul3A_162 : vector<16xf32>
        %add3A_164 = arith.constant 5 : i32
        %add3A_165 = arith.addi %mul3A_127, %add3A_164 : i32
        %get3A_166 = arith.index_cast %add3A_165 : i32 to index
        %get3A_167 = arith.constant 0 : index
        %get3A_168 = tpu.vector_load %arg10[%get3A_166, %get3A_167] {strides = array<i32>} : memref<416x16xf32, #tpu.memory_space<vmem>>, vector<16xf32>,
        %add3A_169 = arith.addf %add3A_161, %get3A_168 : vector<16xf32>
        %mul3A_170 = arith.mulf %get3A_168, %get3A_168 : vector<16xf32>
        %add3A_171 = arith.addf %add3A_163, %mul3A_170 : vector<16xf32>
        %add3A_172 = arith.constant 6 : i32
        %add3A_173 = arith.addi %mul3A_127, %add3A_172 : i32
        %get3A_174 = arith.index_cast %add3A_173 : i32 to index
        %get3A_175 = arith.constant 0 : index
        %get3A_176 = tpu.vector_load %arg10[%get3A_174, %get3A_175] {strides = array<i32>} : memref<416x16xf32, #tpu.memory_space<vmem>>, vector<16xf32>,
        %add3A_177 = arith.addf %add3A_169, %get3A_176 : vector<16xf32>
        %mul3A_178 = arith.mulf %get3A_176, %get3A_176 : vector<16xf32>
        %add3A_179 = arith.addf %add3A_171, %mul3A_178 : vector<16xf32>
        %add3A_180 = arith.constant 7 : i32
        %add3A_181 = arith.addi %mul3A_127, %add3A_180 : i32
        %get3A_182 = arith.index_cast %add3A_181 : i32 to index
        %get3A_183 = arith.constant 0 : index
        %get3A_184 = tpu.vector_load %arg10[%get3A_182, %get3A_183] {strides = array<i32>} : memref<416x16xf32, #tpu.memory_space<vmem>>, vector<16xf32>,
        %add3A_185 = arith.addf %add3A_177, %get3A_184 : vector<16xf32>
        %mul3A_186 = arith.mulf %get3A_184, %get3A_184 : vector<16xf32>
        %add3A_187 = arith.addf %add3A_179, %mul3A_186 : vector<16xf32>
        %add3A_188 = arith.constant 8 : i32
        %add3A_189 = arith.addi %mul3A_127, %add3A_188 : i32
        %get3A_190 = arith.index_cast %add3A_189 : i32 to index
        %get3A_191 = arith.constant 0 : index
        %get3A_192 = tpu.vector_load %arg10[%get3A_190, %get3A_191] {strides = array<i32>} : memref<416x16xf32, #tpu.memory_space<vmem>>, vector<16xf32>,
        %add3A_193 = arith.addf %add3A_185, %get3A_192 : vector<16xf32>
        %mul3A_194 = arith.mulf %get3A_192, %get3A_192 : vector<16xf32>
        %add3A_195 = arith.addf %add3A_187, %mul3A_194 : vector<16xf32>
        %add3A_196 = arith.constant 9 : i32
        %add3A_197 = arith.addi %mul3A_127, %add3A_196 : i32
        %get3A_198 = arith.index_cast %add3A_197 : i32 to index
        %get3A_199 = arith.constant 0 : index
        %get3A_200 = tpu.vector_load %arg10[%get3A_198, %get3A_199] {strides = array<i32>} : memref<416x16xf32, #tpu.memory_space<vmem>>, vector<16xf32>,
        %add3A_201 = arith.addf %add3A_193, %get3A_200 : vector<16xf32>
        %mul3A_202 = arith.mulf %get3A_200, %get3A_200 : vector<16xf32>
        %add3A_203 = arith.addf %add3A_195, %mul3A_202 : vector<16xf32>
        %add3A_204 = arith.constant 10 : i32
        %add3A_205 = arith.addi %mul3A_127, %add3A_204 : i32
        %get3A_206 = arith.index_cast %add3A_205 : i32 to index
        %get3A_207 = arith.constant 0 : index
        %get3A_208 = tpu.vector_load %arg10[%get3A_206, %get3A_207] {strides = array<i32>} : memref<416x16xf32, #tpu.memory_space<vmem>>, vector<16xf32>,
        %add3A_209 = arith.addf %add3A_201, %get3A_208 : vector<16xf32>
        %mul3A_210 = arith.mulf %get3A_208, %get3A_208 : vector<16xf32>
        %add3A_211 = arith.addf %add3A_203, %mul3A_210 : vector<16xf32>
        %add3A_212 = arith.constant 11 : i32
        %add3A_213 = arith.addi %mul3A_127, %add3A_212 : i32
        %get3A_214 = arith.index_cast %add3A_213 : i32 to index
        %get3A_215 = arith.constant 0 : index
        %get3A_216 = tpu.vector_load %arg10[%get3A_214, %get3A_215] {strides = array<i32>} : memref<416x16xf32, #tpu.memory_space<vmem>>, vector<16xf32>,
        %add3A_217 = arith.addf %add3A_209, %get3A_216 : vector<16xf32>
        %mul3A_218 = arith.mulf %get3A_216, %get3A_216 : vector<16xf32>
        %add3A_219 = arith.addf %add3A_211, %mul3A_218 : vector<16xf32>
        %add3A_220 = arith.constant 12 : i32
        %add3A_221 = arith.addi %mul3A_127, %add3A_220 : i32
        %get3A_222 = arith.index_cast %add3A_221 : i32 to index
        %get3A_223 = arith.constant 0 : index
        %get3A_224 = tpu.vector_load %arg10[%get3A_222, %get3A_223] {strides = array<i32>} : memref<416x16xf32, #tpu.memory_space<vmem>>, vector<16xf32>,
        %add3A_225 = arith.addf %add3A_217, %get3A_224 : vector<16xf32>
        %mul3A_226 = arith.mulf %get3A_224, %get3A_224 : vector<16xf32>
        %add3A_227 = arith.addf %add3A_219, %mul3A_226 : vector<16xf32>
        %add3A_228 = arith.constant 13 : i32
        %add3A_229 = arith.addi %mul3A_127, %add3A_228 : i32
        %get3A_230 = arith.index_cast %add3A_229 : i32 to index
        %get3A_231 = arith.constant 0 : index
        %get3A_232 = tpu.vector_load %arg10[%get3A_230, %get3A_231] {strides = array<i32>} : memref<416x16xf32, #tpu.memory_space<vmem>>, vector<16xf32>,
        %add3A_233 = arith.addf %add3A_225, %get3A_232 : vector<16xf32>
        %mul3A_234 = arith.mulf %get3A_232, %get3A_232 : vector<16xf32>
        %add3A_235 = arith.addf %add3A_227, %mul3A_234 : vector<16xf32>
        %add3A_236 = arith.constant 14 : i32
        %add3A_237 = arith.addi %mul3A_127, %add3A_236 : i32
        %get3A_238 = arith.index_cast %add3A_237 : i32 to index
        %get3A_239 = arith.constant 0 : index
        %get3A_240 = tpu.vector_load %arg10[%get3A_238, %get3A_239] {strides = array<i32>} : memref<416x16xf32, #tpu.memory_space<vmem>>, vector<16xf32>,
        %add3A_241 = arith.addf %add3A_233, %get3A_240 : vector<16xf32>
        %mul3A_242 = arith.mulf %get3A_240, %get3A_240 : vector<16xf32>
        %add3A_243 = arith.addf %add3A_235, %mul3A_242 : vector<16xf32>
        %add3A_244 = arith.constant 15 : i32
        %add3A_245 = arith.addi %mul3A_127, %add3A_244 : i32
        %get3A_246 = arith.index_cast %add3A_245 : i32 to index
        %get3A_247 = arith.constant 0 : index
        %get3A_248 = tpu.vector_load %arg10[%get3A_246, %get3A_247] {strides = array<i32>} : memref<416x16xf32, #tpu.memory_space<vmem>>, vector<16xf32>,
        %add3A_249 = arith.addf %add3A_241, %get3A_248 : vector<16xf32>
        %mul3A_250 = arith.mulf %get3A_248, %get3A_248 : vector<16xf32>
        %add3A_251 = arith.addf %add3A_243, %mul3A_250 : vector<16xf32>
        %add3A_252 = arith.constant 16 : i32
        %add3A_253 = arith.addi %mul3A_127, %add3A_252 : i32
        %get3A_254 = arith.index_cast %add3A_253 : i32 to index
        %get3A_255 = arith.constant 0 : index
        %get3A_256 = tpu.vector_load %arg10[%get3A_254, %get3A_255] {strides = array<i32>} : memref<416x16xf32, #tpu.memory_space<vmem>>, vector<16xf32>,
        %add3A_257 = arith.addf %add3A_249, %get3A_256 : vector<16xf32>
        %mul3A_258 = arith.mulf %get3A_256, %get3A_256 : vector<16xf32>
        %add3A_259 = arith.addf %add3A_251, %mul3A_258 : vector<16xf32>
        %add3A_260 = arith.constant 17 : i32
        %add3A_261 = arith.addi %mul3A_127, %add3A_260 : i32
        %get3A_262 = arith.index_cast %add3A_261 : i32 to index
        %get3A_263 = arith.constant 0 : index
        %get3A_264 = tpu.vector_load %arg10[%get3A_262, %get3A_263] {strides = array<i32>} : memref<416x16xf32, #tpu.memory_space<vmem>>, vector<16xf32>,
        %add3A_265 = arith.addf %add3A_257, %get3A_264 : vector<16xf32>
        %mul3A_266 = arith.mulf %get3A_264, %get3A_264 : vector<16xf32>
        %add3A_267 = arith.addf %add3A_259, %mul3A_266 : vector<16xf32>
        %add3A_268 = arith.constant 18 : i32
        %add3A_269 = arith.addi %mul3A_127, %add3A_268 : i32
        %get3A_270 = arith.index_cast %add3A_269 : i32 to index
        %get3A_271 = arith.constant 0 : index
        %get3A_272 = tpu.vector_load %arg10[%get3A_270, %get3A_271] {strides = array<i32>} : memref<416x16xf32, #tpu.memory_space<vmem>>, vector<16xf32>,
        %add3A_273 = arith.addf %add3A_265, %get3A_272 : vector<16xf32>
        %mul3A_274 = arith.mulf %get3A_272, %get3A_272 : vector<16xf32>
        %add3A_275 = arith.addf %add3A_267, %mul3A_274 : vector<16xf32>
        %add3A_276 = arith.constant 19 : i32
        %add3A_277 = arith.addi %mul3A_127, %add3A_276 : i32
        %get3A_278 = arith.index_cast %add3A_277 : i32 to index
        %get3A_279 = arith.constant 0 : index
        %get3A_280 = tpu.vector_load %arg10[%get3A_278, %get3A_279] {strides = array<i32>} : memref<416x16xf32, #tpu.memory_space<vmem>>, vector<16xf32>,
        %add3A_281 = arith.addf %add3A_273, %get3A_280 : vector<16xf32>
        %mul3A_282 = arith.mulf %get3A_280, %get3A_280 : vector<16xf32>
        %add3A_283 = arith.addf %add3A_275, %mul3A_282 : vector<16xf32>
        %add3A_284 = arith.constant 20 : i32
        %add3A_285 = arith.addi %mul3A_127, %add3A_284 : i32
        %get3A_286 = arith.index_cast %add3A_285 : i32 to index
        %get3A_287 = arith.constant 0 : index
        %get3A_288 = tpu.vector_load %arg10[%get3A_286, %get3A_287] {strides = array<i32>} : memref<416x16xf32, #tpu.memory_space<vmem>>, vector<16xf32>,
        %add3A_289 = arith.addf %add3A_281, %get3A_288 : vector<16xf32>
        %mul3A_290 = arith.mulf %get3A_288, %get3A_288 : vector<16xf32>
        %add3A_291 = arith.addf %add3A_283, %mul3A_290 : vector<16xf32>
        %add3A_292 = arith.constant 21 : i32
        %add3A_293 = arith.addi %mul3A_127, %add3A_292 : i32
        %get3A_294 = arith.index_cast %add3A_293 : i32 to index
        %get3A_295 = arith.constant 0 : index
        %get3A_296 = tpu.vector_load %arg10[%get3A_294, %get3A_295] {strides = array<i32>} : memref<416x16xf32, #tpu.memory_space<vmem>>, vector<16xf32>,
        %add3A_297 = arith.addf %add3A_289, %get3A_296 : vector<16xf32>
        %mul3A_298 = arith.mulf %get3A_296, %get3A_296 : vector<16xf32>
        %add3A_299 = arith.addf %add3A_291, %mul3A_298 : vector<16xf32>
        %add3A_300 = arith.constant 22 : i32
        %add3A_301 = arith.addi %mul3A_127, %add3A_300 : i32
        %get3A_302 = arith.index_cast %add3A_301 : i32 to index
        %get3A_303 = arith.constant 0 : index
        %get3A_304 = tpu.vector_load %arg10[%get3A_302, %get3A_303] {strides = array<i32>} : memref<416x16xf32, #tpu.memory_space<vmem>>, vector<16xf32>,
        %add3A_305 = arith.addf %add3A_297, %get3A_304 : vector<16xf32>
        %mul3A_306 = arith.mulf %get3A_304, %get3A_304 : vector<16xf32>
        %add3A_307 = arith.addf %add3A_299, %mul3A_306 : vector<16xf32>
        %add3A_308 = arith.constant 23 : i32
        %add3A_309 = arith.addi %mul3A_127, %add3A_308 : i32
        %get3A_310 = arith.index_cast %add3A_309 : i32 to index
        %get3A_311 = arith.constant 0 : index
        %get3A_312 = tpu.vector_load %arg10[%get3A_310, %get3A_311] {strides = array<i32>} : memref<416x16xf32, #tpu.memory_space<vmem>>, vector<16xf32>,
        %add3A_313 = arith.addf %add3A_305, %get3A_312 : vector<16xf32>
        %mul3A_314 = arith.mulf %get3A_312, %get3A_312 : vector<16xf32>
        %add3A_315 = arith.addf %add3A_307, %mul3A_314 : vector<16xf32>
        %add3A_316 = arith.constant 24 : i32
        %add3A_317 = arith.addi %mul3A_127, %add3A_316 : i32
        %get3A_318 = arith.index_cast %add3A_317 : i32 to index
        %get3A_319 = arith.constant 0 : index
        %get3A_320 = tpu.vector_load %arg10[%get3A_318, %get3A_319] {strides = array<i32>} : memref<416x16xf32, #tpu.memory_space<vmem>>, vector<16xf32>,
        %add3A_321 = arith.addf %add3A_313, %get3A_320 : vector<16xf32>
        %mul3A_322 = arith.mulf %get3A_320, %get3A_320 : vector<16xf32>
        %add3A_323 = arith.addf %add3A_315, %mul3A_322 : vector<16xf32>
        %add3A_324 = arith.constant 25 : i32
        %add3A_325 = arith.addi %mul3A_127, %add3A_324 : i32
        %get3A_326 = arith.index_cast %add3A_325 : i32 to index
        %get3A_327 = arith.constant 0 : index
        %get3A_328 = tpu.vector_load %arg10[%get3A_326, %get3A_327] {strides = array<i32>} : memref<416x16xf32, #tpu.memory_space<vmem>>, vector<16xf32>,
        %add3A_329 = arith.addf %add3A_321, %get3A_328 : vector<16xf32>
        %mul3A_330 = arith.mulf %get3A_328, %get3A_328 : vector<16xf32>
        %add3A_331 = arith.addf %add3A_323, %mul3A_330 : vector<16xf32>
        %get3A_332 = arith.index_cast %mul3A_127 : i32 to index
        %get3A_333 = tpu.vector_load %arg12[%get3A_332] {strides = array<i32>} : memref<432xf32, #tpu.memory_space<vmem>>, vector<16xf32>,
        %add3A_334 = arith.constant 16 : i32
        %add3A_335 = arith.addi %mul3A_127, %add3A_334 : i32
        %get3A_336 = arith.index_cast %add3A_335 : i32 to index
        %get3A_337 = tpu.vector_load %arg12[%get3A_336] {strides = array<i32>} : memref<432xf32, #tpu.memory_space<vmem>>, vector<16xf32>,
        %reduce_sum3A = arith.constant true
        %reduce_sum3A_338 = vector.broadcast %reduce_sum3A : i1 to vector<16xi1>
        %reduce_sum3A_339 = tpu.scan <sum>, %get3A_333 masked %reduce_sum3A_338 : vector<16xf32>, vector<16xi1> -> vector<16xf32>
        %reduce_sum3A_340 = vector.extract %reduce_sum3A_339[15] : f32 from vector<16xf32>
        %add3A_341 = arith.addf %squeeze3A, %reduce_sum3A_340 : f32
        %jit3A = arith.constant 0.000000e+00 : f32
        %broadcast_in_dim3A_342 = vector.broadcast %jit3A : f32 to vector<16xf32>
        %select_n3A = arith.select %lt3A_3, %get3A_337, %broadcast_in_dim3A_342 : vector<16xi1>, vector<16xf32>
        %reduce_sum3A_343 = arith.constant true
        %reduce_sum3A_344 = vector.broadcast %reduce_sum3A_343 : i1 to vector<16xi1>
        %reduce_sum3A_345 = tpu.scan <sum>, %select_n3A masked %reduce_sum3A_344 : vector<16xf32>, vector<16xi1> -> vector<16xf32>
        %reduce_sum3A_346 = vector.extract %reduce_sum3A_345[15] : f32 from vector<16xf32>
        %add3A_347 = arith.addf %add3A_341, %reduce_sum3A_346 : f32
        %mul3A_348 = arith.mulf %add3A_329, %add3A_329 : vector<16xf32>
        %reduce_sum3A_349 = arith.constant true
        %reduce_sum3A_350 = vector.broadcast %reduce_sum3A_349 : i1 to vector<16xi1>
        %reduce_sum3A_351 = tpu.scan <sum>, %mul3A_348 masked %reduce_sum3A_350 : vector<16xf32>, vector<16xi1> -> vector<16xf32>
        %reduce_sum3A_352 = vector.extract %reduce_sum3A_351[15] : f32 from vector<16xf32>
        %reduce_sum3A_353 = arith.constant true
        %reduce_sum3A_354 = vector.broadcast %reduce_sum3A_353 : i1 to vector<16xi1>
        %reduce_sum3A_355 = tpu.scan <sum>, %add3A_331 masked %reduce_sum3A_354 : vector<16xf32>, vector<16xi1> -> vector<16xf32>
        %reduce_sum3A_356 = vector.extract %reduce_sum3A_355[15] : f32 from vector<16xf32>
        %sub3A = arith.subf %reduce_sum3A_352, %reduce_sum3A_356 : f32
        %mul3A_357 = arith.constant 5.000000e-01 : f32
        %mul3A_358 = arith.mulf %mul3A_357, %sub3A : f32
        %add3A_359 = arith.addf %add3A_347, %mul3A_358 : f32
        %eq3A = vector.broadcast %scan3A_124 : i32 to vector<16xi32>
        %eq3A_360 = arith.cmpi eq, %iota3A, %eq3A : vector<16xi32>
        %broadcast_in_dim3A_361 = vector.broadcast %add3A_359 : f32 to vector<16xf32>
        %select_n3A_362 = arith.select %eq3A_360, %broadcast_in_dim3A_361, %scan3A_125 : vector<16xi1>, vector<16xf32>
        scf.yield %select_n3A_362 : vector<16xf32>
      }
      %scan3A_105 = arith.constant 16 : i32
      %neg3A_106 = arith.constant 0.000000e+00 : f32
      %neg3A_107 = vector.broadcast %neg3A_106 : f32 to vector<16xf32>
      %neg3A_108 = arith.subf %neg3A_107, %scan3A_104 : vector<16xf32>
      %exp3A_109 = math.exp %neg3A_108 : vector<16xf32>
      %add3A_110 = arith.constant 1.000000e+00 : f32
      %add3A_111 = vector.broadcast %add3A_110 : f32 to vector<16xf32>
      %add3A_112 = arith.addf %add3A_111, %exp3A_109 : vector<16xf32>
      %div3A_113 = arith.constant 1.000000e+00 : f32
      %div3A_114 = vector.broadcast %div3A_113 : f32 to vector<16xf32>
      %div3A_115 = arith.divf %div3A_114, %add3A_112 : vector<16xf32>
      %swap3A_116 = arith.constant 0 : index
      %swap3A_117 = tpu.vector_load %arg13[%swap3A_116] {strides = array<i32>} : memref<16xf32, #tpu.memory_space<vmem>>, vector<16xf32>,
      tpu.vector_store %arg13[%swap3A_116], %div3A_115 {strides = array<i32>} : memref<16xf32, #tpu.memory_space<vmem>>, vector<16xf32>,
      %mul3A_118 = arith.constant 512 : i32
      %mul3A_119 = arith.muli %add3A, %mul3A_118 : i32
      %mul3A_120 = arith.constant 16 : i32
      %mul3A_121 = arith.muli %add3A_29, %mul3A_120 : i32
      %add3A_122 = arith.addi %mul3A_119, %mul3A_121 : i32
      "tpu.region"() ({
        %run_scoped3A = tpu.sem_alloc : memref<!tpu.dma_semaphore, #tpu.memory_space<semaphore_mem>>
        %dma_start3A_124 = tpu.memref_slice %arg6[%add3A_122] : memref<16384xf32, #tpu.memory_space<hbm>> -> memref<16xf32, #tpu.memory_space<hbm>>
        %dma_start3A_125 = tpu.memref_slice %arg6[%add3A_122] : memref<16384xf32, #tpu.memory_space<hbm>> -> memref<16xf32, #tpu.memory_space<hbm>>
        tpu.enqueue_dma source(%arg13 : memref<16xf32, #tpu.memory_space<vmem>>) target(%dma_start3A_125 : memref<16xf32, #tpu.memory_space<hbm>>) target_semaphore(%run_scoped3A : memref<!tpu.dma_semaphore, #tpu.memory_space<semaphore_mem>>)
        %dma_wait3A_126 = tpu.memref_slice %arg6[%add3A_122] : memref<16384xf32, #tpu.memory_space<hbm>> -> memref<16xf32, #tpu.memory_space<hbm>>
        %dma_wait3A_127 = tpu.memref_slice %arg6[%add3A_122] : memref<16384xf32, #tpu.memory_space<hbm>> -> memref<16xf32, #tpu.memory_space<hbm>>
        tpu.wait_dma2 semaphore(%run_scoped3A : memref<!tpu.dma_semaphore, #tpu.memory_space<semaphore_mem>>) src(%arg13 : memref<16xf32, #tpu.memory_space<vmem>>) dst(%dma_wait3A_127 : memref<16xf32, #tpu.memory_space<hbm>>)
        tpu.yield
      }) : () -> ()
      %scan3A_123 = arith.constant 0 : i32
      scf.yield %scan3A_123 : i32
    }
    %scan3A_23 = arith.constant 16 : i32
    return
  }
}

</mosaic_0001>

<sc_bundles>
// kernel: kernel.4.cloned.1.call-start
scs
__scs_entry_jumppad:
0x0: {  	(pc) =	sbr.rel $0x88, $3  }
0x1: {  	(tag) =	ssettag $0x0;
	lr =	simm.s32 $0x1  }
0x2: {  	[smem:$0x3F9D] =	sst lr;
	_ =	strace $0xD0000000  }
0x3: {  	_ = 	snop  }
0x4: {  	_ = 	snop  }
0x5: {  	_ = 	snop  }
0x6: {  	_ = 	snop  }
0x7: {  	_ = 	snop  }
__scs_overlays_trampoline_lowered:
0x8: {  	[smem:$0x3FAC] =	sst s0  }
0x9: {  	[smem:$0x3FAD] =	sst s1  }
0xa: {  	[smem:$0x3FAE] =	sst s2  }
0xb: {  	[smem:$0x3FAF] =	sst s3  }
0xc: {  	[smem:$0x3FB0] =	sst s4  }
0xd: {  	[smem:$0x3FB1] =	sst s5  }
0xe: {  	[smem:$0x3FB2] =	sst s6  }
0xf: {  	[smem:$0x3FB3] =	sst s7  }
0x10: {  	[smem:$0x3FB4] =	sst s8  }
0x11: {  	[smem:$0x3FB5] =	sst s9;
	s0 =	simm.s32 @!p0 $0x0  }
0x12: {  	s1 =	sld [smem:$0x3F9B];
	s0 =	simm.s32 @p0 $0x1  }
0x13: {  	[smem:$0x3FB6] =	sst s0;
	s0 =	simm.s32 @!p1 $0x0  }
0x14: {  	s2 =	sld [smem:$0x3F9A];
	s0 =	simm.s32 @p1 $0x1  }
0x15: {  	[smem:$0x3FB7] =	sst s0;
	s0 =	simm.s32 @!p2 $0x0  }
0x16: {  	s3 =	sld [smem:$0x3FDB];
	s0 =	simm.s32 @p2 $0x1  }
0x17: {  	s4 =	simm.s32 $0x1BF5;
	[smem:$0x3FB9] =	sst s0  }
0x18: {  	s0 =	sld [smem:$0x3F9C];
	_ =	swait.ge [sflag:s4], $0x0  }
0x19: {  	s7 =	sld [smem:$0x3F9D]  }
0x1a: {  	s8 =	sadd.s32 $0xFFFFE003, lr  }
0x1b: {  	s9 =	sadd.s32 $0xFFFFFEF7, lr;
	s5 =	simm.s32 $0xFFFFFFFF;
	p2 =	slt.u32 s8, $0xFFFFF086  }
0x1c: {  	p1 =	slt.u32 s9, $0xF7A;
	s5 =	simm.s32 @!p2 $0x0  }
0x1d: {  	s5 =	simm.s32 @p1 $0x1;
	p0 =	seq.s32 s7, s2  }
0x1e: {  	s7 =	smul.u32 @!p0 $0xF7A, s2;
	p2 =	seq.s32 @!p0 s5, $0x0  }
0x1f: {  	s9 =	smul.u32 $0xF7A, s1;
	s8 =	simm.s32 @!p0 $0x1BF5;
	p2 =	por !p2, p0  }
0x20: {  	[sflag:s8] =	ssyncset.s32 @!p0 $0xFFFFF086;
	s6 =	sadd.s32 @!p0 s3, s7;
	s7 =	simm.s32 @!p0 $0x108  }
0x21: {  	s3 =	sadd.s32 s3, s9;
	s6 =	sadd.s32 @!p0 $0x88, s6;
	s7 =	simm.s32 @p2 $0x1082  }
0x22: {  	[simem:s7], [sflag:s8] =	dma.local @!p0 [hbm:s6], $0xF7A  }
0x23: {  	s9 =	sor.u32 $0xD0000000, s2;
	s6 =	simm.s32 $0x108;
	_ =	swait.ge @!p0 [sflag:s8], $0x0  }
0x24: {  	s3 =	sadd.s32 $0x88, s3;
	s6 =	simm.s32 @!p1 $0x1082;
	[sflag:s4] =	ssyncset.s32 $0xFFFFF086  }
0x25: {  	[simem:s6], [sflag:s4] =	dma.local [hbm:s3], $0xF7A  }
0x26: {  	[smem:$0x3F9D] =	sst s1;
	(tag) =	ssettag s2;
	_ =	strace s9  }
0x27: {  	s1 =	sld [smem:$0x3FAD]  }
0x28: {  	s2 =	sld [smem:$0x3FAE]  }
0x29: {  	s4 =	sld [smem:$0x3FB0]  }
0x2a: {  	p0 =	seq.s32 s5, $0x0;
	s5 =	sld [smem:$0x3FB1]  }
0x2b: {  	s6 =	sld [smem:$0x3FB2]  }
0x2c: {  	s7 =	sld [smem:$0x3FB3]  }
0x2d: {  	s3 =	simm.s32 $0x108;
	s8 =	sld [smem:$0x3FB4]  }
0x2e: {  	s3 =	simm.s32 @!p0 $0x1082;
	s9 =	sld [smem:$0x3FB5]  }
0x2f: {  	lr =	sadd.s32 s0, s3;
	s0 =	sld [smem:$0x3FAC]  }
0x30: {  	s3 =	sld [smem:$0x3FAF]  }
0x31: {  	[smem:$0x3FB8] =	sst s10  }
0x32: {  	s10 =	sld [smem:$0x3FB6];
	_ =	sdelay $0x3  }
0x33: {  	p0 =	seq.s32 s10, $0x1;
	s10 =	sld [smem:$0x3FB8];
	_ =	sdelay $0x3  }
0x34: {  	[smem:$0x3FB8] =	sst s10  }
0x35: {  	s10 =	sld [smem:$0x3FB7];
	_ =	sdelay $0x3  }
0x36: {  	p1 =	seq.s32 s10, $0x1;
	s10 =	sld [smem:$0x3FB8];
	_ =	sdelay $0x3  }
0x37: {  	[smem:$0x3FB8] =	sst s10  }
0x38: {  	s10 =	sld [smem:$0x3FB9]  }
0x39: {  	_ = 	snop;
	(pc) =	sbr.ind lr, $3  }
0x3a: {  	_ = 	snop  }
0x3b: {  	_ = 	snop  }
0x3c: {  	p2 =	seq.s32 s10, $0x1;
	s10 =	sld [smem:$0x3FB8]  }
0x3d: {  	_ =	shalt  }
0x3e: {  	_ =	shalt  }
0x3f: {  	_ =	shalt  }
0x40: {  	_ =	shalt  }
0x41: {  	_ =	shalt  }
0x42: {  	_ =	shalt  }
0x43: {  	_ =	shalt  }
0x44: {  	_ =	shalt  }
0x45: {  	_ =	shalt  }
0x46: {  	_ =	shalt  }
0x47: {  	_ =	shalt  }
0x48: {  	_ =	shalt  }
0x49: {  	_ =	shalt  }
0x4a: {  	_ =	shalt  }
0x4b: {  	_ =	shalt  }
0x4c: {  	_ =	shalt  }
0x4d: {  	_ =	shalt  }
0x4e: {  	_ =	shalt  }
0x4f: {  	_ =	shalt  }
0x50: {  	_ =	shalt  }
0x51: {  	_ =	shalt  }
0x52: {  	_ =	shalt  }
0x53: {  	_ =	shalt  }
0x54: {  	_ =	shalt  }
0x55: {  	_ =	shalt  }
0x56: {  	_ =	shalt  }
0x57: {  	_ =	shalt  }
0x58: {  	_ =	shalt  }
0x59: {  	_ =	shalt  }
0x5a: {  	_ =	shalt  }
0x5b: {  	_ =	shalt  }
0x5c: {  	_ =	shalt  }
0x5d: {  	_ =	shalt  }
0x5e: {  	_ =	shalt  }
0x5f: {  	_ =	shalt  }
0x60: {  	_ =	shalt  }
0x61: {  	_ =	shalt  }
0x62: {  	_ =	shalt  }
0x63: {  	_ =	shalt  }
0x64: {  	_ =	shalt  }
0x65: {  	_ =	shalt  }
0x66: {  	_ =	shalt  }
0x67: {  	_ =	shalt  }
0x68: {  	_ =	shalt  }
0x69: {  	_ =	shalt  }
0x6a: {  	_ =	shalt  }
0x6b: {  	_ =	shalt  }
0x6c: {  	_ =	shalt  }
0x6d: {  	_ =	shalt  }
0x6e: {  	_ =	shalt  }
0x6f: {  	_ =	shalt  }
0x70: {  	_ =	shalt  }
0x71: {  	_ =	shalt  }
0x72: {  	_ =	shalt  }
0x73: {  	_ =	shalt  }
0x74: {  	_ =	shalt  }
0x75: {  	_ =	shalt  }
0x76: {  	_ =	shalt  }
0x77: {  	_ =	shalt  }
0x78: {  	_ =	shalt  }
0x79: {  	_ =	shalt  }
0x7a: {  	_ =	shalt  }
0x7b: {  	_ =	shalt  }
0x7c: {  	_ =	shalt  }
0x7d: {  	_ =	shalt  }
0x7e: {  	_ =	shalt  }
0x7f: {  	_ =	shalt  }
0x80: {  	_ =	shalt  }
0x81: {  	_ =	shalt  }
0x82: {  	_ =	shalt  }
0x83: {  	_ =	shalt  }
0x84: {  	_ =	shalt  }
0x85: {  	_ =	shalt  }
0x86: {  	_ =	shalt  }
0x87: {  	_ =	shalt  }
.Lfunc_end0:
.L_simem_size_0:
called_computation_lowered:
.L_overlay_start_0:
0x88: {  	s2 =	sld [smem:$0x3FD9]  }
0x89: {  	s3 =	sld [smem:$0x3FFE];
	_ =	sdelay $0x1  }
0x8a: {  	s1 =	srdreg.scid  }
0x8b: {  	s0 =	sand.u32 $0x1, s1  }
0x8c: {  	s17 =	sshll.u32 s0, $0xA;
	s2 =	sadd.s32 s3, s2  }
0x8d: {  	s2 =	sadd.s32 s2, s17  }
0x8e: {  	[smem:$0x3FC4] =	sst s2  }
0x8f: {  	_ = 	snop  }
0x90: {  	s2 =	sld [smem:$0x3FC8];
	(tm) =	ssettm $0x1  }
0x91: {  	s18 =	sld [smem:$0x3FFB];
	_ =	sdelay $0x3  }
0x92: {  	_ =	strace s18  }
0x93: {  	s3 =	sld [smem:$0x3FFC];
	_ =	sdelay $0x3  }
0x94: {  	_ =	strace s3  }
0x95: {  	s3 =	sld [smem:$0x3FFD];
	_ =	sdelay $0x3  }
0x96: {  	_ =	strace s3  }
0x97: {  	_ =	strace $0x8FFFFFFF  }
0x98: {  	s19 =	sld [smem:$0x3FDB];
	_ =	sdelay $0x1  }
0x99: {  	s4 =	simm.s32 $_scs_section_size  }
0x9a: {  	s5 =	simm.s32 $_size__tile_overlayer_lowered;
	s6 =	simm.s32 $_tile_overlayer_lowered  }
0x9b: {  	s22 =	simm.s32 $0x1BFF;
	s21 =	sshll.u32 s6, $0x1;
	s3 =	sadd.s32 s4, s19  }
0x9c: {  	s7 =	simm.s32 $0x0;
	s20 =	sshll.u32 s5, $0x1;
	s5 =	sadd.s32 s21, s3  }
0x9d: {  	[timem:s7], [sflag:s22] =	dma.local [hbm:s5], s20  }
0x9e: {  	_ =	swait.ge [sflag:s22], s20  }
0x9f: {  	s4 =	ssub.s32 $0x0, s20;
	[sflag:s22] =	ssyncset.done $0x0  }
0xa0: {  	[sflag:s22] =	ssyncadd.s32 s4;
	_ =	sdelay $0x1  }
0xa1: {  	s23 =	simm.s32 $0x1B8B  }
0xa2: {  	_ =	swait.ge [sflag:s23], $0x1  }
0xa3: {  	[sflag:s23] =	ssyncset.done $0x0  }
0xa4: {  	s25 =	simm.s32 $0x1B8E;
	s24 =	sld [smem:$0x3FFE];
	[sflag:s23] =	ssyncadd.s32 $0xFFFFFFFF  }
0xa5: {  	s26 =	simm.s32 $execute0_lowered;
	[smem:$0x3FD2] =	sst s25  }
0xa6: {  	s5 =	sshll.u32 s26, $0x1;
	_ =	strace $0x80000046;
	[dreg:$0x1] =	wrdreg $0xFFFFFFFF  }
0xa7: {  	s28 =	simm.s32 $_size_execute0_lowered;
	s3 =	sadd.s32 s3, s5;
	[dreg:$0x0] =	wrdreg $0x0  }
0xa8: {  	s5 =	sshll.u32 s28, $0x1;
	[dreg:$0x2] =	wrdreg s3  }
0xa9: {  	[dreg:$0x3] =	wrdreg s5  }
0xaa: {  	[dreg:$0x4] =	wrdreg $0xC0  }
0xab: {  	_ =	task [dreg:s7], $0x5FFFF  }
0xac: {  	[dreg:$0x1] =	wrdreg $0xFFFFFFFF  }
0xad: {  	[dreg:$0x0] =	wrdreg $0x60  }
0xae: {  	[dreg:$0x2] =	wrdreg s2  }
0xaf: {  	[dreg:$0x3] =	wrdreg s24  }
0xb0: {  	[dreg:$0x4] =	wrdreg $0x9  }
0xb1: {  	_ =	task.clear_ibuf [dreg:s7], $0x5FFFF;
	_ =	strace $0x90000046  }
0xb2: {  	s29 =	simm.s32 $0x9;
	_ =	strace $0x80000048  }
0xb3: {  	_ =	swait.ge [sflag:s29], $0x1  }
0xb4: {  	[sflag:s29] =	ssyncadd.s32 $0xFFFFFFFF  }
0xb5: {  	_ =	strace $0x90000048  }
0xb6: {  	_ =	sfence  }
0xb7: {  	s30 =	sld [smem:$0x0];
	_ =	sdelay $0x2  }
0xb8: {  	s31 =	sshll.u32 s1, $0xD;
	s1 =	sshrl.u32 s1, $0x2  }
0xb9: {  	s3 =	sand.u32 $0x4000, s31;
	s1 =	sadd.s32 s1, s30  }
0xba: {  	s0 =	sor.u32 s3, s0;
	s1 =	sshll.u32 s1, $0x11  }
0xbb: {  	s0 =	sor.u32 s1, s0  }
0xbc: {  	s0 =	sadd.s32 $0x8F2B, s0  }
0xbd: {  	[sflag:s0] =	ssyncadd.remote.s32 $0x1  }
0xbe: {  	_ =	sfence.sel $0xFFFF  }
0xbf: {  	[dreg:$0x0] =	wrdreg $0xFFFFFFFF;
	(pc) =	sbr.abs _section_cstart, $3  }
0xc0: {  	[dreg:$0x1] =	wrdreg $0xFFFFFFFF  }
0xc1: {  	_ =	task.clear_ibuf [dreg:s7], $0x2FFFF;
	_ =	strace $0x9FFFFFFF  }
0xc2: {  	(tm) =	ssettm $0x7FFFFFFF  }
0xc3: {  	_ =	shalt  }
tec
execute0_lowered:
.L_overlay_start_1:
0x0: {  	(tag) =	ssettag $0x1  }
0x1: {  	s6 =	rddreg [dreg:$0x0];
	s3 =	simm.s32 $0x0  }
0x2: {  	[smem:$0x7FF] =	sst s3  }
0x3: {  	s0 =	rddreg [dreg:$0x1];
	s11 =	sadd.s32 $0x27AC00, s6;
	s12 =	sadd.s32 $0x27AC10, s6  }
0x4: {  	_ =	strace $0x80000047;
	[smem:$0x7E6] =	sst s11  }
0x5: {  	s13 =	sadd.s32 $0x27AC20, s6;
	[smem:$0x7E7] =	sst s12  }
0x6: {  	s14 =	sadd.s32 $0x27AC30, s6;
	[smem:$0x7E8] =	sst s13  }
0x7: {  	s15 =	sadd.s32 $0x27AC40, s6;
	[smem:$0x7E9] =	sst s14  }
0x8: {  	s17 =	sadd.s32 $0x27AC50, s6;
	[smem:$0x7EA] =	sst s15  }
0x9: {  	s18 =	sadd.s32 $0x27AC60, s6;
	[smem:$0x7EB] =	sst s17  }
0xa: {  	s19 =	sadd.s32 $0x27AC70, s6;
	[smem:$0x7EC] =	sst s18  }
0xb: {  	s20 =	sadd.s32 $0x4F5880, s6;
	[smem:$0x7EE] =	sst s19  }
0xc: {  	v0 =	vlaneseq.u32;
	s22 =	sadd.s32 $0x4F5890, s6;
	[smem:$0x7EF] =	sst s20  }
0xd: {  	s23 =	sadd.s32 $0x4F58A0, s6;
	v0 =	vmul.u32 $0x10, v0;
	[smem:$0x7F1] =	sst s22  }
0xe: {  	s1 =	srdreg.scid;
	s7 =	sadd.s32 $0x1200, s0;
	[smem:$0x7F2] =	sst s23  }
0xf: {  	s2 =	stileid.u32;
	s24 =	sadd.s32 $0x4F58B0, s6;
	[smem:$0x7F3] =	sst s7;
	v53 =	vor.u32 $0x1, v0;
	[tilespmem:$0x1FF00] =	vst v0  }
0x10: {  	s8 =	simm.s32 $0x50;
	s25 =	sadd.s32 $0x4F58C0, s6;
	[smem:$0x7F5] =	sst s24;
	v15 =	vor.u32 $0x5, v0;
	[tilespmem:$0x1FF10] =	vst v53  }
0x11: {  	s1 =	sand.u32 $0x1, s1;
	s0 =	sadd.s32 $0x4F6A00, s0;
	[smem:$0x7F6] =	sst s25;
	v54 =	vor.u32 $0x6, v0;
	[tilespmem:$0x1FF20] =	vst v15  }
0x12: {  	s2 =	sshll.u32 s2, $0x1;
	s28 =	sadd.s32 $0x4F58D0, s6;
	[smem:$0x7F7] =	sst s0;
	v60 =	vor.u32 $0x7, v0;
	[tilespmem:$0x1FF30] =	vst v54  }
0x13: {  	s3 =	simm.s32 $0x9E0;
	s29 =	sadd.s32 $0x4F58E0, s6;
	[smem:$0x7F9] =	sst s28;
	v61 =	vor.u32 $0x8, v0;
	[tilespmem:$0x1FF40] =	vst v60  }
0x14: {  	s31 =	sadd.s32 $0x4F58F0, s6;
	s2 =	sor.u32 s1, s2;
	[smem:$0x7FA] =	sst s29;
	v51 =	vor.u32 $0x9, v0;
	[tilespmem:$0x1FF50] =	vst v61  }
0x15: {  	s1 =	ssub.s32 $0x2, s1;
	[smem:$0x7FD] =	sst s31;
	p0 =	slt.u32 s2, $0xB;
	v24 =	vor.u32 $0x3, v0;
	[tilespmem:$0x1FF60] =	vst v51  }
0x16: {  	s4 =	sshrl.u32 s1, $0x1;
	s5 =	sshll.u32 s2, $0xA;
	s9 =	sshll.u32 s2, $0xE;
	v25 =	vor.u32 $0x4, v0;
	[tilespmem:$0x1FF70] =	vst v24  }
0x17: {  	s10 =	sshll.u32 s2, $0xD;
	s21 =	sor.u32 $0x20, s2;
	v43 =	vor.u32 $0xF, v0;
	[smem:$0x7E4] =	sst s9;
	[tilespmem:$0x1FF80] =	vst v25  }
0x18: {  	v42 =	vor.u32 $0xA, v0;
	s3 =	simm.s32 @!p0 $0x9C0;
	[smem:$0x7E5] =	sst s10;
	s1 =	ssub.s32 s1, s4;
	[tilespmem:$0x1FF90] =	vst v43  }
0x19: {  	v46 =	vor.u32 $0x2, v0;
	s8 =	simm.s32 @!p0 $0x4F;
	s5 =	sadd.s32 s6, s5;
	[smem:$0x7F0] =	sst s21;
	[tilespmem:$0x1FFA0] =	vst v42  }
.Ltmp0:
0x1a: {  	v58 =	vor.u32 $0xB, v0;
	p0 =	sne.s32 s2, $0x1F;
	[tilespmem:$0x1FFB0] =	vst v46;
	[smem:$0x7ED] =	sst s5;
	(pc) =	sbr.rel .LBB2_1-.Ltmp0, $4  }
0x1b: {  	v48 =	vor.u32 $0xC, v0;
	[tilespmem:$0x1FFC0] =	vst v58;
	s3 =	sor.u32 s2, s3;
	s26 =	smax.u32 s1, $0x1;
	[smem:$0x7FB] =	sst s8  }
0x1c: {  	v49 =	vor.u32 $0xD, v0;
	[tilespmem:$0x1FFD0] =	vst v48;
	s30 =	sshrl.u32 s8, $0x1;
	s3 =	sshll.u32 s3, $0xB;
	[smem:$0x7F8] =	sst s26  }
0x1d: {  	v50 =	vor.u32 $0xE, v0;
	[tilespmem:$0x1FFE0] =	vst v49;
	s16 =	sand.u32 $0x1, s8;
	[smem:$0x7FC] =	sst s30;
	s3 =	sadd.s32 s7, s3  }
0x1e: {  	v45 =	vmov v0;
	[tilespmem:$0x1FFF0] =	vst v50;
	s1 =	simm.s32 $0x0;
	p1 =	seq.s32 s16, $0x0;
	[smem:$0x7F4] =	sst s3  }
.LBB2_15:
0x1f: {  	s0 =	sld [smem:$0x7F8];
	_ =	sdelay $0x1  }
0x20: {  	s1 =	sadd.s32 $0x1, s1  }
0x21: {  	p2 =	sne.s32 s1, s0  }
.Ltmp1:
0x22: {  	_ = 	snop;
	(pc) =	sbr.rel @!p2 .LBB2_16-.Ltmp1, $1  }
0x23: {  	_ =	sdelay $0x3  }
.LBB2_1:
0x24: {  	s31 =	sld [smem:$0x7ED]  }
0x25: {  	[smem:$0x7E3] =	sst s1;
	s0 =	simm.s32 $0x0  }
0x26: {  	s2 =	simm.s32 $0x2000;
	s3 =	simm.s32 $0x13D6400;
	s1 =	simm.s32 $0x0  }
0x27: {  	[tilespmem:s0], [sflag:$0x1] =	stream.strided.gather [hbm4b:s31+s2], $0x4000, s3, s2, $0x38;
	[tilespmem:$0x10000] =	vst v63  }
.LBB2_2:
0x28: {  	[smem:$0x7E1] =	sst s1  }
0x29: {  	s17 =	sld [smem:$0x7F0]  }
0x2a: {  	s0 =	sshll.u32 s1, $0x6;
	s18 =	simm.s32 $0x1;
	s19 =	simm.s32 $0x2000  }
0x2b: {  	s2 =	simm.s32 $0x13D6400;
	s3 =	simm.s32 $0x4000;
	_ =	swait.ge [sflag:s18], $0x4000  }
0x2c: {  	s6 =	simm.s32 $0x0;
	[sflag:s18] =	ssyncset.done $0x0;
	s0 =	sor.u32 s17, s0  }
0x2d: {  	[sflag:s18] =	ssyncadd.s32 $0xFFFFC000;
	[smem:$0x7E2] =	sst s0;
	s0 =	sshll.u32 s0, $0xA  }
0x2e: {  	s10 =	simm.s32 $0x20;
	s1 =	rddreg [dreg:$0x0];
	s0 =	sand.u32 $0x1FFFFC00, s0  }
0x2f: {  	s5 =	sand.u32 $0x1C00, s6;
	s4 =	sand.u32 $0x60, s10;
	s0 =	sadd.s32 s1, s0  }
0x30: {  	[tilespmem:s3], [sflag:$0x2] =	stream.strided.gather [hbm4b:s0+s19], $0x4000, s2, s19, $0x38;
	[tilespmem:$0x10000] =	vst v63  }
0x31: {  	s11 =	sor.u32 s4, s5;
	s2 =	simm.s32 $0x200  }
0x32: {  	v0 =	vld [tilespmem:s11+$0x0];
	v1 =	vor.u32 s2, v45;
	_ =	sdelay $0x1  }
0x33: {  	s8 =	simm.s32 $0x10  }
0x34: {  	s9 =	simm.s32 $0x0;
	s21 =	sand.u32 $0x50, s8  }
0x35: {  	s20 =	simm.s32 $0x100;
	s13 =	sor.u32 s21, s5;
	s0 =	simm.s32 $0x8000  }
0x36: {  	v17 =	vor.u32 s20, v45;
	s18 =	sand.u32 $0x40, s9;
	v16 =	vld [tilespmem:s13+$0x0];
	[tilespmem:v1+s0+$0x0] =	vst.idx.msk $0xffff, v0  }
0x37: {  	s17 =	simm.s32 $0x0;
	s12 =	sor.u32 s18, s5;
	v1 =	vor.u32 s2, v53;
	v0 =	vld [tilespmem:s11+$0x80]  }
0x38: {  	s7 =	simm.s32 $0x30;
	v3 =	vor.u32 s17, v45;
	v2 =	vld [tilespmem:s12+$0x0]  }
0x39: {  	s28 =	sand.u32 $0x70, s7  }
0x3a: {  	s14 =	sor.u32 s28, s5;
	s3 =	simm.s32 $0x300  }
0x3b: {  	s22 =	simm.s32 $0x100;
	v18 =	vor.u32 s3, v45;
	v19 =	vld [tilespmem:s14+$0x0];
	[tilespmem:v17+s0+$0x0] =	vst.idx.msk $0xffff, v16  }
0x3c: {  	v16 =	vor.u32 s22, v53;
	v17 =	vld [tilespmem:s13+$0x80];
	[tilespmem:v1+s0+$0x0] =	vst.idx.msk $0xffff, v0  }
0x3d: {  	[tilespmem:v3+s0+$0x0] =	vst.idx.msk $0xffff, v2;
	v1 =	vor.u32 s2, v46;
	v0 =	vld [tilespmem:s11+$0x100]  }
0x3e: {  	v2 =	vor.u32 s17, v53;
	v3 =	vld [tilespmem:s12+$0x80];
	_ =	sdelay $0x1  }
0x3f: {  	[tilespmem:v18+s0+$0x0] =	vst.idx.msk $0xffff, v19  }
0x40: {  	v63 =	vor.u32 s3, v53;
	v19 =	vld [tilespmem:s14+$0x80];
	[tilespmem:v16+s0+$0x0] =	vst.idx.msk $0xffff, v17  }
0x41: {  	v16 =	vor.u32 s22, v46;
	v17 =	vld [tilespmem:s13+$0x100];
	[tilespmem:v1+s0+$0x0] =	vst.idx.msk $0xffff, v0  }
0x42: {  	[tilespmem:v2+s0+$0x0] =	vst.idx.msk $0xffff, v3;
	v1 =	vor.u32 s2, v24;
	v0 =	vld [tilespmem:s11+$0x180]  }
0x43: {  	s23 =	sand.u32 $0x3, s6;
	v2 =	vor.u32 s17, v46;
	v3 =	vld [tilespmem:s12+$0x100]  }
0x44: {  	s11 =	sshll.u32 s23, $0x5  }
0x45: {  	[tilespmem:v63+s0+$0x0] =	vst.idx.msk $0xffff, v19;
	s11 =	sadd.s32 $0x0, s11  }
0x46: {  	s24 =	simm.s32 $0x100;
	v32 =	vor.u32 s3, v46;
	v19 =	vld [tilespmem:s14+$0x100];
	[tilespmem:v16+s0+$0x0] =	vst.idx.msk $0xffff, v17;
	s11 =	sadd.s32 $0x20, s11  }
0x47: {  	v16 =	vor.u32 s24, v24;
	v17 =	vld [tilespmem:s13+$0x180];
	s15 =	sor.u32 $0x200, s11;
	[tilespmem:v1+s0+$0x0] =	vst.idx.msk $0xffff, v0  }
0x48: {  	s25 =	sand.u32 $0x7, s6;
	[tilespmem:v2+s0+$0x0] =	vst.idx.msk $0xffff, v3;
	v1 =	vor.u32 s2, v25;
	v0 =	vld [tilespmem:s15+$0x0]  }
0x49: {  	v2 =	vor.u32 s17, v24;
	v3 =	vld [tilespmem:s12+$0x180];
	s13 =	sshll.u32 s25, $0x4  }
0x4a: {  	p2 =	por $0x0, $0x0;
	s12 =	simm.s32 $0x1;
	s13 =	sadd.s32 $0x0, s13  }
0x4b: {  	[tilespmem:v32+s0+$0x0] =	vst.idx.msk $0xffff, v19;
	s12 =	simm.s32 @!p2 $0x0;
	s29 =	sadd.s32 $0x10, s13  }
0x4c: {  	v33 =	vor.u32 s3, v24;
	v19 =	vld [tilespmem:s14+$0x180];
	s12 =	sshll.u32 s12, $0x6;
	s30 =	sor.u32 $0x200, s29;
	[tilespmem:v16+s0+$0x0] =	vst.idx.msk $0xffff, v17  }
0x4d: {  	s12 =	sadd.s32 $0x0, s12;
	s26 =	sor.u32 $0x280, s11;
	v16 =	vor.u32 s24, v25;
	v17 =	vld [tilespmem:s30+$0x0];
	[tilespmem:v1+s0+$0x0] =	vst.idx.msk $0xffff, v0  }
0x4e: {  	s16 =	sor.u32 $0x200, s12;
	[tilespmem:v2+s0+$0x0] =	vst.idx.msk $0xffff, v3;
	v1 =	vor.u32 s2, v15;
	v0 =	vld [tilespmem:s26+$0x0]  }
0x4f: {  	v2 =	vor.u32 s17, v25;
	v3 =	vld [tilespmem:s16+$0x0]  }
0x50: {  	s13 =	sadd.s32 $0x30, s13  }
0x51: {  	s1 =	sor.u32 $0x200, s13;
	[tilespmem:v33+s0+$0x0] =	vst.idx.msk $0xffff, v19  }
0x52: {  	s20 =	simm.s32 $0x100;
	v34 =	vor.u32 s3, v25;
	s19 =	sor.u32 $0x280, s29;
	v19 =	vld [tilespmem:s1+$0x0];
	[tilespmem:v16+s0+$0x0] =	vst.idx.msk $0xffff, v17  }
0x53: {  	s11 =	sor.u32 $0x300, s11;
	v16 =	vor.u32 s20, v15;
	v17 =	vld [tilespmem:s19+$0x0];
	[tilespmem:v1+s0+$0x0] =	vst.idx.msk $0xffff, v0  }
0x54: {  	s16 =	sor.u32 $0x280, s12;
	[tilespmem:v2+s0+$0x0] =	vst.idx.msk $0xffff, v3;
	v1 =	vor.u32 s2, v54;
	v0 =	vld [tilespmem:s11+$0x0]  }
0x55: {  	v2 =	vor.u32 s17, v15;
	v3 =	vld [tilespmem:s16+$0x0];
	_ =	sdelay $0x1  }
0x56: {  	s22 =	sor.u32 $0x280, s13;
	[tilespmem:v34+s0+$0x0] =	vst.idx.msk $0xffff, v19  }
0x57: {  	s10 =	sor.u32 s10, s6;
	v35 =	vor.u32 s3, v15;
	s24 =	sor.u32 $0x300, s29;
	v19 =	vld [tilespmem:s22+$0x0];
	[tilespmem:v16+s0+$0x0] =	vst.idx.msk $0xffff, v17  }
0x58: {  	s10 =	sor.u32 $0x380, s10;
	v16 =	vor.u32 s20, v54;
	v17 =	vld [tilespmem:s24+$0x0];
	[tilespmem:v1+s0+$0x0] =	vst.idx.msk $0xffff, v0  }
0x59: {  	s23 =	sor.u32 $0x300, s12;
	[tilespmem:v2+s0+$0x0] =	vst.idx.msk $0xffff, v3;
	v1 =	vor.u32 s2, v60;
	v0 =	vld [tilespmem:s10+$0x0]  }
0x5a: {  	v2 =	vor.u32 s17, v54;
	v3 =	vld [tilespmem:s23+$0x0];
	_ =	sdelay $0x1  }
0x5b: {  	s8 =	sor.u32 s8, s6;
	s25 =	sor.u32 $0x300, s13;
	[tilespmem:v35+s0+$0x0] =	vst.idx.msk $0xffff, v19  }
0x5c: {  	s8 =	sor.u32 $0x380, s8;
	v36 =	vor.u32 s3, v54;
	s26 =	sor.u32 $0x2000, s5;
	v19 =	vld [tilespmem:s25+$0x0];
	[tilespmem:v16+s0+$0x0] =	vst.idx.msk $0xffff, v17  }
0x5d: {  	s9 =	sor.u32 s9, s6;
	s29 =	sor.u32 s4, s26;
	v16 =	vor.u32 s20, v60;
	v17 =	vld [tilespmem:s8+$0x0];
	[tilespmem:v1+s0+$0x0] =	vst.idx.msk $0xffff, v0  }
0x5e: {  	s9 =	sor.u32 $0x380, s9;
	[tilespmem:v2+s0+$0x0] =	vst.idx.msk $0xffff, v3;
	v1 =	vor.u32 s2, v61;
	v0 =	vld [tilespmem:s29+$0x0]  }
0x5f: {  	v2 =	vor.u32 s17, v60;
	v3 =	vld [tilespmem:s9+$0x0]  }
0x60: {  	s6 =	sor.u32 s7, s6  }
0x61: {  	s6 =	sor.u32 $0x380, s6;
	[tilespmem:v36+s0+$0x0] =	vst.idx.msk $0xffff, v19  }
0x62: {  	v37 =	vor.u32 s3, v60;
	s30 =	sor.u32 $0x2080, s5;
	s13 =	sor.u32 s21, s26;
	v19 =	vld [tilespmem:s6+$0x0];
	[tilespmem:v16+s0+$0x0] =	vst.idx.msk $0xffff, v17  }
0x63: {  	s11 =	sor.u32 s4, s30;
	v16 =	vor.u32 s20, v61;
	v17 =	vld [tilespmem:s13+$0x0];
	[tilespmem:v1+s0+$0x0] =	vst.idx.msk $0xffff, v0  }
0x64: {  	s12 =	sor.u32 s18, s26;
	[tilespmem:v2+s0+$0x0] =	vst.idx.msk $0xffff, v3;
	v1 =	vor.u32 s2, v51;
	v0 =	vld [tilespmem:s11+$0x0]  }
0x65: {  	v2 =	vor.u32 s17, v61;
	v3 =	vld [tilespmem:s12+$0x0];
	_ =	sdelay $0x1  }
0x66: {  	s14 =	sor.u32 s28, s26;
	[tilespmem:v37+s0+$0x0] =	vst.idx.msk $0xffff, v19  }
0x67: {  	s16 =	sor.u32 $0x2100, s5;
	s20 =	sor.u32 s21, s30;
	v19 =	vld [tilespmem:s14+$0x0];
	[tilespmem:v16+s0+$0x0] =	vst.idx.msk $0xffff, v17  }
0x68: {  	v38 =	vor.u32 s3, v61;
	s22 =	simm.s32 $0x60;
	s15 =	sor.u32 s4, s16;
	s10 =	simm.s32 $0x200;
	v17 =	vld [tilespmem:s20+$0x0];
	[tilespmem:v1+s0+$0x0] =	vst.idx.msk $0xffff, v0  }
0x69: {  	s19 =	sor.u32 s18, s30;
	s1 =	sand.u32 $0x1C00, s10;
	[tilespmem:v2+s0+$0x0] =	vst.idx.msk $0xffff, v3;
	s20 =	sand.u32 $0x60, s22;
	v1 =	vor.u32 s2, v42;
	v0 =	vld [tilespmem:s15+$0x0]  }
0x6a: {  	v2 =	vor.u32 s17, v51;
	v3 =	vld [tilespmem:s19+$0x0];
	s19 =	simm.s32 $0x600;
	s14 =	sor.u32 s20, s1  }
0x6b: {  	s9 =	simm.s32 $0x100;
	v21 =	vor.u32 s19, v45;
	v20 =	vld [tilespmem:s14+$0x0]  }
0x6c: {  	v16 =	vor.u32 s9, v51  }
0x6d: {  	s6 =	sor.u32 s28, s30;
	s29 =	sor.u32 $0x2180, s5;
	[tilespmem:v38+s0+$0x0] =	vst.idx.msk $0xffff, v19  }
0x6e: {  	v39 =	vor.u32 s3, v51;
	s23 =	sor.u32 s4, s29;
	v19 =	vld [tilespmem:s6+$0x0];
	[tilespmem:v1+s0+$0x0] =	vst.idx.msk $0xffff, v0  }
0x6f: {  	s24 =	sor.u32 s18, s16;
	[tilespmem:v2+s0+$0x0] =	vst.idx.msk $0xffff, v3;
	v1 =	vor.u32 s2, v58;
	v0 =	vld [tilespmem:s23+$0x0]  }
0x70: {  	s7 =	simm.s32 $0x400;
	s25 =	simm.s32 $0x40;
	v2 =	vor.u32 s17, v42;
	v3 =	vld [tilespmem:s24+$0x0];
	[tilespmem:v21+s0+$0x0] =	vst.idx.msk $0xffff, v20  }
0x71: {  	s26 =	sor.u32 s21, s16;
	[tilespmem:v16+s0+$0x0] =	vst.idx.msk $0xffff, v17;
	s15 =	simm.s32 $0x50;
	v21 =	vor.u32 s19, v53;
	v20 =	vld [tilespmem:s14+$0x80];
	s23 =	sand.u32 $0x40, s25  }
0x72: {  	s12 =	simm.s32 $0x70;
	v16 =	vor.u32 s9, v42;
	v17 =	vld [tilespmem:s26+$0x0];
	s22 =	sand.u32 $0x50, s15;
	s31 =	sor.u32 s23, s1  }
0x73: {  	v41 =	vor.u32 s7, v45;
	s6 =	simm.s32 $0x500;
	[tilespmem:v39+s0+$0x0] =	vst.idx.msk $0xffff, v19;
	s8 =	sor.u32 s22, s1;
	s25 =	sor.u32 $0x2200, s5;
	v40 =	vld [tilespmem:s31+$0x0]  }
0x74: {  	s11 =	sand.u32 $0x70, s12;
	v23 =	vor.u32 s6, v45;
	v22 =	vld [tilespmem:s8+$0x0];
	s30 =	sor.u32 s4, s25;
	[tilespmem:v1+s0+$0x0] =	vst.idx.msk $0xffff, v0  }
0x75: {  	s13 =	simm.s32 $0x700;
	[tilespmem:v2+s0+$0x0] =	vst.idx.msk $0xffff, v3;
	v1 =	vor.u32 s2, v48;
	v0 =	vld [tilespmem:s30+$0x0];
	s30 =	sor.u32 s11, s1  }
0x76: {  	v2 =	vor.u32 s13, v45;
	[tilespmem:v21+s0+$0x0] =	vst.idx.msk $0xffff, v20;
	v3 =	vld [tilespmem:s30+$0x0]  }
0x77: {  	s16 =	sor.u32 s28, s16;
	[tilespmem:v16+s0+$0x0] =	vst.idx.msk $0xffff, v17;
	v21 =	vor.u32 s19, v46;
	v20 =	vld [tilespmem:s14+$0x100]  }
0x78: {  	v16 =	vld [tilespmem:s16+$0x0];
	v17 =	vor.u32 s3, v42;
	[tilespmem:v41+s0+$0x0] =	vst.idx.msk $0xffff, v40  }
0x79: {  	v44 =	vor.u32 s7, v53;
	s26 =	sor.u32 $0x2280, s5;
	[tilespmem:v23+s0+$0x0] =	vst.idx.msk $0xffff, v22;
	v19 =	vld [tilespmem:s31+$0x80]  }
0x7a: {  	s24 =	sor.u32 s4, s26;
	v22 =	vor.u32 s6, v53;
	v23 =	vld [tilespmem:s8+$0x80];
	[tilespmem:v1+s0+$0x0] =	vst.idx.msk $0xffff, v0  }
0x7b: {  	v1 =	vor.u32 s2, v49;
	v0 =	vld [tilespmem:s24+$0x0];
	[tilespmem:v2+s0+$0x0] =	vst.idx.msk $0xffff, v3  }
0x7c: {  	[tilespmem:v21+s0+$0x0] =	vst.idx.msk $0xffff, v20;
	v2 =	vor.u32 s13, v53;
	v3 =	vld [tilespmem:s30+$0x80]  }
0x7d: {  	[tilespmem:v17+s0+$0x0] =	vst.idx.msk $0xffff, v16;
	v20 =	vld [tilespmem:s14+$0x180];
	s24 =	sor.u32 s18, s29  }
0x7e: {  	v17 =	vor.u32 s17, v58;
	v16 =	vld [tilespmem:s24+$0x0];
	[tilespmem:v44+s0+$0x0] =	vst.idx.msk $0xffff, v19  }
0x7f: {  	v47 =	vor.u32 s7, v46;
	s16 =	sor.u32 $0x2300, s5;
	[tilespmem:v22+s0+$0x0] =	vst.idx.msk $0xffff, v23;
	v19 =	vld [tilespmem:s31+$0x100]  }
0x80: {  	v22 =	vor.u32 s6, v46;
	s14 =	sor.u32 s4, s16;
	v23 =	vld [tilespmem:s8+$0x100];
	[tilespmem:v1+s0+$0x0] =	vst.idx.msk $0xffff, v0  }
0x81: {  	v21 =	vor.u32 s19, v24;
	s24 =	simm.s32 $0x2;
	v0 =	vld [tilespmem:s14+$0x0];
	[tilespmem:v2+s0+$0x0] =	vst.idx.msk $0xffff, v3;
	s14 =	simm.s32 $0x2  }
0x82: {  	s24 =	sand.u32 $0x3, s24;
	v1 =	vor.u32 s2, v50;
	[dreg:$0x7] =	wrdreg s14  }
0x83: {  	v2 =	vor.u32 s13, v46;
	s14 =	sshll.u32 s24, $0x5;
	s24 =	sor.u32 s21, s29;
	v3 =	vld [tilespmem:s30+$0x100];
	[tilespmem:v17+s0+$0x0] =	vst.idx.msk $0xffff, v16  }
0x84: {  	v16 =	vld [tilespmem:s24+$0x0];
	v17 =	vor.u32 s9, v58;
	s14 =	sadd.s32 $0x200, s14;
	[tilespmem:v47+s0+$0x0] =	vst.idx.msk $0xffff, v19  }
0x85: {  	v52 =	vor.u32 s7, v24;
	p2 =	por !p2, !p2;
	s5 =	sor.u32 $0x2380, s5;
	[tilespmem:v22+s0+$0x0] =	vst.idx.msk $0xffff, v23;
	v18 =	vld [tilespmem:s31+$0x180];
	s14 =	sadd.s32 $0x20, s14  }
0x86: {  	v23 =	vor.u32 s6, v24;
	[tilespmem:v21+s0+$0x0] =	vst.idx.msk $0xffff, v20;
	v22 =	vld [tilespmem:s8+$0x180];
	s8 =	simm.s32 $0x1;
	s31 =	simm.s32 $0x4;
	s24 =	sor.u32 $0x200, s14  }
0x87: {  	s4 =	sor.u32 s4, s5;
	v21 =	vor.u32 s19, v25;
	s8 =	simm.s32 @!p2 $0x0;
	v20 =	vld [tilespmem:s24+$0x0];
	[tilespmem:v1+s0+$0x0] =	vst.idx.msk $0xffff, v0;
	s24 =	sand.u32 $0x7, s31  }
0x88: {  	v1 =	vor.u32 s2, v43;
	s2 =	sshll.u32 s8, $0x6;
	v0 =	vld [tilespmem:s4+$0x0];
	s8 =	sshll.u32 s24, $0x4;
	s24 =	sor.u32 s28, s29;
	[tilespmem:v2+s0+$0x0] =	vst.idx.msk $0xffff, v3  }
0x89: {  	s2 =	sadd.s32 $0x200, s2;
	s4 =	sadd.s32 $0x200, s8;
	[tilespmem:v17+s0+$0x0] =	vst.idx.msk $0xffff, v16;
	v16 =	vld [tilespmem:s24+$0x0];
	v17 =	vor.u32 s3, v58  }
0x8a: {  	v3 =	vor.u32 s13, v24;
	s29 =	sor.u32 $0x200, s2;
	v2 =	vld [tilespmem:s30+$0x180];
	[tilespmem:v52+s0+$0x0] =	vst.idx.msk $0xffff, v18;
	s8 =	sadd.s32 $0x10, s4  }
0x8b: {  	v55 =	vor.u32 s7, v25;
	[tilespmem:v23+s0+$0x0] =	vst.idx.msk $0xffff, v22;
	v18 =	vld [tilespmem:s29+$0x0];
	s30 =	sor.u32 $0x200, s8  }
0x8c: {  	v23 =	vor.u32 s6, v25;
	s29 =	sor.u32 $0x280, s14;
	v22 =	vld [tilespmem:s30+$0x0];
	[tilespmem:v21+s0+$0x0] =	vst.idx.msk $0xffff, v20  }
0x8d: {  	v21 =	vor.u32 s19, v15;
	s30 =	sor.u32 s18, s25;
	v20 =	vld [tilespmem:s29+$0x0];
	[tilespmem:v1+s0+$0x0] =	vst.idx.msk $0xffff, v0  }
0x8e: {  	s4 =	sadd.s32 $0x30, s4;
	v0 =	vld [tilespmem:s30+$0x0];
	v1 =	vor.u32 s17, v48;
	s30 =	sor.u32 s21, s25;
	[tilespmem:v17+s0+$0x0] =	vst.idx.msk $0xffff, v16  }
0x8f: {  	s29 =	sor.u32 $0x200, s4;
	v16 =	vld [tilespmem:s30+$0x0];
	v17 =	vor.u32 s9, v48;
	[tilespmem:v3+s0+$0x0] =	vst.idx.msk $0xffff, v2  }
0x90: {  	v3 =	vor.u32 s13, v25;
	v2 =	vld [tilespmem:s29+$0x0];
	[tilespmem:v55+s0+$0x0] =	vst.idx.msk $0xffff, v18;
	s29 =	sor.u32 $0x280, s2  }
0x91: {  	v56 =	vor.u32 s7, v15;
	s30 =	sor.u32 $0x280, s8;
	v18 =	vld [tilespmem:s29+$0x0];
	[tilespmem:v23+s0+$0x0] =	vst.idx.msk $0xffff, v22  }
0x92: {  	s14 =	sor.u32 $0x300, s14;
	v23 =	vor.u32 s6, v15;
	v22 =	vld [tilespmem:s30+$0x0];
	[tilespmem:v21+s0+$0x0] =	vst.idx.msk $0xffff, v20  }
0x93: {  	s29 =	sor.u32 s28, s25;
	v21 =	vor.u32 s19, v54;
	[tilespmem:v1+s0+$0x0] =	vst.idx.msk $0xffff, v0;
	v20 =	vld [tilespmem:s14+$0x0]  }
0x94: {  	s25 =	smov.u32 s1;
	s1 =	sor.u32 s18, s26;
	v0 =	vld [tilespmem:s29+$0x0];
	v1 =	vor.u32 s3, v48;
	[tilespmem:v17+s0+$0x0] =	vst.idx.msk $0xffff, v16  }
0x95: {  	s30 =	sor.u32 $0x280, s4;
	v16 =	vld [tilespmem:s1+$0x0];
	v17 =	vor.u32 s17, v49;
	[tilespmem:v3+s0+$0x0] =	vst.idx.msk $0xffff, v2  }
0x96: {  	s24 =	simm.s32 $0x60;
	s2 =	sor.u32 $0x300, s2;
	v3 =	vor.u32 s13, v15;
	v2 =	vld [tilespmem:s30+$0x0];
	[tilespmem:v56+s0+$0x0] =	vst.idx.msk $0xffff, v18  }
0x97: {  	v57 =	vor.u32 s7, v54;
	s29 =	sor.u32 s24, s10;
	s14 =	sor.u32 $0x300, s8;
	v18 =	vld [tilespmem:s2+$0x0];
	[tilespmem:v23+s0+$0x0] =	vst.idx.msk $0xffff, v22  }
0x98: {  	s8 =	simm.s32 $0x8000;
	s30 =	sor.u32 $0x380, s29;
	v23 =	vor.u32 s6, v54;
	v22 =	vld [tilespmem:s14+$0x0];
	[tilespmem:v21+s0+$0x0] =	vst.idx.msk $0xffff, v20  }
0x99: {  	[tilespmem:v1+s8+$0x0] =	vst.idx.msk $0xffff, v0;
	v21 =	vor.u32 s19, v60;
	s0 =	sor.u32 s21, s26;
	v20 =	vld [tilespmem:s30+$0x0]  }
0x9a: {  	s1 =	sor.u32 $0x300, s4;
	s4 =	simm.s32 $0x40;
	v1 =	vor.u32 s9, v49;
	s14 =	sor.u32 s28, s26;
	[tilespmem:v17+s8+$0x0] =	vst.idx.msk $0xffff, v16;
	v0 =	vld [tilespmem:s0+$0x0]  }
0x9b: {  	v25 =	vor.u32 s3, v49;
	s9 =	sor.u32 s4, s10;
	v24 =	vld [tilespmem:s14+$0x0];
	[tilespmem:v3+s8+$0x0] =	vst.idx.msk $0xffff, v2  }
0x9c: {  	s15 =	sor.u32 s15, s10;
	s2 =	sor.u32 $0x380, s9;
	v3 =	vor.u32 s13, v54;
	v2 =	vld [tilespmem:s1+$0x0];
	[tilespmem:v57+s8+$0x0] =	vst.idx.msk $0xffff, v18  }
0x9d: {  	v26 =	vor.u32 s7, v60;
	v10 =	vor.u32 s17, v43;
	s24 =	sor.u32 $0x380, s15;
	v28 =	vld [tilespmem:s2+$0x0];
	[tilespmem:v23+s8+$0x0] =	vst.idx.msk $0xffff, v22  }
0x9e: {  	v9 =	vor.u32 s3, v50;
	v7 =	vor.u32 s3, v43;
	v29 =	vor.u32 s6, v60;
	s3 =	sor.u32 s18, s16;
	s2 =	sor.u32 $0x2000, s25;
	v30 =	vld [tilespmem:s24+$0x0];
	[tilespmem:v21+s8+$0x0] =	vst.idx.msk $0xffff, v20  }
0x9f: {  	v59 =	vor.u32 s7, v61;
	v27 =	vor.u32 s7, v58;
	v23 =	vor.u32 s17, v50;
	s26 =	sor.u32 s20, s2;
	[tilespmem:v1+s8+$0x0] =	vst.idx.msk $0xffff, v0;
	v0 =	vld [tilespmem:s3+$0x0]  }
0xa0: {  	v6 =	vmovc v42;
	v11 =	vor.u32 s7, v50;
	v36 =	vor.u32 s7, v42;
	v31 =	vor.u32 s19, v61;
	s29 =	simm.s32 $0x100;
	s9 =	sor.u32 s21, s16;
	s30 =	sor.u32 s12, s10;
	[tilespmem:v25+s8+$0x0] =	vst.idx.msk $0xffff, v24;
	v21 =	vld [tilespmem:s26+$0x0]  }
0xa1: {  	v34 =	vor.u32 s13, v51;
	v32 =	vor.u32 s13, v6;
	v33 =	vor.u32 s29, v50;
	s4 =	sor.u32 $0x380, s30;
	v4 =	vld [tilespmem:s9+$0x0];
	[tilespmem:v3+s8+$0x0] =	vst.idx.msk $0xffff, v2  }
0xa2: {  	v5 =	vmovc v43;
	v38 =	vor.u32 s13, v61;
	v35 =	vor.u32 s6, v6;
	v1 =	vor.u32 s13, v60;
	s14 =	sor.u32 s23, s2;
	v62 =	vld [tilespmem:s4+$0x0];
	[tilespmem:v26+s8+$0x0] =	vst.idx.msk $0xffff, v28  }
0xa3: {  	v12 =	vor.u32 s6, v50;
	v37 =	vor.u32 s6, v5;
	v39 =	vor.u32 s7, v5;
	s26 =	sor.u32 s28, s16;
	v63 =	vld [tilespmem:s14+$0x0];
	[tilespmem:v29+s8+$0x0] =	vst.idx.msk $0xffff, v30  }
0xa4: {  	v41 =	vor.u32 s6, v51;
	v44 =	vor.u32 s6, v61;
	v8 =	vor.u32 s29, v43;
	s17 =	sor.u32 $0x2080, s25;
	s15 =	sor.u32 s22, s2;
	[tilespmem:v23+s8+$0x0] =	vst.idx.msk $0xffff, v0;
	v0 =	vld [tilespmem:s26+$0x0]  }
0xa5: {  	v40 =	vor.u32 s7, v51;
	v43 =	vor.u32 s19, v51;
	v22 =	vor.u32 s7, v49;
	s24 =	sor.u32 s20, s17;
	v2 =	vld [tilespmem:s15+$0x0];
	[tilespmem:v31+s8+$0x0] =	vst.idx.msk $0xffff, v21  }
0xa6: {  	p2 =	por !p2, !p2;
	s29 =	sor.u32 s18, s5;
	s0 =	simm.s32 $0x4;
	v24 =	vor.u32 s7, v48;
	v25 =	vor.u32 s6, v49;
	v26 =	vor.u32 s6, v48;
	[tilespmem:v33+s8+$0x0] =	vst.idx.msk $0xffff, v4;
	v3 =	vld [tilespmem:s24+$0x0]  }
0xa7: {  	s3 =	sor.u32 s21, s5;
	s30 =	sor.u32 s11, s2;
	s2 =	sor.u32 s28, s5;
	v28 =	vor.u32 s13, v49;
	v29 =	vor.u32 s6, v58;
	v30 =	vor.u32 s13, v48;
	[tilespmem:v1+s8+$0x0] =	vst.idx.msk $0xffff, v62;
	v1 =	vld [tilespmem:s29+$0x0]  }
0xa8: {  	s5 =	sor.u32 s22, s17;
	s1 =	sor.u32 s11, s17;
	s4 =	sor.u32 s23, s17;
	v23 =	vor.u32 s13, v5;
	v31 =	vor.u32 s13, v58;
	v33 =	vor.u32 s13, v50;
	v42 =	vld [tilespmem:s30+$0x0];
	[tilespmem:v59+s8+$0x0] =	vst.idx.msk $0xffff, v63  }
.LBB2_3:
0xa9: {  	_ = 	snop  }
0xaa: {  	v46 =	vld [tilespmem:s4+$0x0];
	v4 =	vmov v37  }
0xab: {  	v14 =	vld [tilespmem:$0x1FFA0];
	[tilespmem:$0x1FEC0] =	vst v4  }
0xac: {  	v16 =	vld [tilespmem:$0x1FFB0];
	[tilespmem:v44+s8+$0x0] =	vst.idx.msk $0xffff, v2  }
0xad: {  	s15 =	simm.s32 $0x8000;
	v19 =	vld [tilespmem:$0x1FF80];
	[tilespmem:v43+s8+$0x0] =	vst.idx.msk $0xffff, v3  }
0xae: {  	v18 =	vld [tilespmem:$0x1FF70];
	[tilespmem:v9+s15+$0x0] =	vst.idx.msk $0xffff, v0  }
0xaf: {  	v48 =	vld [tilespmem:$0x1FFE0];
	[tilespmem:v10+s15+$0x0] =	vst.idx.msk $0xffff, v1  }
0xb0: {  	s13 =	sadd.s32 $0x400, s13;
	v13 =	vld [tilespmem:$0x1FF40];
	[tilespmem:v38+s15+$0x0] =	vst.idx.msk $0xffff, v42  }
0xb1: {  	v9 =	vor.u32 s13, v54;
	v2 =	vld [tilespmem:s5+$0x0];
	[tilespmem:v40+s15+$0x0] =	vst.idx.msk $0xffff, v46  }
0xb2: {  	v63 =	vld [tilespmem:s3+$0x0];
	v1 =	vor.u32 s13, v19;
	[tilespmem:$0x1FEB0] =	vst v9  }
0xb3: {  	v50 =	vld [tilespmem:s1+$0x0];
	[tilespmem:$0x1FE90] =	vst v1;
	v1 =	vor.u32 s13, v15  }
0xb4: {  	v4 =	vor.u32 s13, v48;
	[tilespmem:$0x1FEA0] =	vst v1;
	v1 =	vld [tilespmem:s2+$0x0]  }
0xb5: {  	s28 =	sor.u32 $0x2100, s25;
	s31 =	sadd.s32 $0x4, s31;
	v17 =	vld [tilespmem:$0x1FFC0];
	[tilespmem:$0x1FED0] =	vst v4  }
0xb6: {  	s10 =	sadd.s32 $0x200, s10;
	v47 =	vld [tilespmem:$0x1FFF0];
	s29 =	sor.u32 s20, s28;
	s9 =	sand.u32 $0x7, s31;
	[tilespmem:v41+s15+$0x0] =	vst.idx.msk $0xffff, v2  }
0xb7: {  	s21 =	sor.u32 s22, s28;
	s26 =	sshll.u32 s9, $0x4;
	v59 =	vor.u32 s13, v53;
	v3 =	vld [tilespmem:s29+$0x0];
	s5 =	sadd.s32 $0xFFFFFF00, s13;
	[tilespmem:v8+s15+$0x0] =	vst.idx.msk $0xffff, v63  }
0xb8: {  	s17 =	sadd.s32 s10, s26;
	s26 =	sadd.s32 $0xFFFFFE00, s13;
	v44 =	vor.u32 s19, v14;
	v9 =	vor.u32 s5, v53;
	[tilespmem:v34+s15+$0x0] =	vst.idx.msk $0xffff, v50;
	v46 =	vld [tilespmem:s21+$0x0];
	s21 =	sadd.s32 $0xFFFFFD00, s13  }
0xb9: {  	s6 =	simm.s32 $0x1;
	s12 =	sadd.s32 $0x40, s12;
	s0 =	sadd.s32 $0x4, s0;
	[tilespmem:v7+s15+$0x0] =	vst.idx.msk $0xffff, v1;
	v7 =	vor.u32 s26, v53;
	v4 =	vor.u32 s21, v53;
	v53 =	vor.u32 s21, v13;
	v13 =	vld [tilespmem:$0x1FF30]  }
0xba: {  	s18 =	sor.u32 $0x2180, s25;
	v20 =	vld [tilespmem:$0x1FF90];
	s7 =	sor.u32 s23, s28;
	s14 =	sadd.s32 $0xFFFFFFF0, s12  }
0xbb: {  	s6 =	simm.s32 @!p2 $0x0;
	v6 =	vor.u32 s13, v60;
	s16 =	sand.u32 $0x60, s14;
	v0 =	vmov v33;
	s3 =	sand.u32 $0x1C00, s10;
	v60 =	vld [tilespmem:s7+$0x0]  }
0xbc: {  	[dreg:$0x11] =	wrdreg s0;
	p3 =	slt.u32 s0, $0x3C;
	v5 =	vmovc v45;
	[tilespmem:$0x1FE80] =	vst v0;
	v0 =	vor.u32 s13, v45;
	v38 =	vor.u32 s13, v61;
	v61 =	vor.u32 s5, v45;
	v45 =	vld [tilespmem:$0x1FFD0];
	s2 =	sor.u32 s16, s3  }
0xbd: {  	s24 =	sadd.s32 $0xFFFFFFD0, s12;
	s4 =	sand.u32 $0x70, s12;
	[dreg:$0x1b] =	wrdreg s14;
	v2 =	vld [tilespmem:s2+$0x0]  }
0xbe: {  	s14 =	sor.u32 s20, s18;
	s1 =	sadd.s32 $0xFFFFFFE0, s12;
	s7 =	sand.u32 $0x40, s24;
	[tilespmem:v44+s15+$0x0] =	vst.idx.msk $0xffff, v3;
	v56 =	vor.u32 s26, v13;
	v13 =	vld [tilespmem:$0x1FF40]  }
0xbf: {  	[smem:$0x7D4] =	sst s16;
	v55 =	vor.u32 s19, v17;
	s9 =	sand.u32 $0x50, s1;
	s16 =	sor.u32 s7, s3;
	v3 =	vld [tilespmem:s14+$0x0]  }
0xc0: {  	s0 =	smov.u32 s20;
	s20 =	smov.u32 s25;
	s25 =	sor.u32 s9, s3;
	v41 =	vld [tilespmem:s16+$0x0]  }
0xc1: {  	s30 =	sshll.u32 s6, $0x6;
	s6 =	sor.u32 s11, s28;
	s28 =	sor.u32 s4, s3;
	v57 =	vld [tilespmem:s25+$0x0]  }
0xc2: {  	s14 =	sadd.s32 $0x30, s17;
	v50 =	vor.u32 s21, v5;
	v5 =	vor.u32 s26, v5;
	[tilespmem:v61+s15+$0x0] =	vst.idx.msk $0xffff, v2;
	v2 =	vld [tilespmem:s28+$0x0]  }
0xc3: {  	[dreg:$0xa] =	wrdreg s31;
	v62 =	vor.u32 s13, v51;
	s29 =	sor.u32 $0x200, s14;
	v51 =	vor.u32 s26, v13;
	v13 =	vld [tilespmem:$0x1FF50]  }
0xc4: {  	v21 =	vmov v39;
	[smem:$0x7D7] =	sst s29;
	s29 =	sor.u32 $0x2200, s20;
	v39 =	vld [tilespmem:s2+$0x80];
	[tilespmem:v55+s15+$0x0] =	vst.idx.msk $0xffff, v3  }
0xc5: {  	s8 =	sadd.s32 s30, s10;
	s30 =	sadd.s32 $0x10, s17;
	s31 =	sor.u32 s0, s29;
	[tilespmem:v35+s15+$0x0] =	vst.idx.msk $0xffff, v46;
	v46 =	vmov v12;
	v12 =	vld [tilespmem:$0x1FF30]  }
0xc6: {  	[tilespmem:v36+s15+$0x0] =	vst.idx.msk $0xffff, v60;
	s17 =	sor.u32 $0x200, s30;
	v10 =	vld [tilespmem:s31+$0x0]  }
0xc7: {  	[smem:$0x7D6] =	sst s17;
	s17 =	sor.u32 $0x200, s8;
	[tilespmem:v5+s15+$0x0] =	vst.idx.msk $0xffff, v57;
	v5 =	vld [tilespmem:$0x1FF50]  }
0xc8: {  	[smem:$0x7D5] =	sst s17;
	s17 =	sor.u32 $0x280, s30;
	[tilespmem:v50+s15+$0x0] =	vst.idx.msk $0xffff, v41;
	v50 =	vor.u32 s21, v13;
	v13 =	vld [tilespmem:$0x1FF60]  }
0xc9: {  	v42 =	vmov v11;
	v11 =	vor.u32 s19, v45;
	s30 =	sor.u32 $0x300, s30;
	[smem:$0x7D9] =	sst s17;
	v37 =	vld [tilespmem:s16+$0x80]  }
0xca: {  	v58 =	vor.u32 s13, v14;
	s17 =	sor.u32 $0x280, s8;
	[smem:$0x7DC] =	sst s30;
	[tilespmem:v9+s15+$0x0] =	vst.idx.msk $0xffff, v39;
	v55 =	vor.u32 s21, v12;
	v12 =	vld [tilespmem:s6+$0x0]  }
0xcb: {  	v60 =	vor.u32 s21, v15;
	v36 =	vor.u32 s21, v14;
	s30 =	sor.u32 $0x280, s14;
	[smem:$0x7D8] =	sst s17;
	v35 =	vor.u32 s26, v14;
	v14 =	vld [tilespmem:s2+$0x100]  }
0xcc: {  	[tilespmem:$0x1FEE0] =	vst v6;
	[smem:$0x7DA] =	sst s30;
	v61 =	vor.u32 s26, v15;
	s17 =	sor.u32 s12, s10;
	v15 =	vor.u32 s5, v16;
	v44 =	vor.u32 s26, v5;
	v5 =	vld [tilespmem:s25+$0x80]  }
0xcd: {  	v52 =	vor.u32 s13, v16;
	v54 =	vor.u32 s13, v17;
	s30 =	sor.u32 s24, s10;
	s24 =	sor.u32 $0x380, s17;
	s17 =	sor.u32 $0x2280, s20;
	[tilespmem:v0+s15+$0x0] =	vst.idx.msk $0xffff, v2;
	v40 =	vor.u32 s21, v13;
	v13 =	vld [tilespmem:$0x1FF60]  }
0xce: {  	s1 =	sor.u32 s1, s10;
	[smem:$0x7E0] =	sst s24;
	s24 =	sor.u32 s0, s17;
	v9 =	vor.u32 s21, v17;
	[tilespmem:v11+s15+$0x0] =	vst.idx.msk $0xffff, v10;
	v10 =	vor.u32 s26, v17;
	v17 =	vld [tilespmem:s28+$0x80]  }
0xcf: {  	s1 =	sor.u32 $0x380, s1;
	v8 =	vor.u32 s26, v16;
	v6 =	vor.u32 s21, v16;
	s6 =	sor.u32 s23, s18;
	v16 =	vld [tilespmem:s24+$0x0];
	[tilespmem:v4+s15+$0x0] =	vst.idx.msk $0xffff, v37  }
0xd0: {  	[smem:$0x7DF] =	sst s1;
	s8 =	sor.u32 $0x300, s8;
	v4 =	vld [tilespmem:s6+$0x0];
	[tilespmem:v32+s15+$0x0] =	vst.idx.msk $0xffff, v12  }
0xd1: {  	s1 =	sor.u32 s11, s18;
	v43 =	vor.u32 s13, v45;
	v63 =	vor.u32 s13, v20;
	s14 =	sor.u32 $0x300, s14;
	[smem:$0x7DB] =	sst s8;
	v11 =	vor.u32 s26, v45;
	v12 =	vld [tilespmem:s16+$0x100];
	[tilespmem:v15+s15+$0x0] =	vst.idx.msk $0xffff, v14  }
0xd2: {  	[smem:$0x7DD] =	sst s14;
	s8 =	sor.u32 s23, s29;
	s14 =	sor.u32 $0x380, s30;
	[tilespmem:v7+s15+$0x0] =	vst.idx.msk $0xffff, v5;
	v41 =	vor.u32 s26, v13;
	v13 =	vor.u32 s21, v45;
	v45 =	vor.u32 s19, v48  }
0xd3: {  	v1 =	vmovc v23;
	v23 =	vmov v63;
	v63 =	vor.u32 s26, v19;
	v3 =	vor.u32 s26, v18;
	[smem:$0x7DE] =	sst s14;
	s14 =	sor.u32 s22, s18;
	s31 =	sor.u32 s22, s29;
	v7 =	vld [tilespmem:s2+$0x180];
	[tilespmem:v59+s15+$0x0] =	vst.idx.msk $0xffff, v17  }
0xd4: {  	s30 =	sor.u32 s23, s17;
	s18 =	sor.u32 s22, s17;
	v0 =	vor.u32 s26, v48;
	v37 =	vor.u32 s26, v20;
	v32 =	vmovc v58;
	v58 =	vor.u32 s26, v47;
	v17 =	vld [tilespmem:s28+$0x100];
	s26 =	rddreg [dreg:$0x7]  }
0xd5: {  	s24 =	sor.u32 s11, s29;
	s29 =	sor.u32 s11, s17;
	v14 =	vor.u32 s5, v18;
	v5 =	vld [tilespmem:s25+$0x100];
	[tilespmem:v27+s15+$0x0] =	vst.idx.msk $0xffff, v4;
	s17 =	sadd.s32 $0x2, s26  }
0xd6: {  	s6 =	sor.u32 $0x2300, s20;
	v4 =	vld [tilespmem:s14+$0x0];
	[tilespmem:v6+s15+$0x0] =	vst.idx.msk $0xffff, v12;
	[dreg:$0x7] =	wrdreg s17;
	s17 =	sand.u32 $0x3, s17  }
0xd7: {  	s2 =	sor.u32 s0, s6;
	v6 =	vld [tilespmem:s16+$0x180];
	s17 =	sshll.u32 s17, $0x5;
	[tilespmem:v45+s15+$0x0] =	vst.idx.msk $0xffff, v16  }
0xd8: {  	[tilespmem:$0x1FEF0] =	vst v1;
	v1 =	vor.u32 s21, v18;
	v15 =	vld [tilespmem:s2+$0x0];
	s2 =	sadd.s32 s10, s17  }
0xd9: {  	[tilespmem:v52+s15+$0x0] =	vst.idx.msk $0xffff, v17;
	v16 =	vor.u32 s19, v47;
	s14 =	sadd.s32 $0x20, s2  }
0xda: {  	[tilespmem:v14+s15+$0x0] =	vst.idx.msk $0xffff, v7;
	v14 =	vld [tilespmem:s28+$0x180];
	s2 =	sor.u32 $0x200, s14  }
0xdb: {  	[tilespmem:v8+s15+$0x0] =	vst.idx.msk $0xffff, v5;
	v8 =	vor.u32 s5, v19;
	s28 =	sld [smem:$0x7D5];
	v7 =	vld [tilespmem:s2+$0x0]  }
0xdc: {  	v5 =	vld [tilespmem:s25+$0x180];
	[tilespmem:v29+s15+$0x0] =	vst.idx.msk $0xffff, v4  }
0xdd: {  	s20 =	sor.u32 $0x2380, s20;
	s25 =	smov.u32 s3;
	[tilespmem:v1+s15+$0x0] =	vst.idx.msk $0xffff, v6  }
0xde: {  	v34 =	vmov v62;
	v62 =	vor.u32 s21, v19;
	s3 =	sor.u32 s22, s20;
	s26 =	sor.u32 s22, s6;
	s22 =	sor.u32 s0, s20;
	v4 =	vld [tilespmem:s28+$0x0];
	[tilespmem:v16+s15+$0x0] =	vst.idx.msk $0xffff, v15  }
0xdf: {  	v27 =	vmov v9;
	v9 =	vld [tilespmem:s22+$0x0]  }
0xe0: {  	[tilespmem:v8+s15+$0x0] =	vst.idx.msk $0xffff, v7;
	v7 =	vld [tilespmem:s8+$0x0]  }
0xe1: {  	v49 =	vor.u32 s13, v18;
	s8 =	sld [smem:$0x7D8]  }
0xe2: {  	v57 =	vor.u32 s21, v47;
	v39 =	vor.u32 s21, v20;
	v2 =	vor.u32 s21, v48;
	s16 =	sor.u32 s23, s20;
	s21 =	sor.u32 s23, s6;
	s23 =	sld [smem:$0x7D4]  }
0xe3: {  	[tilespmem:v62+s15+$0x0] =	vst.idx.msk $0xffff, v4  }
0xe4: {  	s2 =	sor.u32 s11, s20;
	v4 =	vld [tilespmem:s8+$0x0]  }
0xe5: {  	s20 =	smov.u32 s23;
	s23 =	smov.u32 s7;
	s7 =	sld [smem:$0x7D7];
	[tilespmem:v24+s15+$0x0] =	vst.idx.msk $0xffff, v7;
	v7 =	vld [tilespmem:$0x1FE90]  }
0xe6: {  	_ = 	snop  }
0xe7: {  	v1 =	vld [tilespmem:s1+$0x0];
	[tilespmem:v49+s15+$0x0] =	vst.idx.msk $0xffff, v14  }
0xe8: {  	s6 =	sor.u32 s11, s6;
	s11 =	smov.u32 s4;
	s4 =	sld [smem:$0x7D6];
	v8 =	vld [tilespmem:s7+$0x0]  }
0xe9: {  	_ = 	snop  }
0xea: {  	[tilespmem:v3+s15+$0x0] =	vst.idx.msk $0xffff, v5  }
0xeb: {  	v3 =	vld [tilespmem:s4+$0x0]  }
0xec: {  	[tilespmem:v31+s15+$0x0] =	vst.idx.msk $0xffff, v1  }
0xed: {  	[tilespmem:v7+s15+$0x0] =	vst.idx.msk $0xffff, v8  }
0xee: {  	s22 =	smov.u32 s9;
	s9 =	sld [smem:$0x7D9];
	v7 =	vld [tilespmem:s24+$0x0]  }
0xef: {  	s17 =	sld [smem:$0x7DA];
	v15 =	vld [tilespmem:$0x1FF20]  }
0xf0: {  	v1 =	vld [tilespmem:s31+$0x0];
	[tilespmem:v63+s15+$0x0] =	vst.idx.msk $0xffff, v3  }
0xf1: {  	v3 =	vld [tilespmem:s9+$0x0]  }
0xf2: {  	v8 =	vld [tilespmem:s17+$0x0]  }
0xf3: {  	[tilespmem:v30+s15+$0x0] =	vst.idx.msk $0xffff, v7;
	v7 =	vld [tilespmem:$0x1FEA0]  }
0xf4: {  	v12 =	vor.u32 s19, v20;
	s19 =	smov.u32 s5;
	s5 =	sor.u32 $0x280, s14  }
0xf5: {  	v5 =	vld [tilespmem:s5+$0x0];
	v6 =	vor.u32 s19, v15;
	[tilespmem:v60+s15+$0x0] =	vst.idx.msk $0xffff, v4  }
0xf6: {  	[tilespmem:v26+s15+$0x0] =	vst.idx.msk $0xffff, v1;
	v1 =	vld [tilespmem:s30+$0x0];
	s30 =	sld [smem:$0x7DC];
	_ =	sdelay $0x1  }
0xf7: {  	v31 =	vmov v54;
	v54 =	vld [tilespmem:$0x1FF30];
	[tilespmem:v61+s15+$0x0] =	vst.idx.msk $0xffff, v3  }
0xf8: {  	[tilespmem:v12+s15+$0x0] =	vst.idx.msk $0xffff, v9;
	v3 =	vld [tilespmem:s30+$0x0]  }
0xf9: {  	[tilespmem:v6+s15+$0x0] =	vst.idx.msk $0xffff, v5  }
0xfa: {  	s14 =	sor.u32 $0x300, s14;
	s24 =	sld [smem:$0x7DB];
	[tilespmem:v7+s15+$0x0] =	vst.idx.msk $0xffff, v8;
	v7 =	vld [tilespmem:s18+$0x0]  }
0xfb: {  	v5 =	vld [tilespmem:s14+$0x0];
	s14 =	sld [smem:$0x7DF]  }
0xfc: {  	v60 =	vld [tilespmem:$0x1FF40]  }
0xfd: {  	v6 =	vor.u32 s19, v54;
	v4 =	vld [tilespmem:s24+$0x0];
	[tilespmem:v56+s15+$0x0] =	vst.idx.msk $0xffff, v3  }
0xfe: {  	v3 =	vld [tilespmem:s14+$0x0]  }
0xff: {  	s5 =	sld [smem:$0x7DD];
	[tilespmem:v25+s15+$0x0] =	vst.idx.msk $0xffff, v7;
	v25 =	vmov v0;
	v0 =	vld [tilespmem:$0x1FEB0]  }
0x100: {  	v45 =	vld [tilespmem:$0x1FF00];
	s28 =	rddreg [dreg:$0x1b]  }
0x101: {  	s1 =	sor.u32 s28, s10;
	v61 =	vld [tilespmem:$0x1FF50]  }
0x102: {  	s1 =	sor.u32 $0x380, s1;
	s7 =	sld [smem:$0x7DE];
	[tilespmem:v6+s15+$0x0] =	vst.idx.msk $0xffff, v5;
	v8 =	vld [tilespmem:s5+$0x0]  }
0x103: {  	v6 =	vor.u32 s19, v60;
	v5 =	vld [tilespmem:s1+$0x0];
	[tilespmem:v22+s15+$0x0] =	vst.idx.msk $0xffff, v1  }
0x104: {  	[tilespmem:v55+s15+$0x0] =	vst.idx.msk $0xffff, v4;
	v1 =	vld [tilespmem:s29+$0x0]  }
0x105: {  	s28 =	sld [smem:$0x7E0];
	v22 =	vmov v2;
	v2 =	vld [tilespmem:s7+$0x0]  }
0x106: {  	v9 =	vld [tilespmem:$0x1FE80]  }
0x107: {  	[tilespmem:v0+s15+$0x0] =	vst.idx.msk $0xffff, v8;
	v0 =	vld [tilespmem:s21+$0x0]  }
0x108: {  	s8 =	sor.u32 $0x2000, s25;
	[tilespmem:v6+s15+$0x0] =	vst.idx.msk $0xffff, v5;
	v6 =	vld [tilespmem:s28+$0x0]  }
0x109: {  	s18 =	sor.u32 s20, s8;
	[tilespmem:v28+s15+$0x0] =	vst.idx.msk $0xffff, v1;
	v1 =	vld [tilespmem:$0x1FED0]  }
0x10a: {  	s9 =	sor.u32 s23, s8;
	v5 =	vor.u32 s19, v61;
	v4 =	vld [tilespmem:s18+$0x0];
	[tilespmem:v53+s15+$0x0] =	vst.idx.msk $0xffff, v2  }
0x10b: {  	s17 =	sor.u32 s22, s8;
	s24 =	sor.u32 s11, s8;
	s8 =	simm.s32 $0x8000;
	v7 =	vld [tilespmem:s9+$0x0]  }
0x10c: {  	[tilespmem:v42+s8+$0x0] =	vst.idx.msk $0xffff, v0;
	v0 =	vld [tilespmem:$0x1FEE0]  }
0x10d: {  	v8 =	vld [tilespmem:$0x1FEC0]  }
0x10e: {  	v28 =	vmov v1;
	v1 =	vld [tilespmem:s26+$0x0]  }
0x10f: {  	s29 =	sor.u32 $0x2080, s25;
	[tilespmem:v5+s15+$0x0] =	vst.idx.msk $0xffff, v4;
	v53 =	vld [tilespmem:$0x1FF10]  }
0x110: {  	s30 =	sor.u32 s20, s29;
	[tilespmem:v51+s15+$0x0] =	vst.idx.msk $0xffff, v3;
	v51 =	vld [tilespmem:$0x1FF60]  }
0x111: {  	v3 =	vld [tilespmem:s30+$0x0]  }
.Ltmp2:
0x112: {  	[tilespmem:v50+s8+$0x0] =	vst.idx.msk $0xffff, v7;
	v7 =	vld [tilespmem:$0x1FEF0];
	(pc) =	sbr.rel @p3 .LBB2_3-.Ltmp2, $4  }
0x113: {  	v2 =	vld [tilespmem:s17+$0x0];
	[tilespmem:v46+s8+$0x0] =	vst.idx.msk $0xffff, v1  }
0x114: {  	s0 =	rddreg [dreg:$0x11];
	v1 =	vld [tilespmem:s16+$0x0];
	[tilespmem:v0+s8+$0x0] =	vst.idx.msk $0xffff, v6  }
0x115: {  	p2 =	por !p2, !p2;
	v33 =	vor.u32 s13, v47;
	v29 =	vmovc v10;
	v10 =	vmov v21;
	s31 =	rddreg [dreg:$0xa];
	v12 =	vmov v58;
	v0 =	vld [tilespmem:s6+$0x0]  }
0x116: {  	v24 =	vmovc v13;
	v26 =	vmovc v11;
	v11 =	vmov v57;
	v30 =	vmov v43;
	s4 =	sor.u32 s23, s29;
	s5 =	sor.u32 s22, s29;
	s1 =	sor.u32 s11, s29;
	v43 =	vor.u32 s19, v51;
	v42 =	vld [tilespmem:s24+$0x0]  }
0x117: {  	_ =	sdelay $0x3  }
0x118: {  	[tilespmem:v43+s8+$0x0] =	vst.idx.msk $0xffff, v3  }
0x119: {  	[tilespmem:v44+s8+$0x0] =	vst.idx.msk $0xffff, v2  }
0x11a: {  	[tilespmem:v38+s8+$0x0] =	vst.idx.msk $0xffff, v42  }
0x11b: {  	v42 =	vld [tilespmem:$0x1FFA0];
	_ =	sdelay $0x1  }
0x11c: {  	v4 =	vld [tilespmem:s4+$0x0]  }
0x11d: {  	s0 =	sor.u32 $0x2100, s25;
	v2 =	vld [tilespmem:s5+$0x0]  }
0x11e: {  	s10 =	sor.u32 s20, s0;
	v5 =	vld [tilespmem:s1+$0x0]  }
0x11f: {  	v3 =	vld [tilespmem:s10+$0x0];
	v6 =	vor.u32 s19, v42;
	_ =	sdelay $0x1  }
0x120: {  	[tilespmem:v40+s8+$0x0] =	vst.idx.msk $0xffff, v4  }
0x121: {  	[tilespmem:v41+s8+$0x0] =	vst.idx.msk $0xffff, v2  }
0x122: {  	[tilespmem:v34+s8+$0x0] =	vst.idx.msk $0xffff, v5  }
0x123: {  	[tilespmem:v6+s8+$0x0] =	vst.idx.msk $0xffff, v3  }
0x124: {  	v58 =	vld [tilespmem:$0x1FFC0]  }
0x125: {  	s12 =	sor.u32 s23, s0  }
0x126: {  	s13 =	sor.u32 s22, s0;
	v4 =	vld [tilespmem:s12+$0x0]  }
0x127: {  	s14 =	sor.u32 $0x2180, s25;
	s0 =	sor.u32 s11, s0;
	v2 =	vld [tilespmem:s13+$0x0]  }
0x128: {  	s15 =	sor.u32 s20, s14;
	v5 =	vld [tilespmem:s0+$0x0]  }
0x129: {  	v3 =	vld [tilespmem:s15+$0x0];
	v63 =	vor.u32 s19, v58;
	_ =	sdelay $0x1  }
0x12a: {  	[tilespmem:v36+s8+$0x0] =	vst.idx.msk $0xffff, v4  }
0x12b: {  	[tilespmem:v35+s8+$0x0] =	vst.idx.msk $0xffff, v2  }
0x12c: {  	[tilespmem:v32+s8+$0x0] =	vst.idx.msk $0xffff, v5  }
0x12d: {  	[tilespmem:v63+s8+$0x0] =	vst.idx.msk $0xffff, v3  }
0x12e: {  	v48 =	vld [tilespmem:$0x1FFD0]  }
0x12f: {  	s16 =	sor.u32 s23, s14  }
0x130: {  	s17 =	sor.u32 s22, s14;
	v2 =	vld [tilespmem:s16+$0x0]  }
0x131: {  	s18 =	sor.u32 $0x2200, s25;
	s0 =	sor.u32 s11, s14;
	v4 =	vld [tilespmem:s17+$0x0]  }
0x132: {  	s21 =	sor.u32 s20, s18;
	v5 =	vld [tilespmem:s0+$0x0]  }
0x133: {  	v3 =	vld [tilespmem:s21+$0x0];
	v32 =	vor.u32 s19, v48;
	_ =	sdelay $0x1  }
0x134: {  	[tilespmem:v27+s8+$0x0] =	vst.idx.msk $0xffff, v2  }
0x135: {  	[tilespmem:v29+s8+$0x0] =	vst.idx.msk $0xffff, v4  }
0x136: {  	[tilespmem:v31+s8+$0x0] =	vst.idx.msk $0xffff, v5  }
0x137: {  	[tilespmem:v32+s8+$0x0] =	vst.idx.msk $0xffff, v3  }
0x138: {  	v49 =	vld [tilespmem:$0x1FFE0]  }
0x139: {  	s24 =	sor.u32 s23, s18  }
0x13a: {  	s26 =	sor.u32 s22, s18;
	v2 =	vld [tilespmem:s24+$0x0]  }
0x13b: {  	s31 =	sor.u32 $0x2280, s25;
	s0 =	sor.u32 s11, s18;
	v4 =	vld [tilespmem:s26+$0x0]  }
0x13c: {  	s4 =	sor.u32 s20, s31;
	v5 =	vld [tilespmem:s0+$0x0]  }
0x13d: {  	v3 =	vld [tilespmem:s4+$0x0];
	v34 =	vor.u32 s19, v49;
	_ =	sdelay $0x1  }
0x13e: {  	[tilespmem:v24+s8+$0x0] =	vst.idx.msk $0xffff, v2  }
0x13f: {  	[tilespmem:v26+s8+$0x0] =	vst.idx.msk $0xffff, v4  }
0x140: {  	s5 =	sor.u32 s23, s31;
	[tilespmem:v30+s8+$0x0] =	vst.idx.msk $0xffff, v5  }
0x141: {  	v2 =	vld [tilespmem:s5+$0x0];
	[tilespmem:v34+s8+$0x0] =	vst.idx.msk $0xffff, v3  }
0x142: {  	s6 =	sor.u32 s22, s31;
	v50 =	vld [tilespmem:$0x1FFF0]  }
0x143: {  	s0 =	sor.u32 s11, s31;
	v4 =	vld [tilespmem:s6+$0x0]  }
0x144: {  	v5 =	vld [tilespmem:s0+$0x0]  }
0x145: {  	s7 =	sor.u32 $0x2300, s25  }
0x146: {  	s9 =	sor.u32 s20, s7  }
0x147: {  	v3 =	vld [tilespmem:s9+$0x0];
	[tilespmem:v22+s8+$0x0] =	vst.idx.msk $0xffff, v2;
	v35 =	vor.u32 s19, v50  }
0x148: {  	[tilespmem:v25+s8+$0x0] =	vst.idx.msk $0xffff, v4  }
0x149: {  	s10 =	sor.u32 s23, s7;
	[tilespmem:v28+s8+$0x0] =	vst.idx.msk $0xffff, v5  }
0x14a: {  	s12 =	sor.u32 s22, s7;
	[tilespmem:v9+s8+$0x0] =	vst.idx.msk $0xffff, v0;
	v2 =	vld [tilespmem:s10+$0x0]  }
0x14b: {  	s0 =	sor.u32 s11, s7;
	[tilespmem:v10+s8+$0x0] =	vst.idx.msk $0xffff, v1;
	v4 =	vld [tilespmem:s12+$0x0]  }
0x14c: {  	v0 =	vld [tilespmem:s0+$0x0];
	[tilespmem:v35+s8+$0x0] =	vst.idx.msk $0xffff, v3  }
0x14d: {  	v43 =	vld [tilespmem:$0x1FF90]  }
0x14e: {  	s13 =	sor.u32 $0x2380, s25;
	v5 =	vld [tilespmem:s3+$0x0]  }
0x14f: {  	s15 =	sor.u32 s23, s13;
	v1 =	vld [tilespmem:s2+$0x0];
	[tilespmem:v11+s8+$0x0] =	vst.idx.msk $0xffff, v2  }
0x150: {  	s16 =	sor.u32 s22, s13;
	[tilespmem:v12+s8+$0x0] =	vst.idx.msk $0xffff, v4;
	v2 =	vld [tilespmem:s15+$0x0]  }
0x151: {  	s14 =	sor.u32 s20, s13;
	[tilespmem:v33+s8+$0x0] =	vst.idx.msk $0xffff, v0;
	v0 =	vld [tilespmem:s16+$0x0]  }
0x152: {  	v3 =	vld [tilespmem:s14+$0x0];
	v36 =	vor.u32 s19, v43  }
0x153: {  	[tilespmem:v8+s8+$0x0] =	vst.idx.msk $0xffff, v5  }
0x154: {  	[tilespmem:v7+s8+$0x0] =	vst.idx.msk $0xffff, v1  }
0x155: {  	[tilespmem:v39+s8+$0x0] =	vst.idx.msk $0xffff, v2  }
0x156: {  	s0 =	sor.u32 s11, s13;
	[tilespmem:v37+s8+$0x0] =	vst.idx.msk $0xffff, v0  }
0x157: {  	v4 =	vld [tilespmem:s0+$0x0];
	[tilespmem:v36+s8+$0x0] =	vst.idx.msk $0xffff, v3  }
0x158: {  	s17 =	sld [smem:$0x7E1];
	_ =	sdelay $0x2  }
0x159: {  	p2 =	seq.s32 s17, $0x0  }
0x15a: {  	[tilespmem:v23+s8+$0x0] =	vst.idx.msk $0xffff, v4;
	s0 =	simm.s32 @!p2 $0x3  }
0x15b: {  	_ =	swait.ge @!p2 [sflag:s0], $0x4000  }
0x15c: {  	s19 =	sld [smem:$0x7E4];
	_ =	sdelay $0x1  }
0x15d: {  	s18 =	sshll.u32 s17, $0x14;
	s21 =	sld [smem:$0x7F3]  }
0x15e: {  	s22 =	simm.s32 $0x0;
	s1 =	sor.u32 s19, s18  }
0x15f: {  	s24 =	simm.s32 $0x2;
	[sflag:s0] =	ssyncset.done @!p2 $0x0;
	s1 =	sshrl.u32 s1, $0x3  }
0x160: {  	s23 =	sld [smem:$0x7FB];
	[sflag:s0] =	ssyncadd.s32 @!p2 $0xFFFFC000;
	s0 =	sadd.s32 s21, s1  }
0x161: {  	[hbm4b:s0+s22] =	stream.linear.scatter [tilespmem:s8], [sflag:$0x3], $0x4000, $0x38;
	[tilespmem:$0x10000] =	vst v63  }
0x162: {  	s20 =	sshll.u32 s17, $0x1;
	_ =	swait.ge [sflag:s24], $0x4000  }
0x163: {  	s0 =	sadd.s32 $0x2, s20;
	s1 =	sld [smem:$0x7E5]  }
0x164: {  	s5 =	simm.s32 $0x0;
	p3 =	sge.u32 s0, s23  }
0x165: {  	s4 =	sand.u32 $0x1C00, s5;
	s0 =	sshll.u32 @!p3 s0, $0x12;
	[sflag:s24] =	ssyncset.done $0x0  }
0x166: {  	s10 =	simm.s32 $0x10;
	[sflag:s24] =	ssyncadd.s32 $0xFFFFC000;
	s0 =	sor.u32 @!p3 s1, s0  }
0x167: {  	s2 =	simm.s32 @!p3 $0x13D6400;
	s1 =	rddreg [dreg:$0x0];
	s0 =	sshrl.u32 @!p3 s0, $0x3  }
0x168: {  	s3 =	simm.s32 @!p3 $0x0;
	s0 =	sadd.s32 @!p3 s1, s0;
	s1 =	simm.s32 @!p3 $0x2000  }
0x169: {  	[tilespmem:s3], [sflag:$0x1] =	stream.strided.gather @!p3 [hbm4b:s0+s1], $0x4000, s2, s1, $0x38;
	[tilespmem:$0x10000] =	vst v63  }
0x16a: {  	s12 =	sor.u32 $0x4000, s4;
	s2 =	sand.u32 $0x50, s10  }
0x16b: {  	s19 =	simm.s32 $0x100;
	s25 =	sor.u32 s2, s12  }
0x16c: {  	v0 =	vor.u32 s19, v45;
	v1 =	vld [tilespmem:s25+$0x0];
	_ =	sdelay $0x1  }
0x16d: {  	s9 =	simm.s32 $0x0  }
0x16e: {  	s0 =	sand.u32 $0x40, s9  }
0x16f: {  	s30 =	simm.s32 $0xC000;
	s31 =	simm.s32 $0x0;
	s13 =	sor.u32 s0, s12  }
0x170: {  	v3 =	vor.u32 s31, v45;
	v2 =	vld [tilespmem:s13+$0x0];
	[tilespmem:v0+s30+$0x0] =	vst.idx.msk $0xffff, v1  }
0x171: {  	v0 =	vor.u32 s19, v53;
	v1 =	vld [tilespmem:s25+$0x80];
	_ =	sdelay $0x3  }
0x172: {  	[tilespmem:v3+s30+$0x0] =	vst.idx.msk $0xffff, v2  }
0x173: {  	[tilespmem:v0+s30+$0x0] =	vst.idx.msk $0xffff, v1  }
0x174: {  	v46 =	vld [tilespmem:$0x1FFB0]  }
0x175: {  	s8 =	simm.s32 $0x20  }
0x176: {  	s6 =	sand.u32 $0x60, s8  }
0x177: {  	s20 =	simm.s32 $0x200;
	s15 =	sor.u32 s6, s12;
	v3 =	vor.u32 s31, v53;
	v2 =	vld [tilespmem:s13+$0x80]  }
0x178: {  	v4 =	vor.u32 s20, v45;
	v5 =	vld [tilespmem:s15+$0x0]  }
0x179: {  	v1 =	vld [tilespmem:s25+$0x100];
	v0 =	vor.u32 s19, v46;
	_ =	sdelay $0x2  }
0x17a: {  	[tilespmem:v3+s30+$0x0] =	vst.idx.msk $0xffff, v2  }
0x17b: {  	[tilespmem:v4+s30+$0x0] =	vst.idx.msk $0xffff, v5  }
0x17c: {  	[tilespmem:v0+s30+$0x0] =	vst.idx.msk $0xffff, v1  }
0x17d: {  	v24 =	vld [tilespmem:$0x1FF70];
	_ =	sdelay $0x2  }
0x17e: {  	v2 =	vld [tilespmem:s13+$0x100];
	v3 =	vor.u32 s31, v46  }
0x17f: {  	v4 =	vor.u32 s20, v53;
	v5 =	vld [tilespmem:s15+$0x80]  }
0x180: {  	v1 =	vld [tilespmem:s25+$0x180];
	v0 =	vor.u32 s19, v24;
	_ =	sdelay $0x2  }
0x181: {  	[tilespmem:v3+s30+$0x0] =	vst.idx.msk $0xffff, v2  }
0x182: {  	[tilespmem:v4+s30+$0x0] =	vst.idx.msk $0xffff, v5  }
0x183: {  	[tilespmem:v0+s30+$0x0] =	vst.idx.msk $0xffff, v1  }
0x184: {  	s1 =	sand.u32 $0x7, s5;
	v25 =	vld [tilespmem:$0x1FF80]  }
0x185: {  	s3 =	sshll.u32 s1, $0x4  }
0x186: {  	s11 =	sadd.s32 $0x0, s3  }
0x187: {  	s26 =	simm.s32 $0x0;
	s7 =	sadd.s32 $0x10, s11;
	v4 =	vor.u32 s20, v46;
	v5 =	vld [tilespmem:s15+$0x100]  }
0x188: {  	s14 =	sor.u32 $0x200, s7;
	v2 =	vld [tilespmem:s13+$0x180];
	v3 =	vor.u32 s26, v24  }
0x189: {  	p3 =	por $0x0, $0x0;
	s3 =	simm.s32 $0x1;
	v0 =	vld [tilespmem:s14+$0x4000];
	v1 =	vor.u32 s19, v25  }
0x18a: {  	s3 =	simm.s32 @!p3 $0x0  }
0x18b: {  	s3 =	sshll.u32 s3, $0x6  }
0x18c: {  	s16 =	sadd.s32 $0x0, s3;
	[tilespmem:v4+s30+$0x0] =	vst.idx.msk $0xffff, v5  }
0x18d: {  	s3 =	sor.u32 $0x200, s16;
	[tilespmem:v3+s30+$0x0] =	vst.idx.msk $0xffff, v2;
	v4 =	vor.u32 s20, v24;
	v5 =	vld [tilespmem:s15+$0x180]  }
0x18e: {  	s17 =	sand.u32 $0x3, s5;
	s18 =	sor.u32 $0x280, s7;
	s14 =	simm.s32 $0x30;
	v2 =	vld [tilespmem:s3+$0x4000];
	v3 =	vor.u32 s26, v25;
	[tilespmem:v1+s30+$0x0] =	vst.idx.msk $0xffff, v0  }
0x18f: {  	s21 =	sshll.u32 s17, $0x5;
	s3 =	sand.u32 $0x70, s14;
	v1 =	vor.u32 s19, v15;
	v0 =	vld [tilespmem:s18+$0x4000]  }
0x190: {  	s1 =	simm.s32 $0x300;
	s15 =	sadd.s32 $0x0, s21;
	s12 =	sor.u32 s3, s12  }
0x191: {  	v37 =	vor.u32 s1, v45;
	s15 =	sadd.s32 $0x20, s15;
	v38 =	vld [tilespmem:s12+$0x0]  }
0x192: {  	s23 =	sor.u32 $0x200, s15;
	[tilespmem:v4+s30+$0x0] =	vst.idx.msk $0xffff, v5  }
0x193: {  	s22 =	sor.u32 $0x280, s16;
	v5 =	vor.u32 s20, v25;
	v4 =	vld [tilespmem:s23+$0x4000];
	[tilespmem:v3+s30+$0x0] =	vst.idx.msk $0xffff, v2  }
0x194: {  	s13 =	sor.u32 $0x300, s7;
	v3 =	vor.u32 s26, v15;
	v2 =	vld [tilespmem:s22+$0x4000];
	[tilespmem:v1+s30+$0x0] =	vst.idx.msk $0xffff, v0  }
0x195: {  	v1 =	vor.u32 s19, v54;
	v0 =	vld [tilespmem:s13+$0x4000]  }
0x196: {  	[tilespmem:v37+s30+$0x0] =	vst.idx.msk $0xffff, v38  }
0x197: {  	v39 =	vor.u32 s1, v53;
	v7 =	vld [tilespmem:s12+$0x80]  }
0x198: {  	s25 =	sor.u32 $0x280, s15;
	[tilespmem:v5+s30+$0x0] =	vst.idx.msk $0xffff, v4  }
0x199: {  	s10 =	sor.u32 s10, s5;
	s24 =	sor.u32 $0x300, s16;
	v5 =	vor.u32 s20, v15;
	v4 =	vld [tilespmem:s25+$0x4000];
	[tilespmem:v3+s30+$0x0] =	vst.idx.msk $0xffff, v2  }
0x19a: {  	s10 =	sor.u32 $0x380, s10;
	v3 =	vor.u32 s26, v54;
	v2 =	vld [tilespmem:s24+$0x4000];
	[tilespmem:v1+s30+$0x0] =	vst.idx.msk $0xffff, v0  }
0x19b: {  	v1 =	vor.u32 s19, v60;
	v0 =	vld [tilespmem:s10+$0x4000]  }
0x19c: {  	[tilespmem:v39+s30+$0x0] =	vst.idx.msk $0xffff, v7  }
0x19d: {  	v40 =	vor.u32 s1, v46;
	v7 =	vld [tilespmem:s12+$0x100]  }
0x19e: {  	s9 =	sor.u32 s9, s5;
	s31 =	sor.u32 $0x300, s15;
	[tilespmem:v5+s30+$0x0] =	vst.idx.msk $0xffff, v4  }
0x19f: {  	s9 =	sor.u32 $0x380, s9;
	s18 =	sor.u32 $0x6000, s4;
	v5 =	vor.u32 s20, v54;
	v4 =	vld [tilespmem:s31+$0x4000];
	[tilespmem:v3+s30+$0x0] =	vst.idx.msk $0xffff, v2  }
0x1a0: {  	s7 =	sor.u32 s2, s18;
	v3 =	vor.u32 s26, v60;
	v2 =	vld [tilespmem:s9+$0x4000];
	[tilespmem:v1+s30+$0x0] =	vst.idx.msk $0xffff, v0  }
0x1a1: {  	v1 =	vor.u32 s19, v61;
	v0 =	vld [tilespmem:s7+$0x0]  }
0x1a2: {  	[tilespmem:v40+s30+$0x0] =	vst.idx.msk $0xffff, v7  }
0x1a3: {  	s8 =	sor.u32 s8, s5;
	v41 =	vor.u32 s1, v24;
	v6 =	vld [tilespmem:s12+$0x180]  }
0x1a4: {  	s8 =	sor.u32 $0x380, s8;
	[tilespmem:v5+s30+$0x0] =	vst.idx.msk $0xffff, v4  }
0x1a5: {  	s17 =	sor.u32 $0x6080, s4;
	s13 =	sor.u32 s0, s18;
	v5 =	vor.u32 s20, v60;
	v4 =	vld [tilespmem:s8+$0x4000];
	[tilespmem:v3+s30+$0x0] =	vst.idx.msk $0xffff, v2  }
0x1a6: {  	s15 =	sor.u32 s2, s17;
	v3 =	vor.u32 s26, v61;
	v2 =	vld [tilespmem:s13+$0x0];
	[tilespmem:v1+s30+$0x0] =	vst.idx.msk $0xffff, v0  }
0x1a7: {  	s10 =	sadd.s32 $0x30, s11;
	v1 =	vor.u32 s19, v51;
	v0 =	vld [tilespmem:s15+$0x0]  }
0x1a8: {  	s16 =	sor.u32 $0x200, s10;
	[tilespmem:v41+s30+$0x0] =	vst.idx.msk $0xffff, v6  }
0x1a9: {  	v44 =	vor.u32 s1, v25;
	v6 =	vld [tilespmem:s16+$0x4000]  }
0x1aa: {  	s22 =	sor.u32 s6, s18;
	[tilespmem:v5+s30+$0x0] =	vst.idx.msk $0xffff, v4  }
0x1ab: {  	s21 =	sor.u32 s0, s17;
	s13 =	sor.u32 $0x6100, s4;
	v5 =	vor.u32 s20, v61;
	v4 =	vld [tilespmem:s22+$0x0];
	[tilespmem:v3+s30+$0x0] =	vst.idx.msk $0xffff, v2  }
0x1ac: {  	s7 =	simm.s32 $0x200;
	s23 =	sor.u32 s2, s13;
	v3 =	vor.u32 s26, v51;
	v2 =	vld [tilespmem:s21+$0x0];
	[tilespmem:v1+s30+$0x0] =	vst.idx.msk $0xffff, v0  }
0x1ad: {  	s9 =	simm.s32 $0x40;
	s24 =	sor.u32 $0x280, s10;
	s31 =	sand.u32 $0x1C00, s7;
	v1 =	vor.u32 s19, v42;
	v0 =	vld [tilespmem:s23+$0x0]  }
0x1ae: {  	s29 =	sand.u32 $0x40, s9;
	s8 =	simm.s32 $0x50;
	s16 =	sor.u32 $0x4000, s31;
	[tilespmem:v44+s30+$0x0] =	vst.idx.msk $0xffff, v6  }
0x1af: {  	s12 =	simm.s32 $0x400;
	s28 =	sand.u32 $0x50, s8;
	v6 =	vld [tilespmem:s24+$0x4000];
	s23 =	sor.u32 s29, s16  }
0x1b0: {  	v52 =	vor.u32 s12, v45;
	s24 =	sor.u32 s28, s16;
	s21 =	simm.s32 $0x500;
	[tilespmem:v5+s30+$0x0] =	vst.idx.msk $0xffff, v4;
	v47 =	vld [tilespmem:s23+$0x0]  }
0x1b1: {  	s25 =	sor.u32 s0, s13;
	[tilespmem:v3+s30+$0x0] =	vst.idx.msk $0xffff, v2;
	v2 =	vor.u32 s21, v45;
	v3 =	vld [tilespmem:s24+$0x0]  }
0x1b2: {  	v55 =	vor.u32 s1, v15;
	s7 =	sor.u32 s6, s17;
	s22 =	simm.s32 $0x70;
	v16 =	vld [tilespmem:s25+$0x0];
	s25 =	simm.s32 $0x70;
	[tilespmem:v1+s30+$0x0] =	vst.idx.msk $0xffff, v0  }
0x1b3: {  	s22 =	sand.u32 $0x70, s22;
	s15 =	sor.u32 $0x6180, s4;
	v4 =	vld [tilespmem:s7+$0x0];
	[dreg:$0x5] =	wrdreg s25  }
0x1b4: {  	s11 =	sor.u32 s2, s15;
	[smem:$0x7D2] =	sst s22  }
0x1b5: {  	v1 =	vor.u32 s19, v58;
	s22 =	sor.u32 s22, s16;
	v0 =	vld [tilespmem:s11+$0x0];
	s11 =	simm.s32 $0x700;
	[tilespmem:v52+s30+$0x0] =	vst.idx.msk $0xffff, v47  }
0x1b6: {  	s25 =	simm.s32 $0x60;
	v56 =	vld [tilespmem:s22+$0x0];
	[tilespmem:v2+s30+$0x0] =	vst.idx.msk $0xffff, v3;
	v5 =	vor.u32 s11, v45  }
0x1b7: {  	v57 =	vor.u32 s12, v53;
	[tilespmem:v55+s30+$0x0] =	vst.idx.msk $0xffff, v6;
	s7 =	sand.u32 $0x60, s25;
	v8 =	vld [tilespmem:s23+$0x80]  }
0x1b8: {  	s10 =	sor.u32 $0x300, s10;
	v2 =	vor.u32 s21, v53;
	v3 =	vld [tilespmem:s24+$0x80];
	[smem:$0x7CF] =	sst s7  }
0x1b9: {  	v59 =	vor.u32 s1, v54;
	s21 =	sor.u32 s7, s16;
	s7 =	simm.s32 $0x600;
	s16 =	sor.u32 $0x6200, s4;
	v6 =	vld [tilespmem:s10+$0x4000]  }
0x1ba: {  	v62 =	vor.u32 s7, v45;
	v12 =	vld [tilespmem:s21+$0x0];
	s25 =	sor.u32 s2, s16;
	[tilespmem:v1+s30+$0x0] =	vst.idx.msk $0xffff, v0  }
0x1bb: {  	v28 =	vor.u32 s20, v51;
	v0 =	vld [tilespmem:s25+$0x0];
	[tilespmem:v5+s30+$0x0] =	vst.idx.msk $0xffff, v56  }
0x1bc: {  	v1 =	vor.u32 s19, v48;
	[tilespmem:v57+s30+$0x0] =	vst.idx.msk $0xffff, v8;
	v7 =	vld [tilespmem:s22+$0x80]  }
0x1bd: {  	s5 =	sor.u32 s14, s5;
	v5 =	vor.u32 s11, v53;
	[tilespmem:v2+s30+$0x0] =	vst.idx.msk $0xffff, v3;
	v8 =	vld [tilespmem:s23+$0x100]  }
0x1be: {  	s5 =	sor.u32 $0x380, s5;
	v63 =	vor.u32 s12, v46;
	s10 =	simm.s32 $0x500;
	v3 =	vld [tilespmem:s24+$0x100];
	[tilespmem:v59+s30+$0x0] =	vst.idx.msk $0xffff, v6  }
0x1bf: {  	v2 =	vor.u32 s10, v46;
	[tilespmem:v62+s30+$0x0] =	vst.idx.msk $0xffff, v12;
	v6 =	vld [tilespmem:s5+$0x4000]  }
0x1c0: {  	v29 =	vor.u32 s7, v53;
	[tilespmem:v28+s30+$0x0] =	vst.idx.msk $0xffff, v4;
	s5 =	sor.u32 $0x6280, s4;
	v12 =	vld [tilespmem:s21+$0x80]  }
0x1c1: {  	s25 =	sor.u32 s2, s5;
	[tilespmem:v1+s30+$0x0] =	vst.idx.msk $0xffff, v0;
	v1 =	vor.u32 s1, v60  }
0x1c2: {  	v0 =	vld [tilespmem:s25+$0x0];
	[tilespmem:v5+s30+$0x0] =	vst.idx.msk $0xffff, v7  }
0x1c3: {  	v5 =	vor.u32 s11, v46;
	[tilespmem:v63+s30+$0x0] =	vst.idx.msk $0xffff, v8;
	v7 =	vld [tilespmem:s22+$0x100]  }
0x1c4: {  	v30 =	vor.u32 s12, v24;
	[tilespmem:v2+s30+$0x0] =	vst.idx.msk $0xffff, v3;
	v8 =	vld [tilespmem:s23+$0x180]  }
0x1c5: {  	v3 =	vor.u32 s19, v49;
	v2 =	vld [tilespmem:s24+$0x180];
	s24 =	sor.u32 s6, s13;
	[tilespmem:v29+s30+$0x0] =	vst.idx.msk $0xffff, v12  }
0x1c6: {  	p3 =	por !p3, !p3;
	v31 =	vor.u32 s10, v24;
	s25 =	simm.s32 $0x4;
	s23 =	simm.s32 $0x1;
	v4 =	vld [tilespmem:s24+$0x0];
	[tilespmem:v1+s30+$0x0] =	vst.idx.msk $0xffff, v6  }
0x1c7: {  	s18 =	sor.u32 s3, s18;
	v32 =	vor.u32 s7, v46;
	s23 =	simm.s32 @!p3 $0x0;
	v12 =	vld [tilespmem:s21+$0x100];
	[dreg:$0x9] =	wrdreg s25  }
0x1c8: {  	s24 =	simm.s32 $0x4;
	s23 =	sshll.u32 s23, $0x6;
	v1 =	vld [tilespmem:s18+$0x0];
	[tilespmem:v5+s30+$0x0] =	vst.idx.msk $0xffff, v7;
	v5 =	vor.u32 s1, v61  }
0x1c9: {  	v34 =	vor.u32 s11, v24;
	s24 =	sand.u32 $0x7, s24;
	s23 =	sadd.s32 $0x200, s23;
	[tilespmem:v30+s30+$0x0] =	vst.idx.msk $0xffff, v8;
	v33 =	vld [tilespmem:s22+$0x180]  }
0x1ca: {  	s24 =	sshll.u32 s24, $0x4;
	s25 =	sor.u32 $0x200, s23;
	s18 =	sor.u32 $0x6300, s4;
	[tilespmem:v3+s30+$0x0] =	vst.idx.msk $0xffff, v0  }
0x1cb: {  	v0 =	vor.u32 s12, v25;
	[tilespmem:v31+s30+$0x0] =	vst.idx.msk $0xffff, v2;
	s22 =	sadd.s32 $0x200, s24;
	v8 =	vld [tilespmem:s25+$0x4000];
	s14 =	sor.u32 s2, s18  }
0x1cc: {  	v2 =	vor.u32 s19, v50;
	[tilespmem:v32+s30+$0x0] =	vst.idx.msk $0xffff, v12;
	s24 =	sadd.s32 $0x10, s22;
	v3 =	vld [tilespmem:s14+$0x0]  }
0x1cd: {  	v12 =	vor.u32 s7, v24;
	v11 =	vld [tilespmem:s21+$0x180];
	s14 =	sor.u32 $0x200, s24;
	[tilespmem:v5+s30+$0x0] =	vst.idx.msk $0xffff, v1  }
0x1ce: {  	s17 =	sor.u32 s3, s17;
	v35 =	vor.u32 s10, v25;
	s25 =	sadd.s32 $0x30, s22;
	s22 =	simm.s32 $0x2;
	v9 =	vld [tilespmem:s14+$0x4000];
	[tilespmem:v34+s30+$0x0] =	vst.idx.msk $0xffff, v33  }
0x1cf: {  	s21 =	simm.s32 $0x2;
	v5 =	vor.u32 s1, v51;
	v1 =	vld [tilespmem:s17+$0x0];
	[dreg:$0xc] =	wrdreg s22;
	s22 =	sor.u32 $0x200, s25  }
0x1d0: {  	s14 =	sand.u32 $0x3, s21;
	v6 =	vld [tilespmem:s22+$0x4000];
	[tilespmem:v0+s30+$0x0] =	vst.idx.msk $0xffff, v8;
	v0 =	vor.u32 s11, v25  }
0x1d1: {  	s4 =	sor.u32 $0x6380, s4;
	s21 =	sor.u32 $0x280, s23;
	s17 =	sshll.u32 s14, $0x5;
	[tilespmem:v2+s30+$0x0] =	vst.idx.msk $0xffff, v3  }
0x1d2: {  	v37 =	vor.u32 s12, v15;
	s2 =	sor.u32 s2, s4;
	s17 =	sadd.s32 $0x200, s17;
	[tilespmem:v12+s30+$0x0] =	vst.idx.msk $0xffff, v11;
	v36 =	vld [tilespmem:s21+$0x4000]  }
0x1d3: {  	s14 =	sor.u32 $0x280, s24;
	v3 =	vor.u32 s20, v42;
	v2 =	vld [tilespmem:s2+$0x0];
	[tilespmem:v35+s30+$0x0] =	vst.idx.msk $0xffff, v9;
	s2 =	sadd.s32 $0x20, s17  }
0x1d4: {  	v38 =	vor.u32 s10, v15;
	v9 =	vld [tilespmem:s14+$0x4000];
	s21 =	sor.u32 $0x200, s2;
	[tilespmem:v5+s30+$0x0] =	vst.idx.msk $0xffff, v1  }
0x1d5: {  	v39 =	vor.u32 s26, v42;
	s13 =	sor.u32 s3, s13;
	v11 =	vld [tilespmem:s21+$0x4000];
	[tilespmem:v0+s30+$0x0] =	vst.idx.msk $0xffff, v6  }
0x1d6: {  	v12 =	vor.u32 s7, v25;
	s22 =	sor.u32 $0x280, s25;
	v1 =	vld [tilespmem:s13+$0x0];
	[dreg:$0xd] =	wrdreg s25  }
0x1d7: {  	v0 =	vor.u32 s1, v42;
	s25 =	sor.u32 $0x300, s23;
	v5 =	vld [tilespmem:s22+$0x4000];
	[tilespmem:v37+s30+$0x0] =	vst.idx.msk $0xffff, v36  }
0x1d8: {  	s14 =	sor.u32 s6, s15;
	[tilespmem:v3+s30+$0x0] =	vst.idx.msk $0xffff, v4;
	v3 =	vor.u32 s12, v54;
	v7 =	vld [tilespmem:s25+$0x4000]  }
0x1d9: {  	v40 =	vor.u32 s20, v58;
	s17 =	sor.u32 $0x300, s24;
	[tilespmem:v38+s30+$0x0] =	vst.idx.msk $0xffff, v9;
	v4 =	vld [tilespmem:s14+$0x0]  }
0x1da: {  	v41 =	vor.u32 s10, v54;
	s23 =	sor.u32 s0, s15;
	[tilespmem:v39+s30+$0x0] =	vst.idx.msk $0xffff, v16;
	v9 =	vld [tilespmem:s17+$0x4000]  }
0x1db: {  	v13 =	vor.u32 s26, v58;
	s24 =	simm.s32 $0x200;
	s21 =	sor.u32 $0x280, s2;
	[tilespmem:v12+s30+$0x0] =	vst.idx.msk $0xffff, v11;
	v6 =	vld [tilespmem:s23+$0x0]  }
0x1dc: {  	s9 =	sor.u32 s9, s24;
	s22 =	sor.u32 s3, s15;
	v12 =	vor.u32 s7, v15;
	v11 =	vld [tilespmem:s21+$0x4000];
	[tilespmem:v0+s30+$0x0] =	vst.idx.msk $0xffff, v1  }
0x1dd: {  	s9 =	sor.u32 $0x380, s9;
	v1 =	vor.u32 s1, v58;
	v0 =	vld [tilespmem:s22+$0x0];
	[tilespmem:v3+s30+$0x0] =	vst.idx.msk $0xffff, v7  }
0x1de: {  	v44 =	vor.u32 s12, v60;
	s8 =	sor.u32 s8, s24;
	s1 =	sor.u32 s6, s16;
	[tilespmem:v40+s30+$0x0] =	vst.idx.msk $0xffff, v4;
	v3 =	vld [tilespmem:s9+$0x4000]  }
0x1df: {  	v47 =	vor.u32 s20, v48;
	s8 =	sor.u32 $0x380, s8;
	[tilespmem:v41+s30+$0x0] =	vst.idx.msk $0xffff, v9;
	v4 =	vld [tilespmem:s1+$0x0]  }
0x1e0: {  	s13 =	sor.u32 s3, s16;
	s16 =	sor.u32 s0, s16;
	[tilespmem:v13+s30+$0x0] =	vst.idx.msk $0xffff, v6;
	v9 =	vld [tilespmem:s8+$0x4000]  }
0x1e1: {  	v52 =	vor.u32 s10, v60;
	s2 =	sor.u32 $0x300, s2;
	[tilespmem:v12+s30+$0x0] =	vst.idx.msk $0xffff, v11;
	v6 =	vld [tilespmem:s16+$0x0]  }
0x1e2: {  	v12 =	vor.u32 s7, v54;
	s8 =	sor.u32 $0x6000, s31;
	v11 =	vld [tilespmem:s2+$0x4000];
	[tilespmem:v1+s30+$0x0] =	vst.idx.msk $0xffff, v0  }
0x1e3: {  	s15 =	simm.s32 $0x300;
	v13 =	vor.u32 s26, v48;
	s17 =	sor.u32 s29, s8;
	v0 =	vld [tilespmem:s13+$0x0];
	[tilespmem:v44+s30+$0x0] =	vst.idx.msk $0xffff, v3  }
0x1e4: {  	s21 =	sor.u32 s6, s5;
	s22 =	simm.s32 $0x200;
	v1 =	vor.u32 s15, v48;
	[tilespmem:v47+s30+$0x0] =	vst.idx.msk $0xffff, v4;
	v3 =	vld [tilespmem:s17+$0x0]  }
0x1e5: {  	v55 =	vor.u32 s12, v61;
	s25 =	simm.s32 $0x200;
	s23 =	simm.s32 $0x60;
	v4 =	vld [tilespmem:s21+$0x0];
	[dreg:$0x4] =	wrdreg s22  }
0x1e6: {  	v56 =	vor.u32 s20, v49;
	s24 =	sor.u32 s23, s25;
	s25 =	sor.u32 s28, s8;
	[tilespmem:v52+s30+$0x0] =	vst.idx.msk $0xffff, v9  }
0x1e7: {  	v57 =	vor.u32 s10, v61;
	s2 =	sor.u32 $0x380, s24;
	[tilespmem:v12+s30+$0x0] =	vst.idx.msk $0xffff, v11;
	v9 =	vld [tilespmem:s25+$0x0]  }
0x1e8: {  	s1 =	sor.u32 s3, s5;
	s5 =	sor.u32 s0, s5;
	[tilespmem:v13+s30+$0x0] =	vst.idx.msk $0xffff, v6;
	v11 =	vld [tilespmem:s2+$0x4000]  }
0x1e9: {  	s9 =	sor.u32 $0x6080, s31;
	[tilespmem:v1+s30+$0x0] =	vst.idx.msk $0xffff, v0;
	v6 =	vld [tilespmem:s5+$0x0]  }
0x1ea: {  	s21 =	sor.u32 s29, s9;
	v12 =	vor.u32 s7, v60;
	v0 =	vld [tilespmem:s1+$0x0];
	[tilespmem:v55+s30+$0x0] =	vst.idx.msk $0xffff, v3  }
0x1eb: {  	s24 =	sor.u32 s28, s9;
	s22 =	sor.u32 s6, s18;
	[tilespmem:v56+s30+$0x0] =	vst.idx.msk $0xffff, v4;
	v3 =	vld [tilespmem:s21+$0x0]  }
0x1ec: {  	s13 =	sor.u32 s3, s18;
	s3 =	sor.u32 s3, s4;
	s7 =	sld [smem:$0x7CF];
	v8 =	vld [tilespmem:s22+$0x0];
	[tilespmem:v57+s30+$0x0] =	vst.idx.msk $0xffff, v9  }
0x1ed: {  	s14 =	simm.s32 $0x700;
	v19 =	vld [tilespmem:s24+$0x0];
	[smem:$0x7D0] =	sst s3  }
0x1ee: {  	v1 =	vor.u32 s15, v49;
	[dreg:$0x3] =	wrdreg s14  }
0x1ef: {  	[tilespmem:v12+s30+$0x0] =	vst.idx.msk $0xffff, v11  }
0x1f0: {  	s21 =	sor.u32 s6, s4;
	s6 =	sld [smem:$0x7D2]  }
0x1f1: {  	v13 =	vor.u32 s26, v49;
	s25 =	sor.u32 s0, s18;
	s0 =	sor.u32 s0, s4  }
0x1f2: {  	v59 =	vor.u32 s12, v51;
	[smem:$0x7D1] =	sst s0  }
0x1f3: {  	s23 =	sor.u32 s7, s8;
	[tilespmem:v1+s30+$0x0] =	vst.idx.msk $0xffff, v0;
	s17 =	sor.u32 s6, s8  }
0x1f4: {  	v20 =	vld [tilespmem:s23+$0x0];
	s18 =	sor.u32 s6, s9;
	[dreg:$0x10] =	wrdreg s17  }
0x1f5: {  	v4 =	vor.u32 s19, v43;
	[dreg:$0xe] =	wrdreg s18  }
0x1f6: {  	v62 =	vor.u32 s11, v15;
	s11 =	smov.u32 s31;
	s16 =	sor.u32 $0x6100, s31;
	[tilespmem:v13+s30+$0x0] =	vst.idx.msk $0xffff, v6  }
0x1f7: {  	s5 =	simm.s32 $0x400;
	s4 =	smov.u32 s29;
	s24 =	sor.u32 s7, s16;
	v1 =	vld [tilespmem:s13+$0x0];
	[tilespmem:v59+s30+$0x0] =	vst.idx.msk $0xffff, v3  }
0x1f8: {  	v63 =	vor.u32 s20, v50;
	s22 =	sor.u32 s29, s16;
	v0 =	vld [tilespmem:s25+$0x0];
	[dreg:$0xf] =	wrdreg s24;
	s25 =	simm.s32 $0x4  }
0x1f9: {  	s19 =	sor.u32 s7, s9;
	s23 =	sor.u32 s28, s16;
	v3 =	vld [tilespmem:s22+$0x0];
	[dreg:$0x12] =	wrdreg s25  }
0x1fa: {  	s9 =	simm.s32 $0x600;
	s14 =	sor.u32 s6, s16;
	s8 =	simm.s32 $0x400;
	[tilespmem:v4+s30+$0x0] =	vst.idx.msk $0xffff, v2  }
0x1fb: {  	v18 =	vor.u32 s26, v50;
	s17 =	smov.u32 s28;
	s24 =	sor.u32 $0x6180, s31;
	s31 =	simm.s32 $0x0;
	[tilespmem:v62+s30+$0x0] =	vst.idx.msk $0xffff, v5  }
0x1fc: {  	v17 =	vor.u32 s20, v43;
	v21 =	vor.u32 s12, v42;
	v22 =	vor.u32 s10, v51;
	s18 =	simm.s32 $0xB0;
	s3 =	sor.u32 s29, s24;
	[smem:$0x7D3] =	sst s31  }
0x1fd: {  	v16 =	vor.u32 s9, v43;
	v23 =	vor.u32 s9, v61;
	s28 =	sor.u32 s28, s24;
	s20 =	sor.u32 s7, s24;
	s29 =	simm.s32 $0xB00;
	v2 =	vor.u32 s15, v50;
	[tilespmem:v63+s30+$0x0] =	vst.idx.msk $0xffff, v8  }
.LBB2_5:
0x1fe: {  	[smem:$0x7C0] =	sst s9  }
0x1ff: {  	[smem:$0x7C4] =	sst s14  }
0x200: {  	[dreg:$0x1d] =	wrdreg s20  }
0x201: {  	[dreg:$0x17] =	wrdreg s3;
	s3 =	sadd.s32 $0xFFFFFFD0, s18;
	s20 =	smov.u32 s6  }
0x202: {  	s31 =	sand.u32 $0x1C00, s8;
	s14 =	simm.s32 $0xC000;
	s1 =	smov.u32 s17  }
0x203: {  	s13 =	smov.u32 s11;
	s11 =	sadd.s32 $0xFFFFFFF0, s18;
	s0 =	sld [smem:$0x7D0]  }
0x204: {  	s6 =	sand.u32 $0x40, s3;
	s17 =	sand.u32 $0x60, s11;
	s3 =	sor.u32 s3, s8  }
0x205: {  	s11 =	sor.u32 s11, s8;
	[smem:$0x7C7] =	sst s3;
	[tilespmem:v22+s30+$0x0] =	vst.idx.msk $0xffff, v19;
	s30 =	sor.u32 $0x4000, s31  }
0x206: {  	[dreg:$0x19] =	wrdreg s11;
	s25 =	sor.u32 s6, s30;
	[tilespmem:v2+s14+$0x0] =	vst.idx.msk $0xffff, v1  }
0x207: {  	s16 =	smov.u32 s4;
	s4 =	sadd.s32 $0xFFFFFFE0, s18;
	s11 =	sld [smem:$0x7D1];
	v1 =	vld [tilespmem:s25+$0x0];
	[tilespmem:v18+s14+$0x0] =	vst.idx.msk $0xffff, v0  }
0x208: {  	s26 =	sand.u32 $0x50, s4;
	[tilespmem:v21+s14+$0x0] =	vst.idx.msk $0xffff, v3;
	v3 =	vld [tilespmem:s0+$0x0];
	s0 =	sor.u32 s4, s8;
	s4 =	sld [smem:$0x7D3]  }
0x209: {  	v8 =	vor.u32 s9, v51;
	s9 =	sand.u32 $0x70, s18;
	s24 =	sor.u32 s20, s24;
	[smem:$0x7C2] =	sst s6  }
0x20a: {  	[smem:$0x7C6] =	sst s24;
	v5 =	vld [tilespmem:s23+$0x0];
	s22 =	sor.u32 s26, s30;
	s23 =	sor.u32 s17, s30  }
0x20b: {  	v4 =	vld [tilespmem:s21+$0x0];
	[tilespmem:v23+s14+$0x0] =	vst.idx.msk $0xffff, v20;
	s3 =	sor.u32 s9, s30;
	s30 =	rddreg [dreg:$0x3];
	v12 =	vor.u32 s4, v43;
	s4 =	sor.u32 $0x6000, s31  }
0x20c: {  	v7 =	vld [tilespmem:s19+$0x0];
	[dreg:$0x1f] =	wrdreg s0;
	s19 =	sor.u32 s6, s4  }
0x20d: {  	v6 =	vor.u32 s10, v42;
	s0 =	sor.u32 s26, s4;
	[dreg:$0x1e] =	wrdreg s19  }
0x20e: {  	v9 =	vor.u32 s15, v43;
	s15 =	sor.u32 $0x6080, s31;
	[dreg:$0x1a] =	wrdreg s0;
	s19 =	sor.u32 s17, s4  }
0x20f: {  	s0 =	sor.u32 s6, s15;
	[dreg:$0x14] =	wrdreg s19  }
0x210: {  	s2 =	sadd.s32 $0xFFFFFD00, s29;
	[dreg:$0x18] =	wrdreg s0;
	s19 =	sor.u32 s26, s15  }
0x211: {  	s21 =	smov.u32 s7;
	v10 =	vld [tilespmem:s22+$0x0];
	s0 =	sor.u32 s17, s15;
	[dreg:$0x16] =	wrdreg s19  }
0x212: {  	v2 =	vor.u32 s2, v45;
	[tilespmem:v6+s14+$0x0] =	vst.idx.msk $0xffff, v5;
	v5 =	vld [tilespmem:s11+$0x0];
	s11 =	sor.u32 $0x6100, s31;
	[dreg:$0x13] =	wrdreg s0;
	s19 =	sor.u32 s9, s4  }
0x213: {  	s7 =	sadd.s32 $0xFFFFFE00, s29;
	s0 =	sor.u32 s6, s11;
	[smem:$0x7C1] =	sst s19  }
0x214: {  	v0 =	vor.u32 s7, v45;
	s6 =	sor.u32 s26, s11;
	[dreg:$0x15] =	wrdreg s0  }
0x215: {  	s24 =	smov.u32 s1;
	v6 =	vld [tilespmem:s28+$0x0];
	s28 =	sor.u32 s17, s11;
	[smem:$0x7C3] =	sst s6  }
0x216: {  	v13 =	vor.u32 s10, v58;
	[tilespmem:v17+s14+$0x0] =	vst.idx.msk $0xffff, v4;
	s4 =	sor.u32 $0x6200, s13;
	s6 =	smov.u32 s13;
	s19 =	rddreg [dreg:$0xd]  }
0x217: {  	v4 =	vor.u32 s29, v45;
	[tilespmem:v2+s14+$0x0] =	vst.idx.msk $0xffff, v1;
	v1 =	vld [tilespmem:s3+$0x0];
	s13 =	sor.u32 s9, s11;
	s11 =	sor.u32 s1, s4;
	s1 =	rddreg [dreg:$0x12]  }
0x218: {  	[tilespmem:v8+s14+$0x0] =	vst.idx.msk $0xffff, v7;
	s0 =	smov.u32 s21;
	s21 =	sor.u32 s21, s4;
	[smem:$0x7C5] =	sst s13  }
0x219: {  	[tilespmem:v0+s14+$0x0] =	vst.idx.msk $0xffff, v10;
	v2 =	vld [tilespmem:s25+$0x80];
	s13 =	sadd.s32 $0x4, s1;
	[smem:$0x7C8] =	sst s21  }
0x21a: {  	[tilespmem:v9+s14+$0x0] =	vst.idx.msk $0xffff, v3;
	v47 =	vld [tilespmem:s22+$0x80];
	s19 =	sor.u32 $0x300, s19;
	s1 =	smov.u32 s29;
	[dreg:$0x12] =	wrdreg s13  }
0x21b: {  	v44 =	vor.u32 s2, v53;
	[tilespmem:v13+s14+$0x0] =	vst.idx.msk $0xffff, v6;
	v55 =	vld [tilespmem:s19+$0x4000];
	[dreg:$0x3] =	wrdreg s1  }
0x21c: {  	s12 =	sadd.s32 $0xFFFFFF00, s29;
	v0 =	vor.u32 s7, v53;
	s21 =	smov.u32 s18;
	[tilespmem:v4+s14+$0x0] =	vst.idx.msk $0xffff, v1;
	v1 =	vld [tilespmem:s11+$0x0];
	s11 =	rddreg [dreg:$0x5]  }
0x21d: {  	v11 =	vor.u32 s12, v45;
	v3 =	vld [tilespmem:s23+$0x0];
	s19 =	sor.u32 s20, s4;
	[dreg:$0x5] =	wrdreg s21  }
0x21e: {  	v56 =	vor.u32 s30, v54;
	[smem:$0x7C9] =	sst s19  }
0x21f: {  	[tilespmem:v12+s14+$0x0] =	vst.idx.msk $0xffff, v5;
	v4 =	vor.u32 s10, v48;
	s19 =	sor.u32 s16, s4;
	s4 =	rddreg [dreg:$0x4]  }
0x220: {  	v5 =	vor.u32 s29, v53;
	[tilespmem:v44+s14+$0x0] =	vst.idx.msk $0xffff, v2;
	p4 =	slt.u32 s13, $0x3C;
	s1 =	smov.u32 s8;
	v2 =	vld [tilespmem:s3+$0x80];
	[smem:$0x7CA] =	sst s19  }
0x221: {  	[tilespmem:v0+s14+$0x0] =	vst.idx.msk $0xffff, v47;
	v7 =	vld [tilespmem:s25+$0x100];
	s19 =	smov.u32 s2;
	s2 =	sor.u32 s11, s4;
	s4 =	sor.u32 $0x6280, s6  }
0x222: {  	[tilespmem:v11+s14+$0x0] =	vst.idx.msk $0xffff, v3;
	v0 =	vor.u32 s7, v46;
	[dreg:$0x4] =	wrdreg s1;
	v8 =	vld [tilespmem:s22+$0x100];
	s1 =	smov.u32 s16;
	s11 =	sor.u32 s16, s4  }
0x223: {  	v3 =	vld [tilespmem:s23+$0x80];
	v12 =	vor.u32 s19, v46;
	s2 =	sor.u32 $0x380, s2;
	s16 =	sor.u32 s20, s4;
	[smem:$0x7CD] =	sst s11;
	[tilespmem:v56+s14+$0x0] =	vst.idx.msk $0xffff, v55  }
0x224: {  	s13 =	smov.u32 s5;
	s11 =	sor.u32 s24, s4;
	[smem:$0x7CC] =	sst s16;
	[tilespmem:v4+s14+$0x0] =	vst.idx.msk $0xffff, v1;
	v1 =	vld [tilespmem:s2+$0x4000]  }
0x225: {  	v52 =	vor.u32 s12, v53;
	s5 =	smov.u32 s30;
	s16 =	rddreg [dreg:$0x9];
	[tilespmem:v5+s14+$0x0] =	vst.idx.msk $0xffff, v2;
	v5 =	vld [tilespmem:s11+$0x0];
	s11 =	sor.u32 s0, s4  }
0x226: {  	v4 =	vor.u32 s5, v60;
	s4 =	sadd.s32 $0x4, s16;
	[smem:$0x7CB] =	sst s11  }
0x227: {  	v2 =	vor.u32 s29, v46;
	[tilespmem:v0+s14+$0x0] =	vst.idx.msk $0xffff, v8;
	v62 =	vld [tilespmem:s3+$0x100];
	[dreg:$0x9] =	wrdreg s4  }
0x228: {  	v59 =	vor.u32 s10, v49;
	v8 =	vld [tilespmem:s22+$0x180];
	s22 =	sld [smem:$0x7C0];
	[tilespmem:v12+s14+$0x0] =	vst.idx.msk $0xffff, v7  }
0x229: {  	p3 =	por !p3, !p3;
	s21 =	smov.u32 s24;
	s11 =	sld [smem:$0x7C1];
	v12 =	vor.u32 s19, v24;
	v63 =	vld [tilespmem:s25+$0x180]  }
0x22a: {  	[tilespmem:v52+s14+$0x0] =	vst.idx.msk $0xffff, v3;
	v0 =	vor.u32 s7, v24;
	s2 =	simm.s32 $0x1;
	s16 =	smov.u32 s28;
	s25 =	rddreg [dreg:$0xf]  }
0x22b: {  	v57 =	vor.u32 s12, v46;
	v3 =	vld [tilespmem:s23+$0x100];
	s2 =	simm.s32 @!p3 $0x0;
	s4 =	sand.u32 $0x7, s4;
	[dreg:$0xf] =	wrdreg s16;
	[tilespmem:v4+s14+$0x0] =	vst.idx.msk $0xffff, v1  }
0x22c: {  	s2 =	sshll.u32 s2, $0x6;
	s4 =	sshll.u32 s4, $0x4;
	v1 =	vld [tilespmem:s25+$0x0];
	v4 =	vor.u32 s22, v42;
	s25 =	rddreg [dreg:$0x10];
	[tilespmem:v2+s14+$0x0] =	vst.idx.msk $0xffff, v62  }
0x22d: {  	s2 =	sadd.s32 s2, s8;
	s4 =	sadd.s32 s8, s4;
	[tilespmem:v59+s14+$0x0] =	vst.idx.msk $0xffff, v5;
	v5 =	vor.u32 s5, v61;
	v2 =	vld [tilespmem:s25+$0x0];
	s25 =	smov.u32 s11  }
0x22e: {  	v30 =	vor.u32 s29, v24;
	v29 =	vld [tilespmem:s3+$0x180];
	s3 =	sor.u32 $0x6300, s6;
	[dreg:$0x10] =	wrdreg s25;
	[tilespmem:v12+s14+$0x0] =	vst.idx.msk $0xffff, v63;
	s25 =	sor.u32 $0x200, s2  }
0x22f: {  	[tilespmem:v0+s14+$0x0] =	vst.idx.msk $0xffff, v8;
	v12 =	vor.u32 s19, v25;
	s16 =	sor.u32 s1, s3;
	s24 =	sor.u32 s24, s3;
	v10 =	vld [tilespmem:s25+$0x4000];
	s25 =	sadd.s32 $0x10, s4  }
0x230: {  	[tilespmem:v57+s14+$0x0] =	vst.idx.msk $0xffff, v3;
	v3 =	vor.u32 s10, v50;
	[smem:$0x7CE] =	sst s16;
	v0 =	vld [tilespmem:s24+$0x0];
	s16 =	sor.u32 $0x200, s25  }
0x231: {  	v31 =	vor.u32 s7, v25;
	[tilespmem:v4+s14+$0x0] =	vst.idx.msk $0xffff, v1;
	v8 =	vld [tilespmem:s16+$0x4000]  }
0x232: {  	s15 =	sor.u32 s9, s15;
	s30 =	rddreg [dreg:$0xc];
	[tilespmem:v5+s14+$0x0] =	vst.idx.msk $0xffff, v2  }
0x233: {  	v28 =	vor.u32 s12, v24;
	s30 =	sadd.s32 $0x2, s30;
	v1 =	vld [tilespmem:s23+$0x180];
	s16 =	sadd.s32 $0x30, s4;
	s23 =	rddreg [dreg:$0xe];
	[tilespmem:v30+s14+$0x0] =	vst.idx.msk $0xffff, v29  }
0x234: {  	[dreg:$0xc] =	wrdreg s30;
	v4 =	vor.u32 s5, v51;
	s11 =	sor.u32 $0x200, s16;
	v2 =	vld [tilespmem:s23+$0x0];
	s23 =	smov.u32 s15;
	[tilespmem:v12+s14+$0x0] =	vst.idx.msk $0xffff, v10  }
0x235: {  	v32 =	vor.u32 s29, v25;
	s4 =	sand.u32 $0x3, s30;
	v5 =	vld [tilespmem:s11+$0x4000];
	[tilespmem:v3+s14+$0x0] =	vst.idx.msk $0xffff, v0;
	[dreg:$0xe] =	wrdreg s23;
	s23 =	sor.u32 $0x280, s2  }
0x236: {  	s30 =	sor.u32 $0x280, s25;
	s4 =	sshll.u32 s4, $0x5;
	s11 =	sor.u32 $0x6380, s6;
	v33 =	vld [tilespmem:s23+$0x4000];
	[tilespmem:v31+s14+$0x0] =	vst.idx.msk $0xffff, v8  }
0x237: {  	v34 =	vor.u32 s19, v15;
	s4 =	sadd.s32 s8, s4;
	s21 =	sor.u32 s21, s11;
	v8 =	vld [tilespmem:s30+$0x4000];
	s30 =	simm.s32 $0xC000  }
0x238: {  	s28 =	sadd.s32 $0x20, s4;
	v3 =	vor.u32 s10, v43;
	s15 =	sld [smem:$0x7C4];
	v0 =	vld [tilespmem:s21+$0x0];
	[tilespmem:v28+s30+$0x0] =	vst.idx.msk $0xffff, v1  }
0x239: {  	v35 =	vor.u32 s7, v15;
	[dreg:$0xd] =	wrdreg s16;
	s4 =	sor.u32 $0x200, s28;
	[tilespmem:v4+s30+$0x0] =	vst.idx.msk $0xffff, v2  }
0x23a: {  	s24 =	sor.u32 s0, s3;
	s3 =	sor.u32 s20, s3;
	v12 =	vor.u32 s12, v25;
	s10 =	sld [smem:$0x7C2];
	v9 =	vld [tilespmem:s4+$0x4000];
	[tilespmem:v32+s30+$0x0] =	vst.idx.msk $0xffff, v5  }
0x23b: {  	s6 =	sor.u32 s20, s11;
	s1 =	sor.u32 s1, s11;
	s14 =	sor.u32 $0x280, s16;
	v4 =	vor.u32 s5, v42;
	v2 =	vld [tilespmem:s15+$0x0]  }
0x23c: {  	v36 =	vor.u32 s29, v15;
	s20 =	smov.u32 s26;
	s26 =	rddreg [dreg:$0x1d];
	s16 =	sor.u32 $0x300, s2;
	[tilespmem:v34+s30+$0x0] =	vst.idx.msk $0xffff, v33;
	v5 =	vld [tilespmem:s14+$0x4000]  }
0x23d: {  	v37 =	vor.u32 s19, v54;
	[smem:$0x7D1] =	sst s1;
	v7 =	vld [tilespmem:s16+$0x4000];
	[tilespmem:v3+s30+$0x0] =	vst.idx.msk $0xffff, v0  }
0x23e: {  	s25 =	sor.u32 $0x300, s25;
	s1 =	sld [smem:$0x7C6];
	[tilespmem:v35+s30+$0x0] =	vst.idx.msk $0xffff, v8  }
0x23f: {  	s2 =	sld [smem:$0x7C7];
	s4 =	smov.u32 s10;
	s10 =	smov.u32 s7;
	v0 =	vld [tilespmem:s26+$0x0];
	v3 =	vor.u32 s22, v58;
	[tilespmem:v12+s30+$0x0] =	vst.idx.msk $0xffff, v9  }
0x240: {  	s21 =	sor.u32 s0, s11;
	s11 =	smov.u32 s31;
	s31 =	sor.u32 $0x280, s28;
	v38 =	vor.u32 s10, v54;
	v8 =	vld [tilespmem:s25+$0x4000];
	[tilespmem:v4+s30+$0x0] =	vst.idx.msk $0xffff, v2  }
0x241: {  	v13 =	vor.u32 s12, v15;
	[smem:$0x7D0] =	sst s6;
	v12 =	vld [tilespmem:s31+$0x4000];
	[tilespmem:v36+s30+$0x0] =	vst.idx.msk $0xffff, v5  }
0x242: {  	s6 =	smov.u32 s9;
	s9 =	rddreg [dreg:$0x17];
	v4 =	vor.u32 s5, v58;
	[tilespmem:v37+s30+$0x0] =	vst.idx.msk $0xffff, v7;
	v2 =	vld [tilespmem:s1+$0x0]  }
0x243: {  	v1 =	vor.u32 s13, v58;
	s0 =	sor.u32 $0x380, s2;
	s16 =	sld [smem:$0x7C8];
	v5 =	vld [tilespmem:s9+$0x0]  }
0x244: {  	v41 =	vor.u32 s19, v60;
	s7 =	smov.u32 s17;
	s17 =	sld [smem:$0x7C5];
	[tilespmem:v3+s30+$0x0] =	vst.idx.msk $0xffff, v0;
	v40 =	vld [tilespmem:s0+$0x4000]  }
0x245: {  	s15 =	rddreg [dreg:$0x1f];
	[tilespmem:v38+s30+$0x0] =	vst.idx.msk $0xffff, v8  }
0x246: {  	s25 =	sld [smem:$0x7C9];
	v3 =	vor.u32 s22, v48;
	s0 =	sor.u32 $0x380, s15;
	v0 =	vld [tilespmem:s16+$0x0];
	[tilespmem:v13+s30+$0x0] =	vst.idx.msk $0xffff, v12  }
0x247: {  	v44 =	vor.u32 s10, v60;
	s14 =	smov.u32 s17;
	s17 =	sor.u32 $0x300, s28;
	s26 =	sld [smem:$0x7CA];
	v8 =	vld [tilespmem:s0+$0x4000];
	[tilespmem:v4+s30+$0x0] =	vst.idx.msk $0xffff, v2  }
0x248: {  	[smem:$0x7D3] =	sst s13;
	v13 =	vor.u32 s12, v54;
	v12 =	vld [tilespmem:s17+$0x4000];
	[tilespmem:v1+s30+$0x0] =	vst.idx.msk $0xffff, v5  }
0x249: {  	s31 =	rddreg [dreg:$0x1e];
	v2 =	vor.u32 s5, v48;
	v1 =	vld [tilespmem:s25+$0x0];
	[tilespmem:v41+s30+$0x0] =	vst.idx.msk $0xffff, v40  }
0x24a: {  	v39 =	vor.u32 s13, v48;
	s1 =	sld [smem:$0x7CB];
	v4 =	vld [tilespmem:s26+$0x0]  }
0x24b: {  	v47 =	vor.u32 s13, v49;
	v18 =	vor.u32 s13, v50;
	v52 =	vor.u32 s19, v61;
	s13 =	sld [smem:$0x7CC];
	[tilespmem:v3+s30+$0x0] =	vst.idx.msk $0xffff, v0;
	v5 =	vld [tilespmem:s31+$0x0]  }
0x24c: {  	s2 =	rddreg [dreg:$0x1a];
	[tilespmem:v44+s30+$0x0] =	vst.idx.msk $0xffff, v8  }
0x24d: {  	s9 =	rddreg [dreg:$0x19];
	v3 =	vor.u32 s22, v49;
	v0 =	vld [tilespmem:s1+$0x0];
	[tilespmem:v13+s30+$0x0] =	vst.idx.msk $0xffff, v12  }
0x24e: {  	v56 =	vor.u32 s10, v61;
	s16 =	sld [smem:$0x7CD];
	s0 =	sor.u32 $0x380, s9;
	v55 =	vld [tilespmem:s2+$0x0];
	[tilespmem:v2+s30+$0x0] =	vst.idx.msk $0xffff, v1  }
0x24f: {  	v12 =	vor.u32 s12, v60;
	v57 =	vld [tilespmem:s0+$0x4000];
	[tilespmem:v39+s30+$0x0] =	vst.idx.msk $0xffff, v4  }
0x250: {  	v2 =	vor.u32 s5, v49;
	v1 =	vld [tilespmem:s13+$0x0];
	[tilespmem:v52+s30+$0x0] =	vst.idx.msk $0xffff, v5  }
0x251: {  	s17 =	rddreg [dreg:$0x18];
	v4 =	vld [tilespmem:s16+$0x0]  }
0x252: {  	v59 =	vor.u32 s19, v51;
	[tilespmem:v3+s30+$0x0] =	vst.idx.msk $0xffff, v0;
	v5 =	vld [tilespmem:s17+$0x0]  }
0x253: {  	s25 =	rddreg [dreg:$0x14];
	[tilespmem:v56+s30+$0x0] =	vst.idx.msk $0xffff, v55  }
0x254: {  	s18 =	sadd.s32 $0x40, s18;
	v63 =	vor.u32 s22, v50;
	v62 =	vld [tilespmem:s24+$0x0];
	s24 =	rddreg [dreg:$0x16];
	[tilespmem:v12+s30+$0x0] =	vst.idx.msk $0xffff, v57  }
.Ltmp3:
0x255: {  	s29 =	sadd.s32 $0x400, s29;
	s26 =	sld [smem:$0x7CE];
	v19 =	vld [tilespmem:s24+$0x0];
	[tilespmem:v2+s30+$0x0] =	vst.idx.msk $0xffff, v1;
	(pc) =	sbr.rel @p4 .LBB2_5-.Ltmp3, $4  }
0x256: {  	s8 =	sadd.s32 $0x200, s8;
	s23 =	sld [smem:$0x7C3];
	s15 =	smov.u32 s5;
	v20 =	vld [tilespmem:s25+$0x0];
	[tilespmem:v47+s30+$0x0] =	vst.idx.msk $0xffff, v4  }
0x257: {  	s9 =	smov.u32 s12;
	s31 =	rddreg [dreg:$0x15];
	s24 =	sor.u32 $0x6180, s11;
	v1 =	vld [tilespmem:s3+$0x0];
	[tilespmem:v59+s30+$0x0] =	vst.idx.msk $0xffff, v5  }
0x258: {  	v17 =	vmovc v16;
	v16 =	vor.u32 s12, v43;
	v21 =	vor.u32 s19, v42;
	v22 =	vor.u32 s10, v51;
	s17 =	smov.u32 s20;
	s28 =	sor.u32 s20, s24;
	s20 =	sor.u32 s7, s24;
	v0 =	vld [tilespmem:s26+$0x0]  }
0x259: {  	v23 =	vor.u32 s9, v61;
	v2 =	vor.u32 s5, v50;
	s5 =	smov.u32 s19;
	s19 =	rddreg [dreg:$0x13];
	[tilespmem:v63+s30+$0x0] =	vst.idx.msk $0xffff, v62;
	s3 =	sor.u32 s4, s24;
	v3 =	vld [tilespmem:s31+$0x0]  }
0x25a: {  	s0 =	rddreg [dreg:$0xd]  }
0x25b: {  	s2 =	rddreg [dreg:$0x3];
	s0 =	sor.u32 $0x300, s0  }
0x25c: {  	v5 =	vor.u32 s2, v54;
	v4 =	vld [tilespmem:s0+$0x4000];
	_ =	sdelay $0x1  }
0x25d: {  	s16 =	rddreg [dreg:$0x4]  }
0x25e: {  	s1 =	rddreg [dreg:$0x5]  }
0x25f: {  	s0 =	sor.u32 s1, s16  }
0x260: {  	s0 =	sor.u32 $0x380, s0;
	[tilespmem:v5+s30+$0x0] =	vst.idx.msk $0xffff, v4  }
0x261: {  	v59 =	vor.u32 s2, v60;
	v4 =	vld [tilespmem:s0+$0x4000];
	_ =	sdelay $0x4  }
0x262: {  	[tilespmem:v59+s30+$0x0] =	vst.idx.msk $0xffff, v4  }
0x263: {  	s18 =	rddreg [dreg:$0x10]  }
0x264: {  	v62 =	vor.u32 s2, v61;
	v4 =	vld [tilespmem:s18+$0x0];
	_ =	sdelay $0x2  }
0x265: {  	[tilespmem:v23+s30+$0x0] =	vst.idx.msk $0xffff, v20  }
0x266: {  	v7 =	vor.u32 s9, v51;
	v6 =	vld [tilespmem:s19+$0x0]  }
0x267: {  	[tilespmem:v62+s30+$0x0] =	vst.idx.msk $0xffff, v4  }
0x268: {  	s22 =	rddreg [dreg:$0xe]  }
0x269: {  	v63 =	vor.u32 s2, v51;
	v4 =	vld [tilespmem:s22+$0x0]  }
0x26a: {  	[tilespmem:v22+s30+$0x0] =	vst.idx.msk $0xffff, v19  }
0x26b: {  	[tilespmem:v7+s30+$0x0] =	vst.idx.msk $0xffff, v6  }
0x26c: {  	v9 =	vor.u32 s10, v42;
	v8 =	vld [tilespmem:s23+$0x0];
	s23 =	rddreg [dreg:$0xf]  }
0x26d: {  	v19 =	vor.u32 s9, v42;
	v6 =	vld [tilespmem:s23+$0x0]  }
0x26e: {  	[tilespmem:v63+s30+$0x0] =	vst.idx.msk $0xffff, v4  }
0x26f: {  	v20 =	vor.u32 s2, v42;
	v4 =	vld [tilespmem:s14+$0x0];
	_ =	sdelay $0x1  }
0x270: {  	[tilespmem:v9+s30+$0x0] =	vst.idx.msk $0xffff, v8  }
0x271: {  	v22 =	vor.u32 s10, v58;
	v8 =	vld [tilespmem:s28+$0x0];
	[tilespmem:v19+s30+$0x0] =	vst.idx.msk $0xffff, v6  }
0x272: {  	v23 =	vor.u32 s9, v58;
	[tilespmem:v21+s30+$0x0] =	vst.idx.msk $0xffff, v3;
	v6 =	vld [tilespmem:s20+$0x0]  }
0x273: {  	s24 =	sor.u32 s6, s24;
	v30 =	vor.u32 s5, v58;
	v10 =	vld [tilespmem:s3+$0x0];
	[tilespmem:v20+s30+$0x0] =	vst.idx.msk $0xffff, v4  }
0x274: {  	v29 =	vor.u32 s2, v58;
	v28 =	vld [tilespmem:s24+$0x0]  }
0x275: {  	s25 =	sor.u32 $0x6200, s11  }
0x276: {  	s26 =	sor.u32 s17, s25;
	[tilespmem:v22+s30+$0x0] =	vst.idx.msk $0xffff, v8  }
0x277: {  	v31 =	vor.u32 s10, v48;
	s28 =	sor.u32 s7, s25;
	v8 =	vld [tilespmem:s26+$0x0];
	[tilespmem:v23+s30+$0x0] =	vst.idx.msk $0xffff, v6  }
0x278: {  	v32 =	vor.u32 s9, v48;
	s0 =	sor.u32 s4, s25;
	[tilespmem:v30+s30+$0x0] =	vst.idx.msk $0xffff, v10;
	v6 =	vld [tilespmem:s28+$0x0]  }
0x279: {  	v34 =	vor.u32 s5, v48;
	s29 =	sor.u32 s6, s25;
	v10 =	vld [tilespmem:s0+$0x0];
	[tilespmem:v29+s30+$0x0] =	vst.idx.msk $0xffff, v28  }
0x27a: {  	v33 =	vor.u32 s2, v48;
	v3 =	vld [tilespmem:s29+$0x0]  }
0x27b: {  	s31 =	sor.u32 $0x6280, s11  }
0x27c: {  	s3 =	sor.u32 s17, s31;
	[tilespmem:v31+s30+$0x0] =	vst.idx.msk $0xffff, v8  }
0x27d: {  	v35 =	vor.u32 s10, v49;
	s8 =	sor.u32 s7, s31;
	v8 =	vld [tilespmem:s3+$0x0];
	[tilespmem:v32+s30+$0x0] =	vst.idx.msk $0xffff, v6  }
0x27e: {  	v36 =	vor.u32 s9, v49;
	s0 =	sor.u32 s4, s31;
	[tilespmem:v34+s30+$0x0] =	vst.idx.msk $0xffff, v10;
	v6 =	vld [tilespmem:s8+$0x0]  }
0x27f: {  	v38 =	vor.u32 s5, v49;
	s12 =	sor.u32 s6, s31;
	v10 =	vld [tilespmem:s0+$0x0];
	[tilespmem:v33+s30+$0x0] =	vst.idx.msk $0xffff, v3  }
0x280: {  	v37 =	vor.u32 s2, v49;
	[tilespmem:v2+s30+$0x0] =	vst.idx.msk $0xffff, v1;
	v3 =	vld [tilespmem:s12+$0x0]  }
0x281: {  	s13 =	sor.u32 $0x6300, s11;
	v39 =	vld [tilespmem:s21+$0x0];
	[tilespmem:v18+s30+$0x0] =	vst.idx.msk $0xffff, v0  }
0x282: {  	s14 =	sor.u32 s17, s13;
	[tilespmem:v35+s30+$0x0] =	vst.idx.msk $0xffff, v8  }
0x283: {  	v41 =	vor.u32 s10, v50;
	s16 =	sor.u32 s7, s13;
	v40 =	vld [tilespmem:s14+$0x0];
	[tilespmem:v36+s30+$0x0] =	vst.idx.msk $0xffff, v6  }
0x284: {  	v44 =	vor.u32 s9, v50;
	s0 =	sor.u32 s4, s13;
	[tilespmem:v38+s30+$0x0] =	vst.idx.msk $0xffff, v10;
	v6 =	vld [tilespmem:s16+$0x0]  }
0x285: {  	v52 =	vor.u32 s5, v50;
	v5 =	vld [tilespmem:s0+$0x0];
	[tilespmem:v37+s30+$0x0] =	vst.idx.msk $0xffff, v3  }
0x286: {  	s19 =	sld [smem:$0x7D0];
	[tilespmem:v17+s30+$0x0] =	vst.idx.msk $0xffff, v39  }
0x287: {  	s18 =	sor.u32 s6, s13;
	s20 =	sor.u32 $0x6380, s11;
	s21 =	sld [smem:$0x7D3]  }
0x288: {  	v47 =	vor.u32 s2, v50;
	s23 =	sor.u32 s17, s20;
	v3 =	vld [tilespmem:s18+$0x0];
	s22 =	sld [smem:$0x7D1];
	[tilespmem:v41+s30+$0x0] =	vst.idx.msk $0xffff, v40  }
0x289: {  	v59 =	vor.u32 s10, v43;
	s24 =	sor.u32 s7, s20;
	[tilespmem:v44+s30+$0x0] =	vst.idx.msk $0xffff, v6;
	v2 =	vld [tilespmem:s23+$0x0]  }
0x28a: {  	s0 =	sor.u32 s4, s20;
	[tilespmem:v52+s30+$0x0] =	vst.idx.msk $0xffff, v5;
	v6 =	vld [tilespmem:s24+$0x0]  }
0x28b: {  	v63 =	vor.u32 s5, v43;
	v5 =	vld [tilespmem:s0+$0x0]  }
0x28c: {  	v56 =	vor.u32 s15, v43;
	v55 =	vld [tilespmem:s19+$0x0]  }
0x28d: {  	s25 =	sor.u32 s6, s20;
	v57 =	vor.u32 s21, v43;
	v11 =	vld [tilespmem:s22+$0x0];
	[tilespmem:v47+s30+$0x0] =	vst.idx.msk $0xffff, v3  }
0x28e: {  	v62 =	vor.u32 s2, v43;
	v3 =	vld [tilespmem:s25+$0x0];
	[tilespmem:v59+s30+$0x0] =	vst.idx.msk $0xffff, v2  }
0x28f: {  	[tilespmem:v16+s30+$0x0] =	vst.idx.msk $0xffff, v6  }
0x290: {  	[tilespmem:v63+s30+$0x0] =	vst.idx.msk $0xffff, v5  }
0x291: {  	[tilespmem:v56+s30+$0x0] =	vst.idx.msk $0xffff, v55  }
0x292: {  	[tilespmem:v57+s30+$0x0] =	vst.idx.msk $0xffff, v11  }
0x293: {  	s0 =	simm.s32 @!p2 $0x4;
	[tilespmem:v62+s30+$0x0] =	vst.idx.msk $0xffff, v3  }
0x294: {  	_ =	swait.ge @!p2 [sflag:s0], $0x4000  }
0x295: {  	s26 =	sld [smem:$0x7E2];
	_ =	sdelay $0x1  }
0x296: {  	s28 =	sld [smem:$0x7F3]  }
0x297: {  	s1 =	sshll.u32 s26, $0xB  }
0x298: {  	[sflag:s0] =	ssyncset.done @!p2 $0x0;
	s1 =	sand.u32 $0x1FFFF800, s1  }
0x299: {  	s29 =	simm.s32 $0x0;
	[sflag:s0] =	ssyncadd.s32 @!p2 $0xFFFFC000;
	s0 =	sadd.s32 s28, s1  }
0x29a: {  	[hbm4b:s0+s29] =	stream.linear.scatter [tilespmem:s30], [sflag:$0x4], $0x4000, $0x38;
	[tilespmem:$0x10000] =	vst v63  }
0x29b: {  	s30 =	sld [smem:$0x7E1]  }
0x29c: {  	s31 =	sld [smem:$0x7FC];
	_ =	sdelay $0x1  }
0x29d: {  	s1 =	sadd.s32 $0x1, s30  }
0x29e: {  	p2 =	sne.s32 s1, s31  }
.Ltmp4:
0x29f: {  	_ = 	snop;
	(pc) =	sbr.rel @p2 .LBB2_2-.Ltmp4, $1  }
0x2a0: {  	_ =	sdelay $0x3  }
.Ltmp5:
0x2a1: {  	(pc) =	sbr.rel @p1 .LBB2_11-.Ltmp5, $1  }
0x2a2: {  	_ =	sdelay $0x3  }
0x2a3: {  	s0 =	simm.s32 $0x1  }
0x2a4: {  	s6 =	simm.s32 $0x0;
	s10 =	simm.s32 $0x20;
	_ =	swait.ge [sflag:s0], $0x4000  }
0x2a5: {  	s5 =	sand.u32 $0x1C00, s6;
	s4 =	sand.u32 $0x60, s10;
	[sflag:s0] =	ssyncset.done $0x0  }
0x2a6: {  	s2 =	simm.s32 $0x200;
	s11 =	sor.u32 s4, s5;
	[sflag:s0] =	ssyncadd.s32 $0xFFFFC000  }
0x2a7: {  	v1 =	vor.u32 s2, v45;
	v0 =	vld [tilespmem:s11+$0x0];
	_ =	sdelay $0x3  }
0x2a8: {  	s0 =	simm.s32 $0x8000  }
0x2a9: {  	s9 =	simm.s32 $0x0;
	[tilespmem:v1+s0+$0x0] =	vst.idx.msk $0xffff, v0  }
0x2aa: {  	s8 =	simm.s32 $0x10;
	s3 =	simm.s32 $0x0;
	s22 =	sand.u32 $0x40, s9;
	v1 =	vor.u32 s2, v53;
	v0 =	vld [tilespmem:s11+$0x80]  }
0x2ab: {  	s7 =	simm.s32 $0x30;
	s21 =	sand.u32 $0x50, s8;
	s12 =	sor.u32 s22, s5  }
0x2ac: {  	s1 =	simm.s32 $0x100;
	v3 =	vor.u32 s3, v45;
	s23 =	sand.u32 $0x70, s7;
	s13 =	sor.u32 s21, s5;
	v2 =	vld [tilespmem:s12+$0x0]  }
0x2ad: {  	v5 =	vor.u32 s1, v45;
	s3 =	simm.s32 $0x300;
	s14 =	sor.u32 s23, s5;
	v4 =	vld [tilespmem:s13+$0x0]  }
0x2ae: {  	v6 =	vor.u32 s3, v45;
	v7 =	vld [tilespmem:s14+$0x0]  }
0x2af: {  	[tilespmem:v1+s0+$0x0] =	vst.idx.msk $0xffff, v0  }
0x2b0: {  	v1 =	vor.u32 s2, v46;
	v0 =	vld [tilespmem:s11+$0x100]  }
0x2b1: {  	s15 =	simm.s32 $0x0;
	[tilespmem:v3+s0+$0x0] =	vst.idx.msk $0xffff, v2  }
0x2b2: {  	v2 =	vor.u32 s15, v53;
	[tilespmem:v5+s0+$0x0] =	vst.idx.msk $0xffff, v4;
	v3 =	vld [tilespmem:s12+$0x80]  }
0x2b3: {  	v4 =	vor.u32 s1, v53;
	[tilespmem:v6+s0+$0x0] =	vst.idx.msk $0xffff, v7;
	v5 =	vld [tilespmem:s13+$0x80]  }
0x2b4: {  	v33 =	vor.u32 s3, v53;
	v7 =	vld [tilespmem:s14+$0x80]  }
0x2b5: {  	[tilespmem:v1+s0+$0x0] =	vst.idx.msk $0xffff, v0  }
0x2b6: {  	v1 =	vor.u32 s2, v24;
	v0 =	vld [tilespmem:s11+$0x180]  }
0x2b7: {  	s29 =	sand.u32 $0x3, s6;
	[tilespmem:v2+s0+$0x0] =	vst.idx.msk $0xffff, v3  }
0x2b8: {  	v2 =	vor.u32 s15, v46;
	[tilespmem:v4+s0+$0x0] =	vst.idx.msk $0xffff, v5;
	v3 =	vld [tilespmem:s12+$0x100];
	s11 =	sshll.u32 s29, $0x5  }
0x2b9: {  	v4 =	vor.u32 s1, v46;
	[tilespmem:v33+s0+$0x0] =	vst.idx.msk $0xffff, v7;
	v5 =	vld [tilespmem:s13+$0x100];
	s11 =	sadd.s32 $0x0, s11  }
0x2ba: {  	v34 =	vor.u32 s3, v46;
	v7 =	vld [tilespmem:s14+$0x100];
	s11 =	sadd.s32 $0x20, s11  }
0x2bb: {  	s30 =	sor.u32 $0x200, s11;
	[tilespmem:v1+s0+$0x0] =	vst.idx.msk $0xffff, v0  }
0x2bc: {  	v1 =	vor.u32 s2, v25;
	v0 =	vld [tilespmem:s30+$0x0]  }
0x2bd: {  	s16 =	simm.s32 $0x0;
	[tilespmem:v2+s0+$0x0] =	vst.idx.msk $0xffff, v3  }
0x2be: {  	v2 =	vor.u32 s16, v24;
	[tilespmem:v4+s0+$0x0] =	vst.idx.msk $0xffff, v5;
	v3 =	vld [tilespmem:s12+$0x180]  }
0x2bf: {  	p2 =	por $0x0, $0x0;
	v4 =	vor.u32 s1, v24;
	[tilespmem:v34+s0+$0x0] =	vst.idx.msk $0xffff, v7;
	s12 =	simm.s32 $0x1;
	v5 =	vld [tilespmem:s13+$0x180]  }
0x2c0: {  	v35 =	vor.u32 s3, v24;
	s15 =	sand.u32 $0x7, s6;
	v7 =	vld [tilespmem:s14+$0x180];
	s12 =	simm.s32 @!p2 $0x0  }
0x2c1: {  	s13 =	sshll.u32 s15, $0x4;
	s12 =	sshll.u32 s12, $0x6;
	s16 =	sor.u32 $0x280, s11;
	[tilespmem:v1+s0+$0x0] =	vst.idx.msk $0xffff, v0  }
0x2c2: {  	s13 =	sadd.s32 $0x0, s13;
	s12 =	sadd.s32 $0x0, s12;
	v1 =	vor.u32 s2, v15;
	v0 =	vld [tilespmem:s16+$0x0]  }
0x2c3: {  	s17 =	simm.s32 $0x0;
	s18 =	sadd.s32 $0x10, s13;
	s19 =	sor.u32 $0x200, s12;
	[tilespmem:v2+s0+$0x0] =	vst.idx.msk $0xffff, v3  }
0x2c4: {  	s13 =	sadd.s32 $0x30, s13;
	s20 =	sor.u32 $0x200, s18;
	v2 =	vor.u32 s17, v25;
	[tilespmem:v4+s0+$0x0] =	vst.idx.msk $0xffff, v5;
	v3 =	vld [tilespmem:s19+$0x0]  }
0x2c5: {  	s24 =	sor.u32 $0x200, s13;
	v4 =	vor.u32 s1, v25;
	[tilespmem:v35+s0+$0x0] =	vst.idx.msk $0xffff, v7;
	v5 =	vld [tilespmem:s20+$0x0]  }
0x2c6: {  	v36 =	vor.u32 s3, v25;
	v7 =	vld [tilespmem:s24+$0x0]  }
0x2c7: {  	s11 =	sor.u32 $0x300, s11;
	[tilespmem:v1+s0+$0x0] =	vst.idx.msk $0xffff, v0  }
0x2c8: {  	v1 =	vor.u32 s2, v54;
	v0 =	vld [tilespmem:s11+$0x0]  }
0x2c9: {  	s25 =	sor.u32 $0x280, s12;
	[tilespmem:v2+s0+$0x0] =	vst.idx.msk $0xffff, v3  }
0x2ca: {  	s26 =	sor.u32 $0x280, s18;
	v2 =	vor.u32 s17, v15;
	[tilespmem:v4+s0+$0x0] =	vst.idx.msk $0xffff, v5;
	v3 =	vld [tilespmem:s25+$0x0]  }
0x2cb: {  	s28 =	sor.u32 $0x280, s13;
	v4 =	vor.u32 s1, v15;
	[tilespmem:v36+s0+$0x0] =	vst.idx.msk $0xffff, v7;
	v5 =	vld [tilespmem:s26+$0x0]  }
0x2cc: {  	s10 =	sor.u32 s10, s6;
	v37 =	vor.u32 s3, v15;
	v7 =	vld [tilespmem:s28+$0x0]  }
0x2cd: {  	s10 =	sor.u32 $0x380, s10;
	[tilespmem:v1+s0+$0x0] =	vst.idx.msk $0xffff, v0  }
0x2ce: {  	v1 =	vor.u32 s2, v60;
	v0 =	vld [tilespmem:s10+$0x0]  }
0x2cf: {  	s29 =	sor.u32 $0x300, s12;
	[tilespmem:v2+s0+$0x0] =	vst.idx.msk $0xffff, v3  }
0x2d0: {  	s30 =	sor.u32 $0x300, s18;
	v2 =	vor.u32 s17, v54;
	[tilespmem:v4+s0+$0x0] =	vst.idx.msk $0xffff, v5;
	v3 =	vld [tilespmem:s29+$0x0]  }
0x2d1: {  	s12 =	sor.u32 $0x300, s13;
	v4 =	vor.u32 s1, v54;
	[tilespmem:v37+s0+$0x0] =	vst.idx.msk $0xffff, v7;
	v5 =	vld [tilespmem:s30+$0x0]  }
0x2d2: {  	v38 =	vor.u32 s3, v54;
	s13 =	sor.u32 $0x2000, s5;
	v7 =	vld [tilespmem:s12+$0x0]  }
0x2d3: {  	s14 =	sor.u32 s4, s13;
	[tilespmem:v1+s0+$0x0] =	vst.idx.msk $0xffff, v0  }
0x2d4: {  	s9 =	sor.u32 s9, s6;
	v1 =	vor.u32 s2, v61;
	v0 =	vld [tilespmem:s14+$0x0]  }
0x2d5: {  	s8 =	sor.u32 s8, s6;
	s9 =	sor.u32 $0x380, s9;
	s15 =	simm.s32 $0x0;
	[tilespmem:v2+s0+$0x0] =	vst.idx.msk $0xffff, v3  }
0x2d6: {  	s8 =	sor.u32 $0x380, s8;
	s6 =	sor.u32 s7, s6;
	v2 =	vor.u32 s15, v60;
	[tilespmem:v4+s0+$0x0] =	vst.idx.msk $0xffff, v5;
	v3 =	vld [tilespmem:s9+$0x0]  }
0x2d7: {  	s6 =	sor.u32 $0x380, s6;
	v4 =	vor.u32 s1, v60;
	[tilespmem:v38+s0+$0x0] =	vst.idx.msk $0xffff, v7;
	v5 =	vld [tilespmem:s8+$0x0]  }
0x2d8: {  	v39 =	vor.u32 s3, v60;
	s18 =	sor.u32 $0x2080, s5;
	v7 =	vld [tilespmem:s6+$0x0]  }
0x2d9: {  	s19 =	sor.u32 s4, s18;
	[tilespmem:v1+s0+$0x0] =	vst.idx.msk $0xffff, v0  }
0x2da: {  	v1 =	vor.u32 s2, v51;
	v0 =	vld [tilespmem:s19+$0x0]  }
0x2db: {  	s20 =	sor.u32 s22, s13;
	[tilespmem:v2+s0+$0x0] =	vst.idx.msk $0xffff, v3  }
0x2dc: {  	s24 =	sor.u32 s21, s13;
	s25 =	sor.u32 s23, s13;
	v2 =	vor.u32 s15, v61;
	[tilespmem:v4+s0+$0x0] =	vst.idx.msk $0xffff, v5;
	v3 =	vld [tilespmem:s20+$0x0]  }
0x2dd: {  	s28 =	sor.u32 s22, s18;
	s29 =	sor.u32 s21, s18;
	s30 =	simm.s32 $0x60;
	v4 =	vor.u32 s1, v61;
	[tilespmem:v39+s0+$0x0] =	vst.idx.msk $0xffff, v7;
	v5 =	vld [tilespmem:s24+$0x0]  }
0x2de: {  	s17 =	sand.u32 $0x60, s30;
	s10 =	simm.s32 $0x200;
	v7 =	vld [tilespmem:s25+$0x0];
	s25 =	sor.u32 $0x2100, s5  }
0x2df: {  	v40 =	vor.u32 s3, v61;
	s6 =	sor.u32 s23, s18;
	s18 =	sand.u32 $0x1C00, s10;
	s26 =	sor.u32 s4, s25;
	[tilespmem:v1+s0+$0x0] =	vst.idx.msk $0xffff, v0  }
0x2e0: {  	s16 =	simm.s32 $0x600;
	s14 =	sor.u32 s17, s18;
	v1 =	vor.u32 s2, v42;
	v0 =	vld [tilespmem:s26+$0x0]  }
0x2e1: {  	v9 =	vor.u32 s16, v45;
	v8 =	vld [tilespmem:s14+$0x0];
	[tilespmem:v2+s0+$0x0] =	vst.idx.msk $0xffff, v3  }
0x2e2: {  	v2 =	vor.u32 s15, v51;
	[tilespmem:v4+s0+$0x0] =	vst.idx.msk $0xffff, v5;
	v3 =	vld [tilespmem:s28+$0x0]  }
0x2e3: {  	v4 =	vor.u32 s1, v51;
	v5 =	vld [tilespmem:s29+$0x0]  }
0x2e4: {  	s24 =	sor.u32 $0x2180, s5;
	[tilespmem:v40+s0+$0x0] =	vst.idx.msk $0xffff, v7  }
0x2e5: {  	v41 =	vor.u32 s3, v51;
	s7 =	sor.u32 s4, s24;
	v7 =	vld [tilespmem:s6+$0x0];
	[tilespmem:v1+s0+$0x0] =	vst.idx.msk $0xffff, v0  }
0x2e6: {  	[tilespmem:v9+s0+$0x0] =	vst.idx.msk $0xffff, v8;
	v1 =	vor.u32 s2, v58;
	v0 =	vld [tilespmem:s7+$0x0]  }
0x2e7: {  	s13 =	simm.s32 $0x70;
	s12 =	simm.s32 $0x40;
	s8 =	sor.u32 s22, s25;
	v9 =	vor.u32 s16, v53;
	v8 =	vld [tilespmem:s14+$0x80];
	[tilespmem:v2+s0+$0x0] =	vst.idx.msk $0xffff, v3  }
0x2e8: {  	s20 =	sand.u32 $0x40, s12;
	s11 =	sor.u32 s21, s25;
	v2 =	vor.u32 s15, v42;
	[tilespmem:v4+s0+$0x0] =	vst.idx.msk $0xffff, v5;
	s15 =	simm.s32 $0x50;
	v3 =	vld [tilespmem:s8+$0x0]  }
0x2e9: {  	s31 =	sor.u32 s20, s18;
	v4 =	vor.u32 s1, v42;
	s19 =	sand.u32 $0x50, s15;
	v5 =	vld [tilespmem:s11+$0x0];
	s7 =	simm.s32 $0x400  }
0x2ea: {  	v44 =	vld [tilespmem:s31+$0x0];
	s6 =	simm.s32 $0x500;
	s28 =	sor.u32 $0x2200, s5;
	[tilespmem:v41+s0+$0x0] =	vst.idx.msk $0xffff, v7;
	s8 =	sor.u32 s19, s18;
	v47 =	vor.u32 s7, v45  }
0x2eb: {  	v11 =	vor.u32 s6, v45;
	s11 =	sand.u32 $0x70, s13;
	s26 =	sor.u32 s4, s28;
	v10 =	vld [tilespmem:s8+$0x0];
	[tilespmem:v1+s0+$0x0] =	vst.idx.msk $0xffff, v0  }
0x2ec: {  	s13 =	simm.s32 $0x700;
	[tilespmem:v9+s0+$0x0] =	vst.idx.msk $0xffff, v8;
	s30 =	sor.u32 s11, s18;
	v1 =	vor.u32 s2, v48;
	v0 =	vld [tilespmem:s26+$0x0]  }
0x2ed: {  	[tilespmem:v2+s0+$0x0] =	vst.idx.msk $0xffff, v3;
	v2 =	vor.u32 s13, v45;
	v3 =	vld [tilespmem:s30+$0x0]  }
0x2ee: {  	s25 =	sor.u32 s23, s25;
	v9 =	vor.u32 s16, v46;
	v8 =	vld [tilespmem:s14+$0x100];
	[tilespmem:v4+s0+$0x0] =	vst.idx.msk $0xffff, v5  }
0x2ef: {  	v4 =	vld [tilespmem:s25+$0x0];
	v5 =	vor.u32 s3, v42;
	[tilespmem:v47+s0+$0x0] =	vst.idx.msk $0xffff, v44  }
0x2f0: {  	v52 =	vor.u32 s7, v53;
	[tilespmem:v11+s0+$0x0] =	vst.idx.msk $0xffff, v10;
	s26 =	sor.u32 $0x2280, s5;
	v7 =	vld [tilespmem:s31+$0x80]  }
0x2f1: {  	v10 =	vor.u32 s6, v53;
	v11 =	vld [tilespmem:s8+$0x80];
	s29 =	sor.u32 s4, s26;
	[tilespmem:v1+s0+$0x0] =	vst.idx.msk $0xffff, v0  }
0x2f2: {  	[tilespmem:v2+s0+$0x0] =	vst.idx.msk $0xffff, v3;
	v1 =	vor.u32 s2, v49;
	v0 =	vld [tilespmem:s29+$0x0]  }
0x2f3: {  	[tilespmem:v9+s0+$0x0] =	vst.idx.msk $0xffff, v8;
	v2 =	vor.u32 s13, v53;
	v3 =	vld [tilespmem:s30+$0x80]  }
0x2f4: {  	s9 =	simm.s32 $0x0;
	v8 =	vld [tilespmem:s14+$0x180];
	[tilespmem:v5+s0+$0x0] =	vst.idx.msk $0xffff, v4;
	s29 =	sor.u32 s22, s24  }
0x2f5: {  	v5 =	vor.u32 s9, v58;
	[tilespmem:v52+s0+$0x0] =	vst.idx.msk $0xffff, v7;
	v4 =	vld [tilespmem:s29+$0x0]  }
0x2f6: {  	s25 =	sor.u32 $0x2300, s5;
	v55 =	vor.u32 s7, v46;
	[tilespmem:v10+s0+$0x0] =	vst.idx.msk $0xffff, v11;
	v7 =	vld [tilespmem:s31+$0x100]  }
0x2f7: {  	s14 =	sor.u32 s4, s25;
	v10 =	vor.u32 s6, v46;
	v11 =	vld [tilespmem:s8+$0x100];
	[tilespmem:v1+s0+$0x0] =	vst.idx.msk $0xffff, v0  }
0x2f8: {  	v9 =	vor.u32 s16, v24;
	[tilespmem:v2+s0+$0x0] =	vst.idx.msk $0xffff, v3;
	s29 =	simm.s32 $0x2;
	v0 =	vld [tilespmem:s14+$0x0];
	s14 =	simm.s32 $0x2  }
0x2f9: {  	s29 =	sand.u32 $0x3, s29;
	v1 =	vor.u32 s2, v50;
	[dreg:$0x8] =	wrdreg s14  }
0x2fa: {  	v2 =	vor.u32 s13, v46;
	s14 =	sshll.u32 s29, $0x5;
	s29 =	sor.u32 s21, s24;
	v3 =	vld [tilespmem:s30+$0x100];
	[tilespmem:v5+s0+$0x0] =	vst.idx.msk $0xffff, v4  }
0x2fb: {  	v4 =	vld [tilespmem:s29+$0x0];
	v5 =	vor.u32 s1, v58;
	s14 =	sadd.s32 $0x200, s14;
	[tilespmem:v55+s0+$0x0] =	vst.idx.msk $0xffff, v7  }
0x2fc: {  	p2 =	por !p2, !p2;
	v56 =	vor.u32 s7, v24;
	s5 =	sor.u32 $0x2380, s5;
	[tilespmem:v10+s0+$0x0] =	vst.idx.msk $0xffff, v11;
	v6 =	vld [tilespmem:s31+$0x180];
	s14 =	sadd.s32 $0x20, s14  }
0x2fd: {  	v11 =	vor.u32 s6, v24;
	[tilespmem:v9+s0+$0x0] =	vst.idx.msk $0xffff, v8;
	v10 =	vld [tilespmem:s8+$0x180];
	s8 =	simm.s32 $0x1;
	s31 =	simm.s32 $0x4;
	s29 =	sor.u32 $0x200, s14  }
0x2fe: {  	s4 =	sor.u32 s4, s5;
	v9 =	vor.u32 s16, v25;
	s8 =	simm.s32 @!p2 $0x0;
	v8 =	vld [tilespmem:s29+$0x0];
	[tilespmem:v1+s0+$0x0] =	vst.idx.msk $0xffff, v0;
	s29 =	sand.u32 $0x7, s31  }
0x2ff: {  	s24 =	sor.u32 s23, s24;
	v1 =	vor.u32 s2, v43;
	s2 =	sshll.u32 s8, $0x6;
	v0 =	vld [tilespmem:s4+$0x0];
	s8 =	sshll.u32 s29, $0x4;
	[tilespmem:v2+s0+$0x0] =	vst.idx.msk $0xffff, v3  }
0x300: {  	s2 =	sadd.s32 $0x200, s2;
	s4 =	sadd.s32 $0x200, s8;
	[tilespmem:v5+s0+$0x0] =	vst.idx.msk $0xffff, v4;
	v4 =	vld [tilespmem:s24+$0x0];
	v5 =	vor.u32 s3, v58  }
0x301: {  	v3 =	vor.u32 s13, v24;
	s29 =	sor.u32 $0x200, s2;
	v2 =	vld [tilespmem:s30+$0x180];
	[tilespmem:v56+s0+$0x0] =	vst.idx.msk $0xffff, v6;
	s8 =	sadd.s32 $0x10, s4  }
0x302: {  	v57 =	vor.u32 s7, v25;
	[tilespmem:v11+s0+$0x0] =	vst.idx.msk $0xffff, v10;
	v6 =	vld [tilespmem:s29+$0x0];
	s30 =	sor.u32 $0x200, s8  }
0x303: {  	v11 =	vor.u32 s6, v25;
	s29 =	sor.u32 $0x280, s14;
	v10 =	vld [tilespmem:s30+$0x0];
	[tilespmem:v9+s0+$0x0] =	vst.idx.msk $0xffff, v8  }
0x304: {  	v9 =	vor.u32 s16, v15;
	s30 =	sor.u32 s22, s28;
	v8 =	vld [tilespmem:s29+$0x0];
	[tilespmem:v1+s0+$0x0] =	vst.idx.msk $0xffff, v0  }
0x305: {  	s4 =	sadd.s32 $0x30, s4;
	v0 =	vld [tilespmem:s30+$0x0];
	v1 =	vor.u32 s9, v48;
	s30 =	sor.u32 s21, s28;
	[tilespmem:v5+s0+$0x0] =	vst.idx.msk $0xffff, v4  }
0x306: {  	s29 =	sor.u32 $0x200, s4;
	v4 =	vld [tilespmem:s30+$0x0];
	v5 =	vor.u32 s1, v48;
	[tilespmem:v3+s0+$0x0] =	vst.idx.msk $0xffff, v2  }
0x307: {  	v3 =	vor.u32 s13, v25;
	v2 =	vld [tilespmem:s29+$0x0];
	[tilespmem:v57+s0+$0x0] =	vst.idx.msk $0xffff, v6;
	s29 =	sor.u32 $0x280, s2  }
0x308: {  	v59 =	vor.u32 s7, v15;
	s30 =	sor.u32 $0x280, s8;
	v6 =	vld [tilespmem:s29+$0x0];
	[tilespmem:v11+s0+$0x0] =	vst.idx.msk $0xffff, v10  }
0x309: {  	s14 =	sor.u32 $0x300, s14;
	v11 =	vor.u32 s6, v15;
	v10 =	vld [tilespmem:s30+$0x0];
	[tilespmem:v9+s0+$0x0] =	vst.idx.msk $0xffff, v8  }
0x30a: {  	s29 =	sor.u32 s23, s28;
	v9 =	vor.u32 s16, v54;
	[tilespmem:v1+s0+$0x0] =	vst.idx.msk $0xffff, v0;
	v8 =	vld [tilespmem:s14+$0x0]  }
0x30b: {  	s24 =	sor.u32 s22, s26;
	v0 =	vld [tilespmem:s29+$0x0];
	v1 =	vor.u32 s3, v48;
	[tilespmem:v5+s0+$0x0] =	vst.idx.msk $0xffff, v4  }
0x30c: {  	s30 =	sor.u32 $0x280, s4;
	v4 =	vld [tilespmem:s24+$0x0];
	v5 =	vor.u32 s9, v49;
	[tilespmem:v3+s0+$0x0] =	vst.idx.msk $0xffff, v2  }
0x30d: {  	s2 =	sor.u32 $0x300, s2;
	s29 =	simm.s32 $0x60;
	v3 =	vor.u32 s13, v15;
	v2 =	vld [tilespmem:s30+$0x0];
	[tilespmem:v59+s0+$0x0] =	vst.idx.msk $0xffff, v6  }
0x30e: {  	v62 =	vor.u32 s7, v54;
	s28 =	sor.u32 $0x300, s8;
	s8 =	sor.u32 s29, s10;
	v6 =	vld [tilespmem:s2+$0x0];
	[tilespmem:v11+s0+$0x0] =	vst.idx.msk $0xffff, v10  }
0x30f: {  	s30 =	sor.u32 $0x380, s8;
	s8 =	simm.s32 $0x8000;
	v11 =	vor.u32 s6, v54;
	v10 =	vld [tilespmem:s28+$0x0];
	[tilespmem:v9+s0+$0x0] =	vst.idx.msk $0xffff, v8  }
0x310: {  	[tilespmem:v1+s8+$0x0] =	vst.idx.msk $0xffff, v0;
	v9 =	vor.u32 s16, v60;
	v8 =	vld [tilespmem:s30+$0x0]  }
0x311: {  	s0 =	sor.u32 s21, s26;
	[tilespmem:v5+s8+$0x0] =	vst.idx.msk $0xffff, v4  }
0x312: {  	s14 =	sor.u32 s23, s26;
	v1 =	vor.u32 s1, v49;
	v0 =	vld [tilespmem:s0+$0x0];
	[tilespmem:v3+s8+$0x0] =	vst.idx.msk $0xffff, v2  }
0x313: {  	s12 =	sor.u32 s12, s10;
	s9 =	sor.u32 $0x300, s4;
	v4 =	vld [tilespmem:s14+$0x0];
	v5 =	vor.u32 s3, v49;
	[tilespmem:v62+s8+$0x0] =	vst.idx.msk $0xffff, v6  }
0x314: {  	s24 =	sor.u32 s15, s10;
	s2 =	sor.u32 $0x380, s12;
	v3 =	vor.u32 s13, v54;
	v2 =	vld [tilespmem:s9+$0x0];
	[tilespmem:v11+s8+$0x0] =	vst.idx.msk $0xffff, v10  }
0x315: {  	v63 =	vor.u32 s7, v60;
	s26 =	sor.u32 $0x380, s24;
	s30 =	simm.s32 $0x70;
	v7 =	vld [tilespmem:s2+$0x0];
	s2 =	sor.u32 $0x2000, s18;
	[tilespmem:v9+s8+$0x0] =	vst.idx.msk $0xffff, v8  }
0x316: {  	v18 =	vor.u32 s3, v50;
	v16 =	vor.u32 s3, v43;
	v11 =	vor.u32 s6, v60;
	v12 =	vld [tilespmem:s26+$0x0];
	s29 =	sor.u32 s17, s2;
	[dreg:$0x6] =	wrdreg s30  }
0x317: {  	v13 =	vor.u32 s16, v61;
	v35 =	vor.u32 s6, v42;
	s4 =	sor.u32 s22, s25;
	s28 =	simm.s32 $0x0;
	s3 =	simm.s32 $0x70;
	v9 =	vld [tilespmem:s29+$0x0];
	[tilespmem:v1+s8+$0x0] =	vst.idx.msk $0xffff, v0  }
0x318: {  	v17 =	vor.u32 s1, v43;
	s12 =	sor.u32 s21, s25;
	v10 =	vor.u32 s28, v50;
	v8 =	vor.u32 s1, v50;
	s1 =	sor.u32 s3, s10;
	v0 =	vld [tilespmem:s4+$0x0];
	[tilespmem:v5+s8+$0x0] =	vst.idx.msk $0xffff, v4  }
0x319: {  	v29 =	vor.u32 s6, v58;
	v27 =	vor.u32 s6, v48;
	v37 =	vor.u32 s6, v43;
	s9 =	sor.u32 $0x380, s1;
	[tilespmem:v3+s8+$0x0] =	vst.idx.msk $0xffff, v2;
	v4 =	vld [tilespmem:s12+$0x0]  }
0x31a: {  	v41 =	vor.u32 s6, v51;
	v38 =	vor.u32 s13, v61;
	s14 =	sor.u32 s20, s2;
	v1 =	vor.u32 s13, v60;
	v15 =	vld [tilespmem:s9+$0x0];
	[tilespmem:v63+s8+$0x0] =	vst.idx.msk $0xffff, v7  }
0x31b: {  	v34 =	vor.u32 s13, v51;
	v32 =	vor.u32 s13, v42;
	v31 =	vor.u32 s13, v58;
	s15 =	sor.u32 s19, s2;
	v5 =	vld [tilespmem:s14+$0x0];
	[tilespmem:v11+s8+$0x0] =	vst.idx.msk $0xffff, v12  }
0x31c: {  	v14 =	vor.u32 s7, v61;
	s24 =	sor.u32 $0x2080, s18;
	v20 =	vor.u32 s28, v43;
	s28 =	sor.u32 s23, s25;
	v2 =	vld [tilespmem:s15+$0x0];
	[tilespmem:v13+s8+$0x0] =	vst.idx.msk $0xffff, v9  }
0x31d: {  	v30 =	vor.u32 s13, v48;
	v33 =	vor.u32 s13, v50;
	v26 =	vor.u32 s13, v43;
	s26 =	sor.u32 s17, s24;
	[tilespmem:v10+s8+$0x0] =	vst.idx.msk $0xffff, v0;
	v0 =	vld [tilespmem:s28+$0x0]  }
0x31e: {  	v40 =	vor.u32 s7, v51;
	v36 =	vor.u32 s7, v42;
	v28 =	vor.u32 s7, v58;
	s29 =	sor.u32 s22, s5;
	v3 =	vld [tilespmem:s26+$0x0]  }
0x31f: {  	v22 =	vor.u32 s7, v48;
	v21 =	vor.u32 s7, v49;
	v19 =	vor.u32 s7, v50;
	p2 =	por !p2, !p2;
	s0 =	simm.s32 $0x4;
	s3 =	sor.u32 s21, s5;
	[tilespmem:v1+s8+$0x0] =	vst.idx.msk $0xffff, v15;
	v1 =	vld [tilespmem:s29+$0x0]  }
0x320: {  	v39 =	vor.u32 s7, v43;
	v44 =	vor.u32 s6, v61;
	v43 =	vor.u32 s16, v51;
	s30 =	sor.u32 s11, s2;
	s2 =	sor.u32 s23, s5;
	s1 =	sor.u32 s11, s24;
	v15 =	vld [tilespmem:$0x1FF20];
	[tilespmem:v8+s8+$0x0] =	vst.idx.msk $0xffff, v4  }
0x321: {  	s22 =	smov.u32 s18;
	s4 =	sor.u32 s20, s24;
	s5 =	sor.u32 s19, s24;
	v11 =	vor.u32 s6, v49;
	v9 =	vor.u32 s6, v50;
	v10 =	vor.u32 s13, v49;
	v42 =	vld [tilespmem:s30+$0x0];
	[tilespmem:v14+s8+$0x0] =	vst.idx.msk $0xffff, v5  }
.LBB2_9:
0x322: {  	_ =	sdelay $0x1  }
0x323: {  	[tilespmem:$0x1FE30] =	vst v19;
	v4 =	vld [tilespmem:s4+$0x0]  }
0x324: {  	[tilespmem:v44+s8+$0x0] =	vst.idx.msk $0xffff, v2;
	v47 =	vld [tilespmem:$0x1FFA0]  }
0x325: {  	s18 =	simm.s32 $0x8000;
	v19 =	vld [tilespmem:$0x1FF80];
	[tilespmem:v43+s8+$0x0] =	vst.idx.msk $0xffff, v3  }
0x326: {  	v24 =	vld [tilespmem:$0x1FF70];
	[tilespmem:v18+s18+$0x0] =	vst.idx.msk $0xffff, v0  }
0x327: {  	s6 =	simm.s32 $0x1;
	v25 =	vld [tilespmem:$0x1FF90];
	[tilespmem:v20+s18+$0x0] =	vst.idx.msk $0xffff, v1  }
0x328: {  	s26 =	sor.u32 $0x2100, s22;
	s31 =	sadd.s32 $0x4, s31;
	s15 =	rddreg [dreg:$0x6];
	v2 =	vld [tilespmem:s5+$0x0];
	v1 =	vmov v39;
	[tilespmem:v38+s18+$0x0] =	vst.idx.msk $0xffff, v42  }
0x329: {  	s13 =	sadd.s32 $0x400, s13;
	s10 =	sadd.s32 $0x200, s10;
	s28 =	sor.u32 s17, s26;
	v6 =	vld [tilespmem:s3+$0x0];
	[tilespmem:$0x1FE60] =	vst v1  }
0x32a: {  	s23 =	sor.u32 $0x2180, s22;
	s12 =	smov.u32 s17;
	s6 =	simm.s32 @!p2 $0x0;
	v3 =	vld [tilespmem:s28+$0x0];
	v1 =	vor.u32 s13, v19;
	[tilespmem:v40+s18+$0x0] =	vst.idx.msk $0xffff, v4  }
0x32b: {  	[dreg:$0xb] =	wrdreg s31;
	s7 =	sor.u32 s20, s26;
	s25 =	sor.u32 s19, s26;
	v4 =	vor.u32 s13, v54;
	v40 =	vld [tilespmem:$0x1FF30];
	[tilespmem:$0x1FDC0] =	vst v1  }
0x32c: {  	s9 =	sand.u32 $0x7, s31;
	s4 =	sor.u32 s11, s26;
	s15 =	sadd.s32 $0x40, s15;
	v44 =	vor.u32 s13, v25;
	v7 =	vld [tilespmem:s1+$0x0];
	[tilespmem:$0x1FE00] =	vst v4  }
0x32d: {  	v23 =	vmov v26;
	s3 =	sand.u32 $0x1C00, s10;
	s5 =	sadd.s32 $0xFFFFFF00, s13;
	s14 =	sor.u32 s17, s23;
	v1 =	vor.u32 s13, v15;
	[tilespmem:v41+s18+$0x0] =	vst.idx.msk $0xffff, v2;
	v26 =	vmov v44;
	v44 =	vld [tilespmem:$0x1FF50]  }
0x32e: {  	s17 =	smov.u32 s22;
	s29 =	sshll.u32 s6, $0x6;
	s30 =	sadd.s32 $0xFFFFFFF0, s15;
	v4 =	vor.u32 s13, v60;
	[tilespmem:$0x1FDE0] =	vst v1;
	v1 =	vld [tilespmem:s2+$0x0]  }
0x32f: {  	[smem:$0x7B2] =	sst s4;
	s26 =	sshll.u32 s9, $0x4;
	s4 =	sand.u32 $0x60, s30;
	v41 =	vor.u32 s13, v49;
	[tilespmem:$0x1FE40] =	vst v4;
	v4 =	vld [tilespmem:s7+$0x0]  }
0x330: {  	s24 =	sadd.s32 $0xFFFFFFD0, s15;
	[dreg:$0x1c] =	wrdreg s30;
	s2 =	sor.u32 s4, s3;
	[tilespmem:$0x1FE20] =	vst v41;
	v41 =	vld [tilespmem:$0x1FF40]  }
0x331: {  	s6 =	sadd.s32 s10, s26;
	v5 =	vor.u32 s16, v47;
	s1 =	sadd.s32 $0xFFFFFFE0, s15;
	s7 =	sand.u32 $0x40, s24;
	[tilespmem:v17+s18+$0x0] =	vst.idx.msk $0xffff, v6;
	v2 =	vld [tilespmem:s2+$0x0]  }
0x332: {  	[tilespmem:$0x1FDF0] =	vst v11;
	[smem:$0x7B3] =	sst s4;
	s9 =	sand.u32 $0x50, s1;
	s21 =	sor.u32 s7, s3;
	v11 =	vld [tilespmem:s25+$0x0]  }
0x333: {  	[tilespmem:$0x1FE50] =	vst v9;
	v9 =	vor.u32 s13, v51;
	v8 =	vor.u32 s5, v45;
	s8 =	sadd.s32 s29, s10;
	s30 =	sadd.s32 $0x10, s6;
	s22 =	sor.u32 s9, s3;
	v51 =	vld [tilespmem:s21+$0x0]  }
0x334: {  	s29 =	sor.u32 $0x200, s30;
	s31 =	sor.u32 $0x280, s30;
	s30 =	sor.u32 $0x300, s30;
	v12 =	vld [tilespmem:s22+$0x0];
	[tilespmem:v34+s18+$0x0] =	vst.idx.msk $0xffff, v7  }
0x335: {  	s26 =	sadd.s32 $0xFFFFFE00, s13;
	v0 =	vor.u32 s13, v45;
	[smem:$0x7BB] =	sst s30;
	s25 =	sadd.s32 $0xFFFFFD00, s13;
	[tilespmem:v16+s18+$0x0] =	vst.idx.msk $0xffff, v1;
	v16 =	vld [tilespmem:$0x1FF20]  }
0x336: {  	v13 =	vor.u32 s26, v45;
	s30 =	sld [smem:$0x7B2];
	s4 =	sand.u32 $0x70, s15;
	v57 =	vor.u32 s25, v45;
	v45 =	vld [tilespmem:$0x1FF60];
	[tilespmem:v5+s18+$0x0] =	vst.idx.msk $0xffff, v3;
	v3 =	vor.u32 s13, v48  }
0x337: {  	s28 =	sor.u32 s4, s3;
	[tilespmem:$0x1FDD0] =	vst v3;
	v3 =	vld [tilespmem:s14+$0x0]  }
0x338: {  	[tilespmem:v8+s18+$0x0] =	vst.idx.msk $0xffff, v2;
	v2 =	vld [tilespmem:s28+$0x0]  }
0x339: {  	v39 =	vld [tilespmem:s30+$0x0]  }
0x33a: {  	[tilespmem:$0x1FE10] =	vst v10;
	v5 =	vor.u32 s16, v58;
	v60 =	vor.u32 s25, v16;
	v16 =	vld [tilespmem:$0x1FF30]  }
0x33b: {  	[dreg:$0x6] =	wrdreg s15;
	[tilespmem:v36+s18+$0x0] =	vst.idx.msk $0xffff, v4;
	v8 =	vld [tilespmem:s2+$0x80]  }
0x33c: {  	[smem:$0x7B5] =	sst s29;
	s14 =	sadd.s32 $0x30, s6;
	[tilespmem:v57+s18+$0x0] =	vst.idx.msk $0xffff, v51;
	v57 =	vld [tilespmem:$0x1FF50]  }
0x33d: {  	[smem:$0x7B8] =	sst s31;
	s1 =	sor.u32 s1, s10;
	v34 =	vmov v9;
	v9 =	vor.u32 s25, v53;
	s29 =	sor.u32 $0x200, s14;
	[tilespmem:v35+s18+$0x0] =	vst.idx.msk $0xffff, v11;
	v6 =	vld [tilespmem:s21+$0x80]  }
0x33e: {  	v43 =	vmov v21;
	v21 =	vmov v37;
	v37 =	vor.u32 s5, v53;
	s1 =	sor.u32 $0x380, s1;
	[smem:$0x7B6] =	sst s29;
	s29 =	sor.u32 $0x2200, s17;
	[tilespmem:v13+s18+$0x0] =	vst.idx.msk $0xffff, v12;
	v12 =	vld [tilespmem:$0x1FF60]  }
0x33f: {  	[smem:$0x7BE] =	sst s1;
	s6 =	sor.u32 $0x200, s8;
	v7 =	vor.u32 s25, v44;
	s31 =	sor.u32 s12, s29;
	[tilespmem:v5+s18+$0x0] =	vst.idx.msk $0xffff, v3;
	v55 =	vor.u32 s25, v16;
	v16 =	vld [tilespmem:$0x1FF20]  }
0x340: {  	[smem:$0x7B4] =	sst s6;
	s6 =	sor.u32 $0x280, s8;
	[tilespmem:$0x1FE70] =	vst v7;
	v11 =	vor.u32 s16, v48;
	v5 =	vld [tilespmem:s31+$0x0]  }
0x341: {  	v14 =	vor.u32 s26, v53;
	s24 =	sor.u32 s24, s10;
	[smem:$0x7B7] =	sst s6;
	s6 =	sor.u32 $0x280, s14;
	v7 =	vld [tilespmem:s22+$0x80];
	[tilespmem:v0+s18+$0x0] =	vst.idx.msk $0xffff, v2  }
0x342: {  	v52 =	vor.u32 s13, v46;
	v59 =	vor.u32 s13, v53;
	s14 =	sor.u32 $0x300, s14;
	[smem:$0x7B9] =	sst s6;
	s6 =	sor.u32 s20, s23;
	v17 =	vld [tilespmem:s28+$0x80];
	[tilespmem:v9+s18+$0x0] =	vst.idx.msk $0xffff, v6  }
0x343: {  	v20 =	vor.u32 s26, v50;
	v38 =	vor.u32 s13, v61;
	v10 =	vor.u32 s13, v47;
	s15 =	sor.u32 s15, s10;
	s8 =	sor.u32 $0x300, s8;
	[smem:$0x7BC] =	sst s14;
	[tilespmem:v37+s18+$0x0] =	vst.idx.msk $0xffff, v8;
	v6 =	vld [tilespmem:s6+$0x0]  }
0x344: {  	v63 =	vor.u32 s26, v19;
	s14 =	sor.u32 $0x380, s24;
	s24 =	sor.u32 $0x380, s15;
	s15 =	sor.u32 $0x2280, s17;
	[tilespmem:v32+s18+$0x0] =	vst.idx.msk $0xffff, v39;
	v13 =	vld [tilespmem:s2+$0x100];
	v61 =	vor.u32 s26, v16;
	v16 =	vor.u32 s5, v46  }
0x345: {  	v15 =	vor.u32 s26, v46;
	v56 =	vor.u32 s26, v40;
	v4 =	vor.u32 s25, v46;
	[smem:$0x7BA] =	sst s8;
	s30 =	sor.u32 s12, s15;
	v9 =	vld [tilespmem:s21+$0x100];
	[tilespmem:v11+s18+$0x0] =	vst.idx.msk $0xffff, v5  }
0x346: {  	v18 =	vmov v46;
	v40 =	vor.u32 s25, v45;
	[smem:$0x7BD] =	sst s14;
	[tilespmem:v14+s18+$0x0] =	vst.idx.msk $0xffff, v7;
	v45 =	vld [tilespmem:s30+$0x0];
	v46 =	vor.u32 s16, v49  }
0x347: {  	s1 =	sor.u32 s11, s23;
	v36 =	vld [tilespmem:$0x1FF40];
	v35 =	vor.u32 s26, v47;
	v51 =	vor.u32 s26, v41;
	s8 =	sor.u32 s20, s29;
	[smem:$0x7BF] =	sst s24;
	v3 =	vor.u32 s26, v24;
	[tilespmem:v59+s18+$0x0] =	vst.idx.msk $0xffff, v17  }
0x348: {  	s14 =	sor.u32 s19, s23;
	s24 =	sor.u32 s20, s15;
	s23 =	sor.u32 s19, s15;
	v0 =	vor.u32 s26, v49;
	v44 =	vor.u32 s26, v57;
	v41 =	vor.u32 s26, v12;
	v7 =	vld [tilespmem:s22+$0x100];
	[tilespmem:v28+s18+$0x0] =	vst.idx.msk $0xffff, v6  }
0x349: {  	s31 =	sor.u32 s19, s29;
	v37 =	vor.u32 s26, v25;
	s6 =	sor.u32 $0x2300, s17;
	v5 =	vor.u32 s26, v58;
	v11 =	vor.u32 s26, v48;
	v17 =	vld [tilespmem:s28+$0x100];
	s26 =	rddreg [dreg:$0x8];
	[tilespmem:v16+s18+$0x0] =	vst.idx.msk $0xffff, v13  }
0x34a: {  	v32 =	vmov v10;
	s30 =	sor.u32 s11, s29;
	s29 =	sor.u32 s11, s15;
	[tilespmem:v4+s18+$0x0] =	vst.idx.msk $0xffff, v9;
	s15 =	sadd.s32 $0x2, s26;
	v13 =	vor.u32 s5, v24;
	v10 =	vld [tilespmem:s2+$0x180]  }
0x34b: {  	v4 =	vld [tilespmem:s14+$0x0];
	[dreg:$0x8] =	wrdreg s15;
	s15 =	sand.u32 $0x3, s15;
	[tilespmem:v46+s18+$0x0] =	vst.idx.msk $0xffff, v45;
	s2 =	sor.u32 s12, s6  }
0x34c: {  	s15 =	sshll.u32 s15, $0x5;
	v16 =	vor.u32 s16, v50;
	v14 =	vld [tilespmem:s2+$0x0]  }
0x34d: {  	[tilespmem:v15+s18+$0x0] =	vst.idx.msk $0xffff, v7;
	v15 =	vld [tilespmem:$0x1FF20];
	s2 =	sadd.s32 s10, s15  }
0x34e: {  	v1 =	vor.u32 s25, v24;
	v6 =	vld [tilespmem:s21+$0x180];
	s14 =	sadd.s32 $0x20, s2  }
0x34f: {  	v42 =	vor.u32 s13, v24;
	v62 =	vor.u32 s25, v19;
	v8 =	vor.u32 s25, v58;
	v7 =	vld [tilespmem:s22+$0x180];
	s2 =	sor.u32 $0x200, s14;
	[tilespmem:v13+s18+$0x0] =	vst.idx.msk $0xffff, v10  }
0x350: {  	v53 =	vor.u32 s25, v36;
	v36 =	vor.u32 s25, v47;
	v2 =	vor.u32 s25, v49;
	s17 =	sor.u32 $0x2380, s17;
	v28 =	vmovc v8;
	[tilespmem:v52+s18+$0x0] =	vst.idx.msk $0xffff, v17;
	v8 =	vld [tilespmem:s2+$0x0]  }
0x351: {  	v12 =	vor.u32 s25, v48;
	v57 =	vor.u32 s25, v50;
	v39 =	vor.u32 s25, v25;
	s25 =	sor.u32 s20, s6;
	s26 =	sor.u32 s19, s6;
	s6 =	sor.u32 s11, s6;
	[tilespmem:v16+s18+$0x0] =	vst.idx.msk $0xffff, v14;
	v14 =	vld [tilespmem:s28+$0x180]  }
0x352: {  	[tilespmem:$0x1FDB0] =	vst v22;
	v9 =	vor.u32 s5, v19;
	v52 =	vld [tilespmem:$0x1FDC0];
	s2 =	sor.u32 s11, s17;
	s11 =	smov.u32 s4;
	s4 =	sld [smem:$0x7B4]  }
0x353: {  	s22 =	smov.u32 s3;
	s3 =	sor.u32 s19, s17;
	s19 =	sor.u32 s12, s17;
	[tilespmem:v1+s18+$0x0] =	vst.idx.msk $0xffff, v6;
	v1 =	vld [tilespmem:s1+$0x0]  }
0x354: {  	s21 =	sor.u32 s20, s17;
	s20 =	sld [smem:$0x7B3];
	[tilespmem:v29+s18+$0x0] =	vst.idx.msk $0xffff, v4;
	v10 =	vld [tilespmem:s19+$0x0]  }
0x355: {  	[tilespmem:v3+s18+$0x0] =	vst.idx.msk $0xffff, v7;
	v13 =	vor.u32 s16, v25;
	s16 =	smov.u32 s5;
	s5 =	sld [smem:$0x7B5];
	v4 =	vld [tilespmem:s4+$0x0]  }
0x356: {  	[tilespmem:v42+s18+$0x0] =	vst.idx.msk $0xffff, v14;
	v42 =	vld [tilespmem:s8+$0x0]  }
0x357: {  	[tilespmem:v9+s18+$0x0] =	vst.idx.msk $0xffff, v8;
	s8 =	sld [smem:$0x7B6];
	v9 =	vld [tilespmem:$0x1FDB0]  }
0x358: {  	s17 =	smov.u32 s20;
	s20 =	smov.u32 s7;
	s7 =	sor.u32 $0x280, s14;
	v3 =	vld [tilespmem:s5+$0x0]  }
0x359: {  	v29 =	vmov v5;
	v59 =	vor.u32 s16, v15;
	s19 =	smov.u32 s9;
	s9 =	sld [smem:$0x7B7];
	v5 =	vld [tilespmem:s7+$0x0]  }
0x35a: {  	v54 =	vor.u32 s13, v58;
	v8 =	vld [tilespmem:s8+$0x0];
	[tilespmem:v31+s18+$0x0] =	vst.idx.msk $0xffff, v1  }
0x35b: {  	s12 =	sld [smem:$0x7B8];
	v31 =	vmov v54;
	v54 =	vld [tilespmem:$0x1FF30];
	[tilespmem:v62+s18+$0x0] =	vst.idx.msk $0xffff, v4  }
0x35c: {  	[tilespmem:v13+s18+$0x0] =	vst.idx.msk $0xffff, v10;
	v4 =	vld [tilespmem:s9+$0x0]  }
0x35d: {  	v1 =	vld [tilespmem:s31+$0x0];
	[tilespmem:v63+s18+$0x0] =	vst.idx.msk $0xffff, v3  }
0x35e: {  	v3 =	vld [tilespmem:s12+$0x0];
	[tilespmem:v59+s18+$0x0] =	vst.idx.msk $0xffff, v5  }
0x35f: {  	s15 =	sor.u32 $0x300, s14;
	[tilespmem:v9+s18+$0x0] =	vst.idx.msk $0xffff, v42  }
0x360: {  	v5 =	vld [tilespmem:s15+$0x0];
	v47 =	vor.u32 s16, v54;
	[tilespmem:v52+s18+$0x0] =	vst.idx.msk $0xffff, v8  }
0x361: {  	[tilespmem:v60+s18+$0x0] =	vst.idx.msk $0xffff, v4;
	v60 =	vld [tilespmem:$0x1FF40]  }
0x362: {  	[tilespmem:v27+s18+$0x0] =	vst.idx.msk $0xffff, v1;
	v7 =	vld [tilespmem:s30+$0x0]  }
0x363: {  	s4 =	rddreg [dreg:$0x1c];
	[tilespmem:v61+s18+$0x0] =	vst.idx.msk $0xffff, v3;
	v61 =	vld [tilespmem:$0x1FF50]  }
0x364: {  	s1 =	sor.u32 s4, s10;
	s30 =	sld [smem:$0x7BA];
	v1 =	vld [tilespmem:s24+$0x0]  }
0x365: {  	s1 =	sor.u32 $0x380, s1;
	[tilespmem:v47+s18+$0x0] =	vst.idx.msk $0xffff, v5;
	v47 =	vld [tilespmem:$0x1FDE0]  }
0x366: {  	s28 =	sld [smem:$0x7B9];
	v5 =	vld [tilespmem:s1+$0x0];
	v59 =	vor.u32 s16, v60  }
0x367: {  	v4 =	vld [tilespmem:s30+$0x0];
	_ =	sdelay $0x1  }
0x368: {  	v8 =	vld [tilespmem:s28+$0x0]  }
0x369: {  	s9 =	sor.u32 $0x2000, s22;
	v27 =	vmov v11;
	v11 =	vmov v0;
	v0 =	vld [tilespmem:$0x1FE00];
	[tilespmem:v43+s18+$0x0] =	vst.idx.msk $0xffff, v1  }
0x36a: {  	s5 =	sld [smem:$0x7BB];
	v52 =	vld [tilespmem:s23+$0x0];
	s23 =	sor.u32 s17, s9;
	[tilespmem:v59+s18+$0x0] =	vst.idx.msk $0xffff, v5  }
0x36b: {  	s7 =	sld [smem:$0x7BC];
	[tilespmem:v55+s18+$0x0] =	vst.idx.msk $0xffff, v4;
	v5 =	vor.u32 s16, v61;
	v4 =	vld [tilespmem:s23+$0x0]  }
0x36c: {  	s8 =	sld [smem:$0x7BD];
	v62 =	vld [tilespmem:$0x1FE10];
	[tilespmem:v30+s18+$0x0] =	vst.idx.msk $0xffff, v7  }
0x36d: {  	v3 =	vld [tilespmem:s5+$0x0];
	[tilespmem:v47+s18+$0x0] =	vst.idx.msk $0xffff, v8  }
0x36e: {  	v8 =	vld [tilespmem:s7+$0x0]  }
0x36f: {  	v17 =	vmov v21;
	v21 =	vmov v2;
	v2 =	vld [tilespmem:s8+$0x0]  }
0x370: {  	[tilespmem:v5+s18+$0x0] =	vst.idx.msk $0xffff, v4;
	v4 =	vld [tilespmem:$0x1FE30]  }
0x371: {  	v1 =	vld [tilespmem:s29+$0x0]  }
0x372: {  	s28 =	sld [smem:$0x7BF];
	[tilespmem:v56+s18+$0x0] =	vst.idx.msk $0xffff, v3;
	v56 =	vld [tilespmem:$0x1FDF0]  }
0x373: {  	[tilespmem:v0+s18+$0x0] =	vst.idx.msk $0xffff, v8;
	v0 =	vld [tilespmem:s25+$0x0];
	_ =	sdelay $0x1  }
0x374: {  	[tilespmem:v53+s18+$0x0] =	vst.idx.msk $0xffff, v2;
	v59 =	vld [tilespmem:s28+$0x0]  }
0x375: {  	s14 =	sld [smem:$0x7BE];
	s12 =	sor.u32 s20, s9;
	[tilespmem:v62+s18+$0x0] =	vst.idx.msk $0xffff, v1;
	v1 =	vld [tilespmem:$0x1FE20]  }
0x376: {  	s8 =	simm.s32 $0x8000;
	v63 =	vld [tilespmem:s12+$0x0]  }
0x377: {  	[tilespmem:v4+s8+$0x0] =	vst.idx.msk $0xffff, v0;
	v4 =	vld [tilespmem:$0x1FE50]  }
0x378: {  	v3 =	vld [tilespmem:s14+$0x0]  }
0x379: {  	[tilespmem:v56+s18+$0x0] =	vst.idx.msk $0xffff, v52  }
0x37a: {  	v10 =	vmov v1;
	v1 =	vld [tilespmem:s26+$0x0];
	_ =	sdelay $0x2  }
0x37b: {  	s15 =	sor.u32 s19, s9;
	[tilespmem:v51+s18+$0x0] =	vst.idx.msk $0xffff, v3;
	v0 =	vld [tilespmem:$0x1FE40]  }
0x37c: {  	v2 =	vld [tilespmem:s15+$0x0]  }
0x37d: {  	[tilespmem:v4+s8+$0x0] =	vst.idx.msk $0xffff, v1;
	v1 =	vld [tilespmem:$0x1FE70]  }
0x37e: {  	v45 =	vld [tilespmem:$0x1FF00]  }
0x37f: {  	v42 =	vld [tilespmem:$0x1FDD0]  }
0x380: {  	s0 =	sadd.s32 $0x4, s0;
	v9 =	vmov v20;
	v20 =	vld [tilespmem:$0x1FE60]  }
0x381: {  	p3 =	slt.u32 s0, $0x3C;
	s29 =	sor.u32 $0x2080, s22;
	v51 =	vld [tilespmem:$0x1FF60]  }
.Ltmp6:
0x382: {  	s30 =	sor.u32 s17, s29;
	v53 =	vld [tilespmem:$0x1FF10];
	(pc) =	sbr.rel @p3 .LBB2_9-.Ltmp6, $4  }
0x383: {  	v22 =	vmov v33;
	v3 =	vld [tilespmem:s30+$0x0];
	[tilespmem:v0+s8+$0x0] =	vst.idx.msk $0xffff, v59  }
0x384: {  	s24 =	sor.u32 s11, s9;
	v0 =	vld [tilespmem:s6+$0x0]  }
0x385: {  	v33 =	vor.u32 s13, v50;
	p2 =	por !p2, !p2;
	v19 =	vmov v57;
	s31 =	rddreg [dreg:$0xb];
	v30 =	vmov v42;
	v42 =	vld [tilespmem:s24+$0x0];
	[tilespmem:v1+s8+$0x0] =	vst.idx.msk $0xffff, v63  }
0x386: {  	v46 =	vmovc v18;
	v18 =	vmovc v22;
	v22 =	vmov v12;
	v16 =	vmov v23;
	s4 =	sor.u32 s20, s29;
	s5 =	sor.u32 s19, s29;
	s1 =	sor.u32 s11, s29;
	v43 =	vor.u32 s16, v51;
	v1 =	vld [tilespmem:s21+$0x0]  }
0x387: {  	_ =	sdelay $0x3  }
0x388: {  	[tilespmem:v44+s8+$0x0] =	vst.idx.msk $0xffff, v2  }
0x389: {  	[tilespmem:v43+s8+$0x0] =	vst.idx.msk $0xffff, v3  }
0x38a: {  	[tilespmem:v38+s8+$0x0] =	vst.idx.msk $0xffff, v42  }
0x38b: {  	v42 =	vld [tilespmem:$0x1FFA0]  }
0x38c: {  	v4 =	vld [tilespmem:s4+$0x0]  }
0x38d: {  	v2 =	vld [tilespmem:s5+$0x0]  }
0x38e: {  	s0 =	sor.u32 $0x2100, s22;
	v5 =	vld [tilespmem:s1+$0x0]  }
0x38f: {  	s24 =	sor.u32 s17, s0  }
0x390: {  	v3 =	vld [tilespmem:s24+$0x0];
	v6 =	vor.u32 s16, v42  }
0x391: {  	s25 =	sor.u32 s20, s0;
	[tilespmem:v40+s8+$0x0] =	vst.idx.msk $0xffff, v4  }
0x392: {  	s26 =	sor.u32 s19, s0;
	v4 =	vld [tilespmem:s25+$0x0];
	[tilespmem:v41+s8+$0x0] =	vst.idx.msk $0xffff, v2  }
0x393: {  	s0 =	sor.u32 s11, s0;
	v2 =	vld [tilespmem:s26+$0x0];
	[tilespmem:v34+s8+$0x0] =	vst.idx.msk $0xffff, v5  }
0x394: {  	s28 =	sor.u32 $0x2180, s22;
	v5 =	vld [tilespmem:s0+$0x0]  }
0x395: {  	s29 =	sor.u32 s17, s28;
	[tilespmem:v6+s8+$0x0] =	vst.idx.msk $0xffff, v3  }
0x396: {  	v40 =	vor.u32 s16, v58;
	v3 =	vld [tilespmem:s29+$0x0]  }
0x397: {  	s30 =	sor.u32 s20, s28;
	[tilespmem:v36+s8+$0x0] =	vst.idx.msk $0xffff, v4  }
0x398: {  	s31 =	sor.u32 s19, s28;
	[tilespmem:v35+s8+$0x0] =	vst.idx.msk $0xffff, v2;
	v41 =	vld [tilespmem:s30+$0x0]  }
0x399: {  	s0 =	sor.u32 s11, s28;
	v43 =	vld [tilespmem:s31+$0x0];
	[tilespmem:v32+s8+$0x0] =	vst.idx.msk $0xffff, v5  }
0x39a: {  	s5 =	sor.u32 $0x2200, s22;
	v5 =	vld [tilespmem:s0+$0x0]  }
0x39b: {  	s6 =	sor.u32 s17, s5;
	[tilespmem:v40+s8+$0x0] =	vst.idx.msk $0xffff, v3  }
0x39c: {  	v44 =	vor.u32 s16, v48;
	v3 =	vld [tilespmem:s6+$0x0]  }
0x39d: {  	s7 =	sor.u32 s20, s5;
	[tilespmem:v28+s8+$0x0] =	vst.idx.msk $0xffff, v41  }
0x39e: {  	s9 =	sor.u32 s19, s5;
	[tilespmem:v29+s8+$0x0] =	vst.idx.msk $0xffff, v43;
	v2 =	vld [tilespmem:s7+$0x0]  }
0x39f: {  	s0 =	sor.u32 s11, s5;
	v4 =	vld [tilespmem:s9+$0x0];
	[tilespmem:v31+s8+$0x0] =	vst.idx.msk $0xffff, v5  }
0x3a0: {  	s10 =	sor.u32 $0x2280, s22;
	v5 =	vld [tilespmem:s0+$0x0]  }
0x3a1: {  	s12 =	sor.u32 s17, s10;
	[tilespmem:v44+s8+$0x0] =	vst.idx.msk $0xffff, v3  }
0x3a2: {  	v47 =	vor.u32 s16, v49;
	v3 =	vld [tilespmem:s12+$0x0]  }
0x3a3: {  	s13 =	sor.u32 s20, s10;
	[tilespmem:v22+s8+$0x0] =	vst.idx.msk $0xffff, v2  }
0x3a4: {  	s14 =	sor.u32 s19, s10;
	[tilespmem:v27+s8+$0x0] =	vst.idx.msk $0xffff, v4;
	v2 =	vld [tilespmem:s13+$0x0]  }
0x3a5: {  	s0 =	sor.u32 s11, s10;
	v4 =	vld [tilespmem:s14+$0x0];
	[tilespmem:v30+s8+$0x0] =	vst.idx.msk $0xffff, v5  }
0x3a6: {  	s15 =	sor.u32 $0x2300, s22;
	v5 =	vld [tilespmem:s0+$0x0]  }
0x3a7: {  	s18 =	sor.u32 s17, s15;
	[tilespmem:v47+s8+$0x0] =	vst.idx.msk $0xffff, v3  }
0x3a8: {  	v52 =	vor.u32 s16, v50;
	[tilespmem:v18+s8+$0x0] =	vst.idx.msk $0xffff, v0;
	v3 =	vld [tilespmem:s18+$0x0]  }
0x3a9: {  	s21 =	sor.u32 s20, s15;
	[tilespmem:v21+s8+$0x0] =	vst.idx.msk $0xffff, v2  }
0x3aa: {  	s23 =	sor.u32 s19, s15;
	[tilespmem:v11+s8+$0x0] =	vst.idx.msk $0xffff, v4;
	v2 =	vld [tilespmem:s21+$0x0]  }
0x3ab: {  	s0 =	sor.u32 s11, s15;
	v4 =	vld [tilespmem:s23+$0x0];
	[tilespmem:v10+s8+$0x0] =	vst.idx.msk $0xffff, v5  }
0x3ac: {  	[tilespmem:v20+s8+$0x0] =	vst.idx.msk $0xffff, v1;
	v55 =	vld [tilespmem:s0+$0x0]  }
0x3ad: {  	v56 =	vld [tilespmem:s3+$0x0];
	[tilespmem:v52+s8+$0x0] =	vst.idx.msk $0xffff, v3  }
0x3ae: {  	s24 =	sor.u32 $0x2380, s22;
	v43 =	vld [tilespmem:$0x1FF90]  }
0x3af: {  	v57 =	vld [tilespmem:s2+$0x0];
	s26 =	sor.u32 s20, s24;
	[tilespmem:v19+s8+$0x0] =	vst.idx.msk $0xffff, v2  }
0x3b0: {  	s28 =	sor.u32 s19, s24;
	[tilespmem:v9+s8+$0x0] =	vst.idx.msk $0xffff, v4;
	v2 =	vld [tilespmem:s26+$0x0]  }
0x3b1: {  	s0 =	sor.u32 s11, s24;
	[tilespmem:v33+s8+$0x0] =	vst.idx.msk $0xffff, v55;
	v62 =	vld [tilespmem:s28+$0x0]  }
0x3b2: {  	s25 =	sor.u32 s17, s24;
	v63 =	vld [tilespmem:s0+$0x0]  }
0x3b3: {  	v3 =	vld [tilespmem:s25+$0x0];
	[tilespmem:v17+s8+$0x0] =	vst.idx.msk $0xffff, v56;
	v59 =	vor.u32 s16, v43  }
0x3b4: {  	[tilespmem:v16+s8+$0x0] =	vst.idx.msk $0xffff, v57  }
0x3b5: {  	[tilespmem:v39+s8+$0x0] =	vst.idx.msk $0xffff, v2  }
0x3b6: {  	[tilespmem:v37+s8+$0x0] =	vst.idx.msk $0xffff, v62  }
0x3b7: {  	[tilespmem:v26+s8+$0x0] =	vst.idx.msk $0xffff, v63  }
0x3b8: {  	s29 =	simm.s32 $0x3;
	[tilespmem:v59+s8+$0x0] =	vst.idx.msk $0xffff, v3  }
0x3b9: {  	_ =	swait.ge [sflag:s29], $0x4000  }
0x3ba: {  	s31 =	sld [smem:$0x7F4]  }
0x3bb: {  	[sflag:s29] =	ssyncset.done $0x0  }
0x3bc: {  	s30 =	simm.s32 $0x0;
	v24 =	vld [tilespmem:$0x1FF70];
	[sflag:s29] =	ssyncadd.s32 $0xFFFFC000  }
0x3bd: {  	v25 =	vld [tilespmem:$0x1FF80];
	[hbm4b:s31+s30] =	stream.linear.scatter [tilespmem:s8], [sflag:$0x3], $0x4000, $0x38  }
.LBB2_11:
0x3be: {  	s0 =	simm.s32 $0x3  }
0x3bf: {  	_ =	swait.ge [sflag:s0], $0x4000  }
.Ltmp7:
0x3c0: {  	[sflag:s0] =	ssyncset.done $0x0;
	(pc) =	sbr.rel @p0 .LBB2_15-.Ltmp7, $4  }
0x3c1: {  	s31 =	simm.s32 $0x4;
	[sflag:s0] =	ssyncadd.s32 $0xFFFFC000  }
0x3c2: {  	_ =	swait.ge [sflag:s31], $0x4000  }
0x3c3: {  	[sflag:s31] =	ssyncset.done $0x0  }
0x3c4: {  	s3 =	simm.s32 $0x8000;
	s1 =	sld [smem:$0x7E3];
	[sflag:s31] =	ssyncadd.s32 $0xFFFFC000  }
0x3c5: {  	s1 =	sld [smem:$0x7E6];
	_ =	sdelay $0x1  }
0x3c6: {  	s0 =	simm.s32 $0x0;
	s4 =	simm.s32 $0x80;
	s5 =	simm.s32 $0x400  }
0x3c7: {  	[tilespmem:s0], [sflag:$0x1] =	stream.strided.gather [hbm4b:s1+s4], $0x0, s5, s4, $0x38;
	[tilespmem:$0x10000] =	vst v63  }
0x3c8: {  	s30 =	sld [smem:$0x7E7]  }
0x3c9: {  	[tilespmem:s0], [sflag:$0x1] =	stream.linear.gather [hbm4b:s1+s0], $0x40, $0x38;
	[tilespmem:$0x10000] =	vst v63  }
0x3ca: {  	_ = 	snop  }
0x3cb: {  	[tilespmem:s4], [sflag:$0x1] =	stream.strided.gather [hbm4b:s30+s4], $0x0, s5, s4, $0x38;
	[tilespmem:$0x10000] =	vst v63  }
0x3cc: {  	s31 =	sld [smem:$0x7E8]  }
0x3cd: {  	[tilespmem:s4], [sflag:$0x1] =	stream.linear.gather [hbm4b:s30+s0], $0x40, $0x38;
	[tilespmem:$0x10000] =	vst v63  }
0x3ce: {  	s2 =	simm.s32 $0x100  }
0x3cf: {  	[tilespmem:s2], [sflag:$0x1] =	stream.strided.gather [hbm4b:s31+s4], $0x0, s5, s4, $0x38;
	[tilespmem:$0x10000] =	vst v63  }
0x3d0: {  	s6 =	sld [smem:$0x7E9]  }
0x3d1: {  	[tilespmem:s2], [sflag:$0x1] =	stream.linear.gather [hbm4b:s31+s0], $0x40, $0x38;
	[tilespmem:$0x10000] =	vst v63  }
0x3d2: {  	s7 =	simm.s32 $0x180  }
0x3d3: {  	[tilespmem:s7], [sflag:$0x1] =	stream.strided.gather [hbm4b:s6+s4], $0x0, s5, s4, $0x38;
	[tilespmem:$0x10000] =	vst v63  }
0x3d4: {  	s8 =	sld [smem:$0x7EA]  }
0x3d5: {  	[tilespmem:s7], [sflag:$0x1] =	stream.linear.gather [hbm4b:s6+s0], $0x40, $0x38;
	[tilespmem:$0x10000] =	vst v63  }
0x3d6: {  	s9 =	simm.s32 $0x200  }
0x3d7: {  	[tilespmem:s9], [sflag:$0x1] =	stream.strided.gather [hbm4b:s8+s4], $0x0, s5, s4, $0x38;
	[tilespmem:$0x10000] =	vst v63  }
0x3d8: {  	s10 =	sld [smem:$0x7EB]  }
0x3d9: {  	[tilespmem:s9], [sflag:$0x1] =	stream.linear.gather [hbm4b:s8+s0], $0x40, $0x38;
	[tilespmem:$0x10000] =	vst v63  }
0x3da: {  	s11 =	simm.s32 $0x280  }
0x3db: {  	[tilespmem:s11], [sflag:$0x1] =	stream.strided.gather [hbm4b:s10+s4], $0x0, s5, s4, $0x38;
	[tilespmem:$0x10000] =	vst v63  }
0x3dc: {  	s12 =	sld [smem:$0x7EC]  }
0x3dd: {  	[tilespmem:s11], [sflag:$0x1] =	stream.linear.gather [hbm4b:s10+s0], $0x40, $0x38;
	[tilespmem:$0x10000] =	vst v63  }
0x3de: {  	s13 =	simm.s32 $0x300  }
0x3df: {  	[tilespmem:s13], [sflag:$0x1] =	stream.strided.gather [hbm4b:s12+s4], $0x0, s5, s4, $0x38;
	[tilespmem:$0x10000] =	vst v63  }
0x3e0: {  	s14 =	sld [smem:$0x7EE]  }
0x3e1: {  	[tilespmem:s13], [sflag:$0x1] =	stream.linear.gather [hbm4b:s12+s0], $0x40, $0x38;
	[tilespmem:$0x10000] =	vst v63  }
0x3e2: {  	s15 =	simm.s32 $0x380  }
0x3e3: {  	[tilespmem:s15], [sflag:$0x1] =	stream.strided.gather [hbm4b:s14+s4], $0x0, s5, s4, $0x38;
	[tilespmem:$0x10000] =	vst v63  }
0x3e4: {  	s16 =	sld [smem:$0x7EF]  }
0x3e5: {  	[tilespmem:s15], [sflag:$0x1] =	stream.linear.gather [hbm4b:s14+s0], $0x40, $0x38;
	[tilespmem:$0x10000] =	vst v63  }
0x3e6: {  	s1 =	simm.s32 $0x2000  }
0x3e7: {  	[tilespmem:s1], [sflag:$0x1] =	stream.strided.gather [hbm4b:s16+s4], $0x0, s5, s4, $0x38;
	[tilespmem:$0x10000] =	vst v63  }
0x3e8: {  	s17 =	sld [smem:$0x7F1]  }
0x3e9: {  	[tilespmem:s1], [sflag:$0x1] =	stream.linear.gather [hbm4b:s16+s0], $0x40, $0x38;
	[tilespmem:$0x10000] =	vst v63  }
0x3ea: {  	s6 =	simm.s32 $0x2080  }
0x3eb: {  	[tilespmem:s6], [sflag:$0x1] =	stream.strided.gather [hbm4b:s17+s4], $0x0, s5, s4, $0x38;
	[tilespmem:$0x10000] =	vst v63  }
0x3ec: {  	s18 =	sld [smem:$0x7F2]  }
0x3ed: {  	[tilespmem:s6], [sflag:$0x1] =	stream.linear.gather [hbm4b:s17+s0], $0x40, $0x38;
	[tilespmem:$0x10000] =	vst v63  }
0x3ee: {  	s19 =	simm.s32 $0x2100  }
0x3ef: {  	[tilespmem:s19], [sflag:$0x1] =	stream.strided.gather [hbm4b:s18+s4], $0x0, s5, s4, $0x38;
	[tilespmem:$0x10000] =	vst v63  }
0x3f0: {  	s20 =	sld [smem:$0x7F5]  }
0x3f1: {  	[tilespmem:s19], [sflag:$0x1] =	stream.linear.gather [hbm4b:s18+s0], $0x40, $0x38;
	[tilespmem:$0x10000] =	vst v63  }
0x3f2: {  	s21 =	simm.s32 $0x2180  }
0x3f3: {  	[tilespmem:s21], [sflag:$0x1] =	stream.strided.gather [hbm4b:s20+s4], $0x0, s5, s4, $0x38;
	[tilespmem:$0x10000] =	vst v63  }
0x3f4: {  	s22 =	sld [smem:$0x7F6]  }
0x3f5: {  	[tilespmem:s21], [sflag:$0x1] =	stream.linear.gather [hbm4b:s20+s0], $0x40, $0x38;
	[tilespmem:$0x10000] =	vst v63  }
0x3f6: {  	s23 =	simm.s32 $0x2200  }
0x3f7: {  	[tilespmem:s23], [sflag:$0x1] =	stream.strided.gather [hbm4b:s22+s4], $0x0, s5, s4, $0x38;
	[tilespmem:$0x10000] =	vst v63  }
0x3f8: {  	s24 =	sld [smem:$0x7F9]  }
0x3f9: {  	[tilespmem:s23], [sflag:$0x1] =	stream.linear.gather [hbm4b:s22+s0], $0x40, $0x38;
	[tilespmem:$0x10000] =	vst v63  }
0x3fa: {  	s25 =	simm.s32 $0x2280  }
0x3fb: {  	[tilespmem:s25], [sflag:$0x1] =	stream.strided.gather [hbm4b:s24+s4], $0x0, s5, s4, $0x38;
	[tilespmem:$0x10000] =	vst v63  }
0x3fc: {  	s26 =	sld [smem:$0x7FA]  }
0x3fd: {  	[tilespmem:s25], [sflag:$0x1] =	stream.linear.gather [hbm4b:s24+s0], $0x40, $0x38;
	[tilespmem:$0x10000] =	vst v63  }
0x3fe: {  	s28 =	simm.s32 $0x2300  }
0x3ff: {  	[tilespmem:s28], [sflag:$0x1] =	stream.strided.gather [hbm4b:s26+s4], $0x0, s5, s4, $0x38;
	[tilespmem:$0x10000] =	vst v63  }
0x400: {  	s29 =	sld [smem:$0x7FD]  }
0x401: {  	[tilespmem:s28], [sflag:$0x1] =	stream.linear.gather [hbm4b:s26+s0], $0x40, $0x38;
	[tilespmem:$0x10000] =	vst v63  }
0x402: {  	s30 =	simm.s32 $0x2380  }
0x403: {  	[tilespmem:s30], [sflag:$0x1] =	stream.strided.gather [hbm4b:s29+s4], $0x0, s5, s4, $0x38;
	[tilespmem:$0x10000] =	vst v63  }
0x404: {  	s31 =	simm.s32 $0x1  }
0x405: {  	[tilespmem:s30], [sflag:$0x1] =	stream.linear.gather [hbm4b:s29+s0], $0x40, $0x38;
	[tilespmem:$0x10000] =	vst v63  }
0x406: {  	_ =	swait.ge [sflag:s31], $0x40  }
0x407: {  	[sflag:s31] =	ssyncset.done $0x0  }
0x408: {  	[sflag:s31] =	ssyncadd.s32 $0xFFFFFFC0  }
0x409: {  	_ =	swait.ge [sflag:s31], $0x40  }
0x40a: {  	[sflag:s31] =	ssyncset.done $0x0  }
0x40b: {  	[sflag:s31] =	ssyncadd.s32 $0xFFFFFFC0  }
0x40c: {  	_ =	swait.ge [sflag:s31], $0x40  }
0x40d: {  	[sflag:s31] =	ssyncset.done $0x0  }
0x40e: {  	[sflag:s31] =	ssyncadd.s32 $0xFFFFFFC0  }
0x40f: {  	_ =	swait.ge [sflag:s31], $0x40  }
0x410: {  	[sflag:s31] =	ssyncset.done $0x0  }
0x411: {  	[sflag:s31] =	ssyncadd.s32 $0xFFFFFFC0  }
0x412: {  	_ =	swait.ge [sflag:s31], $0x40  }
0x413: {  	[sflag:s31] =	ssyncset.done $0x0  }
0x414: {  	[sflag:s31] =	ssyncadd.s32 $0xFFFFFFC0  }
0x415: {  	_ =	swait.ge [sflag:s31], $0x40  }
0x416: {  	[sflag:s31] =	ssyncset.done $0x0  }
0x417: {  	[sflag:s31] =	ssyncadd.s32 $0xFFFFFFC0  }
0x418: {  	_ =	swait.ge [sflag:s31], $0x40  }
0x419: {  	[sflag:s31] =	ssyncset.done $0x0  }
0x41a: {  	[sflag:s31] =	ssyncadd.s32 $0xFFFFFFC0  }
0x41b: {  	_ =	swait.ge [sflag:s31], $0x40  }
0x41c: {  	[sflag:s31] =	ssyncset.done $0x0  }
0x41d: {  	[sflag:s31] =	ssyncadd.s32 $0xFFFFFFC0  }
0x41e: {  	_ =	swait.ge [sflag:s31], $0x40  }
0x41f: {  	[sflag:s31] =	ssyncset.done $0x0  }
0x420: {  	[sflag:s31] =	ssyncadd.s32 $0xFFFFFFC0  }
0x421: {  	_ =	swait.ge [sflag:s31], $0x40  }
0x422: {  	[sflag:s31] =	ssyncset.done $0x0  }
0x423: {  	[sflag:s31] =	ssyncadd.s32 $0xFFFFFFC0  }
0x424: {  	_ =	swait.ge [sflag:s31], $0x40  }
0x425: {  	[sflag:s31] =	ssyncset.done $0x0  }
0x426: {  	[sflag:s31] =	ssyncadd.s32 $0xFFFFFFC0  }
0x427: {  	_ =	swait.ge [sflag:s31], $0x40  }
0x428: {  	[sflag:s31] =	ssyncset.done $0x0  }
0x429: {  	[sflag:s31] =	ssyncadd.s32 $0xFFFFFFC0  }
0x42a: {  	_ =	swait.ge [sflag:s31], $0x40  }
0x42b: {  	[sflag:s31] =	ssyncset.done $0x0  }
0x42c: {  	[sflag:s31] =	ssyncadd.s32 $0xFFFFFFC0  }
0x42d: {  	_ =	swait.ge [sflag:s31], $0x40  }
0x42e: {  	[sflag:s31] =	ssyncset.done $0x0  }
0x42f: {  	[sflag:s31] =	ssyncadd.s32 $0xFFFFFFC0  }
0x430: {  	_ =	swait.ge [sflag:s31], $0x40  }
0x431: {  	[sflag:s31] =	ssyncset.done $0x0  }
0x432: {  	[sflag:s31] =	ssyncadd.s32 $0xFFFFFFC0  }
0x433: {  	_ =	swait.ge [sflag:s31], $0x40  }
0x434: {  	[sflag:s31] =	ssyncset.done $0x0  }
0x435: {  	[sflag:s31] =	ssyncadd.s32 $0xFFFFFFC0  }
0x436: {  	v1 =	vor.u32 s0, v45;
	s2 =	simm.s32 $0x100;
	v0 =	vld [tilespmem:s1+$0xFFFFE000]  }
.LBB2_13:
0x437: {  	p2 =	sne.s32 s2, $0x300;
	_ =	sdelay $0x3  }
0x438: {  	[tilespmem:v1+s3+$0x0] =	vst.idx.msk $0xffff, v0  }
0x439: {  	v1 =	vor.u32 s0, v53;
	v0 =	vld [tilespmem:s1+$0xFFFFE080];
	_ =	sdelay $0x4  }
0x43a: {  	[tilespmem:v1+s3+$0x0] =	vst.idx.msk $0xffff, v0  }
0x43b: {  	v1 =	vor.u32 s0, v46;
	v0 =	vld [tilespmem:s1+$0xFFFFE100];
	_ =	sdelay $0x4  }
0x43c: {  	[tilespmem:v1+s3+$0x0] =	vst.idx.msk $0xffff, v0  }
0x43d: {  	v1 =	vor.u32 s0, v24;
	v0 =	vld [tilespmem:s1+$0xFFFFE180];
	_ =	sdelay $0x4  }
0x43e: {  	[tilespmem:v1+s3+$0x0] =	vst.idx.msk $0xffff, v0  }
0x43f: {  	v1 =	vor.u32 s0, v25;
	v0 =	vld [tilespmem:s1+$0xFFFFE200];
	_ =	sdelay $0x4  }
0x440: {  	[tilespmem:v1+s3+$0x0] =	vst.idx.msk $0xffff, v0  }
0x441: {  	v1 =	vor.u32 s0, v15;
	v0 =	vld [tilespmem:s1+$0xFFFFE280];
	_ =	sdelay $0x4  }
0x442: {  	[tilespmem:v1+s3+$0x0] =	vst.idx.msk $0xffff, v0  }
0x443: {  	v1 =	vor.u32 s0, v54;
	v0 =	vld [tilespmem:s1+$0xFFFFE300];
	_ =	sdelay $0x4  }
0x444: {  	[tilespmem:v1+s3+$0x0] =	vst.idx.msk $0xffff, v0  }
0x445: {  	v1 =	vor.u32 s0, v60;
	v0 =	vld [tilespmem:s1+$0xFFFFE380];
	_ =	sdelay $0x4  }
0x446: {  	[tilespmem:v1+s3+$0x0] =	vst.idx.msk $0xffff, v0  }
0x447: {  	v1 =	vor.u32 s0, v61;
	v0 =	vld [tilespmem:s1+$0x0];
	_ =	sdelay $0x4  }
0x448: {  	[tilespmem:v1+s3+$0x0] =	vst.idx.msk $0xffff, v0  }
0x449: {  	v1 =	vor.u32 s0, v51;
	v0 =	vld [tilespmem:s1+$0x80];
	_ =	sdelay $0x4  }
0x44a: {  	[tilespmem:v1+s3+$0x0] =	vst.idx.msk $0xffff, v0  }
0x44b: {  	v1 =	vor.u32 s0, v42;
	v0 =	vld [tilespmem:s1+$0x100];
	_ =	sdelay $0x4  }
0x44c: {  	[tilespmem:v1+s3+$0x0] =	vst.idx.msk $0xffff, v0  }
0x44d: {  	v1 =	vor.u32 s0, v58;
	v0 =	vld [tilespmem:s1+$0x180];
	_ =	sdelay $0x4  }
0x44e: {  	[tilespmem:v1+s3+$0x0] =	vst.idx.msk $0xffff, v0  }
0x44f: {  	v1 =	vor.u32 s0, v48;
	v0 =	vld [tilespmem:s1+$0x200];
	_ =	sdelay $0x4  }
0x450: {  	[tilespmem:v1+s3+$0x0] =	vst.idx.msk $0xffff, v0  }
0x451: {  	v1 =	vor.u32 s0, v49;
	v0 =	vld [tilespmem:s1+$0x280];
	_ =	sdelay $0x4  }
0x452: {  	[tilespmem:v1+s3+$0x0] =	vst.idx.msk $0xffff, v0  }
0x453: {  	v1 =	vor.u32 s0, v50;
	v0 =	vld [tilespmem:s1+$0x300];
	_ =	sdelay $0x4  }
0x454: {  	[tilespmem:v1+s3+$0x0] =	vst.idx.msk $0xffff, v0  }
0x455: {  	v1 =	vor.u32 s0, v43;
	s0 =	smov.u32 s2;
	v0 =	vld [tilespmem:s1+$0x380];
	_ =	sdelay $0x1  }
.Ltmp8:
0x456: {  	(pc) =	sbr.rel @p2 .LBB2_13-.Ltmp8, $3  }
0x457: {  	_ =	sdelay $0x1  }
0x458: {  	s1 =	sadd.s32 $0x10, s1;
	[tilespmem:v1+s3+$0x0] =	vst.idx.msk $0xffff, v0  }
0x459: {  	s2 =	sadd.s32 $0x100, s2;
	v1 =	vor.u32 s0, v45;
	v0 =	vld [tilespmem:s1+$0xFFFFE000]  }
0x45a: {  	_ =	sdelay $0x3  }
0x45b: {  	[tilespmem:v1+s3+$0x0] =	vst.idx.msk $0xffff, v0  }
0x45c: {  	v36 =	vor.u32 s0, v53;
	v0 =	vld [tilespmem:s1+$0xFFFFE080];
	_ =	sdelay $0x4  }
0x45d: {  	[tilespmem:v36+s3+$0x0] =	vst.idx.msk $0xffff, v0  }
0x45e: {  	v37 =	vor.u32 s0, v46;
	v0 =	vld [tilespmem:s1+$0xFFFFE100];
	_ =	sdelay $0x4  }
0x45f: {  	[tilespmem:v37+s3+$0x0] =	vst.idx.msk $0xffff, v0  }
0x460: {  	v38 =	vor.u32 s0, v24;
	v0 =	vld [tilespmem:s1+$0xFFFFE180];
	_ =	sdelay $0x4  }
0x461: {  	[tilespmem:v38+s3+$0x0] =	vst.idx.msk $0xffff, v0  }
0x462: {  	v39 =	vor.u32 s0, v25;
	v0 =	vld [tilespmem:s1+$0xFFFFE200];
	_ =	sdelay $0x4  }
0x463: {  	[tilespmem:v39+s3+$0x0] =	vst.idx.msk $0xffff, v0  }
0x464: {  	v40 =	vor.u32 s0, v15;
	v0 =	vld [tilespmem:s1+$0xFFFFE280];
	_ =	sdelay $0x4  }
0x465: {  	[tilespmem:v40+s3+$0x0] =	vst.idx.msk $0xffff, v0  }
0x466: {  	v41 =	vor.u32 s0, v54;
	v0 =	vld [tilespmem:s1+$0xFFFFE300];
	_ =	sdelay $0x4  }
0x467: {  	[tilespmem:v41+s3+$0x0] =	vst.idx.msk $0xffff, v0  }
0x468: {  	v44 =	vor.u32 s0, v60;
	v0 =	vld [tilespmem:s1+$0xFFFFE380];
	_ =	sdelay $0x4  }
0x469: {  	[tilespmem:v44+s3+$0x0] =	vst.idx.msk $0xffff, v0  }
0x46a: {  	v47 =	vor.u32 s0, v61;
	v0 =	vld [tilespmem:s1+$0x0];
	_ =	sdelay $0x4  }
0x46b: {  	[tilespmem:v47+s3+$0x0] =	vst.idx.msk $0xffff, v0  }
0x46c: {  	v52 =	vor.u32 s0, v51;
	v0 =	vld [tilespmem:s1+$0x80];
	_ =	sdelay $0x4  }
0x46d: {  	[tilespmem:v52+s3+$0x0] =	vst.idx.msk $0xffff, v0  }
0x46e: {  	v55 =	vor.u32 s0, v42;
	v0 =	vld [tilespmem:s1+$0x100];
	_ =	sdelay $0x4  }
0x46f: {  	[tilespmem:v55+s3+$0x0] =	vst.idx.msk $0xffff, v0  }
0x470: {  	v56 =	vor.u32 s0, v58;
	v0 =	vld [tilespmem:s1+$0x180];
	_ =	sdelay $0x4  }
0x471: {  	[tilespmem:v56+s3+$0x0] =	vst.idx.msk $0xffff, v0  }
0x472: {  	v57 =	vor.u32 s0, v48;
	v0 =	vld [tilespmem:s1+$0x200];
	_ =	sdelay $0x4  }
0x473: {  	[tilespmem:v57+s3+$0x0] =	vst.idx.msk $0xffff, v0  }
0x474: {  	v59 =	vor.u32 s0, v49;
	v0 =	vld [tilespmem:s1+$0x280];
	_ =	sdelay $0x4  }
0x475: {  	[tilespmem:v59+s3+$0x0] =	vst.idx.msk $0xffff, v0  }
0x476: {  	v62 =	vor.u32 s0, v50;
	v0 =	vld [tilespmem:s1+$0x300];
	_ =	sdelay $0x4  }
0x477: {  	[tilespmem:v62+s3+$0x0] =	vst.idx.msk $0xffff, v0  }
0x478: {  	v63 =	vor.u32 s0, v43;
	v0 =	vld [tilespmem:s1+$0x380];
	_ =	sdelay $0x2  }
0x479: {  	s30 =	sld [smem:$0x7F7];
	_ =	sdelay $0x1  }
.Ltmp9:
0x47a: {  	s29 =	simm.s32 $0x0;
	s31 =	simm.s32 $0x3;
	[tilespmem:v63+s3+$0x0] =	vst.idx.msk $0xffff, v0;
	(pc) =	sbr.rel .LBB2_15-.Ltmp9, $4  }
0x47b: {  	[hbm4b:s30+s29] =	stream.linear.scatter [tilespmem:s3], [sflag:$0x3], $0x400, $0x38;
	[tilespmem:$0x10000] =	vst v63  }
0x47c: {  	_ =	swait.ge [sflag:s31], $0x400  }
0x47d: {  	[sflag:s31] =	ssyncset.done $0x0  }
0x47e: {  	s1 =	sld [smem:$0x7E3];
	[sflag:s31] =	ssyncadd.s32 $0xFFFFFC00  }
.LBB2_16:
0x47f: {  	_ =	sfence.sel $0x180000  }
0x480: {  	[bflag:$0x0] =	sbarrier.arrive $0xFFFF  }
0x481: {  	_ =	strace $0x90000047  }
0x482: {  	s0 =	stileid.u32;
	[bflag:$0x2] =	sbarrier.arrive $0xFFFF  }
0x483: {  	p0 =	sne.s32 s0, $0x0;
	s0 =	rddreg [dreg:$0x2]  }
0x484: {  	s0 =	sadd.s32 @!p0 $0x100000, s0  }
0x485: {  	[sflag:s0] =	ssyncadd.tile.s32 @!p0 $0x1;
	_ =	shalt  }
.Lfunc_end2:
_tile_overlayer_lowered:
.L_overlay_start_2:
0x486: {  	(tag) =	ssettag $0x2  }
0x487: {  	s0 =	rddreg [dreg:$0x0];
	s2 =	stileid.u32  }
0x488: {  	s1 =	rddreg [dreg:$0x1];
	p0 =	sne.s32 s2, $0x0  }
0x489: {  	s3 =	rddreg [dreg:$0x2];
	[bflag:$0x3] =	sbarrier.arrive $0xFFFF;
	s2 =	simm.s32 @!p0 $0x1C05  }
0x48a: {  	[timem:s3], [sflag:s2] =	dma.local @!p0 [hbm:s0], s1  }
0x48b: {  	s0 =	simm.s32 @!p0 $0x5  }
0x48c: {  	_ =	swait.ge @!p0 [sflag:s0], s1  }
0x48d: {  	s1 =	ssub.s32 @!p0 $0x0, s1;
	[sflag:s0] =	ssyncset.done @!p0 $0x0  }
0x48e: {  	[sflag:s0] =	ssyncadd.s32 @!p0 s1  }
0x48f: {  	[bflag:$0x3] =	sbarrier.arrive $0xFFFF  }
0x490: {  	_ =	shalt  }

// kernel: kernel.7.cloned.1.call-start
scs
__scs_entry_jumppad:
0x0: {  	(pc) =	sbr.rel $0x88, $3  }
0x1: {  	(tag) =	ssettag $0x0;
	lr =	simm.s32 $0x1  }
0x2: {  	[smem:$0x3F9D] =	sst lr;
	_ =	strace $0xD0000000  }
0x3: {  	_ = 	snop  }
0x4: {  	_ = 	snop  }
0x5: {  	_ = 	snop  }
0x6: {  	_ = 	snop  }
0x7: {  	_ = 	snop  }
__scs_overlays_trampoline_lowered:
0x8: {  	[smem:$0x3FAC] =	sst s0  }
0x9: {  	[smem:$0x3FAD] =	sst s1  }
0xa: {  	[smem:$0x3FAE] =	sst s2  }
0xb: {  	[smem:$0x3FAF] =	sst s3  }
0xc: {  	[smem:$0x3FB0] =	sst s4  }
0xd: {  	[smem:$0x3FB1] =	sst s5  }
0xe: {  	[smem:$0x3FB2] =	sst s6  }
0xf: {  	[smem:$0x3FB3] =	sst s7  }
0x10: {  	[smem:$0x3FB4] =	sst s8  }
0x11: {  	[smem:$0x3FB5] =	sst s9;
	s0 =	simm.s32 @!p0 $0x0  }
0x12: {  	s1 =	sld [smem:$0x3F9B];
	s0 =	simm.s32 @p0 $0x1  }
0x13: {  	[smem:$0x3FB6] =	sst s0;
	s0 =	simm.s32 @!p1 $0x0  }
0x14: {  	s2 =	sld [smem:$0x3F9A];
	s0 =	simm.s32 @p1 $0x1  }
0x15: {  	[smem:$0x3FB7] =	sst s0;
	s0 =	simm.s32 @!p2 $0x0  }
0x16: {  	s3 =	sld [smem:$0x3FDB];
	s0 =	simm.s32 @p2 $0x1  }
0x17: {  	s4 =	simm.s32 $0x1BF5;
	[smem:$0x3FB9] =	sst s0  }
0x18: {  	s0 =	sld [smem:$0x3F9C];
	_ =	swait.ge [sflag:s4], $0x0  }
0x19: {  	s7 =	sld [smem:$0x3F9D]  }
0x1a: {  	s8 =	sadd.s32 $0xFFFFE003, lr  }
0x1b: {  	s9 =	sadd.s32 $0xFFFFFEF7, lr;
	s5 =	simm.s32 $0xFFFFFFFF;
	p2 =	slt.u32 s8, $0xFFFFF086  }
0x1c: {  	p1 =	slt.u32 s9, $0xF7A;
	s5 =	simm.s32 @!p2 $0x0  }
0x1d: {  	s5 =	simm.s32 @p1 $0x1;
	p0 =	seq.s32 s7, s2  }
0x1e: {  	s7 =	smul.u32 @!p0 $0xF7A, s2;
	p2 =	seq.s32 @!p0 s5, $0x0  }
0x1f: {  	s9 =	smul.u32 $0xF7A, s1;
	s8 =	simm.s32 @!p0 $0x1BF5;
	p2 =	por !p2, p0  }
0x20: {  	[sflag:s8] =	ssyncset.s32 @!p0 $0xFFFFF086;
	s6 =	sadd.s32 @!p0 s3, s7;
	s7 =	simm.s32 @!p0 $0x108  }
0x21: {  	s3 =	sadd.s32 s3, s9;
	s6 =	sadd.s32 @!p0 $0x88, s6;
	s7 =	simm.s32 @p2 $0x1082  }
0x22: {  	[simem:s7], [sflag:s8] =	dma.local @!p0 [hbm:s6], $0xF7A  }
0x23: {  	s9 =	sor.u32 $0xD0000000, s2;
	s6 =	simm.s32 $0x108;
	_ =	swait.ge @!p0 [sflag:s8], $0x0  }
0x24: {  	s3 =	sadd.s32 $0x88, s3;
	s6 =	simm.s32 @!p1 $0x1082;
	[sflag:s4] =	ssyncset.s32 $0xFFFFF086  }
0x25: {  	[simem:s6], [sflag:s4] =	dma.local [hbm:s3], $0xF7A  }
0x26: {  	[smem:$0x3F9D] =	sst s1;
	(tag) =	ssettag s2;
	_ =	strace s9  }
0x27: {  	s1 =	sld [smem:$0x3FAD]  }
0x28: {  	s2 =	sld [smem:$0x3FAE]  }
0x29: {  	s4 =	sld [smem:$0x3FB0]  }
0x2a: {  	p0 =	seq.s32 s5, $0x0;
	s5 =	sld [smem:$0x3FB1]  }
0x2b: {  	s6 =	sld [smem:$0x3FB2]  }
0x2c: {  	s7 =	sld [smem:$0x3FB3]  }
0x2d: {  	s3 =	simm.s32 $0x108;
	s8 =	sld [smem:$0x3FB4]  }
0x2e: {  	s3 =	simm.s32 @!p0 $0x1082;
	s9 =	sld [smem:$0x3FB5]  }
0x2f: {  	lr =	sadd.s32 s0, s3;
	s0 =	sld [smem:$0x3FAC]  }
0x30: {  	s3 =	sld [smem:$0x3FAF]  }
0x31: {  	[smem:$0x3FB8] =	sst s10  }
0x32: {  	s10 =	sld [smem:$0x3FB6];
	_ =	sdelay $0x3  }
0x33: {  	p0 =	seq.s32 s10, $0x1;
	s10 =	sld [smem:$0x3FB8];
	_ =	sdelay $0x3  }
0x34: {  	[smem:$0x3FB8] =	sst s10  }
0x35: {  	s10 =	sld [smem:$0x3FB7];
	_ =	sdelay $0x3  }
0x36: {  	p1 =	seq.s32 s10, $0x1;
	s10 =	sld [smem:$0x3FB8];
	_ =	sdelay $0x3  }
0x37: {  	[smem:$0x3FB8] =	sst s10  }
0x38: {  	s10 =	sld [smem:$0x3FB9]  }
0x39: {  	_ = 	snop;
	(pc) =	sbr.ind lr, $3  }
0x3a: {  	_ = 	snop  }
0x3b: {  	_ = 	snop  }
0x3c: {  	p2 =	seq.s32 s10, $0x1;
	s10 =	sld [smem:$0x3FB8]  }
0x3d: {  	_ =	shalt  }
0x3e: {  	_ =	shalt  }
0x3f: {  	_ =	shalt  }
0x40: {  	_ =	shalt  }
0x41: {  	_ =	shalt  }
0x42: {  	_ =	shalt  }
0x43: {  	_ =	shalt  }
0x44: {  	_ =	shalt  }
0x45: {  	_ =	shalt  }
0x46: {  	_ =	shalt  }
0x47: {  	_ =	shalt  }
0x48: {  	_ =	shalt  }
0x49: {  	_ =	shalt  }
0x4a: {  	_ =	shalt  }
0x4b: {  	_ =	shalt  }
0x4c: {  	_ =	shalt  }
0x4d: {  	_ =	shalt  }
0x4e: {  	_ =	shalt  }
0x4f: {  	_ =	shalt  }
0x50: {  	_ =	shalt  }
0x51: {  	_ =	shalt  }
0x52: {  	_ =	shalt  }
0x53: {  	_ =	shalt  }
0x54: {  	_ =	shalt  }
0x55: {  	_ =	shalt  }
0x56: {  	_ =	shalt  }
0x57: {  	_ =	shalt  }
0x58: {  	_ =	shalt  }
0x59: {  	_ =	shalt  }
0x5a: {  	_ =	shalt  }
0x5b: {  	_ =	shalt  }
0x5c: {  	_ =	shalt  }
0x5d: {  	_ =	shalt  }
0x5e: {  	_ =	shalt  }
0x5f: {  	_ =	shalt  }
0x60: {  	_ =	shalt  }
0x61: {  	_ =	shalt  }
0x62: {  	_ =	shalt  }
0x63: {  	_ =	shalt  }
0x64: {  	_ =	shalt  }
0x65: {  	_ =	shalt  }
0x66: {  	_ =	shalt  }
0x67: {  	_ =	shalt  }
0x68: {  	_ =	shalt  }
0x69: {  	_ =	shalt  }
0x6a: {  	_ =	shalt  }
0x6b: {  	_ =	shalt  }
0x6c: {  	_ =	shalt  }
0x6d: {  	_ =	shalt  }
0x6e: {  	_ =	shalt  }
0x6f: {  	_ =	shalt  }
0x70: {  	_ =	shalt  }
0x71: {  	_ =	shalt  }
0x72: {  	_ =	shalt  }
0x73: {  	_ =	shalt  }
0x74: {  	_ =	shalt  }
0x75: {  	_ =	shalt  }
0x76: {  	_ =	shalt  }
0x77: {  	_ =	shalt  }
0x78: {  	_ =	shalt  }
0x79: {  	_ =	shalt  }
0x7a: {  	_ =	shalt  }
0x7b: {  	_ =	shalt  }
0x7c: {  	_ =	shalt  }
0x7d: {  	_ =	shalt  }
0x7e: {  	_ =	shalt  }
0x7f: {  	_ =	shalt  }
0x80: {  	_ =	shalt  }
0x81: {  	_ =	shalt  }
0x82: {  	_ =	shalt  }
0x83: {  	_ =	shalt  }
0x84: {  	_ =	shalt  }
0x85: {  	_ =	shalt  }
0x86: {  	_ =	shalt  }
0x87: {  	_ =	shalt  }
.Lfunc_end0:
.L_simem_size_0:
called_computation.1_lowered:
.L_overlay_start_0:
0x88: {  	s2 =	sld [smem:$0x3FD9]  }
0x89: {  	s3 =	sld [smem:$0x3FFE];
	_ =	sdelay $0x1  }
0x8a: {  	s1 =	srdreg.scid  }
0x8b: {  	s0 =	sand.u32 $0x1, s1  }
0x8c: {  	s17 =	sshll.u32 s0, $0xA;
	s2 =	sadd.s32 s3, s2  }
0x8d: {  	s2 =	sadd.s32 s2, s17  }
0x8e: {  	[smem:$0x3FC4] =	sst s2  }
0x8f: {  	_ = 	snop  }
0x90: {  	s2 =	sld [smem:$0x3FD0];
	(tm) =	ssettm $0x1  }
0x91: {  	s18 =	sld [smem:$0x3FFB];
	_ =	sdelay $0x3  }
0x92: {  	_ =	strace s18  }
0x93: {  	s3 =	sld [smem:$0x3FFC];
	_ =	sdelay $0x3  }
0x94: {  	_ =	strace s3  }
0x95: {  	s3 =	sld [smem:$0x3FFD];
	_ =	sdelay $0x3  }
0x96: {  	_ =	strace s3  }
0x97: {  	_ =	strace $0x8FFFFFFF  }
0x98: {  	s19 =	sld [smem:$0x3FDB];
	_ =	sdelay $0x1  }
0x99: {  	s4 =	simm.s32 $_scs_section_size  }
0x9a: {  	s5 =	simm.s32 $_size__tile_overlayer_lowered;
	s6 =	simm.s32 $_tile_overlayer_lowered  }
0x9b: {  	s22 =	simm.s32 $0x1BFF;
	s21 =	sshll.u32 s6, $0x1;
	s3 =	sadd.s32 s4, s19  }
0x9c: {  	s7 =	simm.s32 $0x0;
	s20 =	sshll.u32 s5, $0x1;
	s5 =	sadd.s32 s21, s3  }
0x9d: {  	[timem:s7], [sflag:s22] =	dma.local [hbm:s5], s20  }
0x9e: {  	_ =	swait.ge [sflag:s22], s20  }
0x9f: {  	s4 =	ssub.s32 $0x0, s20;
	[sflag:s22] =	ssyncset.done $0x0  }
0xa0: {  	[sflag:s22] =	ssyncadd.s32 s4;
	_ =	sdelay $0x1  }
0xa1: {  	s23 =	simm.s32 $0x1B8B  }
0xa2: {  	_ =	swait.ge [sflag:s23], $0x1  }
0xa3: {  	[sflag:s23] =	ssyncset.done $0x0  }
0xa4: {  	s25 =	simm.s32 $0x1B8E;
	s24 =	sld [smem:$0x3FFE];
	[sflag:s23] =	ssyncadd.s32 $0xFFFFFFFF  }
0xa5: {  	s26 =	simm.s32 $execute0_lowered;
	[smem:$0x3FD2] =	sst s25  }
0xa6: {  	s5 =	sshll.u32 s26, $0x1;
	_ =	strace $0x80000049;
	[dreg:$0x1] =	wrdreg $0xFFFFFFFF  }
0xa7: {  	s28 =	simm.s32 $_size_execute0_lowered;
	s3 =	sadd.s32 s3, s5;
	[dreg:$0x0] =	wrdreg $0x0  }
0xa8: {  	s5 =	sshll.u32 s28, $0x1;
	[dreg:$0x2] =	wrdreg s3  }
0xa9: {  	[dreg:$0x3] =	wrdreg s5  }
0xaa: {  	[dreg:$0x4] =	wrdreg $0xC0  }
0xab: {  	_ =	task [dreg:s7], $0x5FFFF  }
0xac: {  	[dreg:$0x1] =	wrdreg $0xFFFFFFFF  }
0xad: {  	[dreg:$0x0] =	wrdreg $0x60  }
0xae: {  	[dreg:$0x2] =	wrdreg s24  }
0xaf: {  	[dreg:$0x3] =	wrdreg s2  }
0xb0: {  	[dreg:$0x4] =	wrdreg $0x9  }
0xb1: {  	_ =	task.clear_ibuf [dreg:s7], $0x5FFFF;
	_ =	strace $0x90000049  }
0xb2: {  	s29 =	simm.s32 $0x9;
	_ =	strace $0x8000004B  }
0xb3: {  	_ =	swait.ge [sflag:s29], $0x1  }
0xb4: {  	[sflag:s29] =	ssyncadd.s32 $0xFFFFFFFF  }
0xb5: {  	_ =	strace $0x9000004B  }
0xb6: {  	_ =	sfence  }
0xb7: {  	s30 =	sld [smem:$0x0];
	_ =	sdelay $0x2  }
0xb8: {  	s31 =	sshll.u32 s1, $0xD;
	s1 =	sshrl.u32 s1, $0x2  }
0xb9: {  	s3 =	sand.u32 $0x4000, s31;
	s1 =	sadd.s32 s1, s30  }
0xba: {  	s0 =	sor.u32 s3, s0;
	s1 =	sshll.u32 s1, $0x11  }
0xbb: {  	s0 =	sor.u32 s1, s0  }
0xbc: {  	s0 =	sadd.s32 $0x8F2B, s0  }
0xbd: {  	[sflag:s0] =	ssyncadd.remote.s32 $0x1  }
0xbe: {  	_ =	sfence.sel $0xFFFF  }
0xbf: {  	[dreg:$0x0] =	wrdreg $0xFFFFFFFF;
	(pc) =	sbr.abs _section_cstart, $3  }
0xc0: {  	[dreg:$0x1] =	wrdreg $0xFFFFFFFF  }
0xc1: {  	_ =	task.clear_ibuf [dreg:s7], $0x2FFFF;
	_ =	strace $0x9FFFFFFF  }
0xc2: {  	(tm) =	ssettm $0x7FFFFFFF  }
0xc3: {  	_ =	shalt  }
tec
execute0_lowered:
.L_overlay_start_1:
0x0: {  	(tag) =	ssettag $0x1  }
0x1: {  	s0 =	rddreg [dreg:$0x0]  }
0x2: {  	s2 =	rddreg [dreg:$0x1];
	s3 =	simm.s32 $0x0  }
0x3: {  	s1 =	srdreg.scid;
	s4 =	stileid.u32;
	s14 =	simm.s32 $0x5  }
0x4: {  	s15 =	simm.s32 $0x1A0;
	s18 =	simm.s32 $0x1B0;
	s20 =	simm.s32 $0x3910  }
0x5: {  	s21 =	simm.s32 $0x1;
	s22 =	simm.s32 $0x3;
	s23 =	simm.s32 $0x3AC0  }
0x6: {  	s24 =	simm.s32 $0x2;
	s25 =	simm.s32 $0x4;
	[smem:$0x7FF] =	sst s3  }
0x7: {  	s1 =	sand.u32 $0x1, s1;
	s4 =	sshll.u32 s4, $0x1;
	s6 =	sadd.s32 $0x1200, s0  }
0x8: {  	s7 =	sadd.s32 $0x503C00, s0;
	s8 =	sor.u32 s1, s4;
	s1 =	ssub.s32 $0x2, s1  }
0x9: {  	_ =	strace $0x8000004A;
	s5 =	smul.u32 $0x3400, s8;
	s9 =	sshrl.u32 s1, $0x1  }
0xa: {  	s4 =	sadd.s32 $0x4F6C00, s0;
	s0 =	sadd.s32 $0x553200, s0;
	s30 =	ssub.s32 s1, s9  }
0xb: {  	[dreg:$0x3] =	wrdreg s0;
	s31 =	sshrl.u32 s5, $0x3;
	s0 =	smax.u32 s30, $0x1  }
0xc: {  	s10 =	sshll.u32 s8, $0x9;
	s1 =	sadd.s32 s4, s31;
	[dreg:$0x5] =	wrdreg s0  }
0xd: {  	vm0 =	vmmov $0x3ff;
	v0 =	vlaneseq.u32;
	s11 =	sor.u32 $0x340, s5;
	[dreg:$0x4] =	wrdreg s1;
	s1 =	simm.s32 $0x0  }
.LBB2_1:
0xe: {  	[dreg:$0x6] =	wrdreg s1  }
0xf: {  	s0 =	rddreg [dreg:$0x3];
	s19 =	simm.s32 $0x3AD0  }
0x10: {  	[tilespmem:s19], [sflag:$0x5] =	stream.linear.gather [hbm4b:s0+s3], $0x10, $0x38;
	[tilespmem:$0x3AE0] =	vst v63  }
0x11: {  	_ =	swait.ge [sflag:s14], $0x10  }
0x12: {  	[sflag:s14] =	ssyncset.done $0x0  }
0x13: {  	[sflag:s14] =	ssyncadd.s32 $0xFFFFFFF0  }
0x14: {  	v1 =	vld [tilespmem:$0x3AD0];
	_ =	sdelay $0x4  }
0x15: {  	(v2sf) =	vpush v1, $0x0;
	_ =	sdelay $0xc  }
0x16: {  	s26 =	rddreg [dreg:$0x4]  }
0x17: {  	[tilespmem:s3], [sflag:$0x5] =	stream.linear.gather [hbm4b:s26+s3], $0x1A0, $0x38;
	[tilespmem:$0x3AE0] =	vst v63  }
0x18: {  	s28 =	spop (v2sf)  }
0x19: {  	_ =	swait.ge [sflag:s14], $0x1A0  }
0x1a: {  	[sflag:s14] =	ssyncset.done $0x0  }
0x1b: {  	s30 =	simm.s32 $0x360;
	[sflag:s14] =	ssyncadd.s32 $0xFFFFFE60  }
0x1c: {  	[tilespmem:s30], [sflag:$0x1] =	stream.indirect.gather [hbm4b:s6+s15], $0x10, s3, s15, $0xb8;
	[tilespmem:$0x3AE0] =	vst v63  }
0x1d: {  	s31 =	simm.s32 $0x3760;
	s29 =	simm.s32 $0x0  }
0x1e: {  	[tilespmem:s31], [sflag:$0x3] =	stream.indirect.gather [hbm4b:s7+s15], $0x1, s3, s15, $0xb8;
	[tilespmem:$0x3AE0] =	vst v63  }
.LBB2_2:
0x1f: {  	s30 =	sshllo.u32 s29, $0x1  }
0x20: {  	s0 =	smul.u32 $0x1A0, s30;
	_ =	sdelay $0x1  }
0x21: {  	s0 =	sadd.s32 s5, s0  }
0x22: {  	s0 =	sshrl.u32 s0, $0x3  }
0x23: {  	s1 =	sadd.s32 s4, s0;
	s0 =	simm.s32 $0x0  }
0x24: {  	[tilespmem:s18], [sflag:$0x5] =	stream.linear.gather [hbm4b:s1+s0], $0x1A0, $0x38;
	[tilespmem:$0x3AE0] =	vst v63  }
0x25: {  	_ =	swait.ge [sflag:s14], $0x1A0  }
0x26: {  	[sflag:s14] =	ssyncset.done $0x0  }
0x27: {  	s12 =	simm.s32 $0x1D60;
	[sflag:s14] =	ssyncadd.s32 $0xFFFFFE60  }
0x28: {  	[tilespmem:s12], [sflag:$0x2] =	stream.indirect.gather [hbm4b:s6+s15], $0x10, s18, s15, $0xb8;
	[tilespmem:$0x3AE0] =	vst v63  }
0x29: {  	_ = 	snop  }
0x2a: {  	[tilespmem:s20], [sflag:$0x4] =	stream.indirect.gather [hbm4b:s7+s15], $0x1, s18, s15, $0xb8;
	[tilespmem:$0x3AE0] =	vst v63  }
0x2b: {  	_ =	swait.ge [sflag:s21], $0x1A00  }
0x2c: {  	[sflag:s21] =	ssyncset.done $0x0  }
0x2d: {  	[sflag:s21] =	ssyncadd.s32 $0xFFFFE600  }
0x2e: {  	_ =	swait.ge [sflag:s22], $0x1A0  }
0x2f: {  	[sflag:s22] =	ssyncset.done $0x0  }
0x30: {  	s8 =	simm.s32 $0x430;
	[sflag:s22] =	ssyncadd.s32 $0xFFFFFE60  }
0x31: {  	v1 =	vld [tilespmem:s8+$0xFFFFFF30]  }
0x32: {  	v2 =	vld [tilespmem:s8+$0xFFFFFF40];
	_ =	sdelay $0x1  }
0x33: {  	v3 =	vld [tilespmem:s8+$0xFFFFFF50];
	_ =	sdelay $0x1  }
0x34: {  	v4 =	vld [tilespmem:s8+$0xFFFFFF60]  }
0x35: {  	v5 =	vadd.f32 v2, v1  }
0x36: {  	v6 =	vld [tilespmem:s8+$0xFFFFFF70];
	v1 =	vmul.f32 v1, v1;
	v2 =	vmul.f32 v2, v2  }
0x37: {  	v5 =	vadd.f32 v3, v5  }
0x38: {  	v7 =	vld [tilespmem:s8+$0xFFFFFF80];
	v1 =	vadd.f32 v2, v1;
	v2 =	vmul.f32 v3, v3  }
0x39: {  	v5 =	vadd.f32 v4, v5  }
0x3a: {  	v3 =	vld [tilespmem:s8+$0xFFFFFF90];
	v1 =	vadd.f32 v2, v1;
	v2 =	vmul.f32 v4, v4  }
0x3b: {  	v5 =	vadd.f32 v6, v5  }
0x3c: {  	v4 =	vld [tilespmem:s8+$0xFFFFFFA0];
	v1 =	vadd.f32 v2, v1;
	v2 =	vmul.f32 v6, v6  }
0x3d: {  	v5 =	vadd.f32 v7, v5  }
0x3e: {  	v6 =	vld [tilespmem:s8+$0xFFFFFFB0];
	v1 =	vadd.f32 v2, v1;
	v2 =	vmul.f32 v7, v7  }
0x3f: {  	v5 =	vadd.f32 v3, v5  }
0x40: {  	v7 =	vld [tilespmem:s8+$0xFFFFFFC0];
	v1 =	vadd.f32 v2, v1;
	v2 =	vmul.f32 v3, v3  }
0x41: {  	v5 =	vadd.f32 v4, v5  }
0x42: {  	v3 =	vld [tilespmem:s8+$0xFFFFFFD0];
	v1 =	vadd.f32 v2, v1;
	v2 =	vmul.f32 v4, v4  }
0x43: {  	v8 =	vld [tilespmem:s8+$0x20];
	v5 =	vadd.f32 v6, v5  }
0x44: {  	v4 =	vld [tilespmem:s8+$0xFFFFFFE0];
	v1 =	vadd.f32 v2, v1;
	v2 =	vmul.f32 v6, v6  }
0x45: {  	v9 =	vld [tilespmem:s8+$0x10];
	v5 =	vadd.f32 v7, v5  }
0x46: {  	s13 =	simm.s32 $0x5D0;
	v6 =	vld [tilespmem:s8+$0xFFFFFFF0];
	v7 =	vmul.f32 v7, v7;
	v1 =	vadd.f32 v2, v1  }
0x47: {  	v10 =	vld [tilespmem:s13+$0xFFFFFF40];
	v5 =	vadd.f32 v3, v5  }
0x48: {  	v2 =	vld [tilespmem:s8+$0x0];
	v1 =	vadd.f32 v7, v1;
	v3 =	vmul.f32 v3, v3  }
0x49: {  	v7 =	vld [tilespmem:s13+$0xFFFFFF30];
	v5 =	vadd.f32 v4, v5  }
0x4a: {  	v11 =	vld [tilespmem:s8+$0x30];
	v1 =	vadd.f32 v3, v1;
	v3 =	vmul.f32 v4, v4  }
0x4b: {  	v4 =	vld [tilespmem:s13+$0xFFFFFF50];
	v5 =	vadd.f32 v6, v5  }
0x4c: {  	v12 =	vld [tilespmem:s8+$0x40];
	v1 =	vadd.f32 v3, v1;
	v3 =	vmul.f32 v6, v6  }
0x4d: {  	v6 =	vld [tilespmem:s13+$0xFFFFFF60];
	v5 =	vadd.f32 v2, v5  }
0x4e: {  	v14 =	vld [tilespmem:s8+$0x50];
	v13 =	vadd.f32 v10, v7;
	v2 =	vmul.f32 v2, v2;
	v1 =	vadd.f32 v3, v1  }
0x4f: {  	v7 =	vmul.f32 v7, v7;
	v10 =	vmul.f32 v10, v10;
	v3 =	vld [tilespmem:s13+$0xFFFFFF70];
	v5 =	vadd.f32 v9, v5  }
0x50: {  	v15 =	vld [tilespmem:s8+$0xA0];
	v13 =	vadd.f32 v4, v13;
	v9 =	vmul.f32 v9, v9;
	v1 =	vadd.f32 v2, v1  }
0x51: {  	v7 =	vadd.f32 v10, v7;
	v4 =	vmul.f32 v4, v4;
	v2 =	vld [tilespmem:s13+$0xFFFFFF80];
	v5 =	vadd.f32 v8, v5  }
0x52: {  	v16 =	vld [tilespmem:s8+$0x70];
	v13 =	vadd.f32 v6, v13;
	v8 =	vmul.f32 v8, v8;
	v1 =	vadd.f32 v9, v1  }
0x53: {  	v10 =	vld [tilespmem:s13+$0xFFFFFF90];
	v4 =	vadd.f32 v4, v7;
	v6 =	vmul.f32 v6, v6;
	v5 =	vadd.f32 v11, v5  }
0x54: {  	v9 =	vld [tilespmem:s8+$0x60];
	v1 =	vadd.f32 v8, v1;
	v8 =	vmul.f32 v11, v11;
	v11 =	vadd.f32 v3, v13  }
0x55: {  	v7 =	vld [tilespmem:s13+$0xFFFFFFA0];
	v4 =	vadd.f32 v6, v4;
	v3 =	vmul.f32 v3, v3;
	v5 =	vadd.f32 v12, v5  }
0x56: {  	v6 =	vld [tilespmem:s13+$0xFFFFFFB0];
	v1 =	vadd.f32 v8, v1;
	v8 =	vmul.f32 v12, v12;
	v11 =	vadd.f32 v2, v11  }
0x57: {  	v13 =	vld [tilespmem:s8+$0x90];
	v3 =	vadd.f32 v3, v4;
	v2 =	vmul.f32 v2, v2;
	v5 =	vadd.f32 v14, v5  }
0x58: {  	v12 =	vld [tilespmem:s8+$0x80];
	v1 =	vadd.f32 v8, v1;
	v8 =	vmul.f32 v14, v14;
	v11 =	vadd.f32 v10, v11  }
0x59: {  	s9 =	simm.s32 $0x3760;
	v4 =	vld [tilespmem:s13+$0xFFFFFFC0];
	v2 =	vadd.f32 v2, v3;
	v3 =	vmul.f32 v10, v10;
	v5 =	vadd.f32 v9, v5  }
0x5a: {  	v14 =	vld [tilespmem:s9+$0x0];
	v1 =	vadd.f32 v8, v1;
	v8 =	vmul.f32 v9, v9;
	v9 =	vadd.f32 v7, v11  }
0x5b: {  	v10 =	vld [tilespmem:s13+$0xFFFFFFD0];
	v2 =	vadd.f32 v3, v2;
	v3 =	vmul.f32 v7, v7;
	v5 =	vadd.f32 v16, v5  }
0x5c: {  	v11 =	vld [tilespmem:s8+$0xB0];
	v1 =	vadd.f32 v8, v1;
	v8 =	vmul.f32 v16, v16;
	v9 =	vadd.f32 v6, v9  }
0x5d: {  	s17 =	simm.s32 $0x10;
	v7 =	vld [tilespmem:s13+$0xFFFFFFE0];
	v2 =	vadd.f32 v3, v2;
	v3 =	vmul.f32 v6, v6;
	v5 =	vadd.f32 v12, v5  }
0x5e: {  	s19 =	sand.u32 $0x3F8, s17;
	s26 =	sand.u32 $0x6, s0;
	v16 =	vld [tilespmem:s8+$0xC0];
	v1 =	vadd.f32 v8, v1;
	v8 =	vmul.f32 v12, v12;
	v9 =	vadd.f32 v4, v9  }
0x5f: {  	s8 =	sor.u32 s26, s19;
	v6 =	vld [tilespmem:s13+$0xFFFFFFF0];
	v4 =	vmul.f32 v4, v4;
	v2 =	vadd.f32 v3, v2;
	v5 =	vadd.f32 v13, v5  }
0x60: {  	v12 =	vld [tilespmem:s8+$0x3760];
	v1 =	vadd.f32 v8, v1;
	v8 =	vmul.f32 v13, v13;
	v9 =	vadd.f32 v10, v9  }
0x61: {  	v3 =	vld [tilespmem:s13+$0x0];
	v2 =	vadd.f32 v4, v2;
	v4 =	vmul.f32 v10, v10;
	v5 =	vadd.f32 v15, v5  }
0x62: {  	(xrf2) =	vadd.scan.msk.f32 $0xffff, v14;
	v13 =	vmul.f32 v15, v15;
	v10 =	vld [tilespmem:s13+$0x20];
	v1 =	vadd.f32 v8, v1;
	v9 =	vadd.f32 v7, v9  }
0x63: {  	s31 =	simm.s32 $0x770;
	v15 =	vld [tilespmem:s13+$0x10];
	v2 =	vadd.f32 v4, v2;
	v5 =	vadd.f32 v11, v5  }
0x64: {  	v8 =	vld [tilespmem:s31+$0xFFFFFF30];
	v1 =	vadd.f32 v13, v1;
	v11 =	vmul.f32 v11, v11;
	v9 =	vadd.f32 v6, v9  }
0x65: {  	v4 =	vmul.f32 v7, v7;
	v12 =	vnsel vm0, $0x0, v12;
	v13 =	vld [tilespmem:s31+$0xFFFFFF40];
	v5 =	vadd.f32 v16, v5  }
0x66: {  	v14 =	vld [tilespmem:s31+$0xFFFFFF50];
	v1 =	vadd.f32 v11, v1;
	v11 =	vmul.f32 v16, v16;
	v7 =	vadd.f32 v3, v9  }
0x67: {  	v2 =	vadd.f32 v4, v2;
	v4 =	vmul.f32 v6, v6;
	v9 =	vld [tilespmem:s13+$0x30];
	v5 =	vmul.f32 v5, v5  }
0x68: {  	(xrf2) =	vadd.scan.msk.f32 $0xffff, v12;
	v1 =	vadd.f32 v11, v1;
	v7 =	vadd.f32 v15, v7  }
0x69: {  	v3 =	vmul.f32 v3, v3;
	v2 =	vadd.f32 v4, v2;
	v11 =	vld [tilespmem:s13+$0x40];
	(xrf2) =	vadd.scan.msk.f32 $0xffff, v5  }
0x6a: {  	v6 =	vadd.f32 v13, v8;
	v5 =	vld [tilespmem:s31+$0xFFFFFF60];
	v7 =	vadd.f32 v10, v7;
	(xrf2) =	vadd.scan.msk.f32 $0xffff, v1  }
0x6b: {  	v12 =	vld [tilespmem:s31+$0xFFFFFF70];
	v2 =	vadd.f32 v3, v2;
	v1 =	vmul.f32 v8, v8;
	v8 =	vmul.f32 v13, v13  }
0x6c: {  	v4 =	vadd.f32 v14, v6;
	v6 =	vmul.f32 v15, v15;
	v13 =	vld [tilespmem:s13+$0x50];
	v15, _, _ =	vpop (xrf2);
	v7 =	vadd.f32 v9, v7  }
0x6d: {  	(v2sf) =	vpush v15, $0xF;
	v1 =	vadd.f32 v8, v1;
	v8 =	vmul.f32 v14, v14;
	v14 =	vld [tilespmem:s31+$0xFFFFFF80]  }
0x6e: {  	s16 =	simm.s32 $0x377A;
	v3 =	vmul.f32 v10, v10;
	v2 =	vadd.f32 v6, v2;
	v6 =	vld [tilespmem:s13+$0x60];
	v7 =	vadd.f32 v11, v7  }
0x6f: {  	v17 =	vld [tilespmem:s16+$0x0];
	v4 =	vadd.f32 v5, v4;
	v1 =	vadd.f32 v8, v1  }
0x70: {  	v10 =	vld [tilespmem:s13+$0xA0];
	v5 =	vmul.f32 v5, v5;
	v2 =	vadd.f32 v3, v2;
	v3 =	vmul.f32 v9, v9  }
0x71: {  	v8 =	vld [tilespmem:s13+$0x70];
	v7 =	vadd.f32 v13, v7;
	v4 =	vadd.f32 v12, v4  }
0x72: {  	v16 =	vld [tilespmem:s31+$0xFFFFFF90];
	v9, _, _ =	vpop (xrf2);
	v5 =	vadd.f32 v5, v1;
	v2 =	vadd.f32 v3, v2;
	v3 =	vmul.f32 v11, v11  }
0x73: {  	v11 =	vld [tilespmem:s13+$0x80];
	v12 =	vmul.f32 v12, v12;
	v7 =	vadd.f32 v6, v7;
	v4 =	vadd.f32 v14, v4;
	v18, _, _ =	vpop (xrf2)  }
0x74: {  	v15 =	vld [tilespmem:s31+$0xFFFFFFA0];
	v2 =	vadd.f32 v3, v2;
	v3 =	vmul.f32 v13, v13;
	(v2sf) =	vpush v18, $0xF;
	v18, _, _ =	vpop (xrf2)  }
0x75: {  	v19 =	vmul.f32 v10, v10;
	v13 =	vld [tilespmem:s13+$0x90];
	v5 =	vadd.f32 v12, v5;
	(v2sf) =	vpush v18, $0xF  }
0x76: {  	v7 =	vadd.f32 v8, v7;
	v2 =	vadd.f32 v3, v2;
	v3 =	vmul.f32 v6, v6;
	v18 =	vld [tilespmem:s31+$0xFFFFFFB0]  }
0x77: {  	v12 =	vld [tilespmem:s31+$0xFFFFFFC0];
	v4 =	vadd.f32 v16, v4;
	(v2sf) =	vpush v9, $0xF;
	v9 =	vmul.f32 v14, v14  }
0x78: {  	s17 =	simm.s32 $0x1A;
	s9 =	simm.s32 $0x2A;
	v6 =	vld [tilespmem:s13+$0xC0];
	v7 =	vadd.f32 v11, v7;
	v2 =	vadd.f32 v3, v2;
	v3 =	vmul.f32 v8, v8  }
0x79: {  	s12 =	sand.u32 $0x3F8, s9;
	v4 =	vadd.f32 v15, v4;
	v8 =	vld [tilespmem:s13+$0xB0];
	s13 =	sand.u32 $0x6, s17;
	v5 =	vadd.f32 v9, v5;
	v9 =	vmul.f32 v16, v16  }
0x7a: {  	v11 =	vmul.f32 v11, v11;
	v14 =	vld [tilespmem:s31+$0xFFFFFFD0];
	v7 =	vadd.f32 v13, v7;
	s1 =	sor.u32 s13, s12;
	v2 =	vadd.f32 v3, v2  }
0x7b: {  	v16 =	vld [tilespmem:s1+$0x3760];
	v4 =	vadd.f32 v18, v4;
	v5 =	vadd.f32 v9, v5;
	v9 =	vmul.f32 v15, v15  }
0x7c: {  	s8 =	simm.s32 $0x910;
	v7 =	vadd.f32 v10, v7;
	v10 =	vmul.f32 v13, v13;
	v15 =	vld [tilespmem:s31+$0xFFFFFFE0];
	v2 =	vadd.f32 v11, v2  }
0x7d: {  	(xrf2) =	vadd.scan.msk.f32 $0xffff, v17;
	v17 =	vld [tilespmem:s8+$0xFFFFFF40];
	v4 =	vadd.f32 v12, v4;
	v5 =	vadd.f32 v9, v5;
	v9 =	vmul.f32 v18, v18  }
0x7e: {  	v11 =	vld [tilespmem:s31+$0xFFFFFFF0];
	v7 =	vadd.f32 v8, v7;
	v8 =	vmul.f32 v8, v8;
	v2 =	vadd.f32 v10, v2  }
0x7f: {  	v3 =	vld [tilespmem:s31+$0x20];
	v12 =	vmul.f32 v12, v12;
	v13 =	vadd.f32 v14, v4;
	v5 =	vadd.f32 v9, v5  }
0x80: {  	v7 =	vadd.f32 v6, v7;
	v10 =	vnsel vm0, $0x0, v16;
	v9 =	vld [tilespmem:s31+$0x0];
	v2 =	vadd.f32 v19, v2  }
0x81: {  	v16 =	vld [tilespmem:s8+$0xFFFFFF30];
	v6 =	vmul.f32 v6, v6;
	(xrf2) =	vadd.scan.msk.f32 $0xffff, v10;
	v13 =	vadd.f32 v15, v13;
	v5 =	vadd.f32 v12, v5  }
0x82: {  	s19 =	spop (v2sf);
	v4 =	vld [tilespmem:s31+$0x10];
	v12 =	vmul.f32 v14, v14;
	v14 =	vmul.f32 v7, v7;
	v2 =	vadd.f32 v8, v2  }
0x83: {  	v1 =	vimm.f32 $0.0e+00;
	v7 =	vadd.f32 v11, v13;
	s26 =	spop (v2sf)  }
0x84: {  	s12 =	sadd.f32 s19, s28;
	v8 =	vld [tilespmem:s8+$0xFFFFFF50];
	v15 =	vmul.f32 v15, v15;
	v13 =	vadd.f32 v12, v5;
	v2 =	vadd.f32 v6, v2;
	(xrf2) =	vadd.scan.msk.f32 $0xffff, v14;
	s1 =	spop (v2sf)  }
0x85: {  	v19 =	vmul.f32 v11, v11;
	v12 =	vmov s0;
	v5 =	vld [tilespmem:s31+$0x30];
	v18 =	vadd.f32 v9, v7;
	s26 =	ssub.f32 s26, s1  }
0x86: {  	v14 =	vadd.f32 v17, v16;
	vm1 =	veq.s32 v12, v0;
	v12 =	vld [tilespmem:s8+$0xFFFFFF60];
	v13 =	vadd.f32 v15, v13;
	s19 =	spop (v2sf)  }
0x87: {  	s13 =	simm.s32 $0x1;
	v10 =	vld [tilespmem:s8+$0xFFFFFF70];
	v7 =	vmul.f32 v3, v3;
	v9 =	vmul.f32 v9, v9;
	(xrf2) =	vadd.scan.msk.f32 $0xffff, v2;
	v11 =	vadd.f32 v4, v18;
	s9 =	sadd.f32 s19, s12;
	s12 =	smul.f32 $5.000000000e-01, s26  }
0x88: {  	s0 =	simm.s32 $0x2;
	v6 =	vld [tilespmem:s31+$0x40];
	v15 =	vmul.f32 v16, v16;
	v16 =	vmul.f32 v17, v17;
	s1 =	simm.s32 $0x3;
	v13 =	vadd.f32 v19, v13;
	v2, _, _ =	vpop (xrf2);
	s26 =	simm.s32 $0x4  }
.LBB2_3:
0x89: {  	p0 =	sne.s32 s26, $0xF;
	v14 =	vadd.f32 v8, v14;
	v4 =	vmul.f32 v4, v4;
	v3 =	vadd.f32 v3, v11;
	v11 =	vld [tilespmem:s31+$0x50];
	s9 =	sadd.f32 s12, s9  }
0x8a: {  	v8 =	vmul.f32 v8, v8;
	v15 =	vadd.f32 v16, v15;
	v16 =	vld [tilespmem:s8+$0xFFFFFF80];
	v9 =	vadd.f32 v9, v13  }
0x8b: {  	v13 =	vadd.f32 v12, v14;
	v3 =	vadd.f32 v5, v3;
	v14 =	vld [tilespmem:s31+$0xA0];
	v17, _, _ =	vpop (xrf2);
	v1 =	vsel vm1, s9, v1  }
0x8c: {  	v12 =	vmul.f32 v12, v12;
	v8 =	vadd.f32 v8, v15;
	v4 =	vadd.f32 v4, v9;
	v9 =	vld [tilespmem:s31+$0x60]  }
0x8d: {  	v13 =	vadd.f32 v10, v13;
	v3 =	vadd.f32 v6, v3;
	v15 =	vld [tilespmem:s31+$0x70]  }
0x8e: {  	s16 =	sadd.s32 $0x1A, s16;
	v5 =	vmul.f32 v5, v5;
	v8 =	vadd.f32 v12, v8;
	v12 =	vld [tilespmem:s8+$0xFFFFFF90];
	v4 =	vadd.f32 v7, v4;
	v7, _, _ =	vpop (xrf2)  }
0x8f: {  	v13 =	vadd.f32 v16, v13;
	v3 =	vadd.f32 v11, v3;
	v18 =	vld [tilespmem:s16+$0x0]  }
0x90: {  	v4 =	vadd.f32 v5, v4;
	v5 =	vmul.f32 v6, v6;
	v6 =	vld [tilespmem:s31+$0x80];
	(v2sf) =	vpush v2, $0xF  }
0x91: {  	v19 =	vmul.f32 v14, v14;
	v2 =	vld [tilespmem:s8+$0xFFFFFFA0];
	v3 =	vadd.f32 v9, v3;
	(v2sf) =	vpush v7, $0xF;
	v7, _, _ =	vpop (xrf2)  }
0x92: {  	v4 =	vadd.f32 v5, v4;
	v5 =	vmul.f32 v11, v11;
	v11 =	vld [tilespmem:s31+$0x90];
	(v2sf) =	vpush v7, $0xF  }
0x93: {  	v7 =	vmul.f32 v10, v10;
	v10 =	vadd.f32 v12, v13;
	v13 =	vld [tilespmem:s8+$0xFFFFFFB0];
	v3 =	vadd.f32 v15, v3  }
0x94: {  	s17 =	sadd.s32 $0x1A, s17;
	v4 =	vadd.f32 v5, v4;
	v5 =	vmul.f32 v9, v9;
	v9 =	vld [tilespmem:s31+$0xC0];
	(v2sf) =	vpush v17, $0xF  }
0x95: {  	s9 =	sadd.s32 $0x10, s17;
	v7 =	vadd.f32 v7, v8;
	v8 =	vmul.f32 v16, v16;
	v16 =	vld [tilespmem:s8+$0xFFFFFFC0];
	v3 =	vadd.f32 v6, v3  }
0x96: {  	s12 =	sand.u32 $0x6, s17;
	s9 =	sand.u32 $0x3F8, s9;
	v10 =	vadd.f32 v2, v10;
	v4 =	vadd.f32 v5, v4;
	v5 =	vmul.f32 v15, v15;
	v15 =	vld [tilespmem:s31+$0xB0];
	s31 =	smov.u32 s8  }
0x97: {  	s9 =	sor.u32 s12, s9;
	v7 =	vadd.f32 v8, v7;
	v8 =	vmul.f32 v12, v12;
	v12 =	vld [tilespmem:s8+$0xFFFFFFD0];
	v3 =	vadd.f32 v11, v3  }
0x98: {  	v10 =	vadd.f32 v13, v10;
	v4 =	vadd.f32 v5, v4;
	v5 =	vmul.f32 v6, v6;
	v6 =	vld [tilespmem:s9+$0x3760]  }
0x99: {  	v2 =	vmul.f32 v2, v2;
	v7 =	vadd.f32 v8, v7;
	v17 =	vld [tilespmem:s8+$0xFFFFFFE0];
	v8 =	vadd.f32 v14, v3  }
0x9a: {  	v11 =	vmul.f32 v11, v11;
	v10 =	vadd.f32 v16, v10;
	v3 =	vld [tilespmem:s8+$0x20];
	v5 =	vadd.f32 v5, v4  }
0x9b: {  	v2 =	vadd.f32 v2, v7;
	v7 =	vmul.f32 v13, v13;
	v13 =	vld [tilespmem:s8+$0xFFFFFFF0];
	v8 =	vadd.f32 v15, v8;
	(xrf2) =	vadd.scan.msk.f32 $0xffff, v18  }
0x9c: {  	v14 =	vmul.f32 v16, v16;
	v10 =	vadd.f32 v12, v10;
	v4 =	vld [tilespmem:s8+$0x10];
	v5 =	vadd.f32 v11, v5  }
0x9d: {  	v2 =	vadd.f32 v7, v2;
	s8 =	sadd.s32 $0x1A0, s8;
	v11 =	vld [tilespmem:s31+$0x0];
	v7 =	vadd.f32 v9, v8;
	v6 =	vnsel vm0, $0x0, v6  }
0x9e: {  	v16 =	vld [tilespmem:s8+$0xFFFFFF30];
	v8 =	vadd.f32 v17, v10;
	v5 =	vadd.f32 v19, v5;
	v10 =	vmul.f32 v15, v15;
	(xrf2) =	vadd.scan.msk.f32 $0xffff, v6  }
0x9f: {  	v2 =	vadd.f32 v14, v2;
	v6 =	vmul.f32 v12, v12;
	v18 =	vld [tilespmem:s8+$0xFFFFFF40];
	v7 =	vmul.f32 v7, v7;
	s9 =	spop (v2sf)  }
0xa0: {  	v9 =	vmul.f32 v9, v9;
	v12 =	vadd.f32 v13, v8;
	v10 =	vadd.f32 v10, v5;
	s12 =	spop (v2sf);
	s9 =	sadd.f32 s9, s28  }
.Ltmp0:
0xa1: {  	v2 =	vadd.f32 v6, v2;
	v6 =	vmul.f32 v17, v17;
	v8 =	vld [tilespmem:s8+$0xFFFFFF50];
	(xrf2) =	vadd.scan.msk.f32 $0xffff, v7;
	v7 =	vmov s13;
	s13 =	spop (v2sf);
	(pc) =	sbr.rel @p0 .LBB2_3-.Ltmp0, $4  }
0xa2: {  	v15 =	vadd.f32 v11, v12;
	v5 =	vld [tilespmem:s31+$0x30];
	v10 =	vadd.f32 v9, v10;
	s12 =	ssub.f32 s12, s13;
	vm1 =	veq.s32 v7, v0;
	s13 =	smov.u32 s0;
	s0 =	smov.u32 s1  }
0xa3: {  	v13 =	vmul.f32 v13, v13;
	v17 =	vadd.f32 v6, v2;
	v7 =	vmul.f32 v3, v3;
	s1 =	smov.u32 s26;
	v12 =	vld [tilespmem:s8+$0xFFFFFF60];
	s19 =	spop (v2sf)  }
0xa4: {  	v9 =	vmul.f32 v11, v11;
	v14 =	vadd.f32 v18, v16;
	v11 =	vadd.f32 v4, v15;
	v6 =	vld [tilespmem:s31+$0x40];
	(xrf2) =	vadd.scan.msk.f32 $0xffff, v10;
	s9 =	sadd.f32 s19, s9;
	s12 =	smul.f32 $5.000000000e-01, s12  }
0xa5: {  	s26 =	sadd.s32 $0x1, s26;
	v15 =	vmul.f32 v16, v16;
	v16 =	vmul.f32 v18, v18;
	v13 =	vadd.f32 v13, v17;
	v10 =	vld [tilespmem:s8+$0xFFFFFF70];
	v2, _, _ =	vpop (xrf2)  }
0xa6: {  	v14 =	vadd.f32 v8, v14  }
0xa7: {  	v8 =	vmul.f32 v8, v8;
	v15 =	vadd.f32 v16, v15;
	v16 =	vld [tilespmem:s8+$0xFFFFFF80]  }
0xa8: {  	v14 =	vadd.f32 v12, v14  }
0xa9: {  	v12 =	vmul.f32 v12, v12;
	v8 =	vadd.f32 v8, v15;
	v15 =	vld [tilespmem:s8+$0xFFFFFF90]  }
0xaa: {  	v14 =	vadd.f32 v10, v14  }
0xab: {  	v8 =	vadd.f32 v12, v8;
	v12 =	vld [tilespmem:s8+$0xFFFFFFA0]  }
0xac: {  	v10 =	vmul.f32 v10, v10;
	v14 =	vadd.f32 v16, v14  }
0xad: {  	v17 =	vld [tilespmem:s8+$0xFFFFFFB0]  }
0xae: {  	v8 =	vadd.f32 v10, v8;
	v10 =	vmul.f32 v16, v16;
	v14 =	vadd.f32 v15, v14  }
0xaf: {  	v16 =	vld [tilespmem:s8+$0xFFFFFFC0]  }
0xb0: {  	v8 =	vadd.f32 v10, v8;
	v10 =	vmul.f32 v15, v15;
	v14 =	vadd.f32 v12, v14  }
0xb1: {  	v15 =	vld [tilespmem:s8+$0xFFFFFFD0]  }
0xb2: {  	v8 =	vadd.f32 v10, v8;
	v10 =	vmul.f32 v12, v12;
	v12 =	vadd.f32 v17, v14  }
0xb3: {  	v14 =	vld [tilespmem:s8+$0xFFFFFFE0]  }
0xb4: {  	v8 =	vadd.f32 v10, v8;
	v10 =	vmul.f32 v17, v17;
	v12 =	vadd.f32 v16, v12  }
0xb5: {  	v17 =	vld [tilespmem:s8+$0xFFFFFFF0]  }
0xb6: {  	v16 =	vmul.f32 v16, v16;
	v8 =	vadd.f32 v10, v8;
	v10 =	vadd.f32 v15, v12  }
0xb7: {  	v4 =	vmul.f32 v4, v4;
	v9 =	vadd.f32 v9, v13;
	v12 =	vld [tilespmem:s8+$0x0]  }
0xb8: {  	v15 =	vmul.f32 v15, v15;
	v8 =	vadd.f32 v16, v8;
	v10 =	vadd.f32 v14, v10  }
0xb9: {  	v3 =	vadd.f32 v3, v11;
	v4 =	vadd.f32 v4, v9;
	v16 =	vld [tilespmem:s8+$0x10]  }
0xba: {  	v14 =	vmul.f32 v14, v14;
	v8 =	vadd.f32 v15, v8;
	v10 =	vadd.f32 v17, v10  }
0xbb: {  	v11 =	vld [tilespmem:s8+$0x20];
	v3 =	vadd.f32 v5, v3;
	v5 =	vmul.f32 v5, v5;
	v4 =	vadd.f32 v7, v4  }
0xbc: {  	v13 =	vmul.f32 v17, v17;
	v15 =	vld [tilespmem:s31+$0x50];
	v8 =	vadd.f32 v14, v8;
	v9 =	vadd.f32 v12, v10  }
0xbd: {  	v4 =	vadd.f32 v5, v4;
	v5 =	vmul.f32 v6, v6;
	v10 =	vld [tilespmem:s8+$0x30]  }
0xbe: {  	v12 =	vmul.f32 v12, v12;
	v8 =	vadd.f32 v13, v8;
	v13 =	vld [tilespmem:s31+$0x60];
	v7 =	vadd.f32 v16, v9  }
0xbf: {  	v3 =	vadd.f32 v6, v3;
	v4 =	vadd.f32 v5, v4;
	v9 =	vld [tilespmem:s8+$0x40]  }
0xc0: {  	v16 =	vmul.f32 v16, v16;
	v8 =	vadd.f32 v12, v8;
	v12 =	vld [tilespmem:s31+$0x70];
	v6 =	vadd.f32 v11, v7  }
0xc1: {  	v3 =	vadd.f32 v15, v3;
	v5 =	vmul.f32 v15, v15;
	v7 =	vmul.f32 v11, v11;
	v11 =	vld [tilespmem:s8+$0x50]  }
0xc2: {  	v8 =	vadd.f32 v16, v8;
	v16 =	vld [tilespmem:s31+$0x80];
	v6 =	vadd.f32 v10, v6  }
0xc3: {  	v15 =	vld [tilespmem:s8+$0x60];
	v4 =	vadd.f32 v5, v4;
	v3 =	vadd.f32 v13, v3;
	v5 =	vmul.f32 v13, v13  }
0xc4: {  	v7 =	vadd.f32 v7, v8;
	v8 =	vmul.f32 v10, v10;
	v10 =	vld [tilespmem:s31+$0x90];
	v6 =	vadd.f32 v9, v6  }
0xc5: {  	v14 =	vld [tilespmem:s31+$0xA0];
	v3 =	vadd.f32 v12, v3;
	v4 =	vadd.f32 v5, v4;
	v5 =	vmul.f32 v12, v12  }
0xc6: {  	v13 =	vld [tilespmem:s8+$0x70];
	v7 =	vadd.f32 v8, v7;
	v8 =	vmul.f32 v9, v9;
	v6 =	vadd.f32 v11, v6  }
0xc7: {  	s16 =	sadd.s32 $0x1A, s16;
	v12 =	vld [tilespmem:s8+$0x80];
	v3 =	vadd.f32 v16, v3;
	v4 =	vadd.f32 v5, v4;
	v5 =	vmul.f32 v16, v16  }
0xc8: {  	v9 =	vld [tilespmem:s16+$0x0];
	v7 =	vadd.f32 v8, v7;
	v8 =	vmul.f32 v11, v11;
	v6 =	vadd.f32 v15, v6  }
0xc9: {  	s17 =	sadd.s32 $0x1A, s17;
	v11 =	vld [tilespmem:s31+$0xB0];
	v3 =	vadd.f32 v10, v3;
	v4 =	vadd.f32 v5, v4  }
0xca: {  	s19 =	sadd.s32 $0x10, s17;
	v16 =	vld [tilespmem:s8+$0x90];
	v5 =	vmul.f32 v10, v10;
	v7 =	vadd.f32 v8, v7;
	v8 =	vmul.f32 v15, v15  }
0xcb: {  	s26 =	sand.u32 $0x6, s17;
	s19 =	sand.u32 $0x3F8, s19;
	v15 =	vld [tilespmem:s31+$0xC0];
	v6 =	vadd.f32 v13, v6;
	v3 =	vadd.f32 v14, v3  }
0xcc: {  	s19 =	sor.u32 s26, s19;
	v10 =	vld [tilespmem:s8+$0xA0];
	v4 =	vadd.f32 v5, v4;
	v7 =	vadd.f32 v8, v7  }
0xcd: {  	v8 =	vmul.f32 v13, v13;
	v13 =	vmul.f32 v14, v14;
	v14 =	vld [tilespmem:s19+$0x3760];
	v5 =	vadd.f32 v12, v6  }
0xce: {  	s17 =	sadd.s32 $0x1A, s17;
	v3 =	vadd.f32 v11, v3;
	v6 =	vld [tilespmem:s8+$0xB0];
	v11 =	vmul.f32 v11, v11  }
0xcf: {  	s26 =	sadd.s32 $0x10, s17;
	v7 =	vadd.f32 v8, v7;
	v8 =	vmul.f32 v12, v12;
	v5 =	vadd.f32 v16, v5  }
0xd0: {  	s17 =	sand.u32 $0x6, s17;
	s26 =	sand.u32 $0x3F8, s26;
	v4 =	vadd.f32 v13, v4;
	v12 =	vld [tilespmem:s8+$0xC0];
	v3 =	vadd.f32 v15, v3;
	v13 =	vmul.f32 v15, v15  }
0xd1: {  	s8 =	sor.u32 s17, s26;
	v7 =	vadd.f32 v8, v7;
	v8 =	vmul.f32 v16, v16;
	v5 =	vadd.f32 v10, v5  }
0xd2: {  	s16 =	sadd.s32 $0x1A, s16;
	v15 =	vld [tilespmem:s8+$0x3760];
	v4 =	vadd.f32 v11, v4;
	v10 =	vmul.f32 v10, v10;
	v3 =	vmul.f32 v3, v3  }
0xd3: {  	(xrf2) =	vadd.scan.msk.f32 $0xffff, v9;
	v11 =	vld [tilespmem:s16+$0x0];
	v7 =	vadd.f32 v8, v7;
	v8 =	vnsel vm0, $0x0, v14;
	v5 =	vadd.f32 v6, v5  }
0xd4: {  	v4 =	vadd.f32 v13, v4;
	(xrf2) =	vadd.scan.msk.f32 $0xffff, v8  }
0xd5: {  	v6 =	vmul.f32 v6, v6;
	v7 =	vadd.f32 v10, v7;
	(xrf2) =	vadd.scan.msk.f32 $0xffff, v3;
	v3 =	vadd.f32 v12, v5  }
0xd6: {  	v5 =	vmul.f32 v12, v12  }
0xd7: {  	(xrf2) =	vadd.scan.msk.f32 $0xffff, v4;
	v4 =	vadd.f32 v6, v7;
	v3 =	vmul.f32 v3, v3  }
0xd8: {  	(xrf2) =	vadd.scan.msk.f32 $0xffff, v11;
	v6 =	vnsel vm0, $0x0, v15  }
0xd9: {  	(xrf2) =	vadd.scan.msk.f32 $0xffff, v6;
	v4 =	vadd.f32 v5, v4  }
0xda: {  	v5, _, _ =	vpop (xrf2);
	(xrf2) =	vadd.scan.msk.f32 $0xffff, v3  }
0xdb: {  	v3, _, _ =	vpop (xrf2);
	(xrf2) =	vadd.scan.msk.f32 $0xffff, v4  }
0xdc: {  	(v2sf) =	vpush v2, $0xF  }
0xdd: {  	v2, _, _ =	vpop (xrf2);
	(v2sf) =	vpush v3, $0xF  }
0xde: {  	(v2sf) =	vpush v2, $0xF;
	v2, _, _ =	vpop (xrf2)  }
0xdf: {  	(v2sf) =	vpush v5, $0xF;
	v3, _, _ =	vpop (xrf2)  }
0xe0: {  	(v2sf) =	vpush v2, $0xF;
	v2, _, _ =	vpop (xrf2)  }
0xe1: {  	v4, _, _ =	vpop (xrf2);
	(v2sf) =	vpush v2, $0xF  }
0xe2: {  	(v2sf) =	vpush v4, $0xF;
	v2, _, _ =	vpop (xrf2)  }
0xe3: {  	(v2sf) =	vpush v3, $0xF;
	v3, _, _ =	vpop (xrf2)  }
0xe4: {  	v4, _, _ =	vpop (xrf2);
	(v2sf) =	vpush v2, $0xF  }
0xe5: {  	(v2sf) =	vpush v4, $0xF;
	v2, _, _ =	vpop (xrf2)  }
0xe6: {  	(v2sf) =	vpush v2, $0xF;
	_ =	sdelay $0x1  }
0xe7: {  	(v2sf) =	vpush v3, $0xF;
	_ =	sdelay $0x2  }
0xe8: {  	s16 =	spop (v2sf)  }
0xe9: {  	s9 =	sadd.f32 s12, s9;
	s17 =	spop (v2sf)  }
0xea: {  	s8 =	sadd.f32 s16, s28;
	s19 =	spop (v2sf)  }
0xeb: {  	s26 =	spop (v2sf);
	s16 =	ssub.f32 s17, s19  }
0xec: {  	s17 =	spop (v2sf);
	s8 =	sadd.f32 s26, s8  }
0xed: {  	s16 =	smul.f32 $5.000000000e-01, s16;
	s19 =	spop (v2sf)  }
0xee: {  	s17 =	sadd.f32 s17, s28;
	s26 =	spop (v2sf)  }
0xef: {  	s8 =	sadd.f32 s16, s8;
	s16 =	spop (v2sf)  }
0xf0: {  	s12 =	ssub.f32 s19, s26;
	s26 =	spop (v2sf)  }
0xf1: {  	s16 =	sadd.f32 s16, s17;
	s17 =	spop (v2sf)  }
0xf2: {  	s19 =	sadd.f32 s26, s28;
	s26 =	spop (v2sf)  }
0xf3: {  	s17 =	ssub.f32 s17, s26  }
0xf4: {  	s12 =	smul.f32 $5.000000000e-01, s12;
	s26 =	spop (v2sf)  }
0xf5: {  	v2 =	vmov s13;
	s19 =	sadd.f32 s26, s19;
	s17 =	smul.f32 $5.000000000e-01, s17  }
0xf6: {  	v1 =	vsel vm1, s9, v1;
	vm1 =	veq.s32 v2, v0;
	v2 =	vmov s0;
	s26 =	sadd.f32 s12, s16  }
0xf7: {  	v1 =	vsel vm1, s8, v1;
	vm1 =	veq.s32 v2, v0;
	v2 =	vmov s1;
	s8 =	sadd.f32 s17, s19  }
0xf8: {  	v1 =	vsel vm1, s26, v1;
	vm1 =	veq.s32 v2, v0  }
0xf9: {  	v1 =	vsel vm1, s8, v1  }
0xfa: {  	v1 =	vsub.f32 $0.0e+00, v1;
	_ =	sdelay $0x1  }
0xfb: {  	v1 =	vmul.f32 $1.442695020e+00, v1;
	_ =	sdelay $0x1  }
0xfc: {  	(erf) = vpow2.f32 v1;
	_ =	sdelay $0x8  }
0xfd: {  	v1 =	vpop (erf)  }
0xfe: {  	v1 =	vadd.f32 $1.000000000e+00, v1;
	_ =	sdelay $0x1  }
0xff: {  	(erf) = vrcp.f32 v1;
	_ =	sdelay $0x6  }
0x100: {  	s9 =	sshll.u32 s29, $0x5  }
0x101: {  	s0 =	sadd.s32 s10, s9  }
0x102: {  	p0 =	seq.s32 s29, $0xF;
	s0 =	sshrl.u32 s0, $0x3;
	v1 =	vpop (erf)  }
0x103: {  	s0 =	sadd.s32 s2, s0;
	s1 =	smul.u32 @!p0 $0x340, s29;
	[tilespmem:$0x3AC0] =	vst v1  }
0x104: {  	[hbm4b:s0+s3] =	stream.linear.scatter [tilespmem:s23], [sflag:$0x5], $0x10, $0x38;
	[tilespmem:$0x3AE0] =	vst v63  }
0x105: {  	s0 =	sadd.s32 @!p0 s1, s11;
	_ =	swait.ge [sflag:s14], $0x10  }
0x106: {  	s0 =	sshrl.u32 @!p0 s0, $0x3;
	[sflag:s14] =	ssyncset.done $0x0  }
0x107: {  	s1 =	simm.s32 @!p0 $0x0;
	s0 =	sadd.s32 @!p0 s4, s0;
	[sflag:s14] =	ssyncadd.s32 $0xFFFFFFF0  }
0x108: {  	[tilespmem:s1], [sflag:$0x5] =	stream.linear.gather @!p0 [hbm4b:s0+s1], $0x1A0, $0x38;
	[tilespmem:$0x3AE0] =	vst v63  }
0x109: {  	s0 =	simm.s32 @!p0 $0x5  }
0x10a: {  	_ =	swait.ge @!p0 [sflag:s0], $0x1A0  }
0x10b: {  	[sflag:s0] =	ssyncset.done @!p0 $0x0  }
0x10c: {  	s8 =	simm.s32 @!p0 $0x360;
	[sflag:s0] =	ssyncadd.s32 @!p0 $0xFFFFFE60;
	s0 =	simm.s32 @!p0 $0x1A0  }
0x10d: {  	[tilespmem:s8], [sflag:$0x1] =	stream.indirect.gather @!p0 [hbm4b:s6+s0], $0x10, s1, s0, $0xb8;
	[tilespmem:$0x3AE0] =	vst v63  }
0x10e: {  	s8 =	simm.s32 @!p0 $0x3760  }
0x10f: {  	[tilespmem:s8], [sflag:$0x3] =	stream.indirect.gather @!p0 [hbm4b:s7+s0], $0x1, s1, s0, $0xb8;
	[tilespmem:$0x3AE0] =	vst v63  }
0x110: {  	_ =	swait.ge [sflag:s24], $0x1A00  }
0x111: {  	[sflag:s24] =	ssyncset.done $0x0  }
0x112: {  	[sflag:s24] =	ssyncadd.s32 $0xFFFFE600  }
0x113: {  	_ =	swait.ge [sflag:s25], $0x1A0  }
0x114: {  	[sflag:s25] =	ssyncset.done $0x0  }
0x115: {  	s12 =	simm.s32 $0x1E30;
	[sflag:s25] =	ssyncadd.s32 $0xFFFFFE60  }
0x116: {  	v1 =	vld [tilespmem:s12+$0xFFFFFF30]  }
0x117: {  	v2 =	vld [tilespmem:s12+$0xFFFFFF40];
	_ =	sdelay $0x1  }
0x118: {  	v3 =	vld [tilespmem:s12+$0xFFFFFF50];
	_ =	sdelay $0x1  }
0x119: {  	v4 =	vld [tilespmem:s12+$0xFFFFFF60]  }
0x11a: {  	v5 =	vadd.f32 v2, v1  }
0x11b: {  	v6 =	vld [tilespmem:s12+$0xFFFFFF70];
	v1 =	vmul.f32 v1, v1;
	v2 =	vmul.f32 v2, v2  }
0x11c: {  	v5 =	vadd.f32 v3, v5  }
0x11d: {  	v7 =	vld [tilespmem:s12+$0xFFFFFF80];
	v1 =	vadd.f32 v2, v1;
	v2 =	vmul.f32 v3, v3  }
0x11e: {  	v5 =	vadd.f32 v4, v5  }
0x11f: {  	v3 =	vld [tilespmem:s12+$0xFFFFFF90];
	v1 =	vadd.f32 v2, v1;
	v2 =	vmul.f32 v4, v4  }
0x120: {  	v5 =	vadd.f32 v6, v5  }
0x121: {  	v4 =	vld [tilespmem:s12+$0xFFFFFFA0];
	v1 =	vadd.f32 v2, v1;
	v2 =	vmul.f32 v6, v6  }
0x122: {  	v5 =	vadd.f32 v7, v5  }
0x123: {  	v6 =	vld [tilespmem:s12+$0xFFFFFFB0];
	v1 =	vadd.f32 v2, v1;
	v2 =	vmul.f32 v7, v7  }
0x124: {  	v5 =	vadd.f32 v3, v5  }
0x125: {  	v7 =	vld [tilespmem:s12+$0xFFFFFFC0];
	v1 =	vadd.f32 v2, v1;
	v2 =	vmul.f32 v3, v3  }
0x126: {  	v5 =	vadd.f32 v4, v5  }
0x127: {  	v3 =	vld [tilespmem:s12+$0xFFFFFFD0];
	v1 =	vadd.f32 v2, v1;
	v2 =	vmul.f32 v4, v4  }
0x128: {  	v8 =	vld [tilespmem:s12+$0x20];
	v5 =	vadd.f32 v6, v5  }
0x129: {  	v4 =	vld [tilespmem:s12+$0xFFFFFFE0];
	v1 =	vadd.f32 v2, v1;
	v2 =	vmul.f32 v6, v6  }
0x12a: {  	v9 =	vld [tilespmem:s12+$0x10];
	v5 =	vadd.f32 v7, v5  }
0x12b: {  	s13 =	simm.s32 $0x1FD0;
	v6 =	vld [tilespmem:s12+$0xFFFFFFF0];
	v7 =	vmul.f32 v7, v7;
	v1 =	vadd.f32 v2, v1  }
0x12c: {  	v10 =	vld [tilespmem:s13+$0xFFFFFF40];
	v5 =	vadd.f32 v3, v5  }
0x12d: {  	v2 =	vld [tilespmem:s12+$0x0];
	v1 =	vadd.f32 v7, v1;
	v3 =	vmul.f32 v3, v3  }
0x12e: {  	v7 =	vld [tilespmem:s13+$0xFFFFFF30];
	v5 =	vadd.f32 v4, v5  }
0x12f: {  	v11 =	vld [tilespmem:s12+$0x30];
	v1 =	vadd.f32 v3, v1;
	v3 =	vmul.f32 v4, v4  }
0x130: {  	v4 =	vld [tilespmem:s13+$0xFFFFFF50];
	v5 =	vadd.f32 v6, v5  }
0x131: {  	v12 =	vld [tilespmem:s12+$0x40];
	v1 =	vadd.f32 v3, v1;
	v3 =	vmul.f32 v6, v6  }
0x132: {  	v6 =	vld [tilespmem:s13+$0xFFFFFF60];
	v5 =	vadd.f32 v2, v5  }
0x133: {  	v14 =	vld [tilespmem:s12+$0x50];
	v13 =	vadd.f32 v10, v7;
	v2 =	vmul.f32 v2, v2;
	v1 =	vadd.f32 v3, v1  }
0x134: {  	v7 =	vmul.f32 v7, v7;
	v10 =	vmul.f32 v10, v10;
	v3 =	vld [tilespmem:s13+$0xFFFFFF70];
	v5 =	vadd.f32 v9, v5  }
0x135: {  	v15 =	vld [tilespmem:s12+$0xA0];
	v13 =	vadd.f32 v4, v13;
	v9 =	vmul.f32 v9, v9;
	v1 =	vadd.f32 v2, v1  }
0x136: {  	v7 =	vadd.f32 v10, v7;
	v4 =	vmul.f32 v4, v4;
	v2 =	vld [tilespmem:s13+$0xFFFFFF80];
	v5 =	vadd.f32 v8, v5  }
0x137: {  	v16 =	vld [tilespmem:s12+$0x70];
	v13 =	vadd.f32 v6, v13;
	v8 =	vmul.f32 v8, v8;
	v1 =	vadd.f32 v9, v1  }
0x138: {  	v10 =	vld [tilespmem:s13+$0xFFFFFF90];
	v4 =	vadd.f32 v4, v7;
	v6 =	vmul.f32 v6, v6;
	v5 =	vadd.f32 v11, v5  }
0x139: {  	v9 =	vld [tilespmem:s12+$0x60];
	v1 =	vadd.f32 v8, v1;
	v8 =	vmul.f32 v11, v11;
	v11 =	vadd.f32 v3, v13  }
0x13a: {  	v7 =	vld [tilespmem:s13+$0xFFFFFFA0];
	v4 =	vadd.f32 v6, v4;
	v3 =	vmul.f32 v3, v3;
	v5 =	vadd.f32 v12, v5  }
0x13b: {  	v6 =	vld [tilespmem:s13+$0xFFFFFFB0];
	v1 =	vadd.f32 v8, v1;
	v8 =	vmul.f32 v12, v12;
	v11 =	vadd.f32 v2, v11  }
0x13c: {  	v13 =	vld [tilespmem:s12+$0x90];
	v3 =	vadd.f32 v3, v4;
	v2 =	vmul.f32 v2, v2;
	v5 =	vadd.f32 v14, v5  }
0x13d: {  	v12 =	vld [tilespmem:s12+$0x80];
	v1 =	vadd.f32 v8, v1;
	v8 =	vmul.f32 v14, v14;
	v11 =	vadd.f32 v10, v11  }
0x13e: {  	s16 =	simm.s32 $0x3910;
	v4 =	vld [tilespmem:s13+$0xFFFFFFC0];
	v2 =	vadd.f32 v2, v3;
	v3 =	vmul.f32 v10, v10;
	v5 =	vadd.f32 v9, v5  }
0x13f: {  	v14 =	vld [tilespmem:s16+$0x0];
	v1 =	vadd.f32 v8, v1;
	v8 =	vmul.f32 v9, v9;
	v9 =	vadd.f32 v7, v11  }
0x140: {  	v10 =	vld [tilespmem:s13+$0xFFFFFFD0];
	v2 =	vadd.f32 v3, v2;
	v3 =	vmul.f32 v7, v7;
	v5 =	vadd.f32 v16, v5  }
0x141: {  	v11 =	vld [tilespmem:s12+$0xB0];
	v1 =	vadd.f32 v8, v1;
	v8 =	vmul.f32 v16, v16;
	v9 =	vadd.f32 v6, v9  }
0x142: {  	s17 =	simm.s32 $0x10;
	s1 =	simm.s32 $0x0;
	v7 =	vld [tilespmem:s13+$0xFFFFFFE0];
	v2 =	vadd.f32 v3, v2;
	v3 =	vmul.f32 v6, v6;
	v5 =	vadd.f32 v12, v5  }
0x143: {  	s19 =	sand.u32 $0x3F8, s17;
	s26 =	sand.u32 $0x6, s1;
	v16 =	vld [tilespmem:s12+$0xC0];
	v1 =	vadd.f32 v8, v1;
	v8 =	vmul.f32 v12, v12;
	v9 =	vadd.f32 v4, v9  }
0x144: {  	s8 =	sor.u32 s26, s19;
	v6 =	vld [tilespmem:s13+$0xFFFFFFF0];
	v4 =	vmul.f32 v4, v4;
	v2 =	vadd.f32 v3, v2;
	v5 =	vadd.f32 v13, v5  }
0x145: {  	v12 =	vld [tilespmem:s8+$0x3910];
	v1 =	vadd.f32 v8, v1;
	v8 =	vmul.f32 v13, v13;
	v9 =	vadd.f32 v10, v9  }
0x146: {  	v3 =	vld [tilespmem:s13+$0x0];
	v2 =	vadd.f32 v4, v2;
	v4 =	vmul.f32 v10, v10;
	v5 =	vadd.f32 v15, v5  }
0x147: {  	(xrf2) =	vadd.scan.msk.f32 $0xffff, v14;
	v13 =	vmul.f32 v15, v15;
	v10 =	vld [tilespmem:s13+$0x20];
	v1 =	vadd.f32 v8, v1;
	v9 =	vadd.f32 v7, v9  }
0x148: {  	s31 =	simm.s32 $0x2170;
	v15 =	vld [tilespmem:s13+$0x10];
	v2 =	vadd.f32 v4, v2;
	v5 =	vadd.f32 v11, v5  }
0x149: {  	v8 =	vld [tilespmem:s31+$0xFFFFFF30];
	v1 =	vadd.f32 v13, v1;
	v11 =	vmul.f32 v11, v11;
	v9 =	vadd.f32 v6, v9  }
0x14a: {  	v4 =	vmul.f32 v7, v7;
	v12 =	vnsel vm0, $0x0, v12;
	v13 =	vld [tilespmem:s31+$0xFFFFFF40];
	v5 =	vadd.f32 v16, v5  }
0x14b: {  	v14 =	vld [tilespmem:s31+$0xFFFFFF50];
	v1 =	vadd.f32 v11, v1;
	v11 =	vmul.f32 v16, v16;
	v7 =	vadd.f32 v3, v9  }
0x14c: {  	v2 =	vadd.f32 v4, v2;
	v4 =	vmul.f32 v6, v6;
	v9 =	vld [tilespmem:s13+$0x30];
	v5 =	vmul.f32 v5, v5  }
0x14d: {  	(xrf2) =	vadd.scan.msk.f32 $0xffff, v12;
	v1 =	vadd.f32 v11, v1;
	v7 =	vadd.f32 v15, v7  }
0x14e: {  	v3 =	vmul.f32 v3, v3;
	v2 =	vadd.f32 v4, v2;
	v11 =	vld [tilespmem:s13+$0x40];
	(xrf2) =	vadd.scan.msk.f32 $0xffff, v5  }
0x14f: {  	v6 =	vadd.f32 v13, v8;
	v5 =	vld [tilespmem:s31+$0xFFFFFF60];
	v7 =	vadd.f32 v10, v7;
	(xrf2) =	vadd.scan.msk.f32 $0xffff, v1  }
0x150: {  	v12 =	vld [tilespmem:s31+$0xFFFFFF70];
	v2 =	vadd.f32 v3, v2;
	v1 =	vmul.f32 v8, v8;
	v8 =	vmul.f32 v13, v13  }
0x151: {  	v4 =	vadd.f32 v14, v6;
	v6 =	vmul.f32 v15, v15;
	v13 =	vld [tilespmem:s13+$0x50];
	v15, _, _ =	vpop (xrf2);
	v7 =	vadd.f32 v9, v7  }
0x152: {  	(v2sf) =	vpush v15, $0xF;
	v1 =	vadd.f32 v8, v1;
	v8 =	vmul.f32 v14, v14;
	v14 =	vld [tilespmem:s31+$0xFFFFFF80]  }
0x153: {  	s16 =	simm.s32 $0x392A;
	v3 =	vmul.f32 v10, v10;
	v2 =	vadd.f32 v6, v2;
	v6 =	vld [tilespmem:s13+$0x60];
	v7 =	vadd.f32 v11, v7  }
0x154: {  	v17 =	vld [tilespmem:s16+$0x0];
	v4 =	vadd.f32 v5, v4;
	v1 =	vadd.f32 v8, v1  }
0x155: {  	v10 =	vld [tilespmem:s13+$0xA0];
	v5 =	vmul.f32 v5, v5;
	v2 =	vadd.f32 v3, v2;
	v3 =	vmul.f32 v9, v9  }
0x156: {  	v8 =	vld [tilespmem:s13+$0x70];
	v7 =	vadd.f32 v13, v7;
	v4 =	vadd.f32 v12, v4  }
0x157: {  	v16 =	vld [tilespmem:s31+$0xFFFFFF90];
	v9, _, _ =	vpop (xrf2);
	v5 =	vadd.f32 v5, v1;
	v2 =	vadd.f32 v3, v2;
	v3 =	vmul.f32 v11, v11  }
0x158: {  	v11 =	vld [tilespmem:s13+$0x80];
	v12 =	vmul.f32 v12, v12;
	v7 =	vadd.f32 v6, v7;
	v4 =	vadd.f32 v14, v4;
	v18, _, _ =	vpop (xrf2)  }
0x159: {  	v15 =	vld [tilespmem:s31+$0xFFFFFFA0];
	v2 =	vadd.f32 v3, v2;
	v3 =	vmul.f32 v13, v13;
	(v2sf) =	vpush v18, $0xF;
	v18, _, _ =	vpop (xrf2)  }
0x15a: {  	v19 =	vmul.f32 v10, v10;
	v13 =	vld [tilespmem:s13+$0x90];
	v5 =	vadd.f32 v12, v5;
	(v2sf) =	vpush v18, $0xF  }
0x15b: {  	v7 =	vadd.f32 v8, v7;
	v2 =	vadd.f32 v3, v2;
	v3 =	vmul.f32 v6, v6;
	v18 =	vld [tilespmem:s31+$0xFFFFFFB0]  }
0x15c: {  	v12 =	vld [tilespmem:s31+$0xFFFFFFC0];
	v4 =	vadd.f32 v16, v4;
	(v2sf) =	vpush v9, $0xF;
	v9 =	vmul.f32 v14, v14  }
0x15d: {  	s9 =	simm.s32 $0x2A;
	s17 =	simm.s32 $0x1A;
	v6 =	vld [tilespmem:s13+$0xC0];
	v7 =	vadd.f32 v11, v7;
	v2 =	vadd.f32 v3, v2;
	v3 =	vmul.f32 v8, v8  }
0x15e: {  	s12 =	sand.u32 $0x3F8, s9;
	v4 =	vadd.f32 v15, v4;
	v8 =	vld [tilespmem:s13+$0xB0];
	s13 =	sand.u32 $0x6, s17;
	v5 =	vadd.f32 v9, v5;
	v9 =	vmul.f32 v16, v16  }
0x15f: {  	v11 =	vmul.f32 v11, v11;
	v14 =	vld [tilespmem:s31+$0xFFFFFFD0];
	v7 =	vadd.f32 v13, v7;
	s0 =	sor.u32 s13, s12;
	v2 =	vadd.f32 v3, v2  }
0x160: {  	v16 =	vld [tilespmem:s0+$0x3910];
	v4 =	vadd.f32 v18, v4;
	v5 =	vadd.f32 v9, v5;
	v9 =	vmul.f32 v15, v15  }
0x161: {  	s8 =	simm.s32 $0x2310;
	v7 =	vadd.f32 v10, v7;
	v10 =	vmul.f32 v13, v13;
	v15 =	vld [tilespmem:s31+$0xFFFFFFE0];
	v2 =	vadd.f32 v11, v2  }
0x162: {  	(xrf2) =	vadd.scan.msk.f32 $0xffff, v17;
	v17 =	vld [tilespmem:s8+$0xFFFFFF40];
	v4 =	vadd.f32 v12, v4;
	v5 =	vadd.f32 v9, v5;
	v9 =	vmul.f32 v18, v18  }
0x163: {  	v11 =	vld [tilespmem:s31+$0xFFFFFFF0];
	v7 =	vadd.f32 v8, v7;
	v8 =	vmul.f32 v8, v8;
	v2 =	vadd.f32 v10, v2  }
0x164: {  	v3 =	vld [tilespmem:s31+$0x20];
	v12 =	vmul.f32 v12, v12;
	v13 =	vadd.f32 v14, v4;
	v5 =	vadd.f32 v9, v5  }
0x165: {  	v7 =	vadd.f32 v6, v7;
	v10 =	vnsel vm0, $0x0, v16;
	v9 =	vld [tilespmem:s31+$0x0];
	v2 =	vadd.f32 v19, v2  }
0x166: {  	v16 =	vld [tilespmem:s8+$0xFFFFFF30];
	v6 =	vmul.f32 v6, v6;
	(xrf2) =	vadd.scan.msk.f32 $0xffff, v10;
	v13 =	vadd.f32 v15, v13;
	v5 =	vadd.f32 v12, v5  }
0x167: {  	s19 =	spop (v2sf);
	v4 =	vld [tilespmem:s31+$0x10];
	v12 =	vmul.f32 v14, v14;
	v14 =	vmul.f32 v7, v7;
	v2 =	vadd.f32 v8, v2  }
0x168: {  	v1 =	vimm.f32 $0.0e+00;
	v7 =	vadd.f32 v11, v13;
	s26 =	spop (v2sf)  }
0x169: {  	s12 =	sadd.f32 s19, s28;
	v8 =	vld [tilespmem:s8+$0xFFFFFF50];
	v15 =	vmul.f32 v15, v15;
	v13 =	vadd.f32 v12, v5;
	v2 =	vadd.f32 v6, v2;
	(xrf2) =	vadd.scan.msk.f32 $0xffff, v14;
	s19 =	spop (v2sf)  }
0x16a: {  	v19 =	vmul.f32 v11, v11;
	v12 =	vmov s1;
	v5 =	vld [tilespmem:s31+$0x30];
	v18 =	vadd.f32 v9, v7;
	s19 =	ssub.f32 s26, s19  }
0x16b: {  	v14 =	vadd.f32 v17, v16;
	vm1 =	veq.s32 v12, v0;
	v12 =	vld [tilespmem:s8+$0xFFFFFF60];
	v13 =	vadd.f32 v15, v13;
	s26 =	spop (v2sf)  }
0x16c: {  	s13 =	simm.s32 $0x1;
	v10 =	vld [tilespmem:s8+$0xFFFFFF70];
	v7 =	vmul.f32 v3, v3;
	v9 =	vmul.f32 v9, v9;
	(xrf2) =	vadd.scan.msk.f32 $0xffff, v2;
	v11 =	vadd.f32 v4, v18;
	s9 =	sadd.f32 s26, s12;
	s12 =	smul.f32 $5.000000000e-01, s19  }
0x16d: {  	s0 =	simm.s32 $0x2;
	s1 =	simm.s32 $0x3;
	v6 =	vld [tilespmem:s31+$0x40];
	v15 =	vmul.f32 v16, v16;
	v16 =	vmul.f32 v17, v17;
	s26 =	simm.s32 $0x4;
	v13 =	vadd.f32 v19, v13;
	v2, _, _ =	vpop (xrf2)  }
.LBB2_5:
0x16e: {  	p0 =	sne.s32 s26, $0xF;
	v14 =	vadd.f32 v8, v14;
	v4 =	vmul.f32 v4, v4;
	v3 =	vadd.f32 v3, v11;
	v11 =	vld [tilespmem:s31+$0x50];
	s9 =	sadd.f32 s12, s9  }
0x16f: {  	v8 =	vmul.f32 v8, v8;
	v15 =	vadd.f32 v16, v15;
	v16 =	vld [tilespmem:s8+$0xFFFFFF80];
	v9 =	vadd.f32 v9, v13  }
0x170: {  	v13 =	vadd.f32 v12, v14;
	v3 =	vadd.f32 v5, v3;
	v14 =	vld [tilespmem:s31+$0xA0];
	v17, _, _ =	vpop (xrf2);
	v1 =	vsel vm1, s9, v1  }
0x171: {  	v12 =	vmul.f32 v12, v12;
	v8 =	vadd.f32 v8, v15;
	v4 =	vadd.f32 v4, v9;
	v9 =	vld [tilespmem:s31+$0x60]  }
0x172: {  	v13 =	vadd.f32 v10, v13;
	v3 =	vadd.f32 v6, v3;
	v15 =	vld [tilespmem:s31+$0x70]  }
0x173: {  	s16 =	sadd.s32 $0x1A, s16;
	v5 =	vmul.f32 v5, v5;
	v8 =	vadd.f32 v12, v8;
	v12 =	vld [tilespmem:s8+$0xFFFFFF90];
	v4 =	vadd.f32 v7, v4;
	v7, _, _ =	vpop (xrf2)  }
0x174: {  	v13 =	vadd.f32 v16, v13;
	v3 =	vadd.f32 v11, v3;
	v18 =	vld [tilespmem:s16+$0x0]  }
0x175: {  	v4 =	vadd.f32 v5, v4;
	v5 =	vmul.f32 v6, v6;
	v6 =	vld [tilespmem:s31+$0x80];
	(v2sf) =	vpush v2, $0xF  }
0x176: {  	v19 =	vmul.f32 v14, v14;
	v2 =	vld [tilespmem:s8+$0xFFFFFFA0];
	v3 =	vadd.f32 v9, v3;
	(v2sf) =	vpush v7, $0xF;
	v7, _, _ =	vpop (xrf2)  }
0x177: {  	v4 =	vadd.f32 v5, v4;
	v5 =	vmul.f32 v11, v11;
	v11 =	vld [tilespmem:s31+$0x90];
	(v2sf) =	vpush v7, $0xF  }
0x178: {  	v7 =	vmul.f32 v10, v10;
	v10 =	vadd.f32 v12, v13;
	v13 =	vld [tilespmem:s8+$0xFFFFFFB0];
	v3 =	vadd.f32 v15, v3  }
0x179: {  	s17 =	sadd.s32 $0x1A, s17;
	v4 =	vadd.f32 v5, v4;
	v5 =	vmul.f32 v9, v9;
	v9 =	vld [tilespmem:s31+$0xC0];
	(v2sf) =	vpush v17, $0xF  }
0x17a: {  	s9 =	sadd.s32 $0x10, s17;
	v7 =	vadd.f32 v7, v8;
	v8 =	vmul.f32 v16, v16;
	v16 =	vld [tilespmem:s8+$0xFFFFFFC0];
	v3 =	vadd.f32 v6, v3  }
0x17b: {  	s12 =	sand.u32 $0x6, s17;
	s9 =	sand.u32 $0x3F8, s9;
	v10 =	vadd.f32 v2, v10;
	v4 =	vadd.f32 v5, v4;
	v5 =	vmul.f32 v15, v15;
	v15 =	vld [tilespmem:s31+$0xB0];
	s31 =	smov.u32 s8  }
0x17c: {  	s9 =	sor.u32 s12, s9;
	v7 =	vadd.f32 v8, v7;
	v8 =	vmul.f32 v12, v12;
	v12 =	vld [tilespmem:s8+$0xFFFFFFD0];
	v3 =	vadd.f32 v11, v3  }
0x17d: {  	v10 =	vadd.f32 v13, v10;
	v4 =	vadd.f32 v5, v4;
	v5 =	vmul.f32 v6, v6;
	v6 =	vld [tilespmem:s9+$0x3910]  }
0x17e: {  	v2 =	vmul.f32 v2, v2;
	v7 =	vadd.f32 v8, v7;
	v17 =	vld [tilespmem:s8+$0xFFFFFFE0];
	v8 =	vadd.f32 v14, v3  }
0x17f: {  	v11 =	vmul.f32 v11, v11;
	v10 =	vadd.f32 v16, v10;
	v3 =	vld [tilespmem:s8+$0x20];
	v5 =	vadd.f32 v5, v4  }
0x180: {  	v2 =	vadd.f32 v2, v7;
	v7 =	vmul.f32 v13, v13;
	v13 =	vld [tilespmem:s8+$0xFFFFFFF0];
	v8 =	vadd.f32 v15, v8;
	(xrf2) =	vadd.scan.msk.f32 $0xffff, v18  }
0x181: {  	v14 =	vmul.f32 v16, v16;
	v10 =	vadd.f32 v12, v10;
	v4 =	vld [tilespmem:s8+$0x10];
	v5 =	vadd.f32 v11, v5  }
0x182: {  	v2 =	vadd.f32 v7, v2;
	s8 =	sadd.s32 $0x1A0, s8;
	v11 =	vld [tilespmem:s31+$0x0];
	v7 =	vadd.f32 v9, v8;
	v6 =	vnsel vm0, $0x0, v6  }
0x183: {  	v16 =	vld [tilespmem:s8+$0xFFFFFF30];
	v8 =	vadd.f32 v17, v10;
	v5 =	vadd.f32 v19, v5;
	v10 =	vmul.f32 v15, v15;
	(xrf2) =	vadd.scan.msk.f32 $0xffff, v6  }
0x184: {  	v2 =	vadd.f32 v14, v2;
	v6 =	vmul.f32 v12, v12;
	v18 =	vld [tilespmem:s8+$0xFFFFFF40];
	v7 =	vmul.f32 v7, v7;
	s9 =	spop (v2sf)  }
0x185: {  	v9 =	vmul.f32 v9, v9;
	v12 =	vadd.f32 v13, v8;
	v10 =	vadd.f32 v10, v5;
	s12 =	spop (v2sf);
	s9 =	sadd.f32 s9, s28  }
.Ltmp1:
0x186: {  	v2 =	vadd.f32 v6, v2;
	v6 =	vmul.f32 v17, v17;
	v8 =	vld [tilespmem:s8+$0xFFFFFF50];
	(xrf2) =	vadd.scan.msk.f32 $0xffff, v7;
	v7 =	vmov s13;
	s13 =	spop (v2sf);
	(pc) =	sbr.rel @p0 .LBB2_5-.Ltmp1, $4  }
0x187: {  	v15 =	vadd.f32 v11, v12;
	v5 =	vld [tilespmem:s31+$0x30];
	v10 =	vadd.f32 v9, v10;
	s12 =	ssub.f32 s12, s13;
	vm1 =	veq.s32 v7, v0;
	s13 =	smov.u32 s0;
	s0 =	smov.u32 s1  }
0x188: {  	v13 =	vmul.f32 v13, v13;
	v17 =	vadd.f32 v6, v2;
	v7 =	vmul.f32 v3, v3;
	s1 =	smov.u32 s26;
	v12 =	vld [tilespmem:s8+$0xFFFFFF60];
	s19 =	spop (v2sf)  }
0x189: {  	v9 =	vmul.f32 v11, v11;
	v14 =	vadd.f32 v18, v16;
	v11 =	vadd.f32 v4, v15;
	v6 =	vld [tilespmem:s31+$0x40];
	(xrf2) =	vadd.scan.msk.f32 $0xffff, v10;
	s9 =	sadd.f32 s19, s9;
	s12 =	smul.f32 $5.000000000e-01, s12  }
0x18a: {  	s26 =	sadd.s32 $0x1, s26;
	v15 =	vmul.f32 v16, v16;
	v16 =	vmul.f32 v18, v18;
	v13 =	vadd.f32 v13, v17;
	v10 =	vld [tilespmem:s8+$0xFFFFFF70];
	v2, _, _ =	vpop (xrf2)  }
0x18b: {  	v14 =	vadd.f32 v8, v14  }
0x18c: {  	v39 =	vld [tilespmem:s8+$0xFFFFFF80]  }
0x18d: {  	v38 =	vmul.f32 v8, v8;
	v15 =	vadd.f32 v16, v15;
	v14 =	vadd.f32 v12, v14  }
0x18e: {  	v41 =	vld [tilespmem:s8+$0xFFFFFF90]  }
0x18f: {  	v40 =	vmul.f32 v12, v12;
	v8 =	vadd.f32 v38, v15;
	v14 =	vadd.f32 v10, v14  }
0x190: {  	v42 =	vld [tilespmem:s8+$0xFFFFFFA0]  }
0x191: {  	v43 =	vmul.f32 v10, v10;
	v8 =	vadd.f32 v40, v8;
	v14 =	vadd.f32 v39, v14  }
0x192: {  	v17 =	vld [tilespmem:s8+$0xFFFFFFB0]  }
0x193: {  	v44 =	vmul.f32 v39, v39;
	v8 =	vadd.f32 v43, v8;
	v14 =	vadd.f32 v41, v14  }
0x194: {  	v45 =	vld [tilespmem:s8+$0xFFFFFFC0]  }
0x195: {  	v46 =	vmul.f32 v41, v41;
	v8 =	vadd.f32 v44, v8;
	v14 =	vadd.f32 v42, v14  }
0x196: {  	v47 =	vld [tilespmem:s8+$0xFFFFFFD0]  }
0x197: {  	v48 =	vmul.f32 v42, v42;
	v8 =	vadd.f32 v46, v8;
	v49 =	vadd.f32 v17, v14  }
0x198: {  	v50 =	vld [tilespmem:s8+$0xFFFFFFE0]  }
0x199: {  	v51 =	vmul.f32 v17, v17;
	v8 =	vadd.f32 v48, v8;
	v12 =	vadd.f32 v45, v49  }
0x19a: {  	v52 =	vld [tilespmem:s8+$0xFFFFFFF0]  }
0x19b: {  	v16 =	vmul.f32 v45, v45;
	v8 =	vadd.f32 v51, v8;
	v53 =	vadd.f32 v47, v12  }
0x19c: {  	v54 =	vld [tilespmem:s8+$0x0]  }
0x19d: {  	v15 =	vmul.f32 v47, v47;
	v8 =	vadd.f32 v16, v8;
	v10 =	vadd.f32 v50, v53  }
0x19e: {  	v55 =	vld [tilespmem:s8+$0x10]  }
0x19f: {  	v56 =	vld [tilespmem:s31+$0x50];
	v14 =	vmul.f32 v50, v50;
	v8 =	vadd.f32 v15, v8;
	v10 =	vadd.f32 v52, v10  }
0x1a0: {  	v4 =	vmul.f32 v4, v4;
	v3 =	vadd.f32 v3, v11;
	v57 =	vld [tilespmem:s8+$0x20];
	v9 =	vadd.f32 v9, v13  }
0x1a1: {  	v59 =	vld [tilespmem:s31+$0xA0];
	v58 =	vmul.f32 v52, v52;
	v8 =	vadd.f32 v14, v8;
	v60 =	vadd.f32 v54, v10  }
0x1a2: {  	v61 =	vld [tilespmem:s8+$0x30];
	v63 =	vmul.f32 v5, v5;
	v3 =	vadd.f32 v5, v3;
	v4 =	vadd.f32 v4, v9  }
0x1a3: {  	v62 =	vld [tilespmem:s31+$0x60];
	v12 =	vmul.f32 v54, v54;
	v8 =	vadd.f32 v58, v8;
	v20 =	vadd.f32 v55, v60  }
0x1a4: {  	v21 =	vld [tilespmem:s8+$0x40];
	v23 =	vmul.f32 v6, v6;
	v3 =	vadd.f32 v6, v3;
	v4 =	vadd.f32 v7, v4  }
0x1a5: {  	v22 =	vld [tilespmem:s31+$0x70];
	v16 =	vmul.f32 v55, v55;
	v8 =	vadd.f32 v12, v8;
	v24 =	vadd.f32 v57, v20  }
0x1a6: {  	v26 =	vld [tilespmem:s8+$0x50];
	v25 =	vmul.f32 v57, v57;
	v3 =	vadd.f32 v56, v3;
	v4 =	vadd.f32 v63, v4  }
0x1a7: {  	v27 =	vld [tilespmem:s31+$0x80];
	v28 =	vmul.f32 v56, v56;
	v8 =	vadd.f32 v16, v8;
	v6 =	vadd.f32 v61, v24  }
0x1a8: {  	v29 =	vld [tilespmem:s8+$0x60];
	v30 =	vmul.f32 v61, v61;
	v3 =	vadd.f32 v62, v3;
	v4 =	vadd.f32 v23, v4  }
0x1a9: {  	v31 =	vld [tilespmem:s31+$0x90];
	v32 =	vmul.f32 v62, v62;
	v7 =	vadd.f32 v25, v8;
	v6 =	vadd.f32 v21, v6  }
0x1aa: {  	v33 =	vld [tilespmem:s8+$0x70];
	v34 =	vmul.f32 v21, v21;
	v3 =	vadd.f32 v22, v3;
	v4 =	vadd.f32 v28, v4  }
0x1ab: {  	v37 =	vld [tilespmem:s8+$0x80];
	v36 =	vmul.f32 v22, v22;
	v7 =	vadd.f32 v30, v7;
	v6 =	vadd.f32 v26, v6  }
0x1ac: {  	s16 =	sadd.s32 $0x1A, s16;
	v38 =	vmul.f32 v26, v26;
	v39 =	vld [tilespmem:s31+$0xB0];
	v3 =	vadd.f32 v27, v3;
	v4 =	vadd.f32 v32, v4  }
0x1ad: {  	s17 =	sadd.s32 $0x1A, s17;
	v35 =	vld [tilespmem:s16+$0x0];
	v40 =	vmul.f32 v27, v27;
	v7 =	vadd.f32 v34, v7;
	v6 =	vadd.f32 v29, v6  }
0x1ae: {  	s19 =	sadd.s32 $0x10, s17;
	v41 =	vld [tilespmem:s8+$0x90];
	v44 =	vmul.f32 v31, v31;
	v3 =	vadd.f32 v31, v3;
	v4 =	vadd.f32 v36, v4  }
0x1af: {  	s26 =	sand.u32 $0x6, s17;
	s19 =	sand.u32 $0x3F8, s19;
	v43 =	vld [tilespmem:s31+$0xC0];
	v42 =	vmul.f32 v29, v29;
	v7 =	vadd.f32 v38, v7;
	v6 =	vadd.f32 v33, v6  }
0x1b0: {  	s19 =	sor.u32 s26, s19;
	v46 =	vmul.f32 v33, v33;
	v45 =	vld [tilespmem:s8+$0xA0];
	v3 =	vadd.f32 v59, v3;
	v4 =	vadd.f32 v40, v4  }
0x1b1: {  	v11 =	vmul.f32 v39, v39;
	v48 =	vld [tilespmem:s19+$0x3910];
	v7 =	vadd.f32 v42, v7;
	v49 =	vadd.f32 v37, v6  }
0x1b2: {  	s17 =	sadd.s32 $0x1A, s17;
	v47 =	vmul.f32 v59, v59;
	v3 =	vadd.f32 v39, v3;
	v50 =	vld [tilespmem:s8+$0xB0];
	v4 =	vadd.f32 v44, v4  }
0x1b3: {  	s26 =	sadd.s32 $0x10, s17;
	v51 =	vmul.f32 v37, v37;
	v7 =	vadd.f32 v46, v7;
	v5 =	vadd.f32 v41, v49  }
0x1b4: {  	s17 =	sand.u32 $0x6, s17;
	s31 =	sand.u32 $0x3F8, s26;
	v53 =	vmul.f32 v41, v41;
	v3 =	vadd.f32 v43, v3;
	v52 =	vld [tilespmem:s8+$0xC0];
	v4 =	vadd.f32 v47, v4  }
0x1b5: {  	s8 =	sor.u32 s17, s31;
	v10 =	vmul.f32 v45, v45;
	v7 =	vadd.f32 v51, v7;
	v5 =	vadd.f32 v45, v5  }
0x1b6: {  	s16 =	sadd.s32 $0x1A, s16;
	v56 =	vld [tilespmem:s8+$0x3910];
	v3 =	vmul.f32 v3, v3;
	v4 =	vadd.f32 v11, v4;
	v55 =	vmul.f32 v43, v43  }
0x1b7: {  	(xrf2) =	vadd.scan.msk.f32 $0xffff, v35;
	v54 =	vld [tilespmem:s16+$0x0];
	v57 =	vnsel vm0, $0x0, v48;
	v7 =	vadd.f32 v53, v7;
	v5 =	vadd.f32 v50, v5  }
0x1b8: {  	v4 =	vadd.f32 v55, v4;
	(xrf2) =	vadd.scan.msk.f32 $0xffff, v57  }
0x1b9: {  	(xrf2) =	vadd.scan.msk.f32 $0xffff, v3;
	v6 =	vmul.f32 v50, v50;
	v7 =	vadd.f32 v10, v7;
	v3 =	vadd.f32 v52, v5;
	_ =	sdelay $0x1  }
0x1ba: {  	v59 =	vmul.f32 v52, v52;
	(xrf2) =	vadd.scan.msk.f32 $0xffff, v4;
	v58 =	vadd.f32 v6, v7;
	v3 =	vmul.f32 v3, v3  }
0x1bb: {  	v60 =	vnsel vm0, $0x0, v56;
	(xrf2) =	vadd.scan.msk.f32 $0xffff, v54  }
0x1bc: {  	(xrf2) =	vadd.scan.msk.f32 $0xffff, v60;
	v4 =	vadd.f32 v59, v58  }
0x1bd: {  	v61, _, _ =	vpop (xrf2);
	(xrf2) =	vadd.scan.msk.f32 $0xffff, v3  }
0x1be: {  	v3, _, _ =	vpop (xrf2);
	(xrf2) =	vadd.scan.msk.f32 $0xffff, v4  }
0x1bf: {  	(v2sf) =	vpush v2, $0xF  }
0x1c0: {  	v2, _, _ =	vpop (xrf2);
	(v2sf) =	vpush v3, $0xF  }
0x1c1: {  	(v2sf) =	vpush v2, $0xF;
	v2, _, _ =	vpop (xrf2)  }
0x1c2: {  	(v2sf) =	vpush v61, $0xF;
	v3, _, _ =	vpop (xrf2)  }
0x1c3: {  	(v2sf) =	vpush v2, $0xF;
	v2, _, _ =	vpop (xrf2)  }
0x1c4: {  	v62, _, _ =	vpop (xrf2);
	(v2sf) =	vpush v2, $0xF  }
0x1c5: {  	(v2sf) =	vpush v62, $0xF;
	v2, _, _ =	vpop (xrf2)  }
0x1c6: {  	(v2sf) =	vpush v3, $0xF;
	v3, _, _ =	vpop (xrf2)  }
0x1c7: {  	v63, _, _ =	vpop (xrf2);
	(v2sf) =	vpush v2, $0xF  }
0x1c8: {  	(v2sf) =	vpush v63, $0xF;
	v2, _, _ =	vpop (xrf2)  }
0x1c9: {  	(v2sf) =	vpush v2, $0xF;
	_ =	sdelay $0x1  }
0x1ca: {  	(v2sf) =	vpush v3, $0xF;
	_ =	sdelay $0x2  }
0x1cb: {  	s16 =	spop (v2sf)  }
0x1cc: {  	s9 =	sadd.f32 s12, s9;
	s17 =	spop (v2sf)  }
0x1cd: {  	s8 =	sadd.f32 s16, s28;
	s19 =	spop (v2sf)  }
0x1ce: {  	s26 =	spop (v2sf);
	s16 =	ssub.f32 s17, s19  }
0x1cf: {  	s17 =	spop (v2sf);
	s8 =	sadd.f32 s26, s8  }
0x1d0: {  	s16 =	smul.f32 $5.000000000e-01, s16;
	s19 =	spop (v2sf)  }
0x1d1: {  	s17 =	sadd.f32 s17, s28;
	s31 =	spop (v2sf)  }
0x1d2: {  	s8 =	sadd.f32 s16, s8;
	s26 =	spop (v2sf)  }
0x1d3: {  	s12 =	ssub.f32 s19, s31;
	s31 =	spop (v2sf)  }
0x1d4: {  	s16 =	sadd.f32 s26, s17;
	s26 =	spop (v2sf)  }
0x1d5: {  	s19 =	sadd.f32 s31, s28;
	s31 =	spop (v2sf)  }
0x1d6: {  	s17 =	ssub.f32 s26, s31  }
0x1d7: {  	s12 =	smul.f32 $5.000000000e-01, s12;
	s31 =	spop (v2sf)  }
0x1d8: {  	v2 =	vmov s13;
	s31 =	sadd.f32 s31, s19;
	s17 =	smul.f32 $5.000000000e-01, s17  }
0x1d9: {  	v1 =	vsel vm1, s9, v1;
	vm1 =	veq.s32 v2, v0;
	v2 =	vmov s0;
	s19 =	sadd.f32 s12, s16  }
0x1da: {  	v1 =	vsel vm1, s8, v1;
	vm1 =	veq.s32 v2, v0;
	v2 =	vmov s1;
	s26 =	sadd.f32 s17, s31  }
0x1db: {  	v1 =	vsel vm1, s19, v1;
	vm1 =	veq.s32 v2, v0  }
0x1dc: {  	v1 =	vsel vm1, s26, v1  }
0x1dd: {  	v1 =	vsub.f32 $0.0e+00, v1;
	_ =	sdelay $0x1  }
0x1de: {  	v1 =	vmul.f32 $1.442695020e+00, v1;
	_ =	sdelay $0x1  }
0x1df: {  	(erf) = vpow2.f32 v1;
	_ =	sdelay $0x8  }
0x1e0: {  	v1 =	vpop (erf)  }
0x1e1: {  	v1 =	vadd.f32 $1.000000000e+00, v1;
	_ =	sdelay $0x1  }
0x1e2: {  	(erf) = vrcp.f32 v1;
	_ =	sdelay $0x6  }
0x1e3: {  	s31 =	sshll.u32 s30, $0x4  }
0x1e4: {  	s29 =	sadd.s32 $0x1, s29;
	s0 =	sadd.s32 s10, s31  }
0x1e5: {  	p0 =	sne.s32 s29, $0x10;
	s0 =	sshrl.u32 s0, $0x3;
	v1 =	vpop (erf)  }
.Ltmp2:
0x1e6: {  	s0 =	sadd.s32 s2, s0;
	[tilespmem:$0x3AC0] =	vst v1;
	(pc) =	sbr.rel @p0 .LBB2_2-.Ltmp2, $4  }
0x1e7: {  	[hbm4b:s0+s3] =	stream.linear.scatter [tilespmem:s23], [sflag:$0x5], $0x10, $0x38;
	[tilespmem:$0x3AE0] =	vst v63  }
0x1e8: {  	_ =	swait.ge [sflag:s14], $0x10  }
0x1e9: {  	[sflag:s14] =	ssyncset.done $0x0  }
0x1ea: {  	[sflag:s14] =	ssyncadd.s32 $0xFFFFFFF0  }
0x1eb: {  	s1 =	rddreg [dreg:$0x6]  }
0x1ec: {  	s0 =	rddreg [dreg:$0x5];
	s1 =	sadd.s32 $0x1, s1  }
0x1ed: {  	p0 =	sne.s32 s1, s0  }
.Ltmp3:
0x1ee: {  	_ = 	snop;
	(pc) =	sbr.rel @p0 .LBB2_1-.Ltmp3, $1  }
0x1ef: {  	_ =	sdelay $0x3  }
0x1f0: {  	_ =	sfence.sel $0x180000  }
0x1f1: {  	[bflag:$0x0] =	sbarrier.arrive $0xFFFF  }
0x1f2: {  	_ =	strace $0x9000004A  }
0x1f3: {  	s0 =	stileid.u32;
	[bflag:$0x2] =	sbarrier.arrive $0xFFFF  }
0x1f4: {  	p0 =	sne.s32 s0, $0x0;
	s0 =	rddreg [dreg:$0x2]  }
0x1f5: {  	s0 =	sadd.s32 @!p0 $0x100000, s0  }
0x1f6: {  	[sflag:s0] =	ssyncadd.tile.s32 @!p0 $0x1;
	_ =	shalt  }
.Lfunc_end2:
_tile_overlayer_lowered:
.L_overlay_start_2:
0x1f7: {  	(tag) =	ssettag $0x2  }
0x1f8: {  	s0 =	rddreg [dreg:$0x0];
	s2 =	stileid.u32  }
0x1f9: {  	s1 =	rddreg [dreg:$0x1];
	p0 =	sne.s32 s2, $0x0  }
0x1fa: {  	s3 =	rddreg [dreg:$0x2];
	[bflag:$0x3] =	sbarrier.arrive $0xFFFF;
	s2 =	simm.s32 @!p0 $0x1C05  }
0x1fb: {  	[timem:s3], [sflag:s2] =	dma.local @!p0 [hbm:s0], s1  }
0x1fc: {  	s0 =	simm.s32 @!p0 $0x5  }
0x1fd: {  	_ =	swait.ge @!p0 [sflag:s0], s1  }
0x1fe: {  	s1 =	ssub.s32 @!p0 $0x0, s1;
	[sflag:s0] =	ssyncset.done @!p0 $0x0  }
0x1ff: {  	[sflag:s0] =	ssyncadd.s32 @!p0 s1  }
0x200: {  	[bflag:$0x3] =	sbarrier.arrive $0xFFFF  }
0x201: {  	_ =	shalt  }

</sc_bundles>
